<compile_context>
chip_gen: v7x
topology: tpu7x:2x2x1
jax: 0.10.2.dev20260603
libtpu: 0.0.44.dev20260713+nightly
codegen_flags: <defaults>
</compile_context>

<pallas_src>
import functools

import jax
import jax.numpy as jnp
from jax import lax
from jax.experimental import pallas as pl
from jax.experimental.pallas import tpu as pltpu
from jax.experimental.pallas import tpu_sc as plsc

ENT_DIM = 64
B_TOTAL = 16384
MARGIN_C = 2.0
ALPHA_C = 0.01

NC = 2
NS = 16
L = 16
NW = NC * NS
PER_W = B_TOTAL // NW
CHUNK = 128
NCHUNK = PER_W // CHUNK
NGROUP = CHUNK // L
NPART = 7


def _body(ent_ref, rel_ref, ph_ref, pr_ref, pt_ref, nh_ref, nr_ref, nt_ref,
          pos_out, neg_out, part_out,
          ph_i, pr_i, pt_i, nh_i, nr_i, nt_i,
          hp, rp, tp, hn, rn, tn,
          pos_s, neg_s, part_v, sem):
    wid = lax.axis_index("s") * NC + lax.axis_index("c")
    base = wid * PER_W

    iota = lax.iota(jnp.int32, L)
    zero = jnp.zeros((L,), jnp.float32)
    accs = (zero,) * NPART

    for c in range(NCHUNK):
        off = base + c * CHUNK
        pltpu.sync_copy(ph_ref.at[pl.ds(off, CHUNK)], ph_i)
        pltpu.sync_copy(pr_ref.at[pl.ds(off, CHUNK)], pr_i)
        pltpu.sync_copy(pt_ref.at[pl.ds(off, CHUNK)], pt_i)
        pltpu.sync_copy(nh_ref.at[pl.ds(off, CHUNK)], nh_i)
        pltpu.sync_copy(nr_ref.at[pl.ds(off, CHUNK)], nr_i)
        pltpu.sync_copy(nt_ref.at[pl.ds(off, CHUNK)], nt_i)

        copies = [
            pltpu.async_copy(ent_ref.at[ph_i], hp, sem),
            pltpu.async_copy(rel_ref.at[pr_i], rp, sem),
            pltpu.async_copy(ent_ref.at[pt_i], tp, sem),
            pltpu.async_copy(ent_ref.at[nh_i], hn, sem),
            pltpu.async_copy(rel_ref.at[nr_i], rn, sem),
            pltpu.async_copy(ent_ref.at[nt_i], tn, sem),
        ]
        for cp in copies:
            cp.wait()

        for g in range(NGROUP):
            rows = iota + (g * L)

            def d_step(d, carry):
                sp, sn, l1hp, r2p, l1tp, l1hn, r2n, l1tn = carry
                cols = jnp.full((L,), 0, jnp.int32) + d
                hpv = plsc.load_gather(hp, [rows, cols])
                rpv = plsc.load_gather(rp, [rows, cols])
                tpv = plsc.load_gather(tp, [rows, cols])
                hnv = plsc.load_gather(hn, [rows, cols])
                rnv = plsc.load_gather(rn, [rows, cols])
                tnv = plsc.load_gather(tn, [rows, cols])
                sp = sp + jnp.abs(hpv + rpv - tpv)
                sn = sn + jnp.abs(hnv + rnv - tnv)
                l1hp = l1hp + jnp.abs(hpv)
                r2p = r2p + rpv * rpv
                l1tp = l1tp + jnp.abs(tpv)
                l1hn = l1hn + jnp.abs(hnv)
                r2n = r2n + rnv * rnv
                l1tn = l1tn + jnp.abs(tnv)
                return (sp, sn, l1hp, r2p, l1tp, l1hn, r2n, l1tn)

            out = lax.fori_loop(0, ENT_DIM, d_step, (zero, zero) + accs[:6])
            sp, sn = out[0], out[1]
            hinge = accs[6] + jnp.maximum(0.0, sp - sn + MARGIN_C)
            accs = out[2:8] + (hinge,)
            pos_s[pl.ds(c * CHUNK + g * L, L)] = sp
            neg_s[pl.ds(c * CHUNK + g * L, L)] = sn

    for i in range(NPART):
        part_v[pl.ds(i * L, L)] = accs[i]
    part_v[pl.ds(NPART * L, L)] = zero

    pltpu.sync_copy(pos_s, pos_out.at[pl.ds(base, PER_W)])
    pltpu.sync_copy(neg_s, neg_out.at[pl.ds(base, PER_W)])
    pltpu.sync_copy(part_v, part_out.at[wid])


_sc_call = pl.kernel(
    _body,
    out_type=[
        jax.ShapeDtypeStruct((B_TOTAL,), jnp.float32),
        jax.ShapeDtypeStruct((B_TOTAL,), jnp.float32),
        jax.ShapeDtypeStruct((NW, (NPART + 1) * L), jnp.float32),
    ],
    mesh=plsc.VectorSubcoreMesh(
        core_axis_name="c", subcore_axis_name="s",
        num_cores=NC, num_subcores=NS),
    compiler_params=pltpu.CompilerParams(
        needs_layout_passes=False, use_tc_tiling_on_sc=False),
    scratch_types=[
        pltpu.VMEM((CHUNK,), jnp.int32),
        pltpu.VMEM((CHUNK,), jnp.int32),
        pltpu.VMEM((CHUNK,), jnp.int32),
        pltpu.VMEM((CHUNK,), jnp.int32),
        pltpu.VMEM((CHUNK,), jnp.int32),
        pltpu.VMEM((CHUNK,), jnp.int32),
        pltpu.VMEM((CHUNK, ENT_DIM), jnp.float32),
        pltpu.VMEM((CHUNK, ENT_DIM), jnp.float32),
        pltpu.VMEM((CHUNK, ENT_DIM), jnp.float32),
        pltpu.VMEM((CHUNK, ENT_DIM), jnp.float32),
        pltpu.VMEM((CHUNK, ENT_DIM), jnp.float32),
        pltpu.VMEM((CHUNK, ENT_DIM), jnp.float32),
        pltpu.VMEM((PER_W,), jnp.float32),
        pltpu.VMEM((PER_W,), jnp.float32),
        pltpu.VMEM(((NPART + 1) * L,), jnp.float32),
        pltpu.SemaphoreType.DMA,
    ],
)


def kernel(ent_emb, rel_emb, ph_idx, pr_idx, pt_idx, nh_idx, nr_idx, nt_idx):
    pos_scores, neg_scores, parts = _sc_call(
        ent_emb, rel_emb, ph_idx, pr_idx, pt_idx, nh_idx, nr_idx, nt_idx)
    p = jnp.sum(parts.reshape(NW, NPART + 1, L), axis=(0, 2))
    b = jnp.float32(B_TOTAL)
    pos_norms = ((p[0] / b - 1.0) + p[1] / (b * ENT_DIM) + (p[2] / b - 1.0)) / 3.0
    neg_norms = ((p[3] / b - 1.0) + p[4] / (b * ENT_DIM) + (p[5] / b - 1.0)) / 3.0
    loss = p[6] / b + ALPHA_C * pos_norms + ALPHA_C * neg_norms
    return (loss, pos_scores, neg_scores)

# --- scband reference (transcript-rebuilt; emitter-appended) ---
"""Pipeline reference for scband-trans-e-22282290331968 (READ-ONLY COPY).

The authoritative reference and input builder live on the scoring server;
editing this copy changes nothing except your own understanding.
"""

import jax, jax.numpy as jnp
import numpy as np

ENT_NUM = 1000000
REL_NUM = 1000
DIM = 64
MARGIN = 2.0
ALPHA = 0.01
B = 16384


def setup_inputs(seed: int = 0) -> dict:
    key = jax.random.key(seed)
    k1, k2, k3, k4, k5, k6, k7, k8 = jax.random.split(key, 8)
    lim_e = float(np.sqrt(6.0 / (ENT_NUM + DIM)))
    ent = jax.random.uniform(k1, (ENT_NUM, DIM), minval=-lim_e, maxval=lim_e, dtype=jnp.float32)
    ent = ent / jnp.linalg.norm(ent, axis=1, keepdims=True)
    lim_r = float(np.sqrt(6.0 / (REL_NUM + DIM)))
    rel = jax.random.uniform(k2, (REL_NUM, DIM), minval=-lim_r, maxval=lim_r, dtype=jnp.float32)
    rel = rel / jnp.linalg.norm(rel, axis=1, keepdims=True)
    return {
        "ent_emb": ent,
        "rel_emb": rel,
        "ph_idx": jax.random.randint(k3, (B,), 0, ENT_NUM, dtype=jnp.int32),
        "pr_idx": jax.random.randint(k4, (B,), 0, REL_NUM, dtype=jnp.int32),
        "pt_idx": jax.random.randint(k5, (B,), 0, ENT_NUM, dtype=jnp.int32),
        "nh_idx": jax.random.randint(k6, (B,), 0, ENT_NUM, dtype=jnp.int32),
        "nr_idx": jax.random.randint(k7, (B,), 0, REL_NUM, dtype=jnp.int32),
        "nt_idx": jax.random.randint(k8, (B,), 0, ENT_NUM, dtype=jnp.int32),
    }


def reference(ent_emb, rel_emb, ph_idx, pr_idx, pt_idx, nh_idx, nr_idx, nt_idx):
    def scoring(h_idx, r_idx, t_idx):
        h_embs = jnp.take(ent_emb, h_idx, axis=0)
        r_embs = jnp.take(rel_emb, r_idx, axis=0)
        t_embs = jnp.take(ent_emb, t_idx, axis=0)
        scores = h_embs + r_embs - t_embs
        # norm=1 -> L1 norm over dim=1
        norms = (jnp.mean(jnp.sum(jnp.abs(h_embs), axis=1) - 1.0)
                 + jnp.mean(r_embs ** 2)
                 + jnp.mean(jnp.sum(jnp.abs(t_embs), axis=1) - 1.0)) / 3.0
        return jnp.sum(jnp.abs(scores), axis=1), norms

    pos_scores, pos_norms = scoring(ph_idx, pr_idx, pt_idx)
    neg_scores, neg_norms = scoring(nh_idx, nr_idx, nt_idx)
    # MarginRankingLoss with target=-1: mean(max(0, (x1 - x2) + margin))
    tmp_loss = jnp.mean(jnp.maximum(0.0, (pos_scores - neg_scores) + MARGIN))
    tmp_loss = tmp_loss + ALPHA * pos_norms
    tmp_loss = tmp_loss + ALPHA * neg_norms
    return (tmp_loss, pos_scores, neg_scores)

if __name__ == "__main__":
    import jax
    _d = setup_inputs()
    print(jax.jit(kernel)(*tuple(_d.values())))

</pallas_src>

<mosaic_0001>
#map = affine_map<(d0, d1) -> (0, 0)>
#map1 = affine_map<(d0, d1) -> (0)>
module attributes {stable_mosaic.version = 14 : i64} {
  func.func @_body(%arg0: i32, %arg1: i32, %arg2: memref<1000000x64xf32, #tpu.memory_space<hbm>>, %arg3: memref<1000x64xf32, #tpu.memory_space<hbm>>, %arg4: memref<16384xi32, #tpu.memory_space<hbm>>, %arg5: memref<16384xi32, #tpu.memory_space<hbm>>, %arg6: memref<16384xi32, #tpu.memory_space<hbm>>, %arg7: memref<16384xi32, #tpu.memory_space<hbm>>, %arg8: memref<16384xi32, #tpu.memory_space<hbm>>, %arg9: memref<16384xi32, #tpu.memory_space<hbm>>, %arg10: memref<16384xf32, #tpu.memory_space<hbm>>, %arg11: memref<16384xf32, #tpu.memory_space<hbm>>, %arg12: memref<32x128xf32, #tpu.memory_space<hbm>>, %arg13: memref<128xi32, #tpu.memory_space<vmem>>, %arg14: memref<128xi32, #tpu.memory_space<vmem>>, %arg15: memref<128xi32, #tpu.memory_space<vmem>>, %arg16: memref<128xi32, #tpu.memory_space<vmem>>, %arg17: memref<128xi32, #tpu.memory_space<vmem>>, %arg18: memref<128xi32, #tpu.memory_space<vmem>>, %arg19: memref<128x64xf32, #tpu.memory_space<vmem>>, %arg20: memref<128x64xf32, #tpu.memory_space<vmem>>, %arg21: memref<128x64xf32, #tpu.memory_space<vmem>>, %arg22: memref<128x64xf32, #tpu.memory_space<vmem>>, %arg23: memref<128x64xf32, #tpu.memory_space<vmem>>, %arg24: memref<128x64xf32, #tpu.memory_space<vmem>>, %arg25: memref<512xf32, #tpu.memory_space<vmem>>, %arg26: memref<512xf32, #tpu.memory_space<vmem>>, %arg27: memref<128xf32, #tpu.memory_space<vmem>>, %arg28: memref<!tpu.dma_semaphore, #tpu.memory_space<semaphore_mem>>) attributes {dimension_semantics = [#tpu.dimension_semantics<core_parallel>, #tpu.dimension_semantics<subcore_parallel>], iteration_bounds = array<i64: 2, 16>, scalar_prefetch = 0 : i64, scratch_operands = 16 : i64, tpu.core_type = #tpu.core_type<sc_vector_subcore>, window_params = [{transform_indices = #map}, {transform_indices = #map}, {transform_indices = #map1}, {transform_indices = #map1}, {transform_indices = #map1}, {transform_indices = #map1}, {transform_indices = #map1}, {transform_indices = #map1}, {transform_indices = #map1}, {transform_indices = #map1}, {transform_indices = #map}]} {
    %mul3A = arith.constant 2 : i32
    %mul3A_0 = arith.muli %arg1, %mul3A : i32
    %add3A = arith.addi %mul3A_0, %arg0 : i32
    %mul3A_1 = arith.constant 512 : i32
    %mul3A_2 = arith.muli %add3A, %mul3A_1 : i32
    %iota3A = tpu.iota {dimensions = array<i32: 0>} : vector<16xi32>
    %broadcast_in_dim3A = arith.constant 0.000000e+00 : f32
    %broadcast_in_dim3A_3 = vector.broadcast %broadcast_in_dim3A : f32 to vector<16xf32>
    %add3A_4 = arith.constant 0 : i32
    %add3A_5 = arith.addi %mul3A_2, %add3A_4 : i32
    "tpu.region"() ({
      %run_scoped3A = tpu.sem_alloc : memref<!tpu.dma_semaphore, #tpu.memory_space<semaphore_mem>>
      %dma_start3A_838 = tpu.memref_slice %arg4[%add3A_5] : memref<16384xi32, #tpu.memory_space<hbm>> -> memref<128xi32, #tpu.memory_space<hbm>>
      %dma_start3A_839 = tpu.memref_slice %arg4[%add3A_5] : memref<16384xi32, #tpu.memory_space<hbm>> -> memref<128xi32, #tpu.memory_space<hbm>>
      tpu.enqueue_dma source(%dma_start3A_839 : memref<128xi32, #tpu.memory_space<hbm>>) target(%arg13 : memref<128xi32, #tpu.memory_space<vmem>>) target_semaphore(%run_scoped3A : memref<!tpu.dma_semaphore, #tpu.memory_space<semaphore_mem>>)
      %dma_wait3A_840 = tpu.memref_slice %arg4[%add3A_5] : memref<16384xi32, #tpu.memory_space<hbm>> -> memref<128xi32, #tpu.memory_space<hbm>>
      %dma_wait3A_841 = tpu.memref_slice %arg4[%add3A_5] : memref<16384xi32, #tpu.memory_space<hbm>> -> memref<128xi32, #tpu.memory_space<hbm>>
      tpu.wait_dma2 semaphore(%run_scoped3A : memref<!tpu.dma_semaphore, #tpu.memory_space<semaphore_mem>>) src(%dma_wait3A_841 : memref<128xi32, #tpu.memory_space<hbm>>) dst(%arg13 : memref<128xi32, #tpu.memory_space<vmem>>)
      tpu.yield
    }) : () -> ()
    "tpu.region"() ({
      %run_scoped3A = tpu.sem_alloc : memref<!tpu.dma_semaphore, #tpu.memory_space<semaphore_mem>>
      %dma_start3A_838 = tpu.memref_slice %arg5[%add3A_5] : memref<16384xi32, #tpu.memory_space<hbm>> -> memref<128xi32, #tpu.memory_space<hbm>>
      %dma_start3A_839 = tpu.memref_slice %arg5[%add3A_5] : memref<16384xi32, #tpu.memory_space<hbm>> -> memref<128xi32, #tpu.memory_space<hbm>>
      tpu.enqueue_dma source(%dma_start3A_839 : memref<128xi32, #tpu.memory_space<hbm>>) target(%arg14 : memref<128xi32, #tpu.memory_space<vmem>>) target_semaphore(%run_scoped3A : memref<!tpu.dma_semaphore, #tpu.memory_space<semaphore_mem>>)
      %dma_wait3A_840 = tpu.memref_slice %arg5[%add3A_5] : memref<16384xi32, #tpu.memory_space<hbm>> -> memref<128xi32, #tpu.memory_space<hbm>>
      %dma_wait3A_841 = tpu.memref_slice %arg5[%add3A_5] : memref<16384xi32, #tpu.memory_space<hbm>> -> memref<128xi32, #tpu.memory_space<hbm>>
      tpu.wait_dma2 semaphore(%run_scoped3A : memref<!tpu.dma_semaphore, #tpu.memory_space<semaphore_mem>>) src(%dma_wait3A_841 : memref<128xi32, #tpu.memory_space<hbm>>) dst(%arg14 : memref<128xi32, #tpu.memory_space<vmem>>)
      tpu.yield
    }) : () -> ()
    "tpu.region"() ({
      %run_scoped3A = tpu.sem_alloc : memref<!tpu.dma_semaphore, #tpu.memory_space<semaphore_mem>>
      %dma_start3A_838 = tpu.memref_slice %arg6[%add3A_5] : memref<16384xi32, #tpu.memory_space<hbm>> -> memref<128xi32, #tpu.memory_space<hbm>>
      %dma_start3A_839 = tpu.memref_slice %arg6[%add3A_5] : memref<16384xi32, #tpu.memory_space<hbm>> -> memref<128xi32, #tpu.memory_space<hbm>>
      tpu.enqueue_dma source(%dma_start3A_839 : memref<128xi32, #tpu.memory_space<hbm>>) target(%arg15 : memref<128xi32, #tpu.memory_space<vmem>>) target_semaphore(%run_scoped3A : memref<!tpu.dma_semaphore, #tpu.memory_space<semaphore_mem>>)
      %dma_wait3A_840 = tpu.memref_slice %arg6[%add3A_5] : memref<16384xi32, #tpu.memory_space<hbm>> -> memref<128xi32, #tpu.memory_space<hbm>>
      %dma_wait3A_841 = tpu.memref_slice %arg6[%add3A_5] : memref<16384xi32, #tpu.memory_space<hbm>> -> memref<128xi32, #tpu.memory_space<hbm>>
      tpu.wait_dma2 semaphore(%run_scoped3A : memref<!tpu.dma_semaphore, #tpu.memory_space<semaphore_mem>>) src(%dma_wait3A_841 : memref<128xi32, #tpu.memory_space<hbm>>) dst(%arg15 : memref<128xi32, #tpu.memory_space<vmem>>)
      tpu.yield
    }) : () -> ()
    "tpu.region"() ({
      %run_scoped3A = tpu.sem_alloc : memref<!tpu.dma_semaphore, #tpu.memory_space<semaphore_mem>>
      %dma_start3A_838 = tpu.memref_slice %arg7[%add3A_5] : memref<16384xi32, #tpu.memory_space<hbm>> -> memref<128xi32, #tpu.memory_space<hbm>>
      %dma_start3A_839 = tpu.memref_slice %arg7[%add3A_5] : memref<16384xi32, #tpu.memory_space<hbm>> -> memref<128xi32, #tpu.memory_space<hbm>>
      tpu.enqueue_dma source(%dma_start3A_839 : memref<128xi32, #tpu.memory_space<hbm>>) target(%arg16 : memref<128xi32, #tpu.memory_space<vmem>>) target_semaphore(%run_scoped3A : memref<!tpu.dma_semaphore, #tpu.memory_space<semaphore_mem>>)
      %dma_wait3A_840 = tpu.memref_slice %arg7[%add3A_5] : memref<16384xi32, #tpu.memory_space<hbm>> -> memref<128xi32, #tpu.memory_space<hbm>>
      %dma_wait3A_841 = tpu.memref_slice %arg7[%add3A_5] : memref<16384xi32, #tpu.memory_space<hbm>> -> memref<128xi32, #tpu.memory_space<hbm>>
      tpu.wait_dma2 semaphore(%run_scoped3A : memref<!tpu.dma_semaphore, #tpu.memory_space<semaphore_mem>>) src(%dma_wait3A_841 : memref<128xi32, #tpu.memory_space<hbm>>) dst(%arg16 : memref<128xi32, #tpu.memory_space<vmem>>)
      tpu.yield
    }) : () -> ()
    "tpu.region"() ({
      %run_scoped3A = tpu.sem_alloc : memref<!tpu.dma_semaphore, #tpu.memory_space<semaphore_mem>>
      %dma_start3A_838 = tpu.memref_slice %arg8[%add3A_5] : memref<16384xi32, #tpu.memory_space<hbm>> -> memref<128xi32, #tpu.memory_space<hbm>>
      %dma_start3A_839 = tpu.memref_slice %arg8[%add3A_5] : memref<16384xi32, #tpu.memory_space<hbm>> -> memref<128xi32, #tpu.memory_space<hbm>>
      tpu.enqueue_dma source(%dma_start3A_839 : memref<128xi32, #tpu.memory_space<hbm>>) target(%arg17 : memref<128xi32, #tpu.memory_space<vmem>>) target_semaphore(%run_scoped3A : memref<!tpu.dma_semaphore, #tpu.memory_space<semaphore_mem>>)
      %dma_wait3A_840 = tpu.memref_slice %arg8[%add3A_5] : memref<16384xi32, #tpu.memory_space<hbm>> -> memref<128xi32, #tpu.memory_space<hbm>>
      %dma_wait3A_841 = tpu.memref_slice %arg8[%add3A_5] : memref<16384xi32, #tpu.memory_space<hbm>> -> memref<128xi32, #tpu.memory_space<hbm>>
      tpu.wait_dma2 semaphore(%run_scoped3A : memref<!tpu.dma_semaphore, #tpu.memory_space<semaphore_mem>>) src(%dma_wait3A_841 : memref<128xi32, #tpu.memory_space<hbm>>) dst(%arg17 : memref<128xi32, #tpu.memory_space<vmem>>)
      tpu.yield
    }) : () -> ()
    "tpu.region"() ({
      %run_scoped3A = tpu.sem_alloc : memref<!tpu.dma_semaphore, #tpu.memory_space<semaphore_mem>>
      %dma_start3A_838 = tpu.memref_slice %arg9[%add3A_5] : memref<16384xi32, #tpu.memory_space<hbm>> -> memref<128xi32, #tpu.memory_space<hbm>>
      %dma_start3A_839 = tpu.memref_slice %arg9[%add3A_5] : memref<16384xi32, #tpu.memory_space<hbm>> -> memref<128xi32, #tpu.memory_space<hbm>>
      tpu.enqueue_dma source(%dma_start3A_839 : memref<128xi32, #tpu.memory_space<hbm>>) target(%arg18 : memref<128xi32, #tpu.memory_space<vmem>>) target_semaphore(%run_scoped3A : memref<!tpu.dma_semaphore, #tpu.memory_space<semaphore_mem>>)
      %dma_wait3A_840 = tpu.memref_slice %arg9[%add3A_5] : memref<16384xi32, #tpu.memory_space<hbm>> -> memref<128xi32, #tpu.memory_space<hbm>>
      %dma_wait3A_841 = tpu.memref_slice %arg9[%add3A_5] : memref<16384xi32, #tpu.memory_space<hbm>> -> memref<128xi32, #tpu.memory_space<hbm>>
      tpu.wait_dma2 semaphore(%run_scoped3A : memref<!tpu.dma_semaphore, #tpu.memory_space<semaphore_mem>>) src(%dma_wait3A_841 : memref<128xi32, #tpu.memory_space<hbm>>) dst(%arg18 : memref<128xi32, #tpu.memory_space<vmem>>)
      tpu.yield
    }) : () -> ()
    %dma_start3A = arith.constant 0 : i32
    %dma_start3A_6 = arith.constant 0 : i32
    %dma_start3A_7 = tpu.memref_slice %arg2[%dma_start3A, %dma_start3A_6] : memref<1000000x64xf32, #tpu.memory_space<hbm>> -> memref<1000000x64xf32, #tpu.memory_space<hbm>>
    tpu.enqueue_indirect_dma source(%dma_start3A_7 : memref<1000000x64xf32, #tpu.memory_space<hbm>>) target(%arg19 : memref<128x64xf32, #tpu.memory_space<vmem>>) offsets(%arg13 : memref<128xi32, #tpu.memory_space<vmem>>) semaphore(%arg28 : memref<!tpu.dma_semaphore, #tpu.memory_space<semaphore_mem>>)
    %dma_start3A_8 = arith.constant 0 : i32
    %dma_start3A_9 = arith.constant 0 : i32
    %dma_start3A_10 = tpu.memref_slice %arg3[%dma_start3A_8, %dma_start3A_9] : memref<1000x64xf32, #tpu.memory_space<hbm>> -> memref<1000x64xf32, #tpu.memory_space<hbm>>
    tpu.enqueue_indirect_dma source(%dma_start3A_10 : memref<1000x64xf32, #tpu.memory_space<hbm>>) target(%arg20 : memref<128x64xf32, #tpu.memory_space<vmem>>) offsets(%arg14 : memref<128xi32, #tpu.memory_space<vmem>>) semaphore(%arg28 : memref<!tpu.dma_semaphore, #tpu.memory_space<semaphore_mem>>)
    %dma_start3A_11 = arith.constant 0 : i32
    %dma_start3A_12 = arith.constant 0 : i32
    %dma_start3A_13 = tpu.memref_slice %arg2[%dma_start3A_11, %dma_start3A_12] : memref<1000000x64xf32, #tpu.memory_space<hbm>> -> memref<1000000x64xf32, #tpu.memory_space<hbm>>
    tpu.enqueue_indirect_dma source(%dma_start3A_13 : memref<1000000x64xf32, #tpu.memory_space<hbm>>) target(%arg21 : memref<128x64xf32, #tpu.memory_space<vmem>>) offsets(%arg15 : memref<128xi32, #tpu.memory_space<vmem>>) semaphore(%arg28 : memref<!tpu.dma_semaphore, #tpu.memory_space<semaphore_mem>>)
    %dma_start3A_14 = arith.constant 0 : i32
    %dma_start3A_15 = arith.constant 0 : i32
    %dma_start3A_16 = tpu.memref_slice %arg2[%dma_start3A_14, %dma_start3A_15] : memref<1000000x64xf32, #tpu.memory_space<hbm>> -> memref<1000000x64xf32, #tpu.memory_space<hbm>>
    tpu.enqueue_indirect_dma source(%dma_start3A_16 : memref<1000000x64xf32, #tpu.memory_space<hbm>>) target(%arg22 : memref<128x64xf32, #tpu.memory_space<vmem>>) offsets(%arg16 : memref<128xi32, #tpu.memory_space<vmem>>) semaphore(%arg28 : memref<!tpu.dma_semaphore, #tpu.memory_space<semaphore_mem>>)
    %dma_start3A_17 = arith.constant 0 : i32
    %dma_start3A_18 = arith.constant 0 : i32
    %dma_start3A_19 = tpu.memref_slice %arg3[%dma_start3A_17, %dma_start3A_18] : memref<1000x64xf32, #tpu.memory_space<hbm>> -> memref<1000x64xf32, #tpu.memory_space<hbm>>
    tpu.enqueue_indirect_dma source(%dma_start3A_19 : memref<1000x64xf32, #tpu.memory_space<hbm>>) target(%arg23 : memref<128x64xf32, #tpu.memory_space<vmem>>) offsets(%arg17 : memref<128xi32, #tpu.memory_space<vmem>>) semaphore(%arg28 : memref<!tpu.dma_semaphore, #tpu.memory_space<semaphore_mem>>)
    %dma_start3A_20 = arith.constant 0 : i32
    %dma_start3A_21 = arith.constant 0 : i32
    %dma_start3A_22 = tpu.memref_slice %arg2[%dma_start3A_20, %dma_start3A_21] : memref<1000000x64xf32, #tpu.memory_space<hbm>> -> memref<1000000x64xf32, #tpu.memory_space<hbm>>
    tpu.enqueue_indirect_dma source(%dma_start3A_22 : memref<1000000x64xf32, #tpu.memory_space<hbm>>) target(%arg24 : memref<128x64xf32, #tpu.memory_space<vmem>>) offsets(%arg18 : memref<128xi32, #tpu.memory_space<vmem>>) semaphore(%arg28 : memref<!tpu.dma_semaphore, #tpu.memory_space<semaphore_mem>>)
    %dma_wait3A = arith.constant 0 : i32
    %dma_wait3A_23 = arith.constant 0 : i32
    %dma_wait3A_24 = tpu.memref_slice %arg2[%dma_wait3A, %dma_wait3A_23] : memref<1000000x64xf32, #tpu.memory_space<hbm>> -> memref<1000000x64xf32, #tpu.memory_space<hbm>>
    tpu.wait_indirect_dma semaphore(%arg28 : memref<!tpu.dma_semaphore, #tpu.memory_space<semaphore_mem>>) src(%dma_wait3A_24 : memref<1000000x64xf32, #tpu.memory_space<hbm>>) dst(%arg19 : memref<128x64xf32, #tpu.memory_space<vmem>>)
    %dma_wait3A_25 = arith.constant 0 : i32
    %dma_wait3A_26 = arith.constant 0 : i32
    %dma_wait3A_27 = tpu.memref_slice %arg3[%dma_wait3A_25, %dma_wait3A_26] : memref<1000x64xf32, #tpu.memory_space<hbm>> -> memref<1000x64xf32, #tpu.memory_space<hbm>>
    tpu.wait_indirect_dma semaphore(%arg28 : memref<!tpu.dma_semaphore, #tpu.memory_space<semaphore_mem>>) src(%dma_wait3A_27 : memref<1000x64xf32, #tpu.memory_space<hbm>>) dst(%arg20 : memref<128x64xf32, #tpu.memory_space<vmem>>)
    %dma_wait3A_28 = arith.constant 0 : i32
    %dma_wait3A_29 = arith.constant 0 : i32
    %dma_wait3A_30 = tpu.memref_slice %arg2[%dma_wait3A_28, %dma_wait3A_29] : memref<1000000x64xf32, #tpu.memory_space<hbm>> -> memref<1000000x64xf32, #tpu.memory_space<hbm>>
    tpu.wait_indirect_dma semaphore(%arg28 : memref<!tpu.dma_semaphore, #tpu.memory_space<semaphore_mem>>) src(%dma_wait3A_30 : memref<1000000x64xf32, #tpu.memory_space<hbm>>) dst(%arg21 : memref<128x64xf32, #tpu.memory_space<vmem>>)
    %dma_wait3A_31 = arith.constant 0 : i32
    %dma_wait3A_32 = arith.constant 0 : i32
    %dma_wait3A_33 = tpu.memref_slice %arg2[%dma_wait3A_31, %dma_wait3A_32] : memref<1000000x64xf32, #tpu.memory_space<hbm>> -> memref<1000000x64xf32, #tpu.memory_space<hbm>>
    tpu.wait_indirect_dma semaphore(%arg28 : memref<!tpu.dma_semaphore, #tpu.memory_space<semaphore_mem>>) src(%dma_wait3A_33 : memref<1000000x64xf32, #tpu.memory_space<hbm>>) dst(%arg22 : memref<128x64xf32, #tpu.memory_space<vmem>>)
    %dma_wait3A_34 = arith.constant 0 : i32
    %dma_wait3A_35 = arith.constant 0 : i32
    %dma_wait3A_36 = tpu.memref_slice %arg3[%dma_wait3A_34, %dma_wait3A_35] : memref<1000x64xf32, #tpu.memory_space<hbm>> -> memref<1000x64xf32, #tpu.memory_space<hbm>>
    tpu.wait_indirect_dma semaphore(%arg28 : memref<!tpu.dma_semaphore, #tpu.memory_space<semaphore_mem>>) src(%dma_wait3A_36 : memref<1000x64xf32, #tpu.memory_space<hbm>>) dst(%arg23 : memref<128x64xf32, #tpu.memory_space<vmem>>)
    %dma_wait3A_37 = arith.constant 0 : i32
    %dma_wait3A_38 = arith.constant 0 : i32
    %dma_wait3A_39 = tpu.memref_slice %arg2[%dma_wait3A_37, %dma_wait3A_38] : memref<1000000x64xf32, #tpu.memory_space<hbm>> -> memref<1000000x64xf32, #tpu.memory_space<hbm>>
    tpu.wait_indirect_dma semaphore(%arg28 : memref<!tpu.dma_semaphore, #tpu.memory_space<semaphore_mem>>) src(%dma_wait3A_39 : memref<1000000x64xf32, #tpu.memory_space<hbm>>) dst(%arg24 : memref<128x64xf32, #tpu.memory_space<vmem>>)
    %add3A_40 = arith.constant 0 : i32
    %add3A_41 = vector.broadcast %add3A_40 : i32 to vector<16xi32>
    %add3A_42 = arith.addi %iota3A, %add3A_41 : vector<16xi32>
    %scan3A = arith.constant 0 : i32
    %scan3A_43 = arith.constant 64 : i32
    %scan3A_44 = arith.addi %scan3A, %scan3A_43 : i32
    %scan3A_45 = arith.constant 1 : i32
    %scan3A_46:8 = scf.for %scan3A_838 = %scan3A to %scan3A_44 step %scan3A_45 iter_args(%scan3A_839 = %broadcast_in_dim3A_3, %scan3A_840 = %broadcast_in_dim3A_3, %scan3A_841 = %broadcast_in_dim3A_3, %scan3A_842 = %broadcast_in_dim3A_3, %scan3A_843 = %broadcast_in_dim3A_3, %scan3A_844 = %broadcast_in_dim3A_3, %scan3A_845 = %broadcast_in_dim3A_3, %scan3A_846 = %broadcast_in_dim3A_3) -> (vector<16xf32>, vector<16xf32>, vector<16xf32>, vector<16xf32>, vector<16xf32>, vector<16xf32>, vector<16xf32>, vector<16xf32>)  : i32 {
      %broadcast_in_dim3A_847 = arith.constant 0 : i32
      %broadcast_in_dim3A_848 = vector.broadcast %broadcast_in_dim3A_847 : i32 to vector<16xi32>
      %add3A_849 = vector.broadcast %scan3A_838 : i32 to vector<16xi32>
      %add3A_850 = arith.addi %broadcast_in_dim3A_848, %add3A_849 : vector<16xi32>
      %gather3A = tpu.vector_load_idx %arg19[%add3A_42, %add3A_850] : memref<128x64xf32, #tpu.memory_space<vmem>>[vector<16xi32>, vector<16xi32>], vector<16xf32>,
      %gather3A_851 = tpu.vector_load_idx %arg20[%add3A_42, %add3A_850] : memref<128x64xf32, #tpu.memory_space<vmem>>[vector<16xi32>, vector<16xi32>], vector<16xf32>,
      %gather3A_852 = tpu.vector_load_idx %arg21[%add3A_42, %add3A_850] : memref<128x64xf32, #tpu.memory_space<vmem>>[vector<16xi32>, vector<16xi32>], vector<16xf32>,
      %gather3A_853 = tpu.vector_load_idx %arg22[%add3A_42, %add3A_850] : memref<128x64xf32, #tpu.memory_space<vmem>>[vector<16xi32>, vector<16xi32>], vector<16xf32>,
      %gather3A_854 = tpu.vector_load_idx %arg23[%add3A_42, %add3A_850] : memref<128x64xf32, #tpu.memory_space<vmem>>[vector<16xi32>, vector<16xi32>], vector<16xf32>,
      %gather3A_855 = tpu.vector_load_idx %arg24[%add3A_42, %add3A_850] : memref<128x64xf32, #tpu.memory_space<vmem>>[vector<16xi32>, vector<16xi32>], vector<16xf32>,
      %add3A_856 = arith.addf %gather3A, %gather3A_851 : vector<16xf32>
      %sub3A_857 = arith.subf %add3A_856, %gather3A_852 : vector<16xf32>
      %abs3A = math.absf %sub3A_857 : vector<16xf32>
      %add3A_858 = arith.addf %scan3A_839, %abs3A : vector<16xf32>
      %add3A_859 = arith.addf %gather3A_853, %gather3A_854 : vector<16xf32>
      %sub3A_860 = arith.subf %add3A_859, %gather3A_855 : vector<16xf32>
      %abs3A_861 = math.absf %sub3A_860 : vector<16xf32>
      %add3A_862 = arith.addf %scan3A_840, %abs3A_861 : vector<16xf32>
      %abs3A_863 = math.absf %gather3A : vector<16xf32>
      %add3A_864 = arith.addf %scan3A_841, %abs3A_863 : vector<16xf32>
      %mul3A_865 = arith.mulf %gather3A_851, %gather3A_851 : vector<16xf32>
      %add3A_866 = arith.addf %scan3A_842, %mul3A_865 : vector<16xf32>
      %abs3A_867 = math.absf %gather3A_852 : vector<16xf32>
      %add3A_868 = arith.addf %scan3A_843, %abs3A_867 : vector<16xf32>
      %abs3A_869 = math.absf %gather3A_853 : vector<16xf32>
      %add3A_870 = arith.addf %scan3A_844, %abs3A_869 : vector<16xf32>
      %mul3A_871 = arith.mulf %gather3A_854, %gather3A_854 : vector<16xf32>
      %add3A_872 = arith.addf %scan3A_845, %mul3A_871 : vector<16xf32>
      %abs3A_873 = math.absf %gather3A_855 : vector<16xf32>
      %add3A_874 = arith.addf %scan3A_846, %abs3A_873 : vector<16xf32>
      scf.yield %add3A_858, %add3A_862, %add3A_864, %add3A_866, %add3A_868, %add3A_870, %add3A_872, %add3A_874 : vector<16xf32>, vector<16xf32>, vector<16xf32>, vector<16xf32>, vector<16xf32>, vector<16xf32>, vector<16xf32>, vector<16xf32>
    }
    %scan3A_47 = arith.constant 64 : i32
    %sub3A = arith.subf %scan3A_46#0, %scan3A_46#1 : vector<16xf32>
    %add3A_48 = arith.constant 2.000000e+00 : f32
    %add3A_49 = vector.broadcast %add3A_48 : f32 to vector<16xf32>
    %add3A_50 = arith.addf %sub3A, %add3A_49 : vector<16xf32>
    %max3A = arith.constant 0.000000e+00 : f32
    %max3A_51 = vector.broadcast %max3A : f32 to vector<16xf32>
    %max3A_52 = arith.maximumf %max3A_51, %add3A_50 : vector<16xf32>
    %add3A_53 = arith.addf %broadcast_in_dim3A_3, %max3A_52 : vector<16xf32>
    %swap3A = arith.constant 0 : index
    %swap3A_54 = tpu.vector_load %arg25[%swap3A] {strides = array<i32>} : memref<512xf32, #tpu.memory_space<vmem>>, vector<16xf32>,
    tpu.vector_store %arg25[%swap3A], %scan3A_46#0 {strides = array<i32>} : memref<512xf32, #tpu.memory_space<vmem>>, vector<16xf32>,
    %swap3A_55 = arith.constant 0 : index
    %swap3A_56 = tpu.vector_load %arg26[%swap3A_55] {strides = array<i32>} : memref<512xf32, #tpu.memory_space<vmem>>, vector<16xf32>,
    tpu.vector_store %arg26[%swap3A_55], %scan3A_46#1 {strides = array<i32>} : memref<512xf32, #tpu.memory_space<vmem>>, vector<16xf32>,
    %add3A_57 = arith.constant 16 : i32
    %add3A_58 = vector.broadcast %add3A_57 : i32 to vector<16xi32>
    %add3A_59 = arith.addi %iota3A, %add3A_58 : vector<16xi32>
    %scan3A_60 = arith.constant 0 : i32
    %scan3A_61 = arith.constant 64 : i32
    %scan3A_62 = arith.addi %scan3A_60, %scan3A_61 : i32
    %scan3A_63 = arith.constant 1 : i32
    %scan3A_64:8 = scf.for %scan3A_838 = %scan3A_60 to %scan3A_62 step %scan3A_63 iter_args(%scan3A_839 = %broadcast_in_dim3A_3, %scan3A_840 = %broadcast_in_dim3A_3, %scan3A_841 = %scan3A_46#2, %scan3A_842 = %scan3A_46#3, %scan3A_843 = %scan3A_46#4, %scan3A_844 = %scan3A_46#5, %scan3A_845 = %scan3A_46#6, %scan3A_846 = %scan3A_46#7) -> (vector<16xf32>, vector<16xf32>, vector<16xf32>, vector<16xf32>, vector<16xf32>, vector<16xf32>, vector<16xf32>, vector<16xf32>)  : i32 {
      %broadcast_in_dim3A_847 = arith.constant 0 : i32
      %broadcast_in_dim3A_848 = vector.broadcast %broadcast_in_dim3A_847 : i32 to vector<16xi32>
      %add3A_849 = vector.broadcast %scan3A_838 : i32 to vector<16xi32>
      %add3A_850 = arith.addi %broadcast_in_dim3A_848, %add3A_849 : vector<16xi32>
      %gather3A = tpu.vector_load_idx %arg19[%add3A_59, %add3A_850] : memref<128x64xf32, #tpu.memory_space<vmem>>[vector<16xi32>, vector<16xi32>], vector<16xf32>,
      %gather3A_851 = tpu.vector_load_idx %arg20[%add3A_59, %add3A_850] : memref<128x64xf32, #tpu.memory_space<vmem>>[vector<16xi32>, vector<16xi32>], vector<16xf32>,
      %gather3A_852 = tpu.vector_load_idx %arg21[%add3A_59, %add3A_850] : memref<128x64xf32, #tpu.memory_space<vmem>>[vector<16xi32>, vector<16xi32>], vector<16xf32>,
      %gather3A_853 = tpu.vector_load_idx %arg22[%add3A_59, %add3A_850] : memref<128x64xf32, #tpu.memory_space<vmem>>[vector<16xi32>, vector<16xi32>], vector<16xf32>,
      %gather3A_854 = tpu.vector_load_idx %arg23[%add3A_59, %add3A_850] : memref<128x64xf32, #tpu.memory_space<vmem>>[vector<16xi32>, vector<16xi32>], vector<16xf32>,
      %gather3A_855 = tpu.vector_load_idx %arg24[%add3A_59, %add3A_850] : memref<128x64xf32, #tpu.memory_space<vmem>>[vector<16xi32>, vector<16xi32>], vector<16xf32>,
      %add3A_856 = arith.addf %gather3A, %gather3A_851 : vector<16xf32>
      %sub3A_857 = arith.subf %add3A_856, %gather3A_852 : vector<16xf32>
      %abs3A = math.absf %sub3A_857 : vector<16xf32>
      %add3A_858 = arith.addf %scan3A_839, %abs3A : vector<16xf32>
      %add3A_859 = arith.addf %gather3A_853, %gather3A_854 : vector<16xf32>
      %sub3A_860 = arith.subf %add3A_859, %gather3A_855 : vector<16xf32>
      %abs3A_861 = math.absf %sub3A_860 : vector<16xf32>
      %add3A_862 = arith.addf %scan3A_840, %abs3A_861 : vector<16xf32>
      %abs3A_863 = math.absf %gather3A : vector<16xf32>
      %add3A_864 = arith.addf %scan3A_841, %abs3A_863 : vector<16xf32>
      %mul3A_865 = arith.mulf %gather3A_851, %gather3A_851 : vector<16xf32>
      %add3A_866 = arith.addf %scan3A_842, %mul3A_865 : vector<16xf32>
      %abs3A_867 = math.absf %gather3A_852 : vector<16xf32>
      %add3A_868 = arith.addf %scan3A_843, %abs3A_867 : vector<16xf32>
      %abs3A_869 = math.absf %gather3A_853 : vector<16xf32>
      %add3A_870 = arith.addf %scan3A_844, %abs3A_869 : vector<16xf32>
      %mul3A_871 = arith.mulf %gather3A_854, %gather3A_854 : vector<16xf32>
      %add3A_872 = arith.addf %scan3A_845, %mul3A_871 : vector<16xf32>
      %abs3A_873 = math.absf %gather3A_855 : vector<16xf32>
      %add3A_874 = arith.addf %scan3A_846, %abs3A_873 : vector<16xf32>
      scf.yield %add3A_858, %add3A_862, %add3A_864, %add3A_866, %add3A_868, %add3A_870, %add3A_872, %add3A_874 : vector<16xf32>, vector<16xf32>, vector<16xf32>, vector<16xf32>, vector<16xf32>, vector<16xf32>, vector<16xf32>, vector<16xf32>
    }
    %scan3A_65 = arith.constant 64 : i32
    %sub3A_66 = arith.subf %scan3A_64#0, %scan3A_64#1 : vector<16xf32>
    %add3A_67 = arith.constant 2.000000e+00 : f32
    %add3A_68 = vector.broadcast %add3A_67 : f32 to vector<16xf32>
    %add3A_69 = arith.addf %sub3A_66, %add3A_68 : vector<16xf32>
    %max3A_70 = arith.constant 0.000000e+00 : f32
    %max3A_71 = vector.broadcast %max3A_70 : f32 to vector<16xf32>
    %max3A_72 = arith.maximumf %max3A_71, %add3A_69 : vector<16xf32>
    %add3A_73 = arith.addf %add3A_53, %max3A_72 : vector<16xf32>
    %swap3A_74 = arith.constant 16 : index
    %swap3A_75 = tpu.vector_load %arg25[%swap3A_74] {strides = array<i32>} : memref<512xf32, #tpu.memory_space<vmem>>, vector<16xf32>,
    tpu.vector_store %arg25[%swap3A_74], %scan3A_64#0 {strides = array<i32>} : memref<512xf32, #tpu.memory_space<vmem>>, vector<16xf32>,
    %swap3A_76 = arith.constant 16 : index
    %swap3A_77 = tpu.vector_load %arg26[%swap3A_76] {strides = array<i32>} : memref<512xf32, #tpu.memory_space<vmem>>, vector<16xf32>,
    tpu.vector_store %arg26[%swap3A_76], %scan3A_64#1 {strides = array<i32>} : memref<512xf32, #tpu.memory_space<vmem>>, vector<16xf32>,
    %add3A_78 = arith.constant 32 : i32
    %add3A_79 = vector.broadcast %add3A_78 : i32 to vector<16xi32>
    %add3A_80 = arith.addi %iota3A, %add3A_79 : vector<16xi32>
    %scan3A_81 = arith.constant 0 : i32
    %scan3A_82 = arith.constant 64 : i32
    %scan3A_83 = arith.addi %scan3A_81, %scan3A_82 : i32
    %scan3A_84 = arith.constant 1 : i32
    %scan3A_85:8 = scf.for %scan3A_838 = %scan3A_81 to %scan3A_83 step %scan3A_84 iter_args(%scan3A_839 = %broadcast_in_dim3A_3, %scan3A_840 = %broadcast_in_dim3A_3, %scan3A_841 = %scan3A_64#2, %scan3A_842 = %scan3A_64#3, %scan3A_843 = %scan3A_64#4, %scan3A_844 = %scan3A_64#5, %scan3A_845 = %scan3A_64#6, %scan3A_846 = %scan3A_64#7) -> (vector<16xf32>, vector<16xf32>, vector<16xf32>, vector<16xf32>, vector<16xf32>, vector<16xf32>, vector<16xf32>, vector<16xf32>)  : i32 {
      %broadcast_in_dim3A_847 = arith.constant 0 : i32
      %broadcast_in_dim3A_848 = vector.broadcast %broadcast_in_dim3A_847 : i32 to vector<16xi32>
      %add3A_849 = vector.broadcast %scan3A_838 : i32 to vector<16xi32>
      %add3A_850 = arith.addi %broadcast_in_dim3A_848, %add3A_849 : vector<16xi32>
      %gather3A = tpu.vector_load_idx %arg19[%add3A_80, %add3A_850] : memref<128x64xf32, #tpu.memory_space<vmem>>[vector<16xi32>, vector<16xi32>], vector<16xf32>,
      %gather3A_851 = tpu.vector_load_idx %arg20[%add3A_80, %add3A_850] : memref<128x64xf32, #tpu.memory_space<vmem>>[vector<16xi32>, vector<16xi32>], vector<16xf32>,
      %gather3A_852 = tpu.vector_load_idx %arg21[%add3A_80, %add3A_850] : memref<128x64xf32, #tpu.memory_space<vmem>>[vector<16xi32>, vector<16xi32>], vector<16xf32>,
      %gather3A_853 = tpu.vector_load_idx %arg22[%add3A_80, %add3A_850] : memref<128x64xf32, #tpu.memory_space<vmem>>[vector<16xi32>, vector<16xi32>], vector<16xf32>,
      %gather3A_854 = tpu.vector_load_idx %arg23[%add3A_80, %add3A_850] : memref<128x64xf32, #tpu.memory_space<vmem>>[vector<16xi32>, vector<16xi32>], vector<16xf32>,
      %gather3A_855 = tpu.vector_load_idx %arg24[%add3A_80, %add3A_850] : memref<128x64xf32, #tpu.memory_space<vmem>>[vector<16xi32>, vector<16xi32>], vector<16xf32>,
      %add3A_856 = arith.addf %gather3A, %gather3A_851 : vector<16xf32>
      %sub3A_857 = arith.subf %add3A_856, %gather3A_852 : vector<16xf32>
      %abs3A = math.absf %sub3A_857 : vector<16xf32>
      %add3A_858 = arith.addf %scan3A_839, %abs3A : vector<16xf32>
      %add3A_859 = arith.addf %gather3A_853, %gather3A_854 : vector<16xf32>
      %sub3A_860 = arith.subf %add3A_859, %gather3A_855 : vector<16xf32>
      %abs3A_861 = math.absf %sub3A_860 : vector<16xf32>
      %add3A_862 = arith.addf %scan3A_840, %abs3A_861 : vector<16xf32>
      %abs3A_863 = math.absf %gather3A : vector<16xf32>
      %add3A_864 = arith.addf %scan3A_841, %abs3A_863 : vector<16xf32>
      %mul3A_865 = arith.mulf %gather3A_851, %gather3A_851 : vector<16xf32>
      %add3A_866 = arith.addf %scan3A_842, %mul3A_865 : vector<16xf32>
      %abs3A_867 = math.absf %gather3A_852 : vector<16xf32>
      %add3A_868 = arith.addf %scan3A_843, %abs3A_867 : vector<16xf32>
      %abs3A_869 = math.absf %gather3A_853 : vector<16xf32>
      %add3A_870 = arith.addf %scan3A_844, %abs3A_869 : vector<16xf32>
      %mul3A_871 = arith.mulf %gather3A_854, %gather3A_854 : vector<16xf32>
      %add3A_872 = arith.addf %scan3A_845, %mul3A_871 : vector<16xf32>
      %abs3A_873 = math.absf %gather3A_855 : vector<16xf32>
      %add3A_874 = arith.addf %scan3A_846, %abs3A_873 : vector<16xf32>
      scf.yield %add3A_858, %add3A_862, %add3A_864, %add3A_866, %add3A_868, %add3A_870, %add3A_872, %add3A_874 : vector<16xf32>, vector<16xf32>, vector<16xf32>, vector<16xf32>, vector<16xf32>, vector<16xf32>, vector<16xf32>, vector<16xf32>
    }
    %scan3A_86 = arith.constant 64 : i32
    %sub3A_87 = arith.subf %scan3A_85#0, %scan3A_85#1 : vector<16xf32>
    %add3A_88 = arith.constant 2.000000e+00 : f32
    %add3A_89 = vector.broadcast %add3A_88 : f32 to vector<16xf32>
    %add3A_90 = arith.addf %sub3A_87, %add3A_89 : vector<16xf32>
    %max3A_91 = arith.constant 0.000000e+00 : f32
    %max3A_92 = vector.broadcast %max3A_91 : f32 to vector<16xf32>
    %max3A_93 = arith.maximumf %max3A_92, %add3A_90 : vector<16xf32>
    %add3A_94 = arith.addf %add3A_73, %max3A_93 : vector<16xf32>
    %swap3A_95 = arith.constant 32 : index
    %swap3A_96 = tpu.vector_load %arg25[%swap3A_95] {strides = array<i32>} : memref<512xf32, #tpu.memory_space<vmem>>, vector<16xf32>,
    tpu.vector_store %arg25[%swap3A_95], %scan3A_85#0 {strides = array<i32>} : memref<512xf32, #tpu.memory_space<vmem>>, vector<16xf32>,
    %swap3A_97 = arith.constant 32 : index
    %swap3A_98 = tpu.vector_load %arg26[%swap3A_97] {strides = array<i32>} : memref<512xf32, #tpu.memory_space<vmem>>, vector<16xf32>,
    tpu.vector_store %arg26[%swap3A_97], %scan3A_85#1 {strides = array<i32>} : memref<512xf32, #tpu.memory_space<vmem>>, vector<16xf32>,
    %add3A_99 = arith.constant 48 : i32
    %add3A_100 = vector.broadcast %add3A_99 : i32 to vector<16xi32>
    %add3A_101 = arith.addi %iota3A, %add3A_100 : vector<16xi32>
    %scan3A_102 = arith.constant 0 : i32
    %scan3A_103 = arith.constant 64 : i32
    %scan3A_104 = arith.addi %scan3A_102, %scan3A_103 : i32
    %scan3A_105 = arith.constant 1 : i32
    %scan3A_106:8 = scf.for %scan3A_838 = %scan3A_102 to %scan3A_104 step %scan3A_105 iter_args(%scan3A_839 = %broadcast_in_dim3A_3, %scan3A_840 = %broadcast_in_dim3A_3, %scan3A_841 = %scan3A_85#2, %scan3A_842 = %scan3A_85#3, %scan3A_843 = %scan3A_85#4, %scan3A_844 = %scan3A_85#5, %scan3A_845 = %scan3A_85#6, %scan3A_846 = %scan3A_85#7) -> (vector<16xf32>, vector<16xf32>, vector<16xf32>, vector<16xf32>, vector<16xf32>, vector<16xf32>, vector<16xf32>, vector<16xf32>)  : i32 {
      %broadcast_in_dim3A_847 = arith.constant 0 : i32
      %broadcast_in_dim3A_848 = vector.broadcast %broadcast_in_dim3A_847 : i32 to vector<16xi32>
      %add3A_849 = vector.broadcast %scan3A_838 : i32 to vector<16xi32>
      %add3A_850 = arith.addi %broadcast_in_dim3A_848, %add3A_849 : vector<16xi32>
      %gather3A = tpu.vector_load_idx %arg19[%add3A_101, %add3A_850] : memref<128x64xf32, #tpu.memory_space<vmem>>[vector<16xi32>, vector<16xi32>], vector<16xf32>,
      %gather3A_851 = tpu.vector_load_idx %arg20[%add3A_101, %add3A_850] : memref<128x64xf32, #tpu.memory_space<vmem>>[vector<16xi32>, vector<16xi32>], vector<16xf32>,
      %gather3A_852 = tpu.vector_load_idx %arg21[%add3A_101, %add3A_850] : memref<128x64xf32, #tpu.memory_space<vmem>>[vector<16xi32>, vector<16xi32>], vector<16xf32>,
      %gather3A_853 = tpu.vector_load_idx %arg22[%add3A_101, %add3A_850] : memref<128x64xf32, #tpu.memory_space<vmem>>[vector<16xi32>, vector<16xi32>], vector<16xf32>,
      %gather3A_854 = tpu.vector_load_idx %arg23[%add3A_101, %add3A_850] : memref<128x64xf32, #tpu.memory_space<vmem>>[vector<16xi32>, vector<16xi32>], vector<16xf32>,
      %gather3A_855 = tpu.vector_load_idx %arg24[%add3A_101, %add3A_850] : memref<128x64xf32, #tpu.memory_space<vmem>>[vector<16xi32>, vector<16xi32>], vector<16xf32>,
      %add3A_856 = arith.addf %gather3A, %gather3A_851 : vector<16xf32>
      %sub3A_857 = arith.subf %add3A_856, %gather3A_852 : vector<16xf32>
      %abs3A = math.absf %sub3A_857 : vector<16xf32>
      %add3A_858 = arith.addf %scan3A_839, %abs3A : vector<16xf32>
      %add3A_859 = arith.addf %gather3A_853, %gather3A_854 : vector<16xf32>
      %sub3A_860 = arith.subf %add3A_859, %gather3A_855 : vector<16xf32>
      %abs3A_861 = math.absf %sub3A_860 : vector<16xf32>
      %add3A_862 = arith.addf %scan3A_840, %abs3A_861 : vector<16xf32>
      %abs3A_863 = math.absf %gather3A : vector<16xf32>
      %add3A_864 = arith.addf %scan3A_841, %abs3A_863 : vector<16xf32>
      %mul3A_865 = arith.mulf %gather3A_851, %gather3A_851 : vector<16xf32>
      %add3A_866 = arith.addf %scan3A_842, %mul3A_865 : vector<16xf32>
      %abs3A_867 = math.absf %gather3A_852 : vector<16xf32>
      %add3A_868 = arith.addf %scan3A_843, %abs3A_867 : vector<16xf32>
      %abs3A_869 = math.absf %gather3A_853 : vector<16xf32>
      %add3A_870 = arith.addf %scan3A_844, %abs3A_869 : vector<16xf32>
      %mul3A_871 = arith.mulf %gather3A_854, %gather3A_854 : vector<16xf32>
      %add3A_872 = arith.addf %scan3A_845, %mul3A_871 : vector<16xf32>
      %abs3A_873 = math.absf %gather3A_855 : vector<16xf32>
      %add3A_874 = arith.addf %scan3A_846, %abs3A_873 : vector<16xf32>
      scf.yield %add3A_858, %add3A_862, %add3A_864, %add3A_866, %add3A_868, %add3A_870, %add3A_872, %add3A_874 : vector<16xf32>, vector<16xf32>, vector<16xf32>, vector<16xf32>, vector<16xf32>, vector<16xf32>, vector<16xf32>, vector<16xf32>
    }
    %scan3A_107 = arith.constant 64 : i32
    %sub3A_108 = arith.subf %scan3A_106#0, %scan3A_106#1 : vector<16xf32>
    %add3A_109 = arith.constant 2.000000e+00 : f32
    %add3A_110 = vector.broadcast %add3A_109 : f32 to vector<16xf32>
    %add3A_111 = arith.addf %sub3A_108, %add3A_110 : vector<16xf32>
    %max3A_112 = arith.constant 0.000000e+00 : f32
    %max3A_113 = vector.broadcast %max3A_112 : f32 to vector<16xf32>
    %max3A_114 = arith.maximumf %max3A_113, %add3A_111 : vector<16xf32>
    %add3A_115 = arith.addf %add3A_94, %max3A_114 : vector<16xf32>
    %swap3A_116 = arith.constant 48 : index
    %swap3A_117 = tpu.vector_load %arg25[%swap3A_116] {strides = array<i32>} : memref<512xf32, #tpu.memory_space<vmem>>, vector<16xf32>,
    tpu.vector_store %arg25[%swap3A_116], %scan3A_106#0 {strides = array<i32>} : memref<512xf32, #tpu.memory_space<vmem>>, vector<16xf32>,
    %swap3A_118 = arith.constant 48 : index
    %swap3A_119 = tpu.vector_load %arg26[%swap3A_118] {strides = array<i32>} : memref<512xf32, #tpu.memory_space<vmem>>, vector<16xf32>,
    tpu.vector_store %arg26[%swap3A_118], %scan3A_106#1 {strides = array<i32>} : memref<512xf32, #tpu.memory_space<vmem>>, vector<16xf32>,
    %add3A_120 = arith.constant 64 : i32
    %add3A_121 = vector.broadcast %add3A_120 : i32 to vector<16xi32>
    %add3A_122 = arith.addi %iota3A, %add3A_121 : vector<16xi32>
    %scan3A_123 = arith.constant 0 : i32
    %scan3A_124 = arith.constant 64 : i32
    %scan3A_125 = arith.addi %scan3A_123, %scan3A_124 : i32
    %scan3A_126 = arith.constant 1 : i32
    %scan3A_127:8 = scf.for %scan3A_838 = %scan3A_123 to %scan3A_125 step %scan3A_126 iter_args(%scan3A_839 = %broadcast_in_dim3A_3, %scan3A_840 = %broadcast_in_dim3A_3, %scan3A_841 = %scan3A_106#2, %scan3A_842 = %scan3A_106#3, %scan3A_843 = %scan3A_106#4, %scan3A_844 = %scan3A_106#5, %scan3A_845 = %scan3A_106#6, %scan3A_846 = %scan3A_106#7) -> (vector<16xf32>, vector<16xf32>, vector<16xf32>, vector<16xf32>, vector<16xf32>, vector<16xf32>, vector<16xf32>, vector<16xf32>)  : i32 {
      %broadcast_in_dim3A_847 = arith.constant 0 : i32
      %broadcast_in_dim3A_848 = vector.broadcast %broadcast_in_dim3A_847 : i32 to vector<16xi32>
      %add3A_849 = vector.broadcast %scan3A_838 : i32 to vector<16xi32>
      %add3A_850 = arith.addi %broadcast_in_dim3A_848, %add3A_849 : vector<16xi32>
      %gather3A = tpu.vector_load_idx %arg19[%add3A_122, %add3A_850] : memref<128x64xf32, #tpu.memory_space<vmem>>[vector<16xi32>, vector<16xi32>], vector<16xf32>,
      %gather3A_851 = tpu.vector_load_idx %arg20[%add3A_122, %add3A_850] : memref<128x64xf32, #tpu.memory_space<vmem>>[vector<16xi32>, vector<16xi32>], vector<16xf32>,
      %gather3A_852 = tpu.vector_load_idx %arg21[%add3A_122, %add3A_850] : memref<128x64xf32, #tpu.memory_space<vmem>>[vector<16xi32>, vector<16xi32>], vector<16xf32>,
      %gather3A_853 = tpu.vector_load_idx %arg22[%add3A_122, %add3A_850] : memref<128x64xf32, #tpu.memory_space<vmem>>[vector<16xi32>, vector<16xi32>], vector<16xf32>,
      %gather3A_854 = tpu.vector_load_idx %arg23[%add3A_122, %add3A_850] : memref<128x64xf32, #tpu.memory_space<vmem>>[vector<16xi32>, vector<16xi32>], vector<16xf32>,
      %gather3A_855 = tpu.vector_load_idx %arg24[%add3A_122, %add3A_850] : memref<128x64xf32, #tpu.memory_space<vmem>>[vector<16xi32>, vector<16xi32>], vector<16xf32>,
      %add3A_856 = arith.addf %gather3A, %gather3A_851 : vector<16xf32>
      %sub3A_857 = arith.subf %add3A_856, %gather3A_852 : vector<16xf32>
      %abs3A = math.absf %sub3A_857 : vector<16xf32>
      %add3A_858 = arith.addf %scan3A_839, %abs3A : vector<16xf32>
      %add3A_859 = arith.addf %gather3A_853, %gather3A_854 : vector<16xf32>
      %sub3A_860 = arith.subf %add3A_859, %gather3A_855 : vector<16xf32>
      %abs3A_861 = math.absf %sub3A_860 : vector<16xf32>
      %add3A_862 = arith.addf %scan3A_840, %abs3A_861 : vector<16xf32>
      %abs3A_863 = math.absf %gather3A : vector<16xf32>
      %add3A_864 = arith.addf %scan3A_841, %abs3A_863 : vector<16xf32>
      %mul3A_865 = arith.mulf %gather3A_851, %gather3A_851 : vector<16xf32>
      %add3A_866 = arith.addf %scan3A_842, %mul3A_865 : vector<16xf32>
      %abs3A_867 = math.absf %gather3A_852 : vector<16xf32>
      %add3A_868 = arith.addf %scan3A_843, %abs3A_867 : vector<16xf32>
      %abs3A_869 = math.absf %gather3A_853 : vector<16xf32>
      %add3A_870 = arith.addf %scan3A_844, %abs3A_869 : vector<16xf32>
      %mul3A_871 = arith.mulf %gather3A_854, %gather3A_854 : vector<16xf32>
      %add3A_872 = arith.addf %scan3A_845, %mul3A_871 : vector<16xf32>
      %abs3A_873 = math.absf %gather3A_855 : vector<16xf32>
      %add3A_874 = arith.addf %scan3A_846, %abs3A_873 : vector<16xf32>
      scf.yield %add3A_858, %add3A_862, %add3A_864, %add3A_866, %add3A_868, %add3A_870, %add3A_872, %add3A_874 : vector<16xf32>, vector<16xf32>, vector<16xf32>, vector<16xf32>, vector<16xf32>, vector<16xf32>, vector<16xf32>, vector<16xf32>
    }
    %scan3A_128 = arith.constant 64 : i32
    %sub3A_129 = arith.subf %scan3A_127#0, %scan3A_127#1 : vector<16xf32>
    %add3A_130 = arith.constant 2.000000e+00 : f32
    %add3A_131 = vector.broadcast %add3A_130 : f32 to vector<16xf32>
    %add3A_132 = arith.addf %sub3A_129, %add3A_131 : vector<16xf32>
    %max3A_133 = arith.constant 0.000000e+00 : f32
    %max3A_134 = vector.broadcast %max3A_133 : f32 to vector<16xf32>
    %max3A_135 = arith.maximumf %max3A_134, %add3A_132 : vector<16xf32>
    %add3A_136 = arith.addf %add3A_115, %max3A_135 : vector<16xf32>
    %swap3A_137 = arith.constant 64 : index
    %swap3A_138 = tpu.vector_load %arg25[%swap3A_137] {strides = array<i32>} : memref<512xf32, #tpu.memory_space<vmem>>, vector<16xf32>,
    tpu.vector_store %arg25[%swap3A_137], %scan3A_127#0 {strides = array<i32>} : memref<512xf32, #tpu.memory_space<vmem>>, vector<16xf32>,
    %swap3A_139 = arith.constant 64 : index
    %swap3A_140 = tpu.vector_load %arg26[%swap3A_139] {strides = array<i32>} : memref<512xf32, #tpu.memory_space<vmem>>, vector<16xf32>,
    tpu.vector_store %arg26[%swap3A_139], %scan3A_127#1 {strides = array<i32>} : memref<512xf32, #tpu.memory_space<vmem>>, vector<16xf32>,
    %add3A_141 = arith.constant 80 : i32
    %add3A_142 = vector.broadcast %add3A_141 : i32 to vector<16xi32>
    %add3A_143 = arith.addi %iota3A, %add3A_142 : vector<16xi32>
    %scan3A_144 = arith.constant 0 : i32
    %scan3A_145 = arith.constant 64 : i32
    %scan3A_146 = arith.addi %scan3A_144, %scan3A_145 : i32
    %scan3A_147 = arith.constant 1 : i32
    %scan3A_148:8 = scf.for %scan3A_838 = %scan3A_144 to %scan3A_146 step %scan3A_147 iter_args(%scan3A_839 = %broadcast_in_dim3A_3, %scan3A_840 = %broadcast_in_dim3A_3, %scan3A_841 = %scan3A_127#2, %scan3A_842 = %scan3A_127#3, %scan3A_843 = %scan3A_127#4, %scan3A_844 = %scan3A_127#5, %scan3A_845 = %scan3A_127#6, %scan3A_846 = %scan3A_127#7) -> (vector<16xf32>, vector<16xf32>, vector<16xf32>, vector<16xf32>, vector<16xf32>, vector<16xf32>, vector<16xf32>, vector<16xf32>)  : i32 {
      %broadcast_in_dim3A_847 = arith.constant 0 : i32
      %broadcast_in_dim3A_848 = vector.broadcast %broadcast_in_dim3A_847 : i32 to vector<16xi32>
      %add3A_849 = vector.broadcast %scan3A_838 : i32 to vector<16xi32>
      %add3A_850 = arith.addi %broadcast_in_dim3A_848, %add3A_849 : vector<16xi32>
      %gather3A = tpu.vector_load_idx %arg19[%add3A_143, %add3A_850] : memref<128x64xf32, #tpu.memory_space<vmem>>[vector<16xi32>, vector<16xi32>], vector<16xf32>,
      %gather3A_851 = tpu.vector_load_idx %arg20[%add3A_143, %add3A_850] : memref<128x64xf32, #tpu.memory_space<vmem>>[vector<16xi32>, vector<16xi32>], vector<16xf32>,
      %gather3A_852 = tpu.vector_load_idx %arg21[%add3A_143, %add3A_850] : memref<128x64xf32, #tpu.memory_space<vmem>>[vector<16xi32>, vector<16xi32>], vector<16xf32>,
      %gather3A_853 = tpu.vector_load_idx %arg22[%add3A_143, %add3A_850] : memref<128x64xf32, #tpu.memory_space<vmem>>[vector<16xi32>, vector<16xi32>], vector<16xf32>,
      %gather3A_854 = tpu.vector_load_idx %arg23[%add3A_143, %add3A_850] : memref<128x64xf32, #tpu.memory_space<vmem>>[vector<16xi32>, vector<16xi32>], vector<16xf32>,
      %gather3A_855 = tpu.vector_load_idx %arg24[%add3A_143, %add3A_850] : memref<128x64xf32, #tpu.memory_space<vmem>>[vector<16xi32>, vector<16xi32>], vector<16xf32>,
      %add3A_856 = arith.addf %gather3A, %gather3A_851 : vector<16xf32>
      %sub3A_857 = arith.subf %add3A_856, %gather3A_852 : vector<16xf32>
      %abs3A = math.absf %sub3A_857 : vector<16xf32>
      %add3A_858 = arith.addf %scan3A_839, %abs3A : vector<16xf32>
      %add3A_859 = arith.addf %gather3A_853, %gather3A_854 : vector<16xf32>
      %sub3A_860 = arith.subf %add3A_859, %gather3A_855 : vector<16xf32>
      %abs3A_861 = math.absf %sub3A_860 : vector<16xf32>
      %add3A_862 = arith.addf %scan3A_840, %abs3A_861 : vector<16xf32>
      %abs3A_863 = math.absf %gather3A : vector<16xf32>
      %add3A_864 = arith.addf %scan3A_841, %abs3A_863 : vector<16xf32>
      %mul3A_865 = arith.mulf %gather3A_851, %gather3A_851 : vector<16xf32>
      %add3A_866 = arith.addf %scan3A_842, %mul3A_865 : vector<16xf32>
      %abs3A_867 = math.absf %gather3A_852 : vector<16xf32>
      %add3A_868 = arith.addf %scan3A_843, %abs3A_867 : vector<16xf32>
      %abs3A_869 = math.absf %gather3A_853 : vector<16xf32>
      %add3A_870 = arith.addf %scan3A_844, %abs3A_869 : vector<16xf32>
      %mul3A_871 = arith.mulf %gather3A_854, %gather3A_854 : vector<16xf32>
      %add3A_872 = arith.addf %scan3A_845, %mul3A_871 : vector<16xf32>
      %abs3A_873 = math.absf %gather3A_855 : vector<16xf32>
      %add3A_874 = arith.addf %scan3A_846, %abs3A_873 : vector<16xf32>
      scf.yield %add3A_858, %add3A_862, %add3A_864, %add3A_866, %add3A_868, %add3A_870, %add3A_872, %add3A_874 : vector<16xf32>, vector<16xf32>, vector<16xf32>, vector<16xf32>, vector<16xf32>, vector<16xf32>, vector<16xf32>, vector<16xf32>
    }
    %scan3A_149 = arith.constant 64 : i32
    %sub3A_150 = arith.subf %scan3A_148#0, %scan3A_148#1 : vector<16xf32>
    %add3A_151 = arith.constant 2.000000e+00 : f32
    %add3A_152 = vector.broadcast %add3A_151 : f32 to vector<16xf32>
    %add3A_153 = arith.addf %sub3A_150, %add3A_152 : vector<16xf32>
    %max3A_154 = arith.constant 0.000000e+00 : f32
    %max3A_155 = vector.broadcast %max3A_154 : f32 to vector<16xf32>
    %max3A_156 = arith.maximumf %max3A_155, %add3A_153 : vector<16xf32>
    %add3A_157 = arith.addf %add3A_136, %max3A_156 : vector<16xf32>
    %swap3A_158 = arith.constant 80 : index
    %swap3A_159 = tpu.vector_load %arg25[%swap3A_158] {strides = array<i32>} : memref<512xf32, #tpu.memory_space<vmem>>, vector<16xf32>,
    tpu.vector_store %arg25[%swap3A_158], %scan3A_148#0 {strides = array<i32>} : memref<512xf32, #tpu.memory_space<vmem>>, vector<16xf32>,
    %swap3A_160 = arith.constant 80 : index
    %swap3A_161 = tpu.vector_load %arg26[%swap3A_160] {strides = array<i32>} : memref<512xf32, #tpu.memory_space<vmem>>, vector<16xf32>,
    tpu.vector_store %arg26[%swap3A_160], %scan3A_148#1 {strides = array<i32>} : memref<512xf32, #tpu.memory_space<vmem>>, vector<16xf32>,
    %add3A_162 = arith.constant 96 : i32
    %add3A_163 = vector.broadcast %add3A_162 : i32 to vector<16xi32>
    %add3A_164 = arith.addi %iota3A, %add3A_163 : vector<16xi32>
    %scan3A_165 = arith.constant 0 : i32
    %scan3A_166 = arith.constant 64 : i32
    %scan3A_167 = arith.addi %scan3A_165, %scan3A_166 : i32
    %scan3A_168 = arith.constant 1 : i32
    %scan3A_169:8 = scf.for %scan3A_838 = %scan3A_165 to %scan3A_167 step %scan3A_168 iter_args(%scan3A_839 = %broadcast_in_dim3A_3, %scan3A_840 = %broadcast_in_dim3A_3, %scan3A_841 = %scan3A_148#2, %scan3A_842 = %scan3A_148#3, %scan3A_843 = %scan3A_148#4, %scan3A_844 = %scan3A_148#5, %scan3A_845 = %scan3A_148#6, %scan3A_846 = %scan3A_148#7) -> (vector<16xf32>, vector<16xf32>, vector<16xf32>, vector<16xf32>, vector<16xf32>, vector<16xf32>, vector<16xf32>, vector<16xf32>)  : i32 {
      %broadcast_in_dim3A_847 = arith.constant 0 : i32
      %broadcast_in_dim3A_848 = vector.broadcast %broadcast_in_dim3A_847 : i32 to vector<16xi32>
      %add3A_849 = vector.broadcast %scan3A_838 : i32 to vector<16xi32>
      %add3A_850 = arith.addi %broadcast_in_dim3A_848, %add3A_849 : vector<16xi32>
      %gather3A = tpu.vector_load_idx %arg19[%add3A_164, %add3A_850] : memref<128x64xf32, #tpu.memory_space<vmem>>[vector<16xi32>, vector<16xi32>], vector<16xf32>,
      %gather3A_851 = tpu.vector_load_idx %arg20[%add3A_164, %add3A_850] : memref<128x64xf32, #tpu.memory_space<vmem>>[vector<16xi32>, vector<16xi32>], vector<16xf32>,
      %gather3A_852 = tpu.vector_load_idx %arg21[%add3A_164, %add3A_850] : memref<128x64xf32, #tpu.memory_space<vmem>>[vector<16xi32>, vector<16xi32>], vector<16xf32>,
      %gather3A_853 = tpu.vector_load_idx %arg22[%add3A_164, %add3A_850] : memref<128x64xf32, #tpu.memory_space<vmem>>[vector<16xi32>, vector<16xi32>], vector<16xf32>,
      %gather3A_854 = tpu.vector_load_idx %arg23[%add3A_164, %add3A_850] : memref<128x64xf32, #tpu.memory_space<vmem>>[vector<16xi32>, vector<16xi32>], vector<16xf32>,
      %gather3A_855 = tpu.vector_load_idx %arg24[%add3A_164, %add3A_850] : memref<128x64xf32, #tpu.memory_space<vmem>>[vector<16xi32>, vector<16xi32>], vector<16xf32>,
      %add3A_856 = arith.addf %gather3A, %gather3A_851 : vector<16xf32>
      %sub3A_857 = arith.subf %add3A_856, %gather3A_852 : vector<16xf32>
      %abs3A = math.absf %sub3A_857 : vector<16xf32>
      %add3A_858 = arith.addf %scan3A_839, %abs3A : vector<16xf32>
      %add3A_859 = arith.addf %gather3A_853, %gather3A_854 : vector<16xf32>
      %sub3A_860 = arith.subf %add3A_859, %gather3A_855 : vector<16xf32>
      %abs3A_861 = math.absf %sub3A_860 : vector<16xf32>
      %add3A_862 = arith.addf %scan3A_840, %abs3A_861 : vector<16xf32>
      %abs3A_863 = math.absf %gather3A : vector<16xf32>
      %add3A_864 = arith.addf %scan3A_841, %abs3A_863 : vector<16xf32>
      %mul3A_865 = arith.mulf %gather3A_851, %gather3A_851 : vector<16xf32>
      %add3A_866 = arith.addf %scan3A_842, %mul3A_865 : vector<16xf32>
      %abs3A_867 = math.absf %gather3A_852 : vector<16xf32>
      %add3A_868 = arith.addf %scan3A_843, %abs3A_867 : vector<16xf32>
      %abs3A_869 = math.absf %gather3A_853 : vector<16xf32>
      %add3A_870 = arith.addf %scan3A_844, %abs3A_869 : vector<16xf32>
      %mul3A_871 = arith.mulf %gather3A_854, %gather3A_854 : vector<16xf32>
      %add3A_872 = arith.addf %scan3A_845, %mul3A_871 : vector<16xf32>
      %abs3A_873 = math.absf %gather3A_855 : vector<16xf32>
      %add3A_874 = arith.addf %scan3A_846, %abs3A_873 : vector<16xf32>
      scf.yield %add3A_858, %add3A_862, %add3A_864, %add3A_866, %add3A_868, %add3A_870, %add3A_872, %add3A_874 : vector<16xf32>, vector<16xf32>, vector<16xf32>, vector<16xf32>, vector<16xf32>, vector<16xf32>, vector<16xf32>, vector<16xf32>
    }
    %scan3A_170 = arith.constant 64 : i32
    %sub3A_171 = arith.subf %scan3A_169#0, %scan3A_169#1 : vector<16xf32>
    %add3A_172 = arith.constant 2.000000e+00 : f32
    %add3A_173 = vector.broadcast %add3A_172 : f32 to vector<16xf32>
    %add3A_174 = arith.addf %sub3A_171, %add3A_173 : vector<16xf32>
    %max3A_175 = arith.constant 0.000000e+00 : f32
    %max3A_176 = vector.broadcast %max3A_175 : f32 to vector<16xf32>
    %max3A_177 = arith.maximumf %max3A_176, %add3A_174 : vector<16xf32>
    %add3A_178 = arith.addf %add3A_157, %max3A_177 : vector<16xf32>
    %swap3A_179 = arith.constant 96 : index
    %swap3A_180 = tpu.vector_load %arg25[%swap3A_179] {strides = array<i32>} : memref<512xf32, #tpu.memory_space<vmem>>, vector<16xf32>,
    tpu.vector_store %arg25[%swap3A_179], %scan3A_169#0 {strides = array<i32>} : memref<512xf32, #tpu.memory_space<vmem>>, vector<16xf32>,
    %swap3A_181 = arith.constant 96 : index
    %swap3A_182 = tpu.vector_load %arg26[%swap3A_181] {strides = array<i32>} : memref<512xf32, #tpu.memory_space<vmem>>, vector<16xf32>,
    tpu.vector_store %arg26[%swap3A_181], %scan3A_169#1 {strides = array<i32>} : memref<512xf32, #tpu.memory_space<vmem>>, vector<16xf32>,
    %add3A_183 = arith.constant 112 : i32
    %add3A_184 = vector.broadcast %add3A_183 : i32 to vector<16xi32>
    %add3A_185 = arith.addi %iota3A, %add3A_184 : vector<16xi32>
    %scan3A_186 = arith.constant 0 : i32
    %scan3A_187 = arith.constant 64 : i32
    %scan3A_188 = arith.addi %scan3A_186, %scan3A_187 : i32
    %scan3A_189 = arith.constant 1 : i32
    %scan3A_190:8 = scf.for %scan3A_838 = %scan3A_186 to %scan3A_188 step %scan3A_189 iter_args(%scan3A_839 = %broadcast_in_dim3A_3, %scan3A_840 = %broadcast_in_dim3A_3, %scan3A_841 = %scan3A_169#2, %scan3A_842 = %scan3A_169#3, %scan3A_843 = %scan3A_169#4, %scan3A_844 = %scan3A_169#5, %scan3A_845 = %scan3A_169#6, %scan3A_846 = %scan3A_169#7) -> (vector<16xf32>, vector<16xf32>, vector<16xf32>, vector<16xf32>, vector<16xf32>, vector<16xf32>, vector<16xf32>, vector<16xf32>)  : i32 {
      %broadcast_in_dim3A_847 = arith.constant 0 : i32
      %broadcast_in_dim3A_848 = vector.broadcast %broadcast_in_dim3A_847 : i32 to vector<16xi32>
      %add3A_849 = vector.broadcast %scan3A_838 : i32 to vector<16xi32>
      %add3A_850 = arith.addi %broadcast_in_dim3A_848, %add3A_849 : vector<16xi32>
      %gather3A = tpu.vector_load_idx %arg19[%add3A_185, %add3A_850] : memref<128x64xf32, #tpu.memory_space<vmem>>[vector<16xi32>, vector<16xi32>], vector<16xf32>,
      %gather3A_851 = tpu.vector_load_idx %arg20[%add3A_185, %add3A_850] : memref<128x64xf32, #tpu.memory_space<vmem>>[vector<16xi32>, vector<16xi32>], vector<16xf32>,
      %gather3A_852 = tpu.vector_load_idx %arg21[%add3A_185, %add3A_850] : memref<128x64xf32, #tpu.memory_space<vmem>>[vector<16xi32>, vector<16xi32>], vector<16xf32>,
      %gather3A_853 = tpu.vector_load_idx %arg22[%add3A_185, %add3A_850] : memref<128x64xf32, #tpu.memory_space<vmem>>[vector<16xi32>, vector<16xi32>], vector<16xf32>,
      %gather3A_854 = tpu.vector_load_idx %arg23[%add3A_185, %add3A_850] : memref<128x64xf32, #tpu.memory_space<vmem>>[vector<16xi32>, vector<16xi32>], vector<16xf32>,
      %gather3A_855 = tpu.vector_load_idx %arg24[%add3A_185, %add3A_850] : memref<128x64xf32, #tpu.memory_space<vmem>>[vector<16xi32>, vector<16xi32>], vector<16xf32>,
      %add3A_856 = arith.addf %gather3A, %gather3A_851 : vector<16xf32>
      %sub3A_857 = arith.subf %add3A_856, %gather3A_852 : vector<16xf32>
      %abs3A = math.absf %sub3A_857 : vector<16xf32>
      %add3A_858 = arith.addf %scan3A_839, %abs3A : vector<16xf32>
      %add3A_859 = arith.addf %gather3A_853, %gather3A_854 : vector<16xf32>
      %sub3A_860 = arith.subf %add3A_859, %gather3A_855 : vector<16xf32>
      %abs3A_861 = math.absf %sub3A_860 : vector<16xf32>
      %add3A_862 = arith.addf %scan3A_840, %abs3A_861 : vector<16xf32>
      %abs3A_863 = math.absf %gather3A : vector<16xf32>
      %add3A_864 = arith.addf %scan3A_841, %abs3A_863 : vector<16xf32>
      %mul3A_865 = arith.mulf %gather3A_851, %gather3A_851 : vector<16xf32>
      %add3A_866 = arith.addf %scan3A_842, %mul3A_865 : vector<16xf32>
      %abs3A_867 = math.absf %gather3A_852 : vector<16xf32>
      %add3A_868 = arith.addf %scan3A_843, %abs3A_867 : vector<16xf32>
      %abs3A_869 = math.absf %gather3A_853 : vector<16xf32>
      %add3A_870 = arith.addf %scan3A_844, %abs3A_869 : vector<16xf32>
      %mul3A_871 = arith.mulf %gather3A_854, %gather3A_854 : vector<16xf32>
      %add3A_872 = arith.addf %scan3A_845, %mul3A_871 : vector<16xf32>
      %abs3A_873 = math.absf %gather3A_855 : vector<16xf32>
      %add3A_874 = arith.addf %scan3A_846, %abs3A_873 : vector<16xf32>
      scf.yield %add3A_858, %add3A_862, %add3A_864, %add3A_866, %add3A_868, %add3A_870, %add3A_872, %add3A_874 : vector<16xf32>, vector<16xf32>, vector<16xf32>, vector<16xf32>, vector<16xf32>, vector<16xf32>, vector<16xf32>, vector<16xf32>
    }
    %scan3A_191 = arith.constant 64 : i32
    %sub3A_192 = arith.subf %scan3A_190#0, %scan3A_190#1 : vector<16xf32>
    %add3A_193 = arith.constant 2.000000e+00 : f32
    %add3A_194 = vector.broadcast %add3A_193 : f32 to vector<16xf32>
    %add3A_195 = arith.addf %sub3A_192, %add3A_194 : vector<16xf32>
    %max3A_196 = arith.constant 0.000000e+00 : f32
    %max3A_197 = vector.broadcast %max3A_196 : f32 to vector<16xf32>
    %max3A_198 = arith.maximumf %max3A_197, %add3A_195 : vector<16xf32>
    %add3A_199 = arith.addf %add3A_178, %max3A_198 : vector<16xf32>
    %swap3A_200 = arith.constant 112 : index
    %swap3A_201 = tpu.vector_load %arg25[%swap3A_200] {strides = array<i32>} : memref<512xf32, #tpu.memory_space<vmem>>, vector<16xf32>,
    tpu.vector_store %arg25[%swap3A_200], %scan3A_190#0 {strides = array<i32>} : memref<512xf32, #tpu.memory_space<vmem>>, vector<16xf32>,
    %swap3A_202 = arith.constant 112 : index
    %swap3A_203 = tpu.vector_load %arg26[%swap3A_202] {strides = array<i32>} : memref<512xf32, #tpu.memory_space<vmem>>, vector<16xf32>,
    tpu.vector_store %arg26[%swap3A_202], %scan3A_190#1 {strides = array<i32>} : memref<512xf32, #tpu.memory_space<vmem>>, vector<16xf32>,
    %add3A_204 = arith.constant 128 : i32
    %add3A_205 = arith.addi %mul3A_2, %add3A_204 : i32
    "tpu.region"() ({
      %run_scoped3A = tpu.sem_alloc : memref<!tpu.dma_semaphore, #tpu.memory_space<semaphore_mem>>
      %dma_start3A_838 = tpu.memref_slice %arg4[%add3A_205] : memref<16384xi32, #tpu.memory_space<hbm>> -> memref<128xi32, #tpu.memory_space<hbm>>
      %dma_start3A_839 = tpu.memref_slice %arg4[%add3A_205] : memref<16384xi32, #tpu.memory_space<hbm>> -> memref<128xi32, #tpu.memory_space<hbm>>
      tpu.enqueue_dma source(%dma_start3A_839 : memref<128xi32, #tpu.memory_space<hbm>>) target(%arg13 : memref<128xi32, #tpu.memory_space<vmem>>) target_semaphore(%run_scoped3A : memref<!tpu.dma_semaphore, #tpu.memory_space<semaphore_mem>>)
      %dma_wait3A_840 = tpu.memref_slice %arg4[%add3A_205] : memref<16384xi32, #tpu.memory_space<hbm>> -> memref<128xi32, #tpu.memory_space<hbm>>
      %dma_wait3A_841 = tpu.memref_slice %arg4[%add3A_205] : memref<16384xi32, #tpu.memory_space<hbm>> -> memref<128xi32, #tpu.memory_space<hbm>>
      tpu.wait_dma2 semaphore(%run_scoped3A : memref<!tpu.dma_semaphore, #tpu.memory_space<semaphore_mem>>) src(%dma_wait3A_841 : memref<128xi32, #tpu.memory_space<hbm>>) dst(%arg13 : memref<128xi32, #tpu.memory_space<vmem>>)
      tpu.yield
    }) : () -> ()
    "tpu.region"() ({
      %run_scoped3A = tpu.sem_alloc : memref<!tpu.dma_semaphore, #tpu.memory_space<semaphore_mem>>
      %dma_start3A_838 = tpu.memref_slice %arg5[%add3A_205] : memref<16384xi32, #tpu.memory_space<hbm>> -> memref<128xi32, #tpu.memory_space<hbm>>
      %dma_start3A_839 = tpu.memref_slice %arg5[%add3A_205] : memref<16384xi32, #tpu.memory_space<hbm>> -> memref<128xi32, #tpu.memory_space<hbm>>
      tpu.enqueue_dma source(%dma_start3A_839 : memref<128xi32, #tpu.memory_space<hbm>>) target(%arg14 : memref<128xi32, #tpu.memory_space<vmem>>) target_semaphore(%run_scoped3A : memref<!tpu.dma_semaphore, #tpu.memory_space<semaphore_mem>>)
      %dma_wait3A_840 = tpu.memref_slice %arg5[%add3A_205] : memref<16384xi32, #tpu.memory_space<hbm>> -> memref<128xi32, #tpu.memory_space<hbm>>
      %dma_wait3A_841 = tpu.memref_slice %arg5[%add3A_205] : memref<16384xi32, #tpu.memory_space<hbm>> -> memref<128xi32, #tpu.memory_space<hbm>>
      tpu.wait_dma2 semaphore(%run_scoped3A : memref<!tpu.dma_semaphore, #tpu.memory_space<semaphore_mem>>) src(%dma_wait3A_841 : memref<128xi32, #tpu.memory_space<hbm>>) dst(%arg14 : memref<128xi32, #tpu.memory_space<vmem>>)
      tpu.yield
    }) : () -> ()
    "tpu.region"() ({
      %run_scoped3A = tpu.sem_alloc : memref<!tpu.dma_semaphore, #tpu.memory_space<semaphore_mem>>
      %dma_start3A_838 = tpu.memref_slice %arg6[%add3A_205] : memref<16384xi32, #tpu.memory_space<hbm>> -> memref<128xi32, #tpu.memory_space<hbm>>
      %dma_start3A_839 = tpu.memref_slice %arg6[%add3A_205] : memref<16384xi32, #tpu.memory_space<hbm>> -> memref<128xi32, #tpu.memory_space<hbm>>
      tpu.enqueue_dma source(%dma_start3A_839 : memref<128xi32, #tpu.memory_space<hbm>>) target(%arg15 : memref<128xi32, #tpu.memory_space<vmem>>) target_semaphore(%run_scoped3A : memref<!tpu.dma_semaphore, #tpu.memory_space<semaphore_mem>>)
      %dma_wait3A_840 = tpu.memref_slice %arg6[%add3A_205] : memref<16384xi32, #tpu.memory_space<hbm>> -> memref<128xi32, #tpu.memory_space<hbm>>
      %dma_wait3A_841 = tpu.memref_slice %arg6[%add3A_205] : memref<16384xi32, #tpu.memory_space<hbm>> -> memref<128xi32, #tpu.memory_space<hbm>>
      tpu.wait_dma2 semaphore(%run_scoped3A : memref<!tpu.dma_semaphore, #tpu.memory_space<semaphore_mem>>) src(%dma_wait3A_841 : memref<128xi32, #tpu.memory_space<hbm>>) dst(%arg15 : memref<128xi32, #tpu.memory_space<vmem>>)
      tpu.yield
    }) : () -> ()
    "tpu.region"() ({
      %run_scoped3A = tpu.sem_alloc : memref<!tpu.dma_semaphore, #tpu.memory_space<semaphore_mem>>
      %dma_start3A_838 = tpu.memref_slice %arg7[%add3A_205] : memref<16384xi32, #tpu.memory_space<hbm>> -> memref<128xi32, #tpu.memory_space<hbm>>
      %dma_start3A_839 = tpu.memref_slice %arg7[%add3A_205] : memref<16384xi32, #tpu.memory_space<hbm>> -> memref<128xi32, #tpu.memory_space<hbm>>
      tpu.enqueue_dma source(%dma_start3A_839 : memref<128xi32, #tpu.memory_space<hbm>>) target(%arg16 : memref<128xi32, #tpu.memory_space<vmem>>) target_semaphore(%run_scoped3A : memref<!tpu.dma_semaphore, #tpu.memory_space<semaphore_mem>>)
      %dma_wait3A_840 = tpu.memref_slice %arg7[%add3A_205] : memref<16384xi32, #tpu.memory_space<hbm>> -> memref<128xi32, #tpu.memory_space<hbm>>
      %dma_wait3A_841 = tpu.memref_slice %arg7[%add3A_205] : memref<16384xi32, #tpu.memory_space<hbm>> -> memref<128xi32, #tpu.memory_space<hbm>>
      tpu.wait_dma2 semaphore(%run_scoped3A : memref<!tpu.dma_semaphore, #tpu.memory_space<semaphore_mem>>) src(%dma_wait3A_841 : memref<128xi32, #tpu.memory_space<hbm>>) dst(%arg16 : memref<128xi32, #tpu.memory_space<vmem>>)
      tpu.yield
    }) : () -> ()
    "tpu.region"() ({
      %run_scoped3A = tpu.sem_alloc : memref<!tpu.dma_semaphore, #tpu.memory_space<semaphore_mem>>
      %dma_start3A_838 = tpu.memref_slice %arg8[%add3A_205] : memref<16384xi32, #tpu.memory_space<hbm>> -> memref<128xi32, #tpu.memory_space<hbm>>
      %dma_start3A_839 = tpu.memref_slice %arg8[%add3A_205] : memref<16384xi32, #tpu.memory_space<hbm>> -> memref<128xi32, #tpu.memory_space<hbm>>
      tpu.enqueue_dma source(%dma_start3A_839 : memref<128xi32, #tpu.memory_space<hbm>>) target(%arg17 : memref<128xi32, #tpu.memory_space<vmem>>) target_semaphore(%run_scoped3A : memref<!tpu.dma_semaphore, #tpu.memory_space<semaphore_mem>>)
      %dma_wait3A_840 = tpu.memref_slice %arg8[%add3A_205] : memref<16384xi32, #tpu.memory_space<hbm>> -> memref<128xi32, #tpu.memory_space<hbm>>
      %dma_wait3A_841 = tpu.memref_slice %arg8[%add3A_205] : memref<16384xi32, #tpu.memory_space<hbm>> -> memref<128xi32, #tpu.memory_space<hbm>>
      tpu.wait_dma2 semaphore(%run_scoped3A : memref<!tpu.dma_semaphore, #tpu.memory_space<semaphore_mem>>) src(%dma_wait3A_841 : memref<128xi32, #tpu.memory_space<hbm>>) dst(%arg17 : memref<128xi32, #tpu.memory_space<vmem>>)
      tpu.yield
    }) : () -> ()
    "tpu.region"() ({
      %run_scoped3A = tpu.sem_alloc : memref<!tpu.dma_semaphore, #tpu.memory_space<semaphore_mem>>
      %dma_start3A_838 = tpu.memref_slice %arg9[%add3A_205] : memref<16384xi32, #tpu.memory_space<hbm>> -> memref<128xi32, #tpu.memory_space<hbm>>
      %dma_start3A_839 = tpu.memref_slice %arg9[%add3A_205] : memref<16384xi32, #tpu.memory_space<hbm>> -> memref<128xi32, #tpu.memory_space<hbm>>
      tpu.enqueue_dma source(%dma_start3A_839 : memref<128xi32, #tpu.memory_space<hbm>>) target(%arg18 : memref<128xi32, #tpu.memory_space<vmem>>) target_semaphore(%run_scoped3A : memref<!tpu.dma_semaphore, #tpu.memory_space<semaphore_mem>>)
      %dma_wait3A_840 = tpu.memref_slice %arg9[%add3A_205] : memref<16384xi32, #tpu.memory_space<hbm>> -> memref<128xi32, #tpu.memory_space<hbm>>
      %dma_wait3A_841 = tpu.memref_slice %arg9[%add3A_205] : memref<16384xi32, #tpu.memory_space<hbm>> -> memref<128xi32, #tpu.memory_space<hbm>>
      tpu.wait_dma2 semaphore(%run_scoped3A : memref<!tpu.dma_semaphore, #tpu.memory_space<semaphore_mem>>) src(%dma_wait3A_841 : memref<128xi32, #tpu.memory_space<hbm>>) dst(%arg18 : memref<128xi32, #tpu.memory_space<vmem>>)
      tpu.yield
    }) : () -> ()
    %dma_start3A_206 = arith.constant 0 : i32
    %dma_start3A_207 = arith.constant 0 : i32
    %dma_start3A_208 = tpu.memref_slice %arg2[%dma_start3A_206, %dma_start3A_207] : memref<1000000x64xf32, #tpu.memory_space<hbm>> -> memref<1000000x64xf32, #tpu.memory_space<hbm>>
    tpu.enqueue_indirect_dma source(%dma_start3A_208 : memref<1000000x64xf32, #tpu.memory_space<hbm>>) target(%arg19 : memref<128x64xf32, #tpu.memory_space<vmem>>) offsets(%arg13 : memref<128xi32, #tpu.memory_space<vmem>>) semaphore(%arg28 : memref<!tpu.dma_semaphore, #tpu.memory_space<semaphore_mem>>)
    %dma_start3A_209 = arith.constant 0 : i32
    %dma_start3A_210 = arith.constant 0 : i32
    %dma_start3A_211 = tpu.memref_slice %arg3[%dma_start3A_209, %dma_start3A_210] : memref<1000x64xf32, #tpu.memory_space<hbm>> -> memref<1000x64xf32, #tpu.memory_space<hbm>>
    tpu.enqueue_indirect_dma source(%dma_start3A_211 : memref<1000x64xf32, #tpu.memory_space<hbm>>) target(%arg20 : memref<128x64xf32, #tpu.memory_space<vmem>>) offsets(%arg14 : memref<128xi32, #tpu.memory_space<vmem>>) semaphore(%arg28 : memref<!tpu.dma_semaphore, #tpu.memory_space<semaphore_mem>>)
    %dma_start3A_212 = arith.constant 0 : i32
    %dma_start3A_213 = arith.constant 0 : i32
    %dma_start3A_214 = tpu.memref_slice %arg2[%dma_start3A_212, %dma_start3A_213] : memref<1000000x64xf32, #tpu.memory_space<hbm>> -> memref<1000000x64xf32, #tpu.memory_space<hbm>>
    tpu.enqueue_indirect_dma source(%dma_start3A_214 : memref<1000000x64xf32, #tpu.memory_space<hbm>>) target(%arg21 : memref<128x64xf32, #tpu.memory_space<vmem>>) offsets(%arg15 : memref<128xi32, #tpu.memory_space<vmem>>) semaphore(%arg28 : memref<!tpu.dma_semaphore, #tpu.memory_space<semaphore_mem>>)
    %dma_start3A_215 = arith.constant 0 : i32
    %dma_start3A_216 = arith.constant 0 : i32
    %dma_start3A_217 = tpu.memref_slice %arg2[%dma_start3A_215, %dma_start3A_216] : memref<1000000x64xf32, #tpu.memory_space<hbm>> -> memref<1000000x64xf32, #tpu.memory_space<hbm>>
    tpu.enqueue_indirect_dma source(%dma_start3A_217 : memref<1000000x64xf32, #tpu.memory_space<hbm>>) target(%arg22 : memref<128x64xf32, #tpu.memory_space<vmem>>) offsets(%arg16 : memref<128xi32, #tpu.memory_space<vmem>>) semaphore(%arg28 : memref<!tpu.dma_semaphore, #tpu.memory_space<semaphore_mem>>)
    %dma_start3A_218 = arith.constant 0 : i32
    %dma_start3A_219 = arith.constant 0 : i32
    %dma_start3A_220 = tpu.memref_slice %arg3[%dma_start3A_218, %dma_start3A_219] : memref<1000x64xf32, #tpu.memory_space<hbm>> -> memref<1000x64xf32, #tpu.memory_space<hbm>>
    tpu.enqueue_indirect_dma source(%dma_start3A_220 : memref<1000x64xf32, #tpu.memory_space<hbm>>) target(%arg23 : memref<128x64xf32, #tpu.memory_space<vmem>>) offsets(%arg17 : memref<128xi32, #tpu.memory_space<vmem>>) semaphore(%arg28 : memref<!tpu.dma_semaphore, #tpu.memory_space<semaphore_mem>>)
    %dma_start3A_221 = arith.constant 0 : i32
    %dma_start3A_222 = arith.constant 0 : i32
    %dma_start3A_223 = tpu.memref_slice %arg2[%dma_start3A_221, %dma_start3A_222] : memref<1000000x64xf32, #tpu.memory_space<hbm>> -> memref<1000000x64xf32, #tpu.memory_space<hbm>>
    tpu.enqueue_indirect_dma source(%dma_start3A_223 : memref<1000000x64xf32, #tpu.memory_space<hbm>>) target(%arg24 : memref<128x64xf32, #tpu.memory_space<vmem>>) offsets(%arg18 : memref<128xi32, #tpu.memory_space<vmem>>) semaphore(%arg28 : memref<!tpu.dma_semaphore, #tpu.memory_space<semaphore_mem>>)
    %dma_wait3A_224 = arith.constant 0 : i32
    %dma_wait3A_225 = arith.constant 0 : i32
    %dma_wait3A_226 = tpu.memref_slice %arg2[%dma_wait3A_224, %dma_wait3A_225] : memref<1000000x64xf32, #tpu.memory_space<hbm>> -> memref<1000000x64xf32, #tpu.memory_space<hbm>>
    tpu.wait_indirect_dma semaphore(%arg28 : memref<!tpu.dma_semaphore, #tpu.memory_space<semaphore_mem>>) src(%dma_wait3A_226 : memref<1000000x64xf32, #tpu.memory_space<hbm>>) dst(%arg19 : memref<128x64xf32, #tpu.memory_space<vmem>>)
    %dma_wait3A_227 = arith.constant 0 : i32
    %dma_wait3A_228 = arith.constant 0 : i32
    %dma_wait3A_229 = tpu.memref_slice %arg3[%dma_wait3A_227, %dma_wait3A_228] : memref<1000x64xf32, #tpu.memory_space<hbm>> -> memref<1000x64xf32, #tpu.memory_space<hbm>>
    tpu.wait_indirect_dma semaphore(%arg28 : memref<!tpu.dma_semaphore, #tpu.memory_space<semaphore_mem>>) src(%dma_wait3A_229 : memref<1000x64xf32, #tpu.memory_space<hbm>>) dst(%arg20 : memref<128x64xf32, #tpu.memory_space<vmem>>)
    %dma_wait3A_230 = arith.constant 0 : i32
    %dma_wait3A_231 = arith.constant 0 : i32
    %dma_wait3A_232 = tpu.memref_slice %arg2[%dma_wait3A_230, %dma_wait3A_231] : memref<1000000x64xf32, #tpu.memory_space<hbm>> -> memref<1000000x64xf32, #tpu.memory_space<hbm>>
    tpu.wait_indirect_dma semaphore(%arg28 : memref<!tpu.dma_semaphore, #tpu.memory_space<semaphore_mem>>) src(%dma_wait3A_232 : memref<1000000x64xf32, #tpu.memory_space<hbm>>) dst(%arg21 : memref<128x64xf32, #tpu.memory_space<vmem>>)
    %dma_wait3A_233 = arith.constant 0 : i32
    %dma_wait3A_234 = arith.constant 0 : i32
    %dma_wait3A_235 = tpu.memref_slice %arg2[%dma_wait3A_233, %dma_wait3A_234] : memref<1000000x64xf32, #tpu.memory_space<hbm>> -> memref<1000000x64xf32, #tpu.memory_space<hbm>>
    tpu.wait_indirect_dma semaphore(%arg28 : memref<!tpu.dma_semaphore, #tpu.memory_space<semaphore_mem>>) src(%dma_wait3A_235 : memref<1000000x64xf32, #tpu.memory_space<hbm>>) dst(%arg22 : memref<128x64xf32, #tpu.memory_space<vmem>>)
    %dma_wait3A_236 = arith.constant 0 : i32
    %dma_wait3A_237 = arith.constant 0 : i32
    %dma_wait3A_238 = tpu.memref_slice %arg3[%dma_wait3A_236, %dma_wait3A_237] : memref<1000x64xf32, #tpu.memory_space<hbm>> -> memref<1000x64xf32, #tpu.memory_space<hbm>>
    tpu.wait_indirect_dma semaphore(%arg28 : memref<!tpu.dma_semaphore, #tpu.memory_space<semaphore_mem>>) src(%dma_wait3A_238 : memref<1000x64xf32, #tpu.memory_space<hbm>>) dst(%arg23 : memref<128x64xf32, #tpu.memory_space<vmem>>)
    %dma_wait3A_239 = arith.constant 0 : i32
    %dma_wait3A_240 = arith.constant 0 : i32
    %dma_wait3A_241 = tpu.memref_slice %arg2[%dma_wait3A_239, %dma_wait3A_240] : memref<1000000x64xf32, #tpu.memory_space<hbm>> -> memref<1000000x64xf32, #tpu.memory_space<hbm>>
    tpu.wait_indirect_dma semaphore(%arg28 : memref<!tpu.dma_semaphore, #tpu.memory_space<semaphore_mem>>) src(%dma_wait3A_241 : memref<1000000x64xf32, #tpu.memory_space<hbm>>) dst(%arg24 : memref<128x64xf32, #tpu.memory_space<vmem>>)
    %add3A_242 = arith.constant 0 : i32
    %add3A_243 = vector.broadcast %add3A_242 : i32 to vector<16xi32>
    %add3A_244 = arith.addi %iota3A, %add3A_243 : vector<16xi32>
    %scan3A_245 = arith.constant 0 : i32
    %scan3A_246 = arith.constant 64 : i32
    %scan3A_247 = arith.addi %scan3A_245, %scan3A_246 : i32
    %scan3A_248 = arith.constant 1 : i32
    %scan3A_249:8 = scf.for %scan3A_838 = %scan3A_245 to %scan3A_247 step %scan3A_248 iter_args(%scan3A_839 = %broadcast_in_dim3A_3, %scan3A_840 = %broadcast_in_dim3A_3, %scan3A_841 = %scan3A_190#2, %scan3A_842 = %scan3A_190#3, %scan3A_843 = %scan3A_190#4, %scan3A_844 = %scan3A_190#5, %scan3A_845 = %scan3A_190#6, %scan3A_846 = %scan3A_190#7) -> (vector<16xf32>, vector<16xf32>, vector<16xf32>, vector<16xf32>, vector<16xf32>, vector<16xf32>, vector<16xf32>, vector<16xf32>)  : i32 {
      %broadcast_in_dim3A_847 = arith.constant 0 : i32
      %broadcast_in_dim3A_848 = vector.broadcast %broadcast_in_dim3A_847 : i32 to vector<16xi32>
      %add3A_849 = vector.broadcast %scan3A_838 : i32 to vector<16xi32>
      %add3A_850 = arith.addi %broadcast_in_dim3A_848, %add3A_849 : vector<16xi32>
      %gather3A = tpu.vector_load_idx %arg19[%add3A_244, %add3A_850] : memref<128x64xf32, #tpu.memory_space<vmem>>[vector<16xi32>, vector<16xi32>], vector<16xf32>,
      %gather3A_851 = tpu.vector_load_idx %arg20[%add3A_244, %add3A_850] : memref<128x64xf32, #tpu.memory_space<vmem>>[vector<16xi32>, vector<16xi32>], vector<16xf32>,
      %gather3A_852 = tpu.vector_load_idx %arg21[%add3A_244, %add3A_850] : memref<128x64xf32, #tpu.memory_space<vmem>>[vector<16xi32>, vector<16xi32>], vector<16xf32>,
      %gather3A_853 = tpu.vector_load_idx %arg22[%add3A_244, %add3A_850] : memref<128x64xf32, #tpu.memory_space<vmem>>[vector<16xi32>, vector<16xi32>], vector<16xf32>,
      %gather3A_854 = tpu.vector_load_idx %arg23[%add3A_244, %add3A_850] : memref<128x64xf32, #tpu.memory_space<vmem>>[vector<16xi32>, vector<16xi32>], vector<16xf32>,
      %gather3A_855 = tpu.vector_load_idx %arg24[%add3A_244, %add3A_850] : memref<128x64xf32, #tpu.memory_space<vmem>>[vector<16xi32>, vector<16xi32>], vector<16xf32>,
      %add3A_856 = arith.addf %gather3A, %gather3A_851 : vector<16xf32>
      %sub3A_857 = arith.subf %add3A_856, %gather3A_852 : vector<16xf32>
      %abs3A = math.absf %sub3A_857 : vector<16xf32>
      %add3A_858 = arith.addf %scan3A_839, %abs3A : vector<16xf32>
      %add3A_859 = arith.addf %gather3A_853, %gather3A_854 : vector<16xf32>
      %sub3A_860 = arith.subf %add3A_859, %gather3A_855 : vector<16xf32>
      %abs3A_861 = math.absf %sub3A_860 : vector<16xf32>
      %add3A_862 = arith.addf %scan3A_840, %abs3A_861 : vector<16xf32>
      %abs3A_863 = math.absf %gather3A : vector<16xf32>
      %add3A_864 = arith.addf %scan3A_841, %abs3A_863 : vector<16xf32>
      %mul3A_865 = arith.mulf %gather3A_851, %gather3A_851 : vector<16xf32>
      %add3A_866 = arith.addf %scan3A_842, %mul3A_865 : vector<16xf32>
      %abs3A_867 = math.absf %gather3A_852 : vector<16xf32>
      %add3A_868 = arith.addf %scan3A_843, %abs3A_867 : vector<16xf32>
      %abs3A_869 = math.absf %gather3A_853 : vector<16xf32>
      %add3A_870 = arith.addf %scan3A_844, %abs3A_869 : vector<16xf32>
      %mul3A_871 = arith.mulf %gather3A_854, %gather3A_854 : vector<16xf32>
      %add3A_872 = arith.addf %scan3A_845, %mul3A_871 : vector<16xf32>
      %abs3A_873 = math.absf %gather3A_855 : vector<16xf32>
      %add3A_874 = arith.addf %scan3A_846, %abs3A_873 : vector<16xf32>
      scf.yield %add3A_858, %add3A_862, %add3A_864, %add3A_866, %add3A_868, %add3A_870, %add3A_872, %add3A_874 : vector<16xf32>, vector<16xf32>, vector<16xf32>, vector<16xf32>, vector<16xf32>, vector<16xf32>, vector<16xf32>, vector<16xf32>
    }
    %scan3A_250 = arith.constant 64 : i32
    %sub3A_251 = arith.subf %scan3A_249#0, %scan3A_249#1 : vector<16xf32>
    %add3A_252 = arith.constant 2.000000e+00 : f32
    %add3A_253 = vector.broadcast %add3A_252 : f32 to vector<16xf32>
    %add3A_254 = arith.addf %sub3A_251, %add3A_253 : vector<16xf32>
    %max3A_255 = arith.constant 0.000000e+00 : f32
    %max3A_256 = vector.broadcast %max3A_255 : f32 to vector<16xf32>
    %max3A_257 = arith.maximumf %max3A_256, %add3A_254 : vector<16xf32>
    %add3A_258 = arith.addf %add3A_199, %max3A_257 : vector<16xf32>
    %swap3A_259 = arith.constant 128 : index
    %swap3A_260 = tpu.vector_load %arg25[%swap3A_259] {strides = array<i32>} : memref<512xf32, #tpu.memory_space<vmem>>, vector<16xf32>,
    tpu.vector_store %arg25[%swap3A_259], %scan3A_249#0 {strides = array<i32>} : memref<512xf32, #tpu.memory_space<vmem>>, vector<16xf32>,
    %swap3A_261 = arith.constant 128 : index
    %swap3A_262 = tpu.vector_load %arg26[%swap3A_261] {strides = array<i32>} : memref<512xf32, #tpu.memory_space<vmem>>, vector<16xf32>,
    tpu.vector_store %arg26[%swap3A_261], %scan3A_249#1 {strides = array<i32>} : memref<512xf32, #tpu.memory_space<vmem>>, vector<16xf32>,
    %add3A_263 = arith.constant 16 : i32
    %add3A_264 = vector.broadcast %add3A_263 : i32 to vector<16xi32>
    %add3A_265 = arith.addi %iota3A, %add3A_264 : vector<16xi32>
    %scan3A_266 = arith.constant 0 : i32
    %scan3A_267 = arith.constant 64 : i32
    %scan3A_268 = arith.addi %scan3A_266, %scan3A_267 : i32
    %scan3A_269 = arith.constant 1 : i32
    %scan3A_270:8 = scf.for %scan3A_838 = %scan3A_266 to %scan3A_268 step %scan3A_269 iter_args(%scan3A_839 = %broadcast_in_dim3A_3, %scan3A_840 = %broadcast_in_dim3A_3, %scan3A_841 = %scan3A_249#2, %scan3A_842 = %scan3A_249#3, %scan3A_843 = %scan3A_249#4, %scan3A_844 = %scan3A_249#5, %scan3A_845 = %scan3A_249#6, %scan3A_846 = %scan3A_249#7) -> (vector<16xf32>, vector<16xf32>, vector<16xf32>, vector<16xf32>, vector<16xf32>, vector<16xf32>, vector<16xf32>, vector<16xf32>)  : i32 {
      %broadcast_in_dim3A_847 = arith.constant 0 : i32
      %broadcast_in_dim3A_848 = vector.broadcast %broadcast_in_dim3A_847 : i32 to vector<16xi32>
      %add3A_849 = vector.broadcast %scan3A_838 : i32 to vector<16xi32>
      %add3A_850 = arith.addi %broadcast_in_dim3A_848, %add3A_849 : vector<16xi32>
      %gather3A = tpu.vector_load_idx %arg19[%add3A_265, %add3A_850] : memref<128x64xf32, #tpu.memory_space<vmem>>[vector<16xi32>, vector<16xi32>], vector<16xf32>,
      %gather3A_851 = tpu.vector_load_idx %arg20[%add3A_265, %add3A_850] : memref<128x64xf32, #tpu.memory_space<vmem>>[vector<16xi32>, vector<16xi32>], vector<16xf32>,
      %gather3A_852 = tpu.vector_load_idx %arg21[%add3A_265, %add3A_850] : memref<128x64xf32, #tpu.memory_space<vmem>>[vector<16xi32>, vector<16xi32>], vector<16xf32>,
      %gather3A_853 = tpu.vector_load_idx %arg22[%add3A_265, %add3A_850] : memref<128x64xf32, #tpu.memory_space<vmem>>[vector<16xi32>, vector<16xi32>], vector<16xf32>,
      %gather3A_854 = tpu.vector_load_idx %arg23[%add3A_265, %add3A_850] : memref<128x64xf32, #tpu.memory_space<vmem>>[vector<16xi32>, vector<16xi32>], vector<16xf32>,
      %gather3A_855 = tpu.vector_load_idx %arg24[%add3A_265, %add3A_850] : memref<128x64xf32, #tpu.memory_space<vmem>>[vector<16xi32>, vector<16xi32>], vector<16xf32>,
      %add3A_856 = arith.addf %gather3A, %gather3A_851 : vector<16xf32>
      %sub3A_857 = arith.subf %add3A_856, %gather3A_852 : vector<16xf32>
      %abs3A = math.absf %sub3A_857 : vector<16xf32>
      %add3A_858 = arith.addf %scan3A_839, %abs3A : vector<16xf32>
      %add3A_859 = arith.addf %gather3A_853, %gather3A_854 : vector<16xf32>
      %sub3A_860 = arith.subf %add3A_859, %gather3A_855 : vector<16xf32>
      %abs3A_861 = math.absf %sub3A_860 : vector<16xf32>
      %add3A_862 = arith.addf %scan3A_840, %abs3A_861 : vector<16xf32>
      %abs3A_863 = math.absf %gather3A : vector<16xf32>
      %add3A_864 = arith.addf %scan3A_841, %abs3A_863 : vector<16xf32>
      %mul3A_865 = arith.mulf %gather3A_851, %gather3A_851 : vector<16xf32>
      %add3A_866 = arith.addf %scan3A_842, %mul3A_865 : vector<16xf32>
      %abs3A_867 = math.absf %gather3A_852 : vector<16xf32>
      %add3A_868 = arith.addf %scan3A_843, %abs3A_867 : vector<16xf32>
      %abs3A_869 = math.absf %gather3A_853 : vector<16xf32>
      %add3A_870 = arith.addf %scan3A_844, %abs3A_869 : vector<16xf32>
      %mul3A_871 = arith.mulf %gather3A_854, %gather3A_854 : vector<16xf32>
      %add3A_872 = arith.addf %scan3A_845, %mul3A_871 : vector<16xf32>
      %abs3A_873 = math.absf %gather3A_855 : vector<16xf32>
      %add3A_874 = arith.addf %scan3A_846, %abs3A_873 : vector<16xf32>
      scf.yield %add3A_858, %add3A_862, %add3A_864, %add3A_866, %add3A_868, %add3A_870, %add3A_872, %add3A_874 : vector<16xf32>, vector<16xf32>, vector<16xf32>, vector<16xf32>, vector<16xf32>, vector<16xf32>, vector<16xf32>, vector<16xf32>
    }
    %scan3A_271 = arith.constant 64 : i32
    %sub3A_272 = arith.subf %scan3A_270#0, %scan3A_270#1 : vector<16xf32>
    %add3A_273 = arith.constant 2.000000e+00 : f32
    %add3A_274 = vector.broadcast %add3A_273 : f32 to vector<16xf32>
    %add3A_275 = arith.addf %sub3A_272, %add3A_274 : vector<16xf32>
    %max3A_276 = arith.constant 0.000000e+00 : f32
    %max3A_277 = vector.broadcast %max3A_276 : f32 to vector<16xf32>
    %max3A_278 = arith.maximumf %max3A_277, %add3A_275 : vector<16xf32>
    %add3A_279 = arith.addf %add3A_258, %max3A_278 : vector<16xf32>
    %swap3A_280 = arith.constant 144 : index
    %swap3A_281 = tpu.vector_load %arg25[%swap3A_280] {strides = array<i32>} : memref<512xf32, #tpu.memory_space<vmem>>, vector<16xf32>,
    tpu.vector_store %arg25[%swap3A_280], %scan3A_270#0 {strides = array<i32>} : memref<512xf32, #tpu.memory_space<vmem>>, vector<16xf32>,
    %swap3A_282 = arith.constant 144 : index
    %swap3A_283 = tpu.vector_load %arg26[%swap3A_282] {strides = array<i32>} : memref<512xf32, #tpu.memory_space<vmem>>, vector<16xf32>,
    tpu.vector_store %arg26[%swap3A_282], %scan3A_270#1 {strides = array<i32>} : memref<512xf32, #tpu.memory_space<vmem>>, vector<16xf32>,
    %add3A_284 = arith.constant 32 : i32
    %add3A_285 = vector.broadcast %add3A_284 : i32 to vector<16xi32>
    %add3A_286 = arith.addi %iota3A, %add3A_285 : vector<16xi32>
    %scan3A_287 = arith.constant 0 : i32
    %scan3A_288 = arith.constant 64 : i32
    %scan3A_289 = arith.addi %scan3A_287, %scan3A_288 : i32
    %scan3A_290 = arith.constant 1 : i32
    %scan3A_291:8 = scf.for %scan3A_838 = %scan3A_287 to %scan3A_289 step %scan3A_290 iter_args(%scan3A_839 = %broadcast_in_dim3A_3, %scan3A_840 = %broadcast_in_dim3A_3, %scan3A_841 = %scan3A_270#2, %scan3A_842 = %scan3A_270#3, %scan3A_843 = %scan3A_270#4, %scan3A_844 = %scan3A_270#5, %scan3A_845 = %scan3A_270#6, %scan3A_846 = %scan3A_270#7) -> (vector<16xf32>, vector<16xf32>, vector<16xf32>, vector<16xf32>, vector<16xf32>, vector<16xf32>, vector<16xf32>, vector<16xf32>)  : i32 {
      %broadcast_in_dim3A_847 = arith.constant 0 : i32
      %broadcast_in_dim3A_848 = vector.broadcast %broadcast_in_dim3A_847 : i32 to vector<16xi32>
      %add3A_849 = vector.broadcast %scan3A_838 : i32 to vector<16xi32>
      %add3A_850 = arith.addi %broadcast_in_dim3A_848, %add3A_849 : vector<16xi32>
      %gather3A = tpu.vector_load_idx %arg19[%add3A_286, %add3A_850] : memref<128x64xf32, #tpu.memory_space<vmem>>[vector<16xi32>, vector<16xi32>], vector<16xf32>,
      %gather3A_851 = tpu.vector_load_idx %arg20[%add3A_286, %add3A_850] : memref<128x64xf32, #tpu.memory_space<vmem>>[vector<16xi32>, vector<16xi32>], vector<16xf32>,
      %gather3A_852 = tpu.vector_load_idx %arg21[%add3A_286, %add3A_850] : memref<128x64xf32, #tpu.memory_space<vmem>>[vector<16xi32>, vector<16xi32>], vector<16xf32>,
      %gather3A_853 = tpu.vector_load_idx %arg22[%add3A_286, %add3A_850] : memref<128x64xf32, #tpu.memory_space<vmem>>[vector<16xi32>, vector<16xi32>], vector<16xf32>,
      %gather3A_854 = tpu.vector_load_idx %arg23[%add3A_286, %add3A_850] : memref<128x64xf32, #tpu.memory_space<vmem>>[vector<16xi32>, vector<16xi32>], vector<16xf32>,
      %gather3A_855 = tpu.vector_load_idx %arg24[%add3A_286, %add3A_850] : memref<128x64xf32, #tpu.memory_space<vmem>>[vector<16xi32>, vector<16xi32>], vector<16xf32>,
      %add3A_856 = arith.addf %gather3A, %gather3A_851 : vector<16xf32>
      %sub3A_857 = arith.subf %add3A_856, %gather3A_852 : vector<16xf32>
      %abs3A = math.absf %sub3A_857 : vector<16xf32>
      %add3A_858 = arith.addf %scan3A_839, %abs3A : vector<16xf32>
      %add3A_859 = arith.addf %gather3A_853, %gather3A_854 : vector<16xf32>
      %sub3A_860 = arith.subf %add3A_859, %gather3A_855 : vector<16xf32>
      %abs3A_861 = math.absf %sub3A_860 : vector<16xf32>
      %add3A_862 = arith.addf %scan3A_840, %abs3A_861 : vector<16xf32>
      %abs3A_863 = math.absf %gather3A : vector<16xf32>
      %add3A_864 = arith.addf %scan3A_841, %abs3A_863 : vector<16xf32>
      %mul3A_865 = arith.mulf %gather3A_851, %gather3A_851 : vector<16xf32>
      %add3A_866 = arith.addf %scan3A_842, %mul3A_865 : vector<16xf32>
      %abs3A_867 = math.absf %gather3A_852 : vector<16xf32>
      %add3A_868 = arith.addf %scan3A_843, %abs3A_867 : vector<16xf32>
      %abs3A_869 = math.absf %gather3A_853 : vector<16xf32>
      %add3A_870 = arith.addf %scan3A_844, %abs3A_869 : vector<16xf32>
      %mul3A_871 = arith.mulf %gather3A_854, %gather3A_854 : vector<16xf32>
      %add3A_872 = arith.addf %scan3A_845, %mul3A_871 : vector<16xf32>
      %abs3A_873 = math.absf %gather3A_855 : vector<16xf32>
      %add3A_874 = arith.addf %scan3A_846, %abs3A_873 : vector<16xf32>
      scf.yield %add3A_858, %add3A_862, %add3A_864, %add3A_866, %add3A_868, %add3A_870, %add3A_872, %add3A_874 : vector<16xf32>, vector<16xf32>, vector<16xf32>, vector<16xf32>, vector<16xf32>, vector<16xf32>, vector<16xf32>, vector<16xf32>
    }
    %scan3A_292 = arith.constant 64 : i32
    %sub3A_293 = arith.subf %scan3A_291#0, %scan3A_291#1 : vector<16xf32>
    %add3A_294 = arith.constant 2.000000e+00 : f32
    %add3A_295 = vector.broadcast %add3A_294 : f32 to vector<16xf32>
    %add3A_296 = arith.addf %sub3A_293, %add3A_295 : vector<16xf32>
    %max3A_297 = arith.constant 0.000000e+00 : f32
    %max3A_298 = vector.broadcast %max3A_297 : f32 to vector<16xf32>
    %max3A_299 = arith.maximumf %max3A_298, %add3A_296 : vector<16xf32>
    %add3A_300 = arith.addf %add3A_279, %max3A_299 : vector<16xf32>
    %swap3A_301 = arith.constant 160 : index
    %swap3A_302 = tpu.vector_load %arg25[%swap3A_301] {strides = array<i32>} : memref<512xf32, #tpu.memory_space<vmem>>, vector<16xf32>,
    tpu.vector_store %arg25[%swap3A_301], %scan3A_291#0 {strides = array<i32>} : memref<512xf32, #tpu.memory_space<vmem>>, vector<16xf32>,
    %swap3A_303 = arith.constant 160 : index
    %swap3A_304 = tpu.vector_load %arg26[%swap3A_303] {strides = array<i32>} : memref<512xf32, #tpu.memory_space<vmem>>, vector<16xf32>,
    tpu.vector_store %arg26[%swap3A_303], %scan3A_291#1 {strides = array<i32>} : memref<512xf32, #tpu.memory_space<vmem>>, vector<16xf32>,
    %add3A_305 = arith.constant 48 : i32
    %add3A_306 = vector.broadcast %add3A_305 : i32 to vector<16xi32>
    %add3A_307 = arith.addi %iota3A, %add3A_306 : vector<16xi32>
    %scan3A_308 = arith.constant 0 : i32
    %scan3A_309 = arith.constant 64 : i32
    %scan3A_310 = arith.addi %scan3A_308, %scan3A_309 : i32
    %scan3A_311 = arith.constant 1 : i32
    %scan3A_312:8 = scf.for %scan3A_838 = %scan3A_308 to %scan3A_310 step %scan3A_311 iter_args(%scan3A_839 = %broadcast_in_dim3A_3, %scan3A_840 = %broadcast_in_dim3A_3, %scan3A_841 = %scan3A_291#2, %scan3A_842 = %scan3A_291#3, %scan3A_843 = %scan3A_291#4, %scan3A_844 = %scan3A_291#5, %scan3A_845 = %scan3A_291#6, %scan3A_846 = %scan3A_291#7) -> (vector<16xf32>, vector<16xf32>, vector<16xf32>, vector<16xf32>, vector<16xf32>, vector<16xf32>, vector<16xf32>, vector<16xf32>)  : i32 {
      %broadcast_in_dim3A_847 = arith.constant 0 : i32
      %broadcast_in_dim3A_848 = vector.broadcast %broadcast_in_dim3A_847 : i32 to vector<16xi32>
      %add3A_849 = vector.broadcast %scan3A_838 : i32 to vector<16xi32>
      %add3A_850 = arith.addi %broadcast_in_dim3A_848, %add3A_849 : vector<16xi32>
      %gather3A = tpu.vector_load_idx %arg19[%add3A_307, %add3A_850] : memref<128x64xf32, #tpu.memory_space<vmem>>[vector<16xi32>, vector<16xi32>], vector<16xf32>,
      %gather3A_851 = tpu.vector_load_idx %arg20[%add3A_307, %add3A_850] : memref<128x64xf32, #tpu.memory_space<vmem>>[vector<16xi32>, vector<16xi32>], vector<16xf32>,
      %gather3A_852 = tpu.vector_load_idx %arg21[%add3A_307, %add3A_850] : memref<128x64xf32, #tpu.memory_space<vmem>>[vector<16xi32>, vector<16xi32>], vector<16xf32>,
      %gather3A_853 = tpu.vector_load_idx %arg22[%add3A_307, %add3A_850] : memref<128x64xf32, #tpu.memory_space<vmem>>[vector<16xi32>, vector<16xi32>], vector<16xf32>,
      %gather3A_854 = tpu.vector_load_idx %arg23[%add3A_307, %add3A_850] : memref<128x64xf32, #tpu.memory_space<vmem>>[vector<16xi32>, vector<16xi32>], vector<16xf32>,
      %gather3A_855 = tpu.vector_load_idx %arg24[%add3A_307, %add3A_850] : memref<128x64xf32, #tpu.memory_space<vmem>>[vector<16xi32>, vector<16xi32>], vector<16xf32>,
      %add3A_856 = arith.addf %gather3A, %gather3A_851 : vector<16xf32>
      %sub3A_857 = arith.subf %add3A_856, %gather3A_852 : vector<16xf32>
      %abs3A = math.absf %sub3A_857 : vector<16xf32>
      %add3A_858 = arith.addf %scan3A_839, %abs3A : vector<16xf32>
      %add3A_859 = arith.addf %gather3A_853, %gather3A_854 : vector<16xf32>
      %sub3A_860 = arith.subf %add3A_859, %gather3A_855 : vector<16xf32>
      %abs3A_861 = math.absf %sub3A_860 : vector<16xf32>
      %add3A_862 = arith.addf %scan3A_840, %abs3A_861 : vector<16xf32>
      %abs3A_863 = math.absf %gather3A : vector<16xf32>
      %add3A_864 = arith.addf %scan3A_841, %abs3A_863 : vector<16xf32>
      %mul3A_865 = arith.mulf %gather3A_851, %gather3A_851 : vector<16xf32>
      %add3A_866 = arith.addf %scan3A_842, %mul3A_865 : vector<16xf32>
      %abs3A_867 = math.absf %gather3A_852 : vector<16xf32>
      %add3A_868 = arith.addf %scan3A_843, %abs3A_867 : vector<16xf32>
      %abs3A_869 = math.absf %gather3A_853 : vector<16xf32>
      %add3A_870 = arith.addf %scan3A_844, %abs3A_869 : vector<16xf32>
      %mul3A_871 = arith.mulf %gather3A_854, %gather3A_854 : vector<16xf32>
      %add3A_872 = arith.addf %scan3A_845, %mul3A_871 : vector<16xf32>
      %abs3A_873 = math.absf %gather3A_855 : vector<16xf32>
      %add3A_874 = arith.addf %scan3A_846, %abs3A_873 : vector<16xf32>
      scf.yield %add3A_858, %add3A_862, %add3A_864, %add3A_866, %add3A_868, %add3A_870, %add3A_872, %add3A_874 : vector<16xf32>, vector<16xf32>, vector<16xf32>, vector<16xf32>, vector<16xf32>, vector<16xf32>, vector<16xf32>, vector<16xf32>
    }
    %scan3A_313 = arith.constant 64 : i32
    %sub3A_314 = arith.subf %scan3A_312#0, %scan3A_312#1 : vector<16xf32>
    %add3A_315 = arith.constant 2.000000e+00 : f32
    %add3A_316 = vector.broadcast %add3A_315 : f32 to vector<16xf32>
    %add3A_317 = arith.addf %sub3A_314, %add3A_316 : vector<16xf32>
    %max3A_318 = arith.constant 0.000000e+00 : f32
    %max3A_319 = vector.broadcast %max3A_318 : f32 to vector<16xf32>
    %max3A_320 = arith.maximumf %max3A_319, %add3A_317 : vector<16xf32>
    %add3A_321 = arith.addf %add3A_300, %max3A_320 : vector<16xf32>
    %swap3A_322 = arith.constant 176 : index
    %swap3A_323 = tpu.vector_load %arg25[%swap3A_322] {strides = array<i32>} : memref<512xf32, #tpu.memory_space<vmem>>, vector<16xf32>,
    tpu.vector_store %arg25[%swap3A_322], %scan3A_312#0 {strides = array<i32>} : memref<512xf32, #tpu.memory_space<vmem>>, vector<16xf32>,
    %swap3A_324 = arith.constant 176 : index
    %swap3A_325 = tpu.vector_load %arg26[%swap3A_324] {strides = array<i32>} : memref<512xf32, #tpu.memory_space<vmem>>, vector<16xf32>,
    tpu.vector_store %arg26[%swap3A_324], %scan3A_312#1 {strides = array<i32>} : memref<512xf32, #tpu.memory_space<vmem>>, vector<16xf32>,
    %add3A_326 = arith.constant 64 : i32
    %add3A_327 = vector.broadcast %add3A_326 : i32 to vector<16xi32>
    %add3A_328 = arith.addi %iota3A, %add3A_327 : vector<16xi32>
    %scan3A_329 = arith.constant 0 : i32
    %scan3A_330 = arith.constant 64 : i32
    %scan3A_331 = arith.addi %scan3A_329, %scan3A_330 : i32
    %scan3A_332 = arith.constant 1 : i32
    %scan3A_333:8 = scf.for %scan3A_838 = %scan3A_329 to %scan3A_331 step %scan3A_332 iter_args(%scan3A_839 = %broadcast_in_dim3A_3, %scan3A_840 = %broadcast_in_dim3A_3, %scan3A_841 = %scan3A_312#2, %scan3A_842 = %scan3A_312#3, %scan3A_843 = %scan3A_312#4, %scan3A_844 = %scan3A_312#5, %scan3A_845 = %scan3A_312#6, %scan3A_846 = %scan3A_312#7) -> (vector<16xf32>, vector<16xf32>, vector<16xf32>, vector<16xf32>, vector<16xf32>, vector<16xf32>, vector<16xf32>, vector<16xf32>)  : i32 {
      %broadcast_in_dim3A_847 = arith.constant 0 : i32
      %broadcast_in_dim3A_848 = vector.broadcast %broadcast_in_dim3A_847 : i32 to vector<16xi32>
      %add3A_849 = vector.broadcast %scan3A_838 : i32 to vector<16xi32>
      %add3A_850 = arith.addi %broadcast_in_dim3A_848, %add3A_849 : vector<16xi32>
      %gather3A = tpu.vector_load_idx %arg19[%add3A_328, %add3A_850] : memref<128x64xf32, #tpu.memory_space<vmem>>[vector<16xi32>, vector<16xi32>], vector<16xf32>,
      %gather3A_851 = tpu.vector_load_idx %arg20[%add3A_328, %add3A_850] : memref<128x64xf32, #tpu.memory_space<vmem>>[vector<16xi32>, vector<16xi32>], vector<16xf32>,
      %gather3A_852 = tpu.vector_load_idx %arg21[%add3A_328, %add3A_850] : memref<128x64xf32, #tpu.memory_space<vmem>>[vector<16xi32>, vector<16xi32>], vector<16xf32>,
      %gather3A_853 = tpu.vector_load_idx %arg22[%add3A_328, %add3A_850] : memref<128x64xf32, #tpu.memory_space<vmem>>[vector<16xi32>, vector<16xi32>], vector<16xf32>,
      %gather3A_854 = tpu.vector_load_idx %arg23[%add3A_328, %add3A_850] : memref<128x64xf32, #tpu.memory_space<vmem>>[vector<16xi32>, vector<16xi32>], vector<16xf32>,
      %gather3A_855 = tpu.vector_load_idx %arg24[%add3A_328, %add3A_850] : memref<128x64xf32, #tpu.memory_space<vmem>>[vector<16xi32>, vector<16xi32>], vector<16xf32>,
      %add3A_856 = arith.addf %gather3A, %gather3A_851 : vector<16xf32>
      %sub3A_857 = arith.subf %add3A_856, %gather3A_852 : vector<16xf32>
      %abs3A = math.absf %sub3A_857 : vector<16xf32>
      %add3A_858 = arith.addf %scan3A_839, %abs3A : vector<16xf32>
      %add3A_859 = arith.addf %gather3A_853, %gather3A_854 : vector<16xf32>
      %sub3A_860 = arith.subf %add3A_859, %gather3A_855 : vector<16xf32>
      %abs3A_861 = math.absf %sub3A_860 : vector<16xf32>
      %add3A_862 = arith.addf %scan3A_840, %abs3A_861 : vector<16xf32>
      %abs3A_863 = math.absf %gather3A : vector<16xf32>
      %add3A_864 = arith.addf %scan3A_841, %abs3A_863 : vector<16xf32>
      %mul3A_865 = arith.mulf %gather3A_851, %gather3A_851 : vector<16xf32>
      %add3A_866 = arith.addf %scan3A_842, %mul3A_865 : vector<16xf32>
      %abs3A_867 = math.absf %gather3A_852 : vector<16xf32>
      %add3A_868 = arith.addf %scan3A_843, %abs3A_867 : vector<16xf32>
      %abs3A_869 = math.absf %gather3A_853 : vector<16xf32>
      %add3A_870 = arith.addf %scan3A_844, %abs3A_869 : vector<16xf32>
      %mul3A_871 = arith.mulf %gather3A_854, %gather3A_854 : vector<16xf32>
      %add3A_872 = arith.addf %scan3A_845, %mul3A_871 : vector<16xf32>
      %abs3A_873 = math.absf %gather3A_855 : vector<16xf32>
      %add3A_874 = arith.addf %scan3A_846, %abs3A_873 : vector<16xf32>
      scf.yield %add3A_858, %add3A_862, %add3A_864, %add3A_866, %add3A_868, %add3A_870, %add3A_872, %add3A_874 : vector<16xf32>, vector<16xf32>, vector<16xf32>, vector<16xf32>, vector<16xf32>, vector<16xf32>, vector<16xf32>, vector<16xf32>
    }
    %scan3A_334 = arith.constant 64 : i32
    %sub3A_335 = arith.subf %scan3A_333#0, %scan3A_333#1 : vector<16xf32>
    %add3A_336 = arith.constant 2.000000e+00 : f32
    %add3A_337 = vector.broadcast %add3A_336 : f32 to vector<16xf32>
    %add3A_338 = arith.addf %sub3A_335, %add3A_337 : vector<16xf32>
    %max3A_339 = arith.constant 0.000000e+00 : f32
    %max3A_340 = vector.broadcast %max3A_339 : f32 to vector<16xf32>
    %max3A_341 = arith.maximumf %max3A_340, %add3A_338 : vector<16xf32>
    %add3A_342 = arith.addf %add3A_321, %max3A_341 : vector<16xf32>
    %swap3A_343 = arith.constant 192 : index
    %swap3A_344 = tpu.vector_load %arg25[%swap3A_343] {strides = array<i32>} : memref<512xf32, #tpu.memory_space<vmem>>, vector<16xf32>,
    tpu.vector_store %arg25[%swap3A_343], %scan3A_333#0 {strides = array<i32>} : memref<512xf32, #tpu.memory_space<vmem>>, vector<16xf32>,
    %swap3A_345 = arith.constant 192 : index
    %swap3A_346 = tpu.vector_load %arg26[%swap3A_345] {strides = array<i32>} : memref<512xf32, #tpu.memory_space<vmem>>, vector<16xf32>,
    tpu.vector_store %arg26[%swap3A_345], %scan3A_333#1 {strides = array<i32>} : memref<512xf32, #tpu.memory_space<vmem>>, vector<16xf32>,
    %add3A_347 = arith.constant 80 : i32
    %add3A_348 = vector.broadcast %add3A_347 : i32 to vector<16xi32>
    %add3A_349 = arith.addi %iota3A, %add3A_348 : vector<16xi32>
    %scan3A_350 = arith.constant 0 : i32
    %scan3A_351 = arith.constant 64 : i32
    %scan3A_352 = arith.addi %scan3A_350, %scan3A_351 : i32
    %scan3A_353 = arith.constant 1 : i32
    %scan3A_354:8 = scf.for %scan3A_838 = %scan3A_350 to %scan3A_352 step %scan3A_353 iter_args(%scan3A_839 = %broadcast_in_dim3A_3, %scan3A_840 = %broadcast_in_dim3A_3, %scan3A_841 = %scan3A_333#2, %scan3A_842 = %scan3A_333#3, %scan3A_843 = %scan3A_333#4, %scan3A_844 = %scan3A_333#5, %scan3A_845 = %scan3A_333#6, %scan3A_846 = %scan3A_333#7) -> (vector<16xf32>, vector<16xf32>, vector<16xf32>, vector<16xf32>, vector<16xf32>, vector<16xf32>, vector<16xf32>, vector<16xf32>)  : i32 {
      %broadcast_in_dim3A_847 = arith.constant 0 : i32
      %broadcast_in_dim3A_848 = vector.broadcast %broadcast_in_dim3A_847 : i32 to vector<16xi32>
      %add3A_849 = vector.broadcast %scan3A_838 : i32 to vector<16xi32>
      %add3A_850 = arith.addi %broadcast_in_dim3A_848, %add3A_849 : vector<16xi32>
      %gather3A = tpu.vector_load_idx %arg19[%add3A_349, %add3A_850] : memref<128x64xf32, #tpu.memory_space<vmem>>[vector<16xi32>, vector<16xi32>], vector<16xf32>,
      %gather3A_851 = tpu.vector_load_idx %arg20[%add3A_349, %add3A_850] : memref<128x64xf32, #tpu.memory_space<vmem>>[vector<16xi32>, vector<16xi32>], vector<16xf32>,
      %gather3A_852 = tpu.vector_load_idx %arg21[%add3A_349, %add3A_850] : memref<128x64xf32, #tpu.memory_space<vmem>>[vector<16xi32>, vector<16xi32>], vector<16xf32>,
      %gather3A_853 = tpu.vector_load_idx %arg22[%add3A_349, %add3A_850] : memref<128x64xf32, #tpu.memory_space<vmem>>[vector<16xi32>, vector<16xi32>], vector<16xf32>,
      %gather3A_854 = tpu.vector_load_idx %arg23[%add3A_349, %add3A_850] : memref<128x64xf32, #tpu.memory_space<vmem>>[vector<16xi32>, vector<16xi32>], vector<16xf32>,
      %gather3A_855 = tpu.vector_load_idx %arg24[%add3A_349, %add3A_850] : memref<128x64xf32, #tpu.memory_space<vmem>>[vector<16xi32>, vector<16xi32>], vector<16xf32>,
      %add3A_856 = arith.addf %gather3A, %gather3A_851 : vector<16xf32>
      %sub3A_857 = arith.subf %add3A_856, %gather3A_852 : vector<16xf32>
      %abs3A = math.absf %sub3A_857 : vector<16xf32>
      %add3A_858 = arith.addf %scan3A_839, %abs3A : vector<16xf32>
      %add3A_859 = arith.addf %gather3A_853, %gather3A_854 : vector<16xf32>
      %sub3A_860 = arith.subf %add3A_859, %gather3A_855 : vector<16xf32>
      %abs3A_861 = math.absf %sub3A_860 : vector<16xf32>
      %add3A_862 = arith.addf %scan3A_840, %abs3A_861 : vector<16xf32>
      %abs3A_863 = math.absf %gather3A : vector<16xf32>
      %add3A_864 = arith.addf %scan3A_841, %abs3A_863 : vector<16xf32>
      %mul3A_865 = arith.mulf %gather3A_851, %gather3A_851 : vector<16xf32>
      %add3A_866 = arith.addf %scan3A_842, %mul3A_865 : vector<16xf32>
      %abs3A_867 = math.absf %gather3A_852 : vector<16xf32>
      %add3A_868 = arith.addf %scan3A_843, %abs3A_867 : vector<16xf32>
      %abs3A_869 = math.absf %gather3A_853 : vector<16xf32>
      %add3A_870 = arith.addf %scan3A_844, %abs3A_869 : vector<16xf32>
      %mul3A_871 = arith.mulf %gather3A_854, %gather3A_854 : vector<16xf32>
      %add3A_872 = arith.addf %scan3A_845, %mul3A_871 : vector<16xf32>
      %abs3A_873 = math.absf %gather3A_855 : vector<16xf32>
      %add3A_874 = arith.addf %scan3A_846, %abs3A_873 : vector<16xf32>
      scf.yield %add3A_858, %add3A_862, %add3A_864, %add3A_866, %add3A_868, %add3A_870, %add3A_872, %add3A_874 : vector<16xf32>, vector<16xf32>, vector<16xf32>, vector<16xf32>, vector<16xf32>, vector<16xf32>, vector<16xf32>, vector<16xf32>
    }
    %scan3A_355 = arith.constant 64 : i32
    %sub3A_356 = arith.subf %scan3A_354#0, %scan3A_354#1 : vector<16xf32>
    %add3A_357 = arith.constant 2.000000e+00 : f32
    %add3A_358 = vector.broadcast %add3A_357 : f32 to vector<16xf32>
    %add3A_359 = arith.addf %sub3A_356, %add3A_358 : vector<16xf32>
    %max3A_360 = arith.constant 0.000000e+00 : f32
    %max3A_361 = vector.broadcast %max3A_360 : f32 to vector<16xf32>
    %max3A_362 = arith.maximumf %max3A_361, %add3A_359 : vector<16xf32>
    %add3A_363 = arith.addf %add3A_342, %max3A_362 : vector<16xf32>
    %swap3A_364 = arith.constant 208 : index
    %swap3A_365 = tpu.vector_load %arg25[%swap3A_364] {strides = array<i32>} : memref<512xf32, #tpu.memory_space<vmem>>, vector<16xf32>,
    tpu.vector_store %arg25[%swap3A_364], %scan3A_354#0 {strides = array<i32>} : memref<512xf32, #tpu.memory_space<vmem>>, vector<16xf32>,
    %swap3A_366 = arith.constant 208 : index
    %swap3A_367 = tpu.vector_load %arg26[%swap3A_366] {strides = array<i32>} : memref<512xf32, #tpu.memory_space<vmem>>, vector<16xf32>,
    tpu.vector_store %arg26[%swap3A_366], %scan3A_354#1 {strides = array<i32>} : memref<512xf32, #tpu.memory_space<vmem>>, vector<16xf32>,
    %add3A_368 = arith.constant 96 : i32
    %add3A_369 = vector.broadcast %add3A_368 : i32 to vector<16xi32>
    %add3A_370 = arith.addi %iota3A, %add3A_369 : vector<16xi32>
    %scan3A_371 = arith.constant 0 : i32
    %scan3A_372 = arith.constant 64 : i32
    %scan3A_373 = arith.addi %scan3A_371, %scan3A_372 : i32
    %scan3A_374 = arith.constant 1 : i32
    %scan3A_375:8 = scf.for %scan3A_838 = %scan3A_371 to %scan3A_373 step %scan3A_374 iter_args(%scan3A_839 = %broadcast_in_dim3A_3, %scan3A_840 = %broadcast_in_dim3A_3, %scan3A_841 = %scan3A_354#2, %scan3A_842 = %scan3A_354#3, %scan3A_843 = %scan3A_354#4, %scan3A_844 = %scan3A_354#5, %scan3A_845 = %scan3A_354#6, %scan3A_846 = %scan3A_354#7) -> (vector<16xf32>, vector<16xf32>, vector<16xf32>, vector<16xf32>, vector<16xf32>, vector<16xf32>, vector<16xf32>, vector<16xf32>)  : i32 {
      %broadcast_in_dim3A_847 = arith.constant 0 : i32
      %broadcast_in_dim3A_848 = vector.broadcast %broadcast_in_dim3A_847 : i32 to vector<16xi32>
      %add3A_849 = vector.broadcast %scan3A_838 : i32 to vector<16xi32>
      %add3A_850 = arith.addi %broadcast_in_dim3A_848, %add3A_849 : vector<16xi32>
      %gather3A = tpu.vector_load_idx %arg19[%add3A_370, %add3A_850] : memref<128x64xf32, #tpu.memory_space<vmem>>[vector<16xi32>, vector<16xi32>], vector<16xf32>,
      %gather3A_851 = tpu.vector_load_idx %arg20[%add3A_370, %add3A_850] : memref<128x64xf32, #tpu.memory_space<vmem>>[vector<16xi32>, vector<16xi32>], vector<16xf32>,
      %gather3A_852 = tpu.vector_load_idx %arg21[%add3A_370, %add3A_850] : memref<128x64xf32, #tpu.memory_space<vmem>>[vector<16xi32>, vector<16xi32>], vector<16xf32>,
      %gather3A_853 = tpu.vector_load_idx %arg22[%add3A_370, %add3A_850] : memref<128x64xf32, #tpu.memory_space<vmem>>[vector<16xi32>, vector<16xi32>], vector<16xf32>,
      %gather3A_854 = tpu.vector_load_idx %arg23[%add3A_370, %add3A_850] : memref<128x64xf32, #tpu.memory_space<vmem>>[vector<16xi32>, vector<16xi32>], vector<16xf32>,
      %gather3A_855 = tpu.vector_load_idx %arg24[%add3A_370, %add3A_850] : memref<128x64xf32, #tpu.memory_space<vmem>>[vector<16xi32>, vector<16xi32>], vector<16xf32>,
      %add3A_856 = arith.addf %gather3A, %gather3A_851 : vector<16xf32>
      %sub3A_857 = arith.subf %add3A_856, %gather3A_852 : vector<16xf32>
      %abs3A = math.absf %sub3A_857 : vector<16xf32>
      %add3A_858 = arith.addf %scan3A_839, %abs3A : vector<16xf32>
      %add3A_859 = arith.addf %gather3A_853, %gather3A_854 : vector<16xf32>
      %sub3A_860 = arith.subf %add3A_859, %gather3A_855 : vector<16xf32>
      %abs3A_861 = math.absf %sub3A_860 : vector<16xf32>
      %add3A_862 = arith.addf %scan3A_840, %abs3A_861 : vector<16xf32>
      %abs3A_863 = math.absf %gather3A : vector<16xf32>
      %add3A_864 = arith.addf %scan3A_841, %abs3A_863 : vector<16xf32>
      %mul3A_865 = arith.mulf %gather3A_851, %gather3A_851 : vector<16xf32>
      %add3A_866 = arith.addf %scan3A_842, %mul3A_865 : vector<16xf32>
      %abs3A_867 = math.absf %gather3A_852 : vector<16xf32>
      %add3A_868 = arith.addf %scan3A_843, %abs3A_867 : vector<16xf32>
      %abs3A_869 = math.absf %gather3A_853 : vector<16xf32>
      %add3A_870 = arith.addf %scan3A_844, %abs3A_869 : vector<16xf32>
      %mul3A_871 = arith.mulf %gather3A_854, %gather3A_854 : vector<16xf32>
      %add3A_872 = arith.addf %scan3A_845, %mul3A_871 : vector<16xf32>
      %abs3A_873 = math.absf %gather3A_855 : vector<16xf32>
      %add3A_874 = arith.addf %scan3A_846, %abs3A_873 : vector<16xf32>
      scf.yield %add3A_858, %add3A_862, %add3A_864, %add3A_866, %add3A_868, %add3A_870, %add3A_872, %add3A_874 : vector<16xf32>, vector<16xf32>, vector<16xf32>, vector<16xf32>, vector<16xf32>, vector<16xf32>, vector<16xf32>, vector<16xf32>
    }
    %scan3A_376 = arith.constant 64 : i32
    %sub3A_377 = arith.subf %scan3A_375#0, %scan3A_375#1 : vector<16xf32>
    %add3A_378 = arith.constant 2.000000e+00 : f32
    %add3A_379 = vector.broadcast %add3A_378 : f32 to vector<16xf32>
    %add3A_380 = arith.addf %sub3A_377, %add3A_379 : vector<16xf32>
    %max3A_381 = arith.constant 0.000000e+00 : f32
    %max3A_382 = vector.broadcast %max3A_381 : f32 to vector<16xf32>
    %max3A_383 = arith.maximumf %max3A_382, %add3A_380 : vector<16xf32>
    %add3A_384 = arith.addf %add3A_363, %max3A_383 : vector<16xf32>
    %swap3A_385 = arith.constant 224 : index
    %swap3A_386 = tpu.vector_load %arg25[%swap3A_385] {strides = array<i32>} : memref<512xf32, #tpu.memory_space<vmem>>, vector<16xf32>,
    tpu.vector_store %arg25[%swap3A_385], %scan3A_375#0 {strides = array<i32>} : memref<512xf32, #tpu.memory_space<vmem>>, vector<16xf32>,
    %swap3A_387 = arith.constant 224 : index
    %swap3A_388 = tpu.vector_load %arg26[%swap3A_387] {strides = array<i32>} : memref<512xf32, #tpu.memory_space<vmem>>, vector<16xf32>,
    tpu.vector_store %arg26[%swap3A_387], %scan3A_375#1 {strides = array<i32>} : memref<512xf32, #tpu.memory_space<vmem>>, vector<16xf32>,
    %add3A_389 = arith.constant 112 : i32
    %add3A_390 = vector.broadcast %add3A_389 : i32 to vector<16xi32>
    %add3A_391 = arith.addi %iota3A, %add3A_390 : vector<16xi32>
    %scan3A_392 = arith.constant 0 : i32
    %scan3A_393 = arith.constant 64 : i32
    %scan3A_394 = arith.addi %scan3A_392, %scan3A_393 : i32
    %scan3A_395 = arith.constant 1 : i32
    %scan3A_396:8 = scf.for %scan3A_838 = %scan3A_392 to %scan3A_394 step %scan3A_395 iter_args(%scan3A_839 = %broadcast_in_dim3A_3, %scan3A_840 = %broadcast_in_dim3A_3, %scan3A_841 = %scan3A_375#2, %scan3A_842 = %scan3A_375#3, %scan3A_843 = %scan3A_375#4, %scan3A_844 = %scan3A_375#5, %scan3A_845 = %scan3A_375#6, %scan3A_846 = %scan3A_375#7) -> (vector<16xf32>, vector<16xf32>, vector<16xf32>, vector<16xf32>, vector<16xf32>, vector<16xf32>, vector<16xf32>, vector<16xf32>)  : i32 {
      %broadcast_in_dim3A_847 = arith.constant 0 : i32
      %broadcast_in_dim3A_848 = vector.broadcast %broadcast_in_dim3A_847 : i32 to vector<16xi32>
      %add3A_849 = vector.broadcast %scan3A_838 : i32 to vector<16xi32>
      %add3A_850 = arith.addi %broadcast_in_dim3A_848, %add3A_849 : vector<16xi32>
      %gather3A = tpu.vector_load_idx %arg19[%add3A_391, %add3A_850] : memref<128x64xf32, #tpu.memory_space<vmem>>[vector<16xi32>, vector<16xi32>], vector<16xf32>,
      %gather3A_851 = tpu.vector_load_idx %arg20[%add3A_391, %add3A_850] : memref<128x64xf32, #tpu.memory_space<vmem>>[vector<16xi32>, vector<16xi32>], vector<16xf32>,
      %gather3A_852 = tpu.vector_load_idx %arg21[%add3A_391, %add3A_850] : memref<128x64xf32, #tpu.memory_space<vmem>>[vector<16xi32>, vector<16xi32>], vector<16xf32>,
      %gather3A_853 = tpu.vector_load_idx %arg22[%add3A_391, %add3A_850] : memref<128x64xf32, #tpu.memory_space<vmem>>[vector<16xi32>, vector<16xi32>], vector<16xf32>,
      %gather3A_854 = tpu.vector_load_idx %arg23[%add3A_391, %add3A_850] : memref<128x64xf32, #tpu.memory_space<vmem>>[vector<16xi32>, vector<16xi32>], vector<16xf32>,
      %gather3A_855 = tpu.vector_load_idx %arg24[%add3A_391, %add3A_850] : memref<128x64xf32, #tpu.memory_space<vmem>>[vector<16xi32>, vector<16xi32>], vector<16xf32>,
      %add3A_856 = arith.addf %gather3A, %gather3A_851 : vector<16xf32>
      %sub3A_857 = arith.subf %add3A_856, %gather3A_852 : vector<16xf32>
      %abs3A = math.absf %sub3A_857 : vector<16xf32>
      %add3A_858 = arith.addf %scan3A_839, %abs3A : vector<16xf32>
      %add3A_859 = arith.addf %gather3A_853, %gather3A_854 : vector<16xf32>
      %sub3A_860 = arith.subf %add3A_859, %gather3A_855 : vector<16xf32>
      %abs3A_861 = math.absf %sub3A_860 : vector<16xf32>
      %add3A_862 = arith.addf %scan3A_840, %abs3A_861 : vector<16xf32>
      %abs3A_863 = math.absf %gather3A : vector<16xf32>
      %add3A_864 = arith.addf %scan3A_841, %abs3A_863 : vector<16xf32>
      %mul3A_865 = arith.mulf %gather3A_851, %gather3A_851 : vector<16xf32>
      %add3A_866 = arith.addf %scan3A_842, %mul3A_865 : vector<16xf32>
      %abs3A_867 = math.absf %gather3A_852 : vector<16xf32>
      %add3A_868 = arith.addf %scan3A_843, %abs3A_867 : vector<16xf32>
      %abs3A_869 = math.absf %gather3A_853 : vector<16xf32>
      %add3A_870 = arith.addf %scan3A_844, %abs3A_869 : vector<16xf32>
      %mul3A_871 = arith.mulf %gather3A_854, %gather3A_854 : vector<16xf32>
      %add3A_872 = arith.addf %scan3A_845, %mul3A_871 : vector<16xf32>
      %abs3A_873 = math.absf %gather3A_855 : vector<16xf32>
      %add3A_874 = arith.addf %scan3A_846, %abs3A_873 : vector<16xf32>
      scf.yield %add3A_858, %add3A_862, %add3A_864, %add3A_866, %add3A_868, %add3A_870, %add3A_872, %add3A_874 : vector<16xf32>, vector<16xf32>, vector<16xf32>, vector<16xf32>, vector<16xf32>, vector<16xf32>, vector<16xf32>, vector<16xf32>
    }
    %scan3A_397 = arith.constant 64 : i32
    %sub3A_398 = arith.subf %scan3A_396#0, %scan3A_396#1 : vector<16xf32>
    %add3A_399 = arith.constant 2.000000e+00 : f32
    %add3A_400 = vector.broadcast %add3A_399 : f32 to vector<16xf32>
    %add3A_401 = arith.addf %sub3A_398, %add3A_400 : vector<16xf32>
    %max3A_402 = arith.constant 0.000000e+00 : f32
    %max3A_403 = vector.broadcast %max3A_402 : f32 to vector<16xf32>
    %max3A_404 = arith.maximumf %max3A_403, %add3A_401 : vector<16xf32>
    %add3A_405 = arith.addf %add3A_384, %max3A_404 : vector<16xf32>
    %swap3A_406 = arith.constant 240 : index
    %swap3A_407 = tpu.vector_load %arg25[%swap3A_406] {strides = array<i32>} : memref<512xf32, #tpu.memory_space<vmem>>, vector<16xf32>,
    tpu.vector_store %arg25[%swap3A_406], %scan3A_396#0 {strides = array<i32>} : memref<512xf32, #tpu.memory_space<vmem>>, vector<16xf32>,
    %swap3A_408 = arith.constant 240 : index
    %swap3A_409 = tpu.vector_load %arg26[%swap3A_408] {strides = array<i32>} : memref<512xf32, #tpu.memory_space<vmem>>, vector<16xf32>,
    tpu.vector_store %arg26[%swap3A_408], %scan3A_396#1 {strides = array<i32>} : memref<512xf32, #tpu.memory_space<vmem>>, vector<16xf32>,
    %add3A_410 = arith.constant 256 : i32
    %add3A_411 = arith.addi %mul3A_2, %add3A_410 : i32
    "tpu.region"() ({
      %run_scoped3A = tpu.sem_alloc : memref<!tpu.dma_semaphore, #tpu.memory_space<semaphore_mem>>
      %dma_start3A_838 = tpu.memref_slice %arg4[%add3A_411] : memref<16384xi32, #tpu.memory_space<hbm>> -> memref<128xi32, #tpu.memory_space<hbm>>
      %dma_start3A_839 = tpu.memref_slice %arg4[%add3A_411] : memref<16384xi32, #tpu.memory_space<hbm>> -> memref<128xi32, #tpu.memory_space<hbm>>
      tpu.enqueue_dma source(%dma_start3A_839 : memref<128xi32, #tpu.memory_space<hbm>>) target(%arg13 : memref<128xi32, #tpu.memory_space<vmem>>) target_semaphore(%run_scoped3A : memref<!tpu.dma_semaphore, #tpu.memory_space<semaphore_mem>>)
      %dma_wait3A_840 = tpu.memref_slice %arg4[%add3A_411] : memref<16384xi32, #tpu.memory_space<hbm>> -> memref<128xi32, #tpu.memory_space<hbm>>
      %dma_wait3A_841 = tpu.memref_slice %arg4[%add3A_411] : memref<16384xi32, #tpu.memory_space<hbm>> -> memref<128xi32, #tpu.memory_space<hbm>>
      tpu.wait_dma2 semaphore(%run_scoped3A : memref<!tpu.dma_semaphore, #tpu.memory_space<semaphore_mem>>) src(%dma_wait3A_841 : memref<128xi32, #tpu.memory_space<hbm>>) dst(%arg13 : memref<128xi32, #tpu.memory_space<vmem>>)
      tpu.yield
    }) : () -> ()
    "tpu.region"() ({
      %run_scoped3A = tpu.sem_alloc : memref<!tpu.dma_semaphore, #tpu.memory_space<semaphore_mem>>
      %dma_start3A_838 = tpu.memref_slice %arg5[%add3A_411] : memref<16384xi32, #tpu.memory_space<hbm>> -> memref<128xi32, #tpu.memory_space<hbm>>
      %dma_start3A_839 = tpu.memref_slice %arg5[%add3A_411] : memref<16384xi32, #tpu.memory_space<hbm>> -> memref<128xi32, #tpu.memory_space<hbm>>
      tpu.enqueue_dma source(%dma_start3A_839 : memref<128xi32, #tpu.memory_space<hbm>>) target(%arg14 : memref<128xi32, #tpu.memory_space<vmem>>) target_semaphore(%run_scoped3A : memref<!tpu.dma_semaphore, #tpu.memory_space<semaphore_mem>>)
      %dma_wait3A_840 = tpu.memref_slice %arg5[%add3A_411] : memref<16384xi32, #tpu.memory_space<hbm>> -> memref<128xi32, #tpu.memory_space<hbm>>
      %dma_wait3A_841 = tpu.memref_slice %arg5[%add3A_411] : memref<16384xi32, #tpu.memory_space<hbm>> -> memref<128xi32, #tpu.memory_space<hbm>>
      tpu.wait_dma2 semaphore(%run_scoped3A : memref<!tpu.dma_semaphore, #tpu.memory_space<semaphore_mem>>) src(%dma_wait3A_841 : memref<128xi32, #tpu.memory_space<hbm>>) dst(%arg14 : memref<128xi32, #tpu.memory_space<vmem>>)
      tpu.yield
    }) : () -> ()
    "tpu.region"() ({
      %run_scoped3A = tpu.sem_alloc : memref<!tpu.dma_semaphore, #tpu.memory_space<semaphore_mem>>
      %dma_start3A_838 = tpu.memref_slice %arg6[%add3A_411] : memref<16384xi32, #tpu.memory_space<hbm>> -> memref<128xi32, #tpu.memory_space<hbm>>
      %dma_start3A_839 = tpu.memref_slice %arg6[%add3A_411] : memref<16384xi32, #tpu.memory_space<hbm>> -> memref<128xi32, #tpu.memory_space<hbm>>
      tpu.enqueue_dma source(%dma_start3A_839 : memref<128xi32, #tpu.memory_space<hbm>>) target(%arg15 : memref<128xi32, #tpu.memory_space<vmem>>) target_semaphore(%run_scoped3A : memref<!tpu.dma_semaphore, #tpu.memory_space<semaphore_mem>>)
      %dma_wait3A_840 = tpu.memref_slice %arg6[%add3A_411] : memref<16384xi32, #tpu.memory_space<hbm>> -> memref<128xi32, #tpu.memory_space<hbm>>
      %dma_wait3A_841 = tpu.memref_slice %arg6[%add3A_411] : memref<16384xi32, #tpu.memory_space<hbm>> -> memref<128xi32, #tpu.memory_space<hbm>>
      tpu.wait_dma2 semaphore(%run_scoped3A : memref<!tpu.dma_semaphore, #tpu.memory_space<semaphore_mem>>) src(%dma_wait3A_841 : memref<128xi32, #tpu.memory_space<hbm>>) dst(%arg15 : memref<128xi32, #tpu.memory_space<vmem>>)
      tpu.yield
    }) : () -> ()
    "tpu.region"() ({
      %run_scoped3A = tpu.sem_alloc : memref<!tpu.dma_semaphore, #tpu.memory_space<semaphore_mem>>
      %dma_start3A_838 = tpu.memref_slice %arg7[%add3A_411] : memref<16384xi32, #tpu.memory_space<hbm>> -> memref<128xi32, #tpu.memory_space<hbm>>
      %dma_start3A_839 = tpu.memref_slice %arg7[%add3A_411] : memref<16384xi32, #tpu.memory_space<hbm>> -> memref<128xi32, #tpu.memory_space<hbm>>
      tpu.enqueue_dma source(%dma_start3A_839 : memref<128xi32, #tpu.memory_space<hbm>>) target(%arg16 : memref<128xi32, #tpu.memory_space<vmem>>) target_semaphore(%run_scoped3A : memref<!tpu.dma_semaphore, #tpu.memory_space<semaphore_mem>>)
      %dma_wait3A_840 = tpu.memref_slice %arg7[%add3A_411] : memref<16384xi32, #tpu.memory_space<hbm>> -> memref<128xi32, #tpu.memory_space<hbm>>
      %dma_wait3A_841 = tpu.memref_slice %arg7[%add3A_411] : memref<16384xi32, #tpu.memory_space<hbm>> -> memref<128xi32, #tpu.memory_space<hbm>>
      tpu.wait_dma2 semaphore(%run_scoped3A : memref<!tpu.dma_semaphore, #tpu.memory_space<semaphore_mem>>) src(%dma_wait3A_841 : memref<128xi32, #tpu.memory_space<hbm>>) dst(%arg16 : memref<128xi32, #tpu.memory_space<vmem>>)
      tpu.yield
    }) : () -> ()
    "tpu.region"() ({
      %run_scoped3A = tpu.sem_alloc : memref<!tpu.dma_semaphore, #tpu.memory_space<semaphore_mem>>
      %dma_start3A_838 = tpu.memref_slice %arg8[%add3A_411] : memref<16384xi32, #tpu.memory_space<hbm>> -> memref<128xi32, #tpu.memory_space<hbm>>
      %dma_start3A_839 = tpu.memref_slice %arg8[%add3A_411] : memref<16384xi32, #tpu.memory_space<hbm>> -> memref<128xi32, #tpu.memory_space<hbm>>
      tpu.enqueue_dma source(%dma_start3A_839 : memref<128xi32, #tpu.memory_space<hbm>>) target(%arg17 : memref<128xi32, #tpu.memory_space<vmem>>) target_semaphore(%run_scoped3A : memref<!tpu.dma_semaphore, #tpu.memory_space<semaphore_mem>>)
      %dma_wait3A_840 = tpu.memref_slice %arg8[%add3A_411] : memref<16384xi32, #tpu.memory_space<hbm>> -> memref<128xi32, #tpu.memory_space<hbm>>
      %dma_wait3A_841 = tpu.memref_slice %arg8[%add3A_411] : memref<16384xi32, #tpu.memory_space<hbm>> -> memref<128xi32, #tpu.memory_space<hbm>>
      tpu.wait_dma2 semaphore(%run_scoped3A : memref<!tpu.dma_semaphore, #tpu.memory_space<semaphore_mem>>) src(%dma_wait3A_841 : memref<128xi32, #tpu.memory_space<hbm>>) dst(%arg17 : memref<128xi32, #tpu.memory_space<vmem>>)
      tpu.yield
    }) : () -> ()
    "tpu.region"() ({
      %run_scoped3A = tpu.sem_alloc : memref<!tpu.dma_semaphore, #tpu.memory_space<semaphore_mem>>
      %dma_start3A_838 = tpu.memref_slice %arg9[%add3A_411] : memref<16384xi32, #tpu.memory_space<hbm>> -> memref<128xi32, #tpu.memory_space<hbm>>
      %dma_start3A_839 = tpu.memref_slice %arg9[%add3A_411] : memref<16384xi32, #tpu.memory_space<hbm>> -> memref<128xi32, #tpu.memory_space<hbm>>
      tpu.enqueue_dma source(%dma_start3A_839 : memref<128xi32, #tpu.memory_space<hbm>>) target(%arg18 : memref<128xi32, #tpu.memory_space<vmem>>) target_semaphore(%run_scoped3A : memref<!tpu.dma_semaphore, #tpu.memory_space<semaphore_mem>>)
      %dma_wait3A_840 = tpu.memref_slice %arg9[%add3A_411] : memref<16384xi32, #tpu.memory_space<hbm>> -> memref<128xi32, #tpu.memory_space<hbm>>
      %dma_wait3A_841 = tpu.memref_slice %arg9[%add3A_411] : memref<16384xi32, #tpu.memory_space<hbm>> -> memref<128xi32, #tpu.memory_space<hbm>>
      tpu.wait_dma2 semaphore(%run_scoped3A : memref<!tpu.dma_semaphore, #tpu.memory_space<semaphore_mem>>) src(%dma_wait3A_841 : memref<128xi32, #tpu.memory_space<hbm>>) dst(%arg18 : memref<128xi32, #tpu.memory_space<vmem>>)
      tpu.yield
    }) : () -> ()
    %dma_start3A_412 = arith.constant 0 : i32
    %dma_start3A_413 = arith.constant 0 : i32
    %dma_start3A_414 = tpu.memref_slice %arg2[%dma_start3A_412, %dma_start3A_413] : memref<1000000x64xf32, #tpu.memory_space<hbm>> -> memref<1000000x64xf32, #tpu.memory_space<hbm>>
    tpu.enqueue_indirect_dma source(%dma_start3A_414 : memref<1000000x64xf32, #tpu.memory_space<hbm>>) target(%arg19 : memref<128x64xf32, #tpu.memory_space<vmem>>) offsets(%arg13 : memref<128xi32, #tpu.memory_space<vmem>>) semaphore(%arg28 : memref<!tpu.dma_semaphore, #tpu.memory_space<semaphore_mem>>)
    %dma_start3A_415 = arith.constant 0 : i32
    %dma_start3A_416 = arith.constant 0 : i32
    %dma_start3A_417 = tpu.memref_slice %arg3[%dma_start3A_415, %dma_start3A_416] : memref<1000x64xf32, #tpu.memory_space<hbm>> -> memref<1000x64xf32, #tpu.memory_space<hbm>>
    tpu.enqueue_indirect_dma source(%dma_start3A_417 : memref<1000x64xf32, #tpu.memory_space<hbm>>) target(%arg20 : memref<128x64xf32, #tpu.memory_space<vmem>>) offsets(%arg14 : memref<128xi32, #tpu.memory_space<vmem>>) semaphore(%arg28 : memref<!tpu.dma_semaphore, #tpu.memory_space<semaphore_mem>>)
    %dma_start3A_418 = arith.constant 0 : i32
    %dma_start3A_419 = arith.constant 0 : i32
    %dma_start3A_420 = tpu.memref_slice %arg2[%dma_start3A_418, %dma_start3A_419] : memref<1000000x64xf32, #tpu.memory_space<hbm>> -> memref<1000000x64xf32, #tpu.memory_space<hbm>>
    tpu.enqueue_indirect_dma source(%dma_start3A_420 : memref<1000000x64xf32, #tpu.memory_space<hbm>>) target(%arg21 : memref<128x64xf32, #tpu.memory_space<vmem>>) offsets(%arg15 : memref<128xi32, #tpu.memory_space<vmem>>) semaphore(%arg28 : memref<!tpu.dma_semaphore, #tpu.memory_space<semaphore_mem>>)
    %dma_start3A_421 = arith.constant 0 : i32
    %dma_start3A_422 = arith.constant 0 : i32
    %dma_start3A_423 = tpu.memref_slice %arg2[%dma_start3A_421, %dma_start3A_422] : memref<1000000x64xf32, #tpu.memory_space<hbm>> -> memref<1000000x64xf32, #tpu.memory_space<hbm>>
    tpu.enqueue_indirect_dma source(%dma_start3A_423 : memref<1000000x64xf32, #tpu.memory_space<hbm>>) target(%arg22 : memref<128x64xf32, #tpu.memory_space<vmem>>) offsets(%arg16 : memref<128xi32, #tpu.memory_space<vmem>>) semaphore(%arg28 : memref<!tpu.dma_semaphore, #tpu.memory_space<semaphore_mem>>)
    %dma_start3A_424 = arith.constant 0 : i32
    %dma_start3A_425 = arith.constant 0 : i32
    %dma_start3A_426 = tpu.memref_slice %arg3[%dma_start3A_424, %dma_start3A_425] : memref<1000x64xf32, #tpu.memory_space<hbm>> -> memref<1000x64xf32, #tpu.memory_space<hbm>>
    tpu.enqueue_indirect_dma source(%dma_start3A_426 : memref<1000x64xf32, #tpu.memory_space<hbm>>) target(%arg23 : memref<128x64xf32, #tpu.memory_space<vmem>>) offsets(%arg17 : memref<128xi32, #tpu.memory_space<vmem>>) semaphore(%arg28 : memref<!tpu.dma_semaphore, #tpu.memory_space<semaphore_mem>>)
    %dma_start3A_427 = arith.constant 0 : i32
    %dma_start3A_428 = arith.constant 0 : i32
    %dma_start3A_429 = tpu.memref_slice %arg2[%dma_start3A_427, %dma_start3A_428] : memref<1000000x64xf32, #tpu.memory_space<hbm>> -> memref<1000000x64xf32, #tpu.memory_space<hbm>>
    tpu.enqueue_indirect_dma source(%dma_start3A_429 : memref<1000000x64xf32, #tpu.memory_space<hbm>>) target(%arg24 : memref<128x64xf32, #tpu.memory_space<vmem>>) offsets(%arg18 : memref<128xi32, #tpu.memory_space<vmem>>) semaphore(%arg28 : memref<!tpu.dma_semaphore, #tpu.memory_space<semaphore_mem>>)
    %dma_wait3A_430 = arith.constant 0 : i32
    %dma_wait3A_431 = arith.constant 0 : i32
    %dma_wait3A_432 = tpu.memref_slice %arg2[%dma_wait3A_430, %dma_wait3A_431] : memref<1000000x64xf32, #tpu.memory_space<hbm>> -> memref<1000000x64xf32, #tpu.memory_space<hbm>>
    tpu.wait_indirect_dma semaphore(%arg28 : memref<!tpu.dma_semaphore, #tpu.memory_space<semaphore_mem>>) src(%dma_wait3A_432 : memref<1000000x64xf32, #tpu.memory_space<hbm>>) dst(%arg19 : memref<128x64xf32, #tpu.memory_space<vmem>>)
    %dma_wait3A_433 = arith.constant 0 : i32
    %dma_wait3A_434 = arith.constant 0 : i32
    %dma_wait3A_435 = tpu.memref_slice %arg3[%dma_wait3A_433, %dma_wait3A_434] : memref<1000x64xf32, #tpu.memory_space<hbm>> -> memref<1000x64xf32, #tpu.memory_space<hbm>>
    tpu.wait_indirect_dma semaphore(%arg28 : memref<!tpu.dma_semaphore, #tpu.memory_space<semaphore_mem>>) src(%dma_wait3A_435 : memref<1000x64xf32, #tpu.memory_space<hbm>>) dst(%arg20 : memref<128x64xf32, #tpu.memory_space<vmem>>)
    %dma_wait3A_436 = arith.constant 0 : i32
    %dma_wait3A_437 = arith.constant 0 : i32
    %dma_wait3A_438 = tpu.memref_slice %arg2[%dma_wait3A_436, %dma_wait3A_437] : memref<1000000x64xf32, #tpu.memory_space<hbm>> -> memref<1000000x64xf32, #tpu.memory_space<hbm>>
    tpu.wait_indirect_dma semaphore(%arg28 : memref<!tpu.dma_semaphore, #tpu.memory_space<semaphore_mem>>) src(%dma_wait3A_438 : memref<1000000x64xf32, #tpu.memory_space<hbm>>) dst(%arg21 : memref<128x64xf32, #tpu.memory_space<vmem>>)
    %dma_wait3A_439 = arith.constant 0 : i32
    %dma_wait3A_440 = arith.constant 0 : i32
    %dma_wait3A_441 = tpu.memref_slice %arg2[%dma_wait3A_439, %dma_wait3A_440] : memref<1000000x64xf32, #tpu.memory_space<hbm>> -> memref<1000000x64xf32, #tpu.memory_space<hbm>>
    tpu.wait_indirect_dma semaphore(%arg28 : memref<!tpu.dma_semaphore, #tpu.memory_space<semaphore_mem>>) src(%dma_wait3A_441 : memref<1000000x64xf32, #tpu.memory_space<hbm>>) dst(%arg22 : memref<128x64xf32, #tpu.memory_space<vmem>>)
    %dma_wait3A_442 = arith.constant 0 : i32
    %dma_wait3A_443 = arith.constant 0 : i32
    %dma_wait3A_444 = tpu.memref_slice %arg3[%dma_wait3A_442, %dma_wait3A_443] : memref<1000x64xf32, #tpu.memory_space<hbm>> -> memref<1000x64xf32, #tpu.memory_space<hbm>>
    tpu.wait_indirect_dma semaphore(%arg28 : memref<!tpu.dma_semaphore, #tpu.memory_space<semaphore_mem>>) src(%dma_wait3A_444 : memref<1000x64xf32, #tpu.memory_space<hbm>>) dst(%arg23 : memref<128x64xf32, #tpu.memory_space<vmem>>)
    %dma_wait3A_445 = arith.constant 0 : i32
    %dma_wait3A_446 = arith.constant 0 : i32
    %dma_wait3A_447 = tpu.memref_slice %arg2[%dma_wait3A_445, %dma_wait3A_446] : memref<1000000x64xf32, #tpu.memory_space<hbm>> -> memref<1000000x64xf32, #tpu.memory_space<hbm>>
    tpu.wait_indirect_dma semaphore(%arg28 : memref<!tpu.dma_semaphore, #tpu.memory_space<semaphore_mem>>) src(%dma_wait3A_447 : memref<1000000x64xf32, #tpu.memory_space<hbm>>) dst(%arg24 : memref<128x64xf32, #tpu.memory_space<vmem>>)
    %add3A_448 = arith.constant 0 : i32
    %add3A_449 = vector.broadcast %add3A_448 : i32 to vector<16xi32>
    %add3A_450 = arith.addi %iota3A, %add3A_449 : vector<16xi32>
    %scan3A_451 = arith.constant 0 : i32
    %scan3A_452 = arith.constant 64 : i32
    %scan3A_453 = arith.addi %scan3A_451, %scan3A_452 : i32
    %scan3A_454 = arith.constant 1 : i32
    %scan3A_455:8 = scf.for %scan3A_838 = %scan3A_451 to %scan3A_453 step %scan3A_454 iter_args(%scan3A_839 = %broadcast_in_dim3A_3, %scan3A_840 = %broadcast_in_dim3A_3, %scan3A_841 = %scan3A_396#2, %scan3A_842 = %scan3A_396#3, %scan3A_843 = %scan3A_396#4, %scan3A_844 = %scan3A_396#5, %scan3A_845 = %scan3A_396#6, %scan3A_846 = %scan3A_396#7) -> (vector<16xf32>, vector<16xf32>, vector<16xf32>, vector<16xf32>, vector<16xf32>, vector<16xf32>, vector<16xf32>, vector<16xf32>)  : i32 {
      %broadcast_in_dim3A_847 = arith.constant 0 : i32
      %broadcast_in_dim3A_848 = vector.broadcast %broadcast_in_dim3A_847 : i32 to vector<16xi32>
      %add3A_849 = vector.broadcast %scan3A_838 : i32 to vector<16xi32>
      %add3A_850 = arith.addi %broadcast_in_dim3A_848, %add3A_849 : vector<16xi32>
      %gather3A = tpu.vector_load_idx %arg19[%add3A_450, %add3A_850] : memref<128x64xf32, #tpu.memory_space<vmem>>[vector<16xi32>, vector<16xi32>], vector<16xf32>,
      %gather3A_851 = tpu.vector_load_idx %arg20[%add3A_450, %add3A_850] : memref<128x64xf32, #tpu.memory_space<vmem>>[vector<16xi32>, vector<16xi32>], vector<16xf32>,
      %gather3A_852 = tpu.vector_load_idx %arg21[%add3A_450, %add3A_850] : memref<128x64xf32, #tpu.memory_space<vmem>>[vector<16xi32>, vector<16xi32>], vector<16xf32>,
      %gather3A_853 = tpu.vector_load_idx %arg22[%add3A_450, %add3A_850] : memref<128x64xf32, #tpu.memory_space<vmem>>[vector<16xi32>, vector<16xi32>], vector<16xf32>,
      %gather3A_854 = tpu.vector_load_idx %arg23[%add3A_450, %add3A_850] : memref<128x64xf32, #tpu.memory_space<vmem>>[vector<16xi32>, vector<16xi32>], vector<16xf32>,
      %gather3A_855 = tpu.vector_load_idx %arg24[%add3A_450, %add3A_850] : memref<128x64xf32, #tpu.memory_space<vmem>>[vector<16xi32>, vector<16xi32>], vector<16xf32>,
      %add3A_856 = arith.addf %gather3A, %gather3A_851 : vector<16xf32>
      %sub3A_857 = arith.subf %add3A_856, %gather3A_852 : vector<16xf32>
      %abs3A = math.absf %sub3A_857 : vector<16xf32>
      %add3A_858 = arith.addf %scan3A_839, %abs3A : vector<16xf32>
      %add3A_859 = arith.addf %gather3A_853, %gather3A_854 : vector<16xf32>
      %sub3A_860 = arith.subf %add3A_859, %gather3A_855 : vector<16xf32>
      %abs3A_861 = math.absf %sub3A_860 : vector<16xf32>
      %add3A_862 = arith.addf %scan3A_840, %abs3A_861 : vector<16xf32>
      %abs3A_863 = math.absf %gather3A : vector<16xf32>
      %add3A_864 = arith.addf %scan3A_841, %abs3A_863 : vector<16xf32>
      %mul3A_865 = arith.mulf %gather3A_851, %gather3A_851 : vector<16xf32>
      %add3A_866 = arith.addf %scan3A_842, %mul3A_865 : vector<16xf32>
      %abs3A_867 = math.absf %gather3A_852 : vector<16xf32>
      %add3A_868 = arith.addf %scan3A_843, %abs3A_867 : vector<16xf32>
      %abs3A_869 = math.absf %gather3A_853 : vector<16xf32>
      %add3A_870 = arith.addf %scan3A_844, %abs3A_869 : vector<16xf32>
      %mul3A_871 = arith.mulf %gather3A_854, %gather3A_854 : vector<16xf32>
      %add3A_872 = arith.addf %scan3A_845, %mul3A_871 : vector<16xf32>
      %abs3A_873 = math.absf %gather3A_855 : vector<16xf32>
      %add3A_874 = arith.addf %scan3A_846, %abs3A_873 : vector<16xf32>
      scf.yield %add3A_858, %add3A_862, %add3A_864, %add3A_866, %add3A_868, %add3A_870, %add3A_872, %add3A_874 : vector<16xf32>, vector<16xf32>, vector<16xf32>, vector<16xf32>, vector<16xf32>, vector<16xf32>, vector<16xf32>, vector<16xf32>
    }
    %scan3A_456 = arith.constant 64 : i32
    %sub3A_457 = arith.subf %scan3A_455#0, %scan3A_455#1 : vector<16xf32>
    %add3A_458 = arith.constant 2.000000e+00 : f32
    %add3A_459 = vector.broadcast %add3A_458 : f32 to vector<16xf32>
    %add3A_460 = arith.addf %sub3A_457, %add3A_459 : vector<16xf32>
    %max3A_461 = arith.constant 0.000000e+00 : f32
    %max3A_462 = vector.broadcast %max3A_461 : f32 to vector<16xf32>
    %max3A_463 = arith.maximumf %max3A_462, %add3A_460 : vector<16xf32>
    %add3A_464 = arith.addf %add3A_405, %max3A_463 : vector<16xf32>
    %swap3A_465 = arith.constant 256 : index
    %swap3A_466 = tpu.vector_load %arg25[%swap3A_465] {strides = array<i32>} : memref<512xf32, #tpu.memory_space<vmem>>, vector<16xf32>,
    tpu.vector_store %arg25[%swap3A_465], %scan3A_455#0 {strides = array<i32>} : memref<512xf32, #tpu.memory_space<vmem>>, vector<16xf32>,
    %swap3A_467 = arith.constant 256 : index
    %swap3A_468 = tpu.vector_load %arg26[%swap3A_467] {strides = array<i32>} : memref<512xf32, #tpu.memory_space<vmem>>, vector<16xf32>,
    tpu.vector_store %arg26[%swap3A_467], %scan3A_455#1 {strides = array<i32>} : memref<512xf32, #tpu.memory_space<vmem>>, vector<16xf32>,
    %add3A_469 = arith.constant 16 : i32
    %add3A_470 = vector.broadcast %add3A_469 : i32 to vector<16xi32>
    %add3A_471 = arith.addi %iota3A, %add3A_470 : vector<16xi32>
    %scan3A_472 = arith.constant 0 : i32
    %scan3A_473 = arith.constant 64 : i32
    %scan3A_474 = arith.addi %scan3A_472, %scan3A_473 : i32
    %scan3A_475 = arith.constant 1 : i32
    %scan3A_476:8 = scf.for %scan3A_838 = %scan3A_472 to %scan3A_474 step %scan3A_475 iter_args(%scan3A_839 = %broadcast_in_dim3A_3, %scan3A_840 = %broadcast_in_dim3A_3, %scan3A_841 = %scan3A_455#2, %scan3A_842 = %scan3A_455#3, %scan3A_843 = %scan3A_455#4, %scan3A_844 = %scan3A_455#5, %scan3A_845 = %scan3A_455#6, %scan3A_846 = %scan3A_455#7) -> (vector<16xf32>, vector<16xf32>, vector<16xf32>, vector<16xf32>, vector<16xf32>, vector<16xf32>, vector<16xf32>, vector<16xf32>)  : i32 {
      %broadcast_in_dim3A_847 = arith.constant 0 : i32
      %broadcast_in_dim3A_848 = vector.broadcast %broadcast_in_dim3A_847 : i32 to vector<16xi32>
      %add3A_849 = vector.broadcast %scan3A_838 : i32 to vector<16xi32>
      %add3A_850 = arith.addi %broadcast_in_dim3A_848, %add3A_849 : vector<16xi32>
      %gather3A = tpu.vector_load_idx %arg19[%add3A_471, %add3A_850] : memref<128x64xf32, #tpu.memory_space<vmem>>[vector<16xi32>, vector<16xi32>], vector<16xf32>,
      %gather3A_851 = tpu.vector_load_idx %arg20[%add3A_471, %add3A_850] : memref<128x64xf32, #tpu.memory_space<vmem>>[vector<16xi32>, vector<16xi32>], vector<16xf32>,
      %gather3A_852 = tpu.vector_load_idx %arg21[%add3A_471, %add3A_850] : memref<128x64xf32, #tpu.memory_space<vmem>>[vector<16xi32>, vector<16xi32>], vector<16xf32>,
      %gather3A_853 = tpu.vector_load_idx %arg22[%add3A_471, %add3A_850] : memref<128x64xf32, #tpu.memory_space<vmem>>[vector<16xi32>, vector<16xi32>], vector<16xf32>,
      %gather3A_854 = tpu.vector_load_idx %arg23[%add3A_471, %add3A_850] : memref<128x64xf32, #tpu.memory_space<vmem>>[vector<16xi32>, vector<16xi32>], vector<16xf32>,
      %gather3A_855 = tpu.vector_load_idx %arg24[%add3A_471, %add3A_850] : memref<128x64xf32, #tpu.memory_space<vmem>>[vector<16xi32>, vector<16xi32>], vector<16xf32>,
      %add3A_856 = arith.addf %gather3A, %gather3A_851 : vector<16xf32>
      %sub3A_857 = arith.subf %add3A_856, %gather3A_852 : vector<16xf32>
      %abs3A = math.absf %sub3A_857 : vector<16xf32>
      %add3A_858 = arith.addf %scan3A_839, %abs3A : vector<16xf32>
      %add3A_859 = arith.addf %gather3A_853, %gather3A_854 : vector<16xf32>
      %sub3A_860 = arith.subf %add3A_859, %gather3A_855 : vector<16xf32>
      %abs3A_861 = math.absf %sub3A_860 : vector<16xf32>
      %add3A_862 = arith.addf %scan3A_840, %abs3A_861 : vector<16xf32>
      %abs3A_863 = math.absf %gather3A : vector<16xf32>
      %add3A_864 = arith.addf %scan3A_841, %abs3A_863 : vector<16xf32>
      %mul3A_865 = arith.mulf %gather3A_851, %gather3A_851 : vector<16xf32>
      %add3A_866 = arith.addf %scan3A_842, %mul3A_865 : vector<16xf32>
      %abs3A_867 = math.absf %gather3A_852 : vector<16xf32>
      %add3A_868 = arith.addf %scan3A_843, %abs3A_867 : vector<16xf32>
      %abs3A_869 = math.absf %gather3A_853 : vector<16xf32>
      %add3A_870 = arith.addf %scan3A_844, %abs3A_869 : vector<16xf32>
      %mul3A_871 = arith.mulf %gather3A_854, %gather3A_854 : vector<16xf32>
      %add3A_872 = arith.addf %scan3A_845, %mul3A_871 : vector<16xf32>
      %abs3A_873 = math.absf %gather3A_855 : vector<16xf32>
      %add3A_874 = arith.addf %scan3A_846, %abs3A_873 : vector<16xf32>
      scf.yield %add3A_858, %add3A_862, %add3A_864, %add3A_866, %add3A_868, %add3A_870, %add3A_872, %add3A_874 : vector<16xf32>, vector<16xf32>, vector<16xf32>, vector<16xf32>, vector<16xf32>, vector<16xf32>, vector<16xf32>, vector<16xf32>
    }
    %scan3A_477 = arith.constant 64 : i32
    %sub3A_478 = arith.subf %scan3A_476#0, %scan3A_476#1 : vector<16xf32>
    %add3A_479 = arith.constant 2.000000e+00 : f32
    %add3A_480 = vector.broadcast %add3A_479 : f32 to vector<16xf32>
    %add3A_481 = arith.addf %sub3A_478, %add3A_480 : vector<16xf32>
    %max3A_482 = arith.constant 0.000000e+00 : f32
    %max3A_483 = vector.broadcast %max3A_482 : f32 to vector<16xf32>
    %max3A_484 = arith.maximumf %max3A_483, %add3A_481 : vector<16xf32>
    %add3A_485 = arith.addf %add3A_464, %max3A_484 : vector<16xf32>
    %swap3A_486 = arith.constant 272 : index
    %swap3A_487 = tpu.vector_load %arg25[%swap3A_486] {strides = array<i32>} : memref<512xf32, #tpu.memory_space<vmem>>, vector<16xf32>,
    tpu.vector_store %arg25[%swap3A_486], %scan3A_476#0 {strides = array<i32>} : memref<512xf32, #tpu.memory_space<vmem>>, vector<16xf32>,
    %swap3A_488 = arith.constant 272 : index
    %swap3A_489 = tpu.vector_load %arg26[%swap3A_488] {strides = array<i32>} : memref<512xf32, #tpu.memory_space<vmem>>, vector<16xf32>,
    tpu.vector_store %arg26[%swap3A_488], %scan3A_476#1 {strides = array<i32>} : memref<512xf32, #tpu.memory_space<vmem>>, vector<16xf32>,
    %add3A_490 = arith.constant 32 : i32
    %add3A_491 = vector.broadcast %add3A_490 : i32 to vector<16xi32>
    %add3A_492 = arith.addi %iota3A, %add3A_491 : vector<16xi32>
    %scan3A_493 = arith.constant 0 : i32
    %scan3A_494 = arith.constant 64 : i32
    %scan3A_495 = arith.addi %scan3A_493, %scan3A_494 : i32
    %scan3A_496 = arith.constant 1 : i32
    %scan3A_497:8 = scf.for %scan3A_838 = %scan3A_493 to %scan3A_495 step %scan3A_496 iter_args(%scan3A_839 = %broadcast_in_dim3A_3, %scan3A_840 = %broadcast_in_dim3A_3, %scan3A_841 = %scan3A_476#2, %scan3A_842 = %scan3A_476#3, %scan3A_843 = %scan3A_476#4, %scan3A_844 = %scan3A_476#5, %scan3A_845 = %scan3A_476#6, %scan3A_846 = %scan3A_476#7) -> (vector<16xf32>, vector<16xf32>, vector<16xf32>, vector<16xf32>, vector<16xf32>, vector<16xf32>, vector<16xf32>, vector<16xf32>)  : i32 {
      %broadcast_in_dim3A_847 = arith.constant 0 : i32
      %broadcast_in_dim3A_848 = vector.broadcast %broadcast_in_dim3A_847 : i32 to vector<16xi32>
      %add3A_849 = vector.broadcast %scan3A_838 : i32 to vector<16xi32>
      %add3A_850 = arith.addi %broadcast_in_dim3A_848, %add3A_849 : vector<16xi32>
      %gather3A = tpu.vector_load_idx %arg19[%add3A_492, %add3A_850] : memref<128x64xf32, #tpu.memory_space<vmem>>[vector<16xi32>, vector<16xi32>], vector<16xf32>,
      %gather3A_851 = tpu.vector_load_idx %arg20[%add3A_492, %add3A_850] : memref<128x64xf32, #tpu.memory_space<vmem>>[vector<16xi32>, vector<16xi32>], vector<16xf32>,
      %gather3A_852 = tpu.vector_load_idx %arg21[%add3A_492, %add3A_850] : memref<128x64xf32, #tpu.memory_space<vmem>>[vector<16xi32>, vector<16xi32>], vector<16xf32>,
      %gather3A_853 = tpu.vector_load_idx %arg22[%add3A_492, %add3A_850] : memref<128x64xf32, #tpu.memory_space<vmem>>[vector<16xi32>, vector<16xi32>], vector<16xf32>,
      %gather3A_854 = tpu.vector_load_idx %arg23[%add3A_492, %add3A_850] : memref<128x64xf32, #tpu.memory_space<vmem>>[vector<16xi32>, vector<16xi32>], vector<16xf32>,
      %gather3A_855 = tpu.vector_load_idx %arg24[%add3A_492, %add3A_850] : memref<128x64xf32, #tpu.memory_space<vmem>>[vector<16xi32>, vector<16xi32>], vector<16xf32>,
      %add3A_856 = arith.addf %gather3A, %gather3A_851 : vector<16xf32>
      %sub3A_857 = arith.subf %add3A_856, %gather3A_852 : vector<16xf32>
      %abs3A = math.absf %sub3A_857 : vector<16xf32>
      %add3A_858 = arith.addf %scan3A_839, %abs3A : vector<16xf32>
      %add3A_859 = arith.addf %gather3A_853, %gather3A_854 : vector<16xf32>
      %sub3A_860 = arith.subf %add3A_859, %gather3A_855 : vector<16xf32>
      %abs3A_861 = math.absf %sub3A_860 : vector<16xf32>
      %add3A_862 = arith.addf %scan3A_840, %abs3A_861 : vector<16xf32>
      %abs3A_863 = math.absf %gather3A : vector<16xf32>
      %add3A_864 = arith.addf %scan3A_841, %abs3A_863 : vector<16xf32>
      %mul3A_865 = arith.mulf %gather3A_851, %gather3A_851 : vector<16xf32>
      %add3A_866 = arith.addf %scan3A_842, %mul3A_865 : vector<16xf32>
      %abs3A_867 = math.absf %gather3A_852 : vector<16xf32>
      %add3A_868 = arith.addf %scan3A_843, %abs3A_867 : vector<16xf32>
      %abs3A_869 = math.absf %gather3A_853 : vector<16xf32>
      %add3A_870 = arith.addf %scan3A_844, %abs3A_869 : vector<16xf32>
      %mul3A_871 = arith.mulf %gather3A_854, %gather3A_854 : vector<16xf32>
      %add3A_872 = arith.addf %scan3A_845, %mul3A_871 : vector<16xf32>
      %abs3A_873 = math.absf %gather3A_855 : vector<16xf32>
      %add3A_874 = arith.addf %scan3A_846, %abs3A_873 : vector<16xf32>
      scf.yield %add3A_858, %add3A_862, %add3A_864, %add3A_866, %add3A_868, %add3A_870, %add3A_872, %add3A_874 : vector<16xf32>, vector<16xf32>, vector<16xf32>, vector<16xf32>, vector<16xf32>, vector<16xf32>, vector<16xf32>, vector<16xf32>
    }
    %scan3A_498 = arith.constant 64 : i32
    %sub3A_499 = arith.subf %scan3A_497#0, %scan3A_497#1 : vector<16xf32>
    %add3A_500 = arith.constant 2.000000e+00 : f32
    %add3A_501 = vector.broadcast %add3A_500 : f32 to vector<16xf32>
    %add3A_502 = arith.addf %sub3A_499, %add3A_501 : vector<16xf32>
    %max3A_503 = arith.constant 0.000000e+00 : f32
    %max3A_504 = vector.broadcast %max3A_503 : f32 to vector<16xf32>
    %max3A_505 = arith.maximumf %max3A_504, %add3A_502 : vector<16xf32>
    %add3A_506 = arith.addf %add3A_485, %max3A_505 : vector<16xf32>
    %swap3A_507 = arith.constant 288 : index
    %swap3A_508 = tpu.vector_load %arg25[%swap3A_507] {strides = array<i32>} : memref<512xf32, #tpu.memory_space<vmem>>, vector<16xf32>,
    tpu.vector_store %arg25[%swap3A_507], %scan3A_497#0 {strides = array<i32>} : memref<512xf32, #tpu.memory_space<vmem>>, vector<16xf32>,
    %swap3A_509 = arith.constant 288 : index
    %swap3A_510 = tpu.vector_load %arg26[%swap3A_509] {strides = array<i32>} : memref<512xf32, #tpu.memory_space<vmem>>, vector<16xf32>,
    tpu.vector_store %arg26[%swap3A_509], %scan3A_497#1 {strides = array<i32>} : memref<512xf32, #tpu.memory_space<vmem>>, vector<16xf32>,
    %add3A_511 = arith.constant 48 : i32
    %add3A_512 = vector.broadcast %add3A_511 : i32 to vector<16xi32>
    %add3A_513 = arith.addi %iota3A, %add3A_512 : vector<16xi32>
    %scan3A_514 = arith.constant 0 : i32
    %scan3A_515 = arith.constant 64 : i32
    %scan3A_516 = arith.addi %scan3A_514, %scan3A_515 : i32
    %scan3A_517 = arith.constant 1 : i32
    %scan3A_518:8 = scf.for %scan3A_838 = %scan3A_514 to %scan3A_516 step %scan3A_517 iter_args(%scan3A_839 = %broadcast_in_dim3A_3, %scan3A_840 = %broadcast_in_dim3A_3, %scan3A_841 = %scan3A_497#2, %scan3A_842 = %scan3A_497#3, %scan3A_843 = %scan3A_497#4, %scan3A_844 = %scan3A_497#5, %scan3A_845 = %scan3A_497#6, %scan3A_846 = %scan3A_497#7) -> (vector<16xf32>, vector<16xf32>, vector<16xf32>, vector<16xf32>, vector<16xf32>, vector<16xf32>, vector<16xf32>, vector<16xf32>)  : i32 {
      %broadcast_in_dim3A_847 = arith.constant 0 : i32
      %broadcast_in_dim3A_848 = vector.broadcast %broadcast_in_dim3A_847 : i32 to vector<16xi32>
      %add3A_849 = vector.broadcast %scan3A_838 : i32 to vector<16xi32>
      %add3A_850 = arith.addi %broadcast_in_dim3A_848, %add3A_849 : vector<16xi32>
      %gather3A = tpu.vector_load_idx %arg19[%add3A_513, %add3A_850] : memref<128x64xf32, #tpu.memory_space<vmem>>[vector<16xi32>, vector<16xi32>], vector<16xf32>,
      %gather3A_851 = tpu.vector_load_idx %arg20[%add3A_513, %add3A_850] : memref<128x64xf32, #tpu.memory_space<vmem>>[vector<16xi32>, vector<16xi32>], vector<16xf32>,
      %gather3A_852 = tpu.vector_load_idx %arg21[%add3A_513, %add3A_850] : memref<128x64xf32, #tpu.memory_space<vmem>>[vector<16xi32>, vector<16xi32>], vector<16xf32>,
      %gather3A_853 = tpu.vector_load_idx %arg22[%add3A_513, %add3A_850] : memref<128x64xf32, #tpu.memory_space<vmem>>[vector<16xi32>, vector<16xi32>], vector<16xf32>,
      %gather3A_854 = tpu.vector_load_idx %arg23[%add3A_513, %add3A_850] : memref<128x64xf32, #tpu.memory_space<vmem>>[vector<16xi32>, vector<16xi32>], vector<16xf32>,
      %gather3A_855 = tpu.vector_load_idx %arg24[%add3A_513, %add3A_850] : memref<128x64xf32, #tpu.memory_space<vmem>>[vector<16xi32>, vector<16xi32>], vector<16xf32>,
      %add3A_856 = arith.addf %gather3A, %gather3A_851 : vector<16xf32>
      %sub3A_857 = arith.subf %add3A_856, %gather3A_852 : vector<16xf32>
      %abs3A = math.absf %sub3A_857 : vector<16xf32>
      %add3A_858 = arith.addf %scan3A_839, %abs3A : vector<16xf32>
      %add3A_859 = arith.addf %gather3A_853, %gather3A_854 : vector<16xf32>
      %sub3A_860 = arith.subf %add3A_859, %gather3A_855 : vector<16xf32>
      %abs3A_861 = math.absf %sub3A_860 : vector<16xf32>
      %add3A_862 = arith.addf %scan3A_840, %abs3A_861 : vector<16xf32>
      %abs3A_863 = math.absf %gather3A : vector<16xf32>
      %add3A_864 = arith.addf %scan3A_841, %abs3A_863 : vector<16xf32>
      %mul3A_865 = arith.mulf %gather3A_851, %gather3A_851 : vector<16xf32>
      %add3A_866 = arith.addf %scan3A_842, %mul3A_865 : vector<16xf32>
      %abs3A_867 = math.absf %gather3A_852 : vector<16xf32>
      %add3A_868 = arith.addf %scan3A_843, %abs3A_867 : vector<16xf32>
      %abs3A_869 = math.absf %gather3A_853 : vector<16xf32>
      %add3A_870 = arith.addf %scan3A_844, %abs3A_869 : vector<16xf32>
      %mul3A_871 = arith.mulf %gather3A_854, %gather3A_854 : vector<16xf32>
      %add3A_872 = arith.addf %scan3A_845, %mul3A_871 : vector<16xf32>
      %abs3A_873 = math.absf %gather3A_855 : vector<16xf32>
      %add3A_874 = arith.addf %scan3A_846, %abs3A_873 : vector<16xf32>
      scf.yield %add3A_858, %add3A_862, %add3A_864, %add3A_866, %add3A_868, %add3A_870, %add3A_872, %add3A_874 : vector<16xf32>, vector<16xf32>, vector<16xf32>, vector<16xf32>, vector<16xf32>, vector<16xf32>, vector<16xf32>, vector<16xf32>
    }
    %scan3A_519 = arith.constant 64 : i32
    %sub3A_520 = arith.subf %scan3A_518#0, %scan3A_518#1 : vector<16xf32>
    %add3A_521 = arith.constant 2.000000e+00 : f32
    %add3A_522 = vector.broadcast %add3A_521 : f32 to vector<16xf32>
    %add3A_523 = arith.addf %sub3A_520, %add3A_522 : vector<16xf32>
    %max3A_524 = arith.constant 0.000000e+00 : f32
    %max3A_525 = vector.broadcast %max3A_524 : f32 to vector<16xf32>
    %max3A_526 = arith.maximumf %max3A_525, %add3A_523 : vector<16xf32>
    %add3A_527 = arith.addf %add3A_506, %max3A_526 : vector<16xf32>
    %swap3A_528 = arith.constant 304 : index
    %swap3A_529 = tpu.vector_load %arg25[%swap3A_528] {strides = array<i32>} : memref<512xf32, #tpu.memory_space<vmem>>, vector<16xf32>,
    tpu.vector_store %arg25[%swap3A_528], %scan3A_518#0 {strides = array<i32>} : memref<512xf32, #tpu.memory_space<vmem>>, vector<16xf32>,
    %swap3A_530 = arith.constant 304 : index
    %swap3A_531 = tpu.vector_load %arg26[%swap3A_530] {strides = array<i32>} : memref<512xf32, #tpu.memory_space<vmem>>, vector<16xf32>,
    tpu.vector_store %arg26[%swap3A_530], %scan3A_518#1 {strides = array<i32>} : memref<512xf32, #tpu.memory_space<vmem>>, vector<16xf32>,
    %add3A_532 = arith.constant 64 : i32
    %add3A_533 = vector.broadcast %add3A_532 : i32 to vector<16xi32>
    %add3A_534 = arith.addi %iota3A, %add3A_533 : vector<16xi32>
    %scan3A_535 = arith.constant 0 : i32
    %scan3A_536 = arith.constant 64 : i32
    %scan3A_537 = arith.addi %scan3A_535, %scan3A_536 : i32
    %scan3A_538 = arith.constant 1 : i32
    %scan3A_539:8 = scf.for %scan3A_838 = %scan3A_535 to %scan3A_537 step %scan3A_538 iter_args(%scan3A_839 = %broadcast_in_dim3A_3, %scan3A_840 = %broadcast_in_dim3A_3, %scan3A_841 = %scan3A_518#2, %scan3A_842 = %scan3A_518#3, %scan3A_843 = %scan3A_518#4, %scan3A_844 = %scan3A_518#5, %scan3A_845 = %scan3A_518#6, %scan3A_846 = %scan3A_518#7) -> (vector<16xf32>, vector<16xf32>, vector<16xf32>, vector<16xf32>, vector<16xf32>, vector<16xf32>, vector<16xf32>, vector<16xf32>)  : i32 {
      %broadcast_in_dim3A_847 = arith.constant 0 : i32
      %broadcast_in_dim3A_848 = vector.broadcast %broadcast_in_dim3A_847 : i32 to vector<16xi32>
      %add3A_849 = vector.broadcast %scan3A_838 : i32 to vector<16xi32>
      %add3A_850 = arith.addi %broadcast_in_dim3A_848, %add3A_849 : vector<16xi32>
      %gather3A = tpu.vector_load_idx %arg19[%add3A_534, %add3A_850] : memref<128x64xf32, #tpu.memory_space<vmem>>[vector<16xi32>, vector<16xi32>], vector<16xf32>,
      %gather3A_851 = tpu.vector_load_idx %arg20[%add3A_534, %add3A_850] : memref<128x64xf32, #tpu.memory_space<vmem>>[vector<16xi32>, vector<16xi32>], vector<16xf32>,
      %gather3A_852 = tpu.vector_load_idx %arg21[%add3A_534, %add3A_850] : memref<128x64xf32, #tpu.memory_space<vmem>>[vector<16xi32>, vector<16xi32>], vector<16xf32>,
      %gather3A_853 = tpu.vector_load_idx %arg22[%add3A_534, %add3A_850] : memref<128x64xf32, #tpu.memory_space<vmem>>[vector<16xi32>, vector<16xi32>], vector<16xf32>,
      %gather3A_854 = tpu.vector_load_idx %arg23[%add3A_534, %add3A_850] : memref<128x64xf32, #tpu.memory_space<vmem>>[vector<16xi32>, vector<16xi32>], vector<16xf32>,
      %gather3A_855 = tpu.vector_load_idx %arg24[%add3A_534, %add3A_850] : memref<128x64xf32, #tpu.memory_space<vmem>>[vector<16xi32>, vector<16xi32>], vector<16xf32>,
      %add3A_856 = arith.addf %gather3A, %gather3A_851 : vector<16xf32>
      %sub3A_857 = arith.subf %add3A_856, %gather3A_852 : vector<16xf32>
      %abs3A = math.absf %sub3A_857 : vector<16xf32>
      %add3A_858 = arith.addf %scan3A_839, %abs3A : vector<16xf32>
      %add3A_859 = arith.addf %gather3A_853, %gather3A_854 : vector<16xf32>
      %sub3A_860 = arith.subf %add3A_859, %gather3A_855 : vector<16xf32>
      %abs3A_861 = math.absf %sub3A_860 : vector<16xf32>
      %add3A_862 = arith.addf %scan3A_840, %abs3A_861 : vector<16xf32>
      %abs3A_863 = math.absf %gather3A : vector<16xf32>
      %add3A_864 = arith.addf %scan3A_841, %abs3A_863 : vector<16xf32>
      %mul3A_865 = arith.mulf %gather3A_851, %gather3A_851 : vector<16xf32>
      %add3A_866 = arith.addf %scan3A_842, %mul3A_865 : vector<16xf32>
      %abs3A_867 = math.absf %gather3A_852 : vector<16xf32>
      %add3A_868 = arith.addf %scan3A_843, %abs3A_867 : vector<16xf32>
      %abs3A_869 = math.absf %gather3A_853 : vector<16xf32>
      %add3A_870 = arith.addf %scan3A_844, %abs3A_869 : vector<16xf32>
      %mul3A_871 = arith.mulf %gather3A_854, %gather3A_854 : vector<16xf32>
      %add3A_872 = arith.addf %scan3A_845, %mul3A_871 : vector<16xf32>
      %abs3A_873 = math.absf %gather3A_855 : vector<16xf32>
      %add3A_874 = arith.addf %scan3A_846, %abs3A_873 : vector<16xf32>
      scf.yield %add3A_858, %add3A_862, %add3A_864, %add3A_866, %add3A_868, %add3A_870, %add3A_872, %add3A_874 : vector<16xf32>, vector<16xf32>, vector<16xf32>, vector<16xf32>, vector<16xf32>, vector<16xf32>, vector<16xf32>, vector<16xf32>
    }
    %scan3A_540 = arith.constant 64 : i32
    %sub3A_541 = arith.subf %scan3A_539#0, %scan3A_539#1 : vector<16xf32>
    %add3A_542 = arith.constant 2.000000e+00 : f32
    %add3A_543 = vector.broadcast %add3A_542 : f32 to vector<16xf32>
    %add3A_544 = arith.addf %sub3A_541, %add3A_543 : vector<16xf32>
    %max3A_545 = arith.constant 0.000000e+00 : f32
    %max3A_546 = vector.broadcast %max3A_545 : f32 to vector<16xf32>
    %max3A_547 = arith.maximumf %max3A_546, %add3A_544 : vector<16xf32>
    %add3A_548 = arith.addf %add3A_527, %max3A_547 : vector<16xf32>
    %swap3A_549 = arith.constant 320 : index
    %swap3A_550 = tpu.vector_load %arg25[%swap3A_549] {strides = array<i32>} : memref<512xf32, #tpu.memory_space<vmem>>, vector<16xf32>,
    tpu.vector_store %arg25[%swap3A_549], %scan3A_539#0 {strides = array<i32>} : memref<512xf32, #tpu.memory_space<vmem>>, vector<16xf32>,
    %swap3A_551 = arith.constant 320 : index
    %swap3A_552 = tpu.vector_load %arg26[%swap3A_551] {strides = array<i32>} : memref<512xf32, #tpu.memory_space<vmem>>, vector<16xf32>,
    tpu.vector_store %arg26[%swap3A_551], %scan3A_539#1 {strides = array<i32>} : memref<512xf32, #tpu.memory_space<vmem>>, vector<16xf32>,
    %add3A_553 = arith.constant 80 : i32
    %add3A_554 = vector.broadcast %add3A_553 : i32 to vector<16xi32>
    %add3A_555 = arith.addi %iota3A, %add3A_554 : vector<16xi32>
    %scan3A_556 = arith.constant 0 : i32
    %scan3A_557 = arith.constant 64 : i32
    %scan3A_558 = arith.addi %scan3A_556, %scan3A_557 : i32
    %scan3A_559 = arith.constant 1 : i32
    %scan3A_560:8 = scf.for %scan3A_838 = %scan3A_556 to %scan3A_558 step %scan3A_559 iter_args(%scan3A_839 = %broadcast_in_dim3A_3, %scan3A_840 = %broadcast_in_dim3A_3, %scan3A_841 = %scan3A_539#2, %scan3A_842 = %scan3A_539#3, %scan3A_843 = %scan3A_539#4, %scan3A_844 = %scan3A_539#5, %scan3A_845 = %scan3A_539#6, %scan3A_846 = %scan3A_539#7) -> (vector<16xf32>, vector<16xf32>, vector<16xf32>, vector<16xf32>, vector<16xf32>, vector<16xf32>, vector<16xf32>, vector<16xf32>)  : i32 {
      %broadcast_in_dim3A_847 = arith.constant 0 : i32
      %broadcast_in_dim3A_848 = vector.broadcast %broadcast_in_dim3A_847 : i32 to vector<16xi32>
      %add3A_849 = vector.broadcast %scan3A_838 : i32 to vector<16xi32>
      %add3A_850 = arith.addi %broadcast_in_dim3A_848, %add3A_849 : vector<16xi32>
      %gather3A = tpu.vector_load_idx %arg19[%add3A_555, %add3A_850] : memref<128x64xf32, #tpu.memory_space<vmem>>[vector<16xi32>, vector<16xi32>], vector<16xf32>,
      %gather3A_851 = tpu.vector_load_idx %arg20[%add3A_555, %add3A_850] : memref<128x64xf32, #tpu.memory_space<vmem>>[vector<16xi32>, vector<16xi32>], vector<16xf32>,
      %gather3A_852 = tpu.vector_load_idx %arg21[%add3A_555, %add3A_850] : memref<128x64xf32, #tpu.memory_space<vmem>>[vector<16xi32>, vector<16xi32>], vector<16xf32>,
      %gather3A_853 = tpu.vector_load_idx %arg22[%add3A_555, %add3A_850] : memref<128x64xf32, #tpu.memory_space<vmem>>[vector<16xi32>, vector<16xi32>], vector<16xf32>,
      %gather3A_854 = tpu.vector_load_idx %arg23[%add3A_555, %add3A_850] : memref<128x64xf32, #tpu.memory_space<vmem>>[vector<16xi32>, vector<16xi32>], vector<16xf32>,
      %gather3A_855 = tpu.vector_load_idx %arg24[%add3A_555, %add3A_850] : memref<128x64xf32, #tpu.memory_space<vmem>>[vector<16xi32>, vector<16xi32>], vector<16xf32>,
      %add3A_856 = arith.addf %gather3A, %gather3A_851 : vector<16xf32>
      %sub3A_857 = arith.subf %add3A_856, %gather3A_852 : vector<16xf32>
      %abs3A = math.absf %sub3A_857 : vector<16xf32>
      %add3A_858 = arith.addf %scan3A_839, %abs3A : vector<16xf32>
      %add3A_859 = arith.addf %gather3A_853, %gather3A_854 : vector<16xf32>
      %sub3A_860 = arith.subf %add3A_859, %gather3A_855 : vector<16xf32>
      %abs3A_861 = math.absf %sub3A_860 : vector<16xf32>
      %add3A_862 = arith.addf %scan3A_840, %abs3A_861 : vector<16xf32>
      %abs3A_863 = math.absf %gather3A : vector<16xf32>
      %add3A_864 = arith.addf %scan3A_841, %abs3A_863 : vector<16xf32>
      %mul3A_865 = arith.mulf %gather3A_851, %gather3A_851 : vector<16xf32>
      %add3A_866 = arith.addf %scan3A_842, %mul3A_865 : vector<16xf32>
      %abs3A_867 = math.absf %gather3A_852 : vector<16xf32>
      %add3A_868 = arith.addf %scan3A_843, %abs3A_867 : vector<16xf32>
      %abs3A_869 = math.absf %gather3A_853 : vector<16xf32>
      %add3A_870 = arith.addf %scan3A_844, %abs3A_869 : vector<16xf32>
      %mul3A_871 = arith.mulf %gather3A_854, %gather3A_854 : vector<16xf32>
      %add3A_872 = arith.addf %scan3A_845, %mul3A_871 : vector<16xf32>
      %abs3A_873 = math.absf %gather3A_855 : vector<16xf32>
      %add3A_874 = arith.addf %scan3A_846, %abs3A_873 : vector<16xf32>
      scf.yield %add3A_858, %add3A_862, %add3A_864, %add3A_866, %add3A_868, %add3A_870, %add3A_872, %add3A_874 : vector<16xf32>, vector<16xf32>, vector<16xf32>, vector<16xf32>, vector<16xf32>, vector<16xf32>, vector<16xf32>, vector<16xf32>
    }
    %scan3A_561 = arith.constant 64 : i32
    %sub3A_562 = arith.subf %scan3A_560#0, %scan3A_560#1 : vector<16xf32>
    %add3A_563 = arith.constant 2.000000e+00 : f32
    %add3A_564 = vector.broadcast %add3A_563 : f32 to vector<16xf32>
    %add3A_565 = arith.addf %sub3A_562, %add3A_564 : vector<16xf32>
    %max3A_566 = arith.constant 0.000000e+00 : f32
    %max3A_567 = vector.broadcast %max3A_566 : f32 to vector<16xf32>
    %max3A_568 = arith.maximumf %max3A_567, %add3A_565 : vector<16xf32>
    %add3A_569 = arith.addf %add3A_548, %max3A_568 : vector<16xf32>
    %swap3A_570 = arith.constant 336 : index
    %swap3A_571 = tpu.vector_load %arg25[%swap3A_570] {strides = array<i32>} : memref<512xf32, #tpu.memory_space<vmem>>, vector<16xf32>,
    tpu.vector_store %arg25[%swap3A_570], %scan3A_560#0 {strides = array<i32>} : memref<512xf32, #tpu.memory_space<vmem>>, vector<16xf32>,
    %swap3A_572 = arith.constant 336 : index
    %swap3A_573 = tpu.vector_load %arg26[%swap3A_572] {strides = array<i32>} : memref<512xf32, #tpu.memory_space<vmem>>, vector<16xf32>,
    tpu.vector_store %arg26[%swap3A_572], %scan3A_560#1 {strides = array<i32>} : memref<512xf32, #tpu.memory_space<vmem>>, vector<16xf32>,
    %add3A_574 = arith.constant 96 : i32
    %add3A_575 = vector.broadcast %add3A_574 : i32 to vector<16xi32>
    %add3A_576 = arith.addi %iota3A, %add3A_575 : vector<16xi32>
    %scan3A_577 = arith.constant 0 : i32
    %scan3A_578 = arith.constant 64 : i32
    %scan3A_579 = arith.addi %scan3A_577, %scan3A_578 : i32
    %scan3A_580 = arith.constant 1 : i32
    %scan3A_581:8 = scf.for %scan3A_838 = %scan3A_577 to %scan3A_579 step %scan3A_580 iter_args(%scan3A_839 = %broadcast_in_dim3A_3, %scan3A_840 = %broadcast_in_dim3A_3, %scan3A_841 = %scan3A_560#2, %scan3A_842 = %scan3A_560#3, %scan3A_843 = %scan3A_560#4, %scan3A_844 = %scan3A_560#5, %scan3A_845 = %scan3A_560#6, %scan3A_846 = %scan3A_560#7) -> (vector<16xf32>, vector<16xf32>, vector<16xf32>, vector<16xf32>, vector<16xf32>, vector<16xf32>, vector<16xf32>, vector<16xf32>)  : i32 {
      %broadcast_in_dim3A_847 = arith.constant 0 : i32
      %broadcast_in_dim3A_848 = vector.broadcast %broadcast_in_dim3A_847 : i32 to vector<16xi32>
      %add3A_849 = vector.broadcast %scan3A_838 : i32 to vector<16xi32>
      %add3A_850 = arith.addi %broadcast_in_dim3A_848, %add3A_849 : vector<16xi32>
      %gather3A = tpu.vector_load_idx %arg19[%add3A_576, %add3A_850] : memref<128x64xf32, #tpu.memory_space<vmem>>[vector<16xi32>, vector<16xi32>], vector<16xf32>,
      %gather3A_851 = tpu.vector_load_idx %arg20[%add3A_576, %add3A_850] : memref<128x64xf32, #tpu.memory_space<vmem>>[vector<16xi32>, vector<16xi32>], vector<16xf32>,
      %gather3A_852 = tpu.vector_load_idx %arg21[%add3A_576, %add3A_850] : memref<128x64xf32, #tpu.memory_space<vmem>>[vector<16xi32>, vector<16xi32>], vector<16xf32>,
      %gather3A_853 = tpu.vector_load_idx %arg22[%add3A_576, %add3A_850] : memref<128x64xf32, #tpu.memory_space<vmem>>[vector<16xi32>, vector<16xi32>], vector<16xf32>,
      %gather3A_854 = tpu.vector_load_idx %arg23[%add3A_576, %add3A_850] : memref<128x64xf32, #tpu.memory_space<vmem>>[vector<16xi32>, vector<16xi32>], vector<16xf32>,
      %gather3A_855 = tpu.vector_load_idx %arg24[%add3A_576, %add3A_850] : memref<128x64xf32, #tpu.memory_space<vmem>>[vector<16xi32>, vector<16xi32>], vector<16xf32>,
      %add3A_856 = arith.addf %gather3A, %gather3A_851 : vector<16xf32>
      %sub3A_857 = arith.subf %add3A_856, %gather3A_852 : vector<16xf32>
      %abs3A = math.absf %sub3A_857 : vector<16xf32>
      %add3A_858 = arith.addf %scan3A_839, %abs3A : vector<16xf32>
      %add3A_859 = arith.addf %gather3A_853, %gather3A_854 : vector<16xf32>
      %sub3A_860 = arith.subf %add3A_859, %gather3A_855 : vector<16xf32>
      %abs3A_861 = math.absf %sub3A_860 : vector<16xf32>
      %add3A_862 = arith.addf %scan3A_840, %abs3A_861 : vector<16xf32>
      %abs3A_863 = math.absf %gather3A : vector<16xf32>
      %add3A_864 = arith.addf %scan3A_841, %abs3A_863 : vector<16xf32>
      %mul3A_865 = arith.mulf %gather3A_851, %gather3A_851 : vector<16xf32>
      %add3A_866 = arith.addf %scan3A_842, %mul3A_865 : vector<16xf32>
      %abs3A_867 = math.absf %gather3A_852 : vector<16xf32>
      %add3A_868 = arith.addf %scan3A_843, %abs3A_867 : vector<16xf32>
      %abs3A_869 = math.absf %gather3A_853 : vector<16xf32>
      %add3A_870 = arith.addf %scan3A_844, %abs3A_869 : vector<16xf32>
      %mul3A_871 = arith.mulf %gather3A_854, %gather3A_854 : vector<16xf32>
      %add3A_872 = arith.addf %scan3A_845, %mul3A_871 : vector<16xf32>
      %abs3A_873 = math.absf %gather3A_855 : vector<16xf32>
      %add3A_874 = arith.addf %scan3A_846, %abs3A_873 : vector<16xf32>
      scf.yield %add3A_858, %add3A_862, %add3A_864, %add3A_866, %add3A_868, %add3A_870, %add3A_872, %add3A_874 : vector<16xf32>, vector<16xf32>, vector<16xf32>, vector<16xf32>, vector<16xf32>, vector<16xf32>, vector<16xf32>, vector<16xf32>
    }
    %scan3A_582 = arith.constant 64 : i32
    %sub3A_583 = arith.subf %scan3A_581#0, %scan3A_581#1 : vector<16xf32>
    %add3A_584 = arith.constant 2.000000e+00 : f32
    %add3A_585 = vector.broadcast %add3A_584 : f32 to vector<16xf32>
    %add3A_586 = arith.addf %sub3A_583, %add3A_585 : vector<16xf32>
    %max3A_587 = arith.constant 0.000000e+00 : f32
    %max3A_588 = vector.broadcast %max3A_587 : f32 to vector<16xf32>
    %max3A_589 = arith.maximumf %max3A_588, %add3A_586 : vector<16xf32>
    %add3A_590 = arith.addf %add3A_569, %max3A_589 : vector<16xf32>
    %swap3A_591 = arith.constant 352 : index
    %swap3A_592 = tpu.vector_load %arg25[%swap3A_591] {strides = array<i32>} : memref<512xf32, #tpu.memory_space<vmem>>, vector<16xf32>,
    tpu.vector_store %arg25[%swap3A_591], %scan3A_581#0 {strides = array<i32>} : memref<512xf32, #tpu.memory_space<vmem>>, vector<16xf32>,
    %swap3A_593 = arith.constant 352 : index
    %swap3A_594 = tpu.vector_load %arg26[%swap3A_593] {strides = array<i32>} : memref<512xf32, #tpu.memory_space<vmem>>, vector<16xf32>,
    tpu.vector_store %arg26[%swap3A_593], %scan3A_581#1 {strides = array<i32>} : memref<512xf32, #tpu.memory_space<vmem>>, vector<16xf32>,
    %add3A_595 = arith.constant 112 : i32
    %add3A_596 = vector.broadcast %add3A_595 : i32 to vector<16xi32>
    %add3A_597 = arith.addi %iota3A, %add3A_596 : vector<16xi32>
    %scan3A_598 = arith.constant 0 : i32
    %scan3A_599 = arith.constant 64 : i32
    %scan3A_600 = arith.addi %scan3A_598, %scan3A_599 : i32
    %scan3A_601 = arith.constant 1 : i32
    %scan3A_602:8 = scf.for %scan3A_838 = %scan3A_598 to %scan3A_600 step %scan3A_601 iter_args(%scan3A_839 = %broadcast_in_dim3A_3, %scan3A_840 = %broadcast_in_dim3A_3, %scan3A_841 = %scan3A_581#2, %scan3A_842 = %scan3A_581#3, %scan3A_843 = %scan3A_581#4, %scan3A_844 = %scan3A_581#5, %scan3A_845 = %scan3A_581#6, %scan3A_846 = %scan3A_581#7) -> (vector<16xf32>, vector<16xf32>, vector<16xf32>, vector<16xf32>, vector<16xf32>, vector<16xf32>, vector<16xf32>, vector<16xf32>)  : i32 {
      %broadcast_in_dim3A_847 = arith.constant 0 : i32
      %broadcast_in_dim3A_848 = vector.broadcast %broadcast_in_dim3A_847 : i32 to vector<16xi32>
      %add3A_849 = vector.broadcast %scan3A_838 : i32 to vector<16xi32>
      %add3A_850 = arith.addi %broadcast_in_dim3A_848, %add3A_849 : vector<16xi32>
      %gather3A = tpu.vector_load_idx %arg19[%add3A_597, %add3A_850] : memref<128x64xf32, #tpu.memory_space<vmem>>[vector<16xi32>, vector<16xi32>], vector<16xf32>,
      %gather3A_851 = tpu.vector_load_idx %arg20[%add3A_597, %add3A_850] : memref<128x64xf32, #tpu.memory_space<vmem>>[vector<16xi32>, vector<16xi32>], vector<16xf32>,
      %gather3A_852 = tpu.vector_load_idx %arg21[%add3A_597, %add3A_850] : memref<128x64xf32, #tpu.memory_space<vmem>>[vector<16xi32>, vector<16xi32>], vector<16xf32>,
      %gather3A_853 = tpu.vector_load_idx %arg22[%add3A_597, %add3A_850] : memref<128x64xf32, #tpu.memory_space<vmem>>[vector<16xi32>, vector<16xi32>], vector<16xf32>,
      %gather3A_854 = tpu.vector_load_idx %arg23[%add3A_597, %add3A_850] : memref<128x64xf32, #tpu.memory_space<vmem>>[vector<16xi32>, vector<16xi32>], vector<16xf32>,
      %gather3A_855 = tpu.vector_load_idx %arg24[%add3A_597, %add3A_850] : memref<128x64xf32, #tpu.memory_space<vmem>>[vector<16xi32>, vector<16xi32>], vector<16xf32>,
      %add3A_856 = arith.addf %gather3A, %gather3A_851 : vector<16xf32>
      %sub3A_857 = arith.subf %add3A_856, %gather3A_852 : vector<16xf32>
      %abs3A = math.absf %sub3A_857 : vector<16xf32>
      %add3A_858 = arith.addf %scan3A_839, %abs3A : vector<16xf32>
      %add3A_859 = arith.addf %gather3A_853, %gather3A_854 : vector<16xf32>
      %sub3A_860 = arith.subf %add3A_859, %gather3A_855 : vector<16xf32>
      %abs3A_861 = math.absf %sub3A_860 : vector<16xf32>
      %add3A_862 = arith.addf %scan3A_840, %abs3A_861 : vector<16xf32>
      %abs3A_863 = math.absf %gather3A : vector<16xf32>
      %add3A_864 = arith.addf %scan3A_841, %abs3A_863 : vector<16xf32>
      %mul3A_865 = arith.mulf %gather3A_851, %gather3A_851 : vector<16xf32>
      %add3A_866 = arith.addf %scan3A_842, %mul3A_865 : vector<16xf32>
      %abs3A_867 = math.absf %gather3A_852 : vector<16xf32>
      %add3A_868 = arith.addf %scan3A_843, %abs3A_867 : vector<16xf32>
      %abs3A_869 = math.absf %gather3A_853 : vector<16xf32>
      %add3A_870 = arith.addf %scan3A_844, %abs3A_869 : vector<16xf32>
      %mul3A_871 = arith.mulf %gather3A_854, %gather3A_854 : vector<16xf32>
      %add3A_872 = arith.addf %scan3A_845, %mul3A_871 : vector<16xf32>
      %abs3A_873 = math.absf %gather3A_855 : vector<16xf32>
      %add3A_874 = arith.addf %scan3A_846, %abs3A_873 : vector<16xf32>
      scf.yield %add3A_858, %add3A_862, %add3A_864, %add3A_866, %add3A_868, %add3A_870, %add3A_872, %add3A_874 : vector<16xf32>, vector<16xf32>, vector<16xf32>, vector<16xf32>, vector<16xf32>, vector<16xf32>, vector<16xf32>, vector<16xf32>
    }
    %scan3A_603 = arith.constant 64 : i32
    %sub3A_604 = arith.subf %scan3A_602#0, %scan3A_602#1 : vector<16xf32>
    %add3A_605 = arith.constant 2.000000e+00 : f32
    %add3A_606 = vector.broadcast %add3A_605 : f32 to vector<16xf32>
    %add3A_607 = arith.addf %sub3A_604, %add3A_606 : vector<16xf32>
    %max3A_608 = arith.constant 0.000000e+00 : f32
    %max3A_609 = vector.broadcast %max3A_608 : f32 to vector<16xf32>
    %max3A_610 = arith.maximumf %max3A_609, %add3A_607 : vector<16xf32>
    %add3A_611 = arith.addf %add3A_590, %max3A_610 : vector<16xf32>
    %swap3A_612 = arith.constant 368 : index
    %swap3A_613 = tpu.vector_load %arg25[%swap3A_612] {strides = array<i32>} : memref<512xf32, #tpu.memory_space<vmem>>, vector<16xf32>,
    tpu.vector_store %arg25[%swap3A_612], %scan3A_602#0 {strides = array<i32>} : memref<512xf32, #tpu.memory_space<vmem>>, vector<16xf32>,
    %swap3A_614 = arith.constant 368 : index
    %swap3A_615 = tpu.vector_load %arg26[%swap3A_614] {strides = array<i32>} : memref<512xf32, #tpu.memory_space<vmem>>, vector<16xf32>,
    tpu.vector_store %arg26[%swap3A_614], %scan3A_602#1 {strides = array<i32>} : memref<512xf32, #tpu.memory_space<vmem>>, vector<16xf32>,
    %add3A_616 = arith.constant 384 : i32
    %add3A_617 = arith.addi %mul3A_2, %add3A_616 : i32
    "tpu.region"() ({
      %run_scoped3A = tpu.sem_alloc : memref<!tpu.dma_semaphore, #tpu.memory_space<semaphore_mem>>
      %dma_start3A_838 = tpu.memref_slice %arg4[%add3A_617] : memref<16384xi32, #tpu.memory_space<hbm>> -> memref<128xi32, #tpu.memory_space<hbm>>
      %dma_start3A_839 = tpu.memref_slice %arg4[%add3A_617] : memref<16384xi32, #tpu.memory_space<hbm>> -> memref<128xi32, #tpu.memory_space<hbm>>
      tpu.enqueue_dma source(%dma_start3A_839 : memref<128xi32, #tpu.memory_space<hbm>>) target(%arg13 : memref<128xi32, #tpu.memory_space<vmem>>) target_semaphore(%run_scoped3A : memref<!tpu.dma_semaphore, #tpu.memory_space<semaphore_mem>>)
      %dma_wait3A_840 = tpu.memref_slice %arg4[%add3A_617] : memref<16384xi32, #tpu.memory_space<hbm>> -> memref<128xi32, #tpu.memory_space<hbm>>
      %dma_wait3A_841 = tpu.memref_slice %arg4[%add3A_617] : memref<16384xi32, #tpu.memory_space<hbm>> -> memref<128xi32, #tpu.memory_space<hbm>>
      tpu.wait_dma2 semaphore(%run_scoped3A : memref<!tpu.dma_semaphore, #tpu.memory_space<semaphore_mem>>) src(%dma_wait3A_841 : memref<128xi32, #tpu.memory_space<hbm>>) dst(%arg13 : memref<128xi32, #tpu.memory_space<vmem>>)
      tpu.yield
    }) : () -> ()
    "tpu.region"() ({
      %run_scoped3A = tpu.sem_alloc : memref<!tpu.dma_semaphore, #tpu.memory_space<semaphore_mem>>
      %dma_start3A_838 = tpu.memref_slice %arg5[%add3A_617] : memref<16384xi32, #tpu.memory_space<hbm>> -> memref<128xi32, #tpu.memory_space<hbm>>
      %dma_start3A_839 = tpu.memref_slice %arg5[%add3A_617] : memref<16384xi32, #tpu.memory_space<hbm>> -> memref<128xi32, #tpu.memory_space<hbm>>
      tpu.enqueue_dma source(%dma_start3A_839 : memref<128xi32, #tpu.memory_space<hbm>>) target(%arg14 : memref<128xi32, #tpu.memory_space<vmem>>) target_semaphore(%run_scoped3A : memref<!tpu.dma_semaphore, #tpu.memory_space<semaphore_mem>>)
      %dma_wait3A_840 = tpu.memref_slice %arg5[%add3A_617] : memref<16384xi32, #tpu.memory_space<hbm>> -> memref<128xi32, #tpu.memory_space<hbm>>
      %dma_wait3A_841 = tpu.memref_slice %arg5[%add3A_617] : memref<16384xi32, #tpu.memory_space<hbm>> -> memref<128xi32, #tpu.memory_space<hbm>>
      tpu.wait_dma2 semaphore(%run_scoped3A : memref<!tpu.dma_semaphore, #tpu.memory_space<semaphore_mem>>) src(%dma_wait3A_841 : memref<128xi32, #tpu.memory_space<hbm>>) dst(%arg14 : memref<128xi32, #tpu.memory_space<vmem>>)
      tpu.yield
    }) : () -> ()
    "tpu.region"() ({
      %run_scoped3A = tpu.sem_alloc : memref<!tpu.dma_semaphore, #tpu.memory_space<semaphore_mem>>
      %dma_start3A_838 = tpu.memref_slice %arg6[%add3A_617] : memref<16384xi32, #tpu.memory_space<hbm>> -> memref<128xi32, #tpu.memory_space<hbm>>
      %dma_start3A_839 = tpu.memref_slice %arg6[%add3A_617] : memref<16384xi32, #tpu.memory_space<hbm>> -> memref<128xi32, #tpu.memory_space<hbm>>
      tpu.enqueue_dma source(%dma_start3A_839 : memref<128xi32, #tpu.memory_space<hbm>>) target(%arg15 : memref<128xi32, #tpu.memory_space<vmem>>) target_semaphore(%run_scoped3A : memref<!tpu.dma_semaphore, #tpu.memory_space<semaphore_mem>>)
      %dma_wait3A_840 = tpu.memref_slice %arg6[%add3A_617] : memref<16384xi32, #tpu.memory_space<hbm>> -> memref<128xi32, #tpu.memory_space<hbm>>
      %dma_wait3A_841 = tpu.memref_slice %arg6[%add3A_617] : memref<16384xi32, #tpu.memory_space<hbm>> -> memref<128xi32, #tpu.memory_space<hbm>>
      tpu.wait_dma2 semaphore(%run_scoped3A : memref<!tpu.dma_semaphore, #tpu.memory_space<semaphore_mem>>) src(%dma_wait3A_841 : memref<128xi32, #tpu.memory_space<hbm>>) dst(%arg15 : memref<128xi32, #tpu.memory_space<vmem>>)
      tpu.yield
    }) : () -> ()
    "tpu.region"() ({
      %run_scoped3A = tpu.sem_alloc : memref<!tpu.dma_semaphore, #tpu.memory_space<semaphore_mem>>
      %dma_start3A_838 = tpu.memref_slice %arg7[%add3A_617] : memref<16384xi32, #tpu.memory_space<hbm>> -> memref<128xi32, #tpu.memory_space<hbm>>
      %dma_start3A_839 = tpu.memref_slice %arg7[%add3A_617] : memref<16384xi32, #tpu.memory_space<hbm>> -> memref<128xi32, #tpu.memory_space<hbm>>
      tpu.enqueue_dma source(%dma_start3A_839 : memref<128xi32, #tpu.memory_space<hbm>>) target(%arg16 : memref<128xi32, #tpu.memory_space<vmem>>) target_semaphore(%run_scoped3A : memref<!tpu.dma_semaphore, #tpu.memory_space<semaphore_mem>>)
      %dma_wait3A_840 = tpu.memref_slice %arg7[%add3A_617] : memref<16384xi32, #tpu.memory_space<hbm>> -> memref<128xi32, #tpu.memory_space<hbm>>
      %dma_wait3A_841 = tpu.memref_slice %arg7[%add3A_617] : memref<16384xi32, #tpu.memory_space<hbm>> -> memref<128xi32, #tpu.memory_space<hbm>>
      tpu.wait_dma2 semaphore(%run_scoped3A : memref<!tpu.dma_semaphore, #tpu.memory_space<semaphore_mem>>) src(%dma_wait3A_841 : memref<128xi32, #tpu.memory_space<hbm>>) dst(%arg16 : memref<128xi32, #tpu.memory_space<vmem>>)
      tpu.yield
    }) : () -> ()
    "tpu.region"() ({
      %run_scoped3A = tpu.sem_alloc : memref<!tpu.dma_semaphore, #tpu.memory_space<semaphore_mem>>
      %dma_start3A_838 = tpu.memref_slice %arg8[%add3A_617] : memref<16384xi32, #tpu.memory_space<hbm>> -> memref<128xi32, #tpu.memory_space<hbm>>
      %dma_start3A_839 = tpu.memref_slice %arg8[%add3A_617] : memref<16384xi32, #tpu.memory_space<hbm>> -> memref<128xi32, #tpu.memory_space<hbm>>
      tpu.enqueue_dma source(%dma_start3A_839 : memref<128xi32, #tpu.memory_space<hbm>>) target(%arg17 : memref<128xi32, #tpu.memory_space<vmem>>) target_semaphore(%run_scoped3A : memref<!tpu.dma_semaphore, #tpu.memory_space<semaphore_mem>>)
      %dma_wait3A_840 = tpu.memref_slice %arg8[%add3A_617] : memref<16384xi32, #tpu.memory_space<hbm>> -> memref<128xi32, #tpu.memory_space<hbm>>
      %dma_wait3A_841 = tpu.memref_slice %arg8[%add3A_617] : memref<16384xi32, #tpu.memory_space<hbm>> -> memref<128xi32, #tpu.memory_space<hbm>>
      tpu.wait_dma2 semaphore(%run_scoped3A : memref<!tpu.dma_semaphore, #tpu.memory_space<semaphore_mem>>) src(%dma_wait3A_841 : memref<128xi32, #tpu.memory_space<hbm>>) dst(%arg17 : memref<128xi32, #tpu.memory_space<vmem>>)
      tpu.yield
    }) : () -> ()
    "tpu.region"() ({
      %run_scoped3A = tpu.sem_alloc : memref<!tpu.dma_semaphore, #tpu.memory_space<semaphore_mem>>
      %dma_start3A_838 = tpu.memref_slice %arg9[%add3A_617] : memref<16384xi32, #tpu.memory_space<hbm>> -> memref<128xi32, #tpu.memory_space<hbm>>
      %dma_start3A_839 = tpu.memref_slice %arg9[%add3A_617] : memref<16384xi32, #tpu.memory_space<hbm>> -> memref<128xi32, #tpu.memory_space<hbm>>
      tpu.enqueue_dma source(%dma_start3A_839 : memref<128xi32, #tpu.memory_space<hbm>>) target(%arg18 : memref<128xi32, #tpu.memory_space<vmem>>) target_semaphore(%run_scoped3A : memref<!tpu.dma_semaphore, #tpu.memory_space<semaphore_mem>>)
      %dma_wait3A_840 = tpu.memref_slice %arg9[%add3A_617] : memref<16384xi32, #tpu.memory_space<hbm>> -> memref<128xi32, #tpu.memory_space<hbm>>
      %dma_wait3A_841 = tpu.memref_slice %arg9[%add3A_617] : memref<16384xi32, #tpu.memory_space<hbm>> -> memref<128xi32, #tpu.memory_space<hbm>>
      tpu.wait_dma2 semaphore(%run_scoped3A : memref<!tpu.dma_semaphore, #tpu.memory_space<semaphore_mem>>) src(%dma_wait3A_841 : memref<128xi32, #tpu.memory_space<hbm>>) dst(%arg18 : memref<128xi32, #tpu.memory_space<vmem>>)
      tpu.yield
    }) : () -> ()
    %dma_start3A_618 = arith.constant 0 : i32
    %dma_start3A_619 = arith.constant 0 : i32
    %dma_start3A_620 = tpu.memref_slice %arg2[%dma_start3A_618, %dma_start3A_619] : memref<1000000x64xf32, #tpu.memory_space<hbm>> -> memref<1000000x64xf32, #tpu.memory_space<hbm>>
    tpu.enqueue_indirect_dma source(%dma_start3A_620 : memref<1000000x64xf32, #tpu.memory_space<hbm>>) target(%arg19 : memref<128x64xf32, #tpu.memory_space<vmem>>) offsets(%arg13 : memref<128xi32, #tpu.memory_space<vmem>>) semaphore(%arg28 : memref<!tpu.dma_semaphore, #tpu.memory_space<semaphore_mem>>)
    %dma_start3A_621 = arith.constant 0 : i32
    %dma_start3A_622 = arith.constant 0 : i32
    %dma_start3A_623 = tpu.memref_slice %arg3[%dma_start3A_621, %dma_start3A_622] : memref<1000x64xf32, #tpu.memory_space<hbm>> -> memref<1000x64xf32, #tpu.memory_space<hbm>>
    tpu.enqueue_indirect_dma source(%dma_start3A_623 : memref<1000x64xf32, #tpu.memory_space<hbm>>) target(%arg20 : memref<128x64xf32, #tpu.memory_space<vmem>>) offsets(%arg14 : memref<128xi32, #tpu.memory_space<vmem>>) semaphore(%arg28 : memref<!tpu.dma_semaphore, #tpu.memory_space<semaphore_mem>>)
    %dma_start3A_624 = arith.constant 0 : i32
    %dma_start3A_625 = arith.constant 0 : i32
    %dma_start3A_626 = tpu.memref_slice %arg2[%dma_start3A_624, %dma_start3A_625] : memref<1000000x64xf32, #tpu.memory_space<hbm>> -> memref<1000000x64xf32, #tpu.memory_space<hbm>>
    tpu.enqueue_indirect_dma source(%dma_start3A_626 : memref<1000000x64xf32, #tpu.memory_space<hbm>>) target(%arg21 : memref<128x64xf32, #tpu.memory_space<vmem>>) offsets(%arg15 : memref<128xi32, #tpu.memory_space<vmem>>) semaphore(%arg28 : memref<!tpu.dma_semaphore, #tpu.memory_space<semaphore_mem>>)
    %dma_start3A_627 = arith.constant 0 : i32
    %dma_start3A_628 = arith.constant 0 : i32
    %dma_start3A_629 = tpu.memref_slice %arg2[%dma_start3A_627, %dma_start3A_628] : memref<1000000x64xf32, #tpu.memory_space<hbm>> -> memref<1000000x64xf32, #tpu.memory_space<hbm>>
    tpu.enqueue_indirect_dma source(%dma_start3A_629 : memref<1000000x64xf32, #tpu.memory_space<hbm>>) target(%arg22 : memref<128x64xf32, #tpu.memory_space<vmem>>) offsets(%arg16 : memref<128xi32, #tpu.memory_space<vmem>>) semaphore(%arg28 : memref<!tpu.dma_semaphore, #tpu.memory_space<semaphore_mem>>)
    %dma_start3A_630 = arith.constant 0 : i32
    %dma_start3A_631 = arith.constant 0 : i32
    %dma_start3A_632 = tpu.memref_slice %arg3[%dma_start3A_630, %dma_start3A_631] : memref<1000x64xf32, #tpu.memory_space<hbm>> -> memref<1000x64xf32, #tpu.memory_space<hbm>>
    tpu.enqueue_indirect_dma source(%dma_start3A_632 : memref<1000x64xf32, #tpu.memory_space<hbm>>) target(%arg23 : memref<128x64xf32, #tpu.memory_space<vmem>>) offsets(%arg17 : memref<128xi32, #tpu.memory_space<vmem>>) semaphore(%arg28 : memref<!tpu.dma_semaphore, #tpu.memory_space<semaphore_mem>>)
    %dma_start3A_633 = arith.constant 0 : i32
    %dma_start3A_634 = arith.constant 0 : i32
    %dma_start3A_635 = tpu.memref_slice %arg2[%dma_start3A_633, %dma_start3A_634] : memref<1000000x64xf32, #tpu.memory_space<hbm>> -> memref<1000000x64xf32, #tpu.memory_space<hbm>>
    tpu.enqueue_indirect_dma source(%dma_start3A_635 : memref<1000000x64xf32, #tpu.memory_space<hbm>>) target(%arg24 : memref<128x64xf32, #tpu.memory_space<vmem>>) offsets(%arg18 : memref<128xi32, #tpu.memory_space<vmem>>) semaphore(%arg28 : memref<!tpu.dma_semaphore, #tpu.memory_space<semaphore_mem>>)
    %dma_wait3A_636 = arith.constant 0 : i32
    %dma_wait3A_637 = arith.constant 0 : i32
    %dma_wait3A_638 = tpu.memref_slice %arg2[%dma_wait3A_636, %dma_wait3A_637] : memref<1000000x64xf32, #tpu.memory_space<hbm>> -> memref<1000000x64xf32, #tpu.memory_space<hbm>>
    tpu.wait_indirect_dma semaphore(%arg28 : memref<!tpu.dma_semaphore, #tpu.memory_space<semaphore_mem>>) src(%dma_wait3A_638 : memref<1000000x64xf32, #tpu.memory_space<hbm>>) dst(%arg19 : memref<128x64xf32, #tpu.memory_space<vmem>>)
    %dma_wait3A_639 = arith.constant 0 : i32
    %dma_wait3A_640 = arith.constant 0 : i32
    %dma_wait3A_641 = tpu.memref_slice %arg3[%dma_wait3A_639, %dma_wait3A_640] : memref<1000x64xf32, #tpu.memory_space<hbm>> -> memref<1000x64xf32, #tpu.memory_space<hbm>>
    tpu.wait_indirect_dma semaphore(%arg28 : memref<!tpu.dma_semaphore, #tpu.memory_space<semaphore_mem>>) src(%dma_wait3A_641 : memref<1000x64xf32, #tpu.memory_space<hbm>>) dst(%arg20 : memref<128x64xf32, #tpu.memory_space<vmem>>)
    %dma_wait3A_642 = arith.constant 0 : i32
    %dma_wait3A_643 = arith.constant 0 : i32
    %dma_wait3A_644 = tpu.memref_slice %arg2[%dma_wait3A_642, %dma_wait3A_643] : memref<1000000x64xf32, #tpu.memory_space<hbm>> -> memref<1000000x64xf32, #tpu.memory_space<hbm>>
    tpu.wait_indirect_dma semaphore(%arg28 : memref<!tpu.dma_semaphore, #tpu.memory_space<semaphore_mem>>) src(%dma_wait3A_644 : memref<1000000x64xf32, #tpu.memory_space<hbm>>) dst(%arg21 : memref<128x64xf32, #tpu.memory_space<vmem>>)
    %dma_wait3A_645 = arith.constant 0 : i32
    %dma_wait3A_646 = arith.constant 0 : i32
    %dma_wait3A_647 = tpu.memref_slice %arg2[%dma_wait3A_645, %dma_wait3A_646] : memref<1000000x64xf32, #tpu.memory_space<hbm>> -> memref<1000000x64xf32, #tpu.memory_space<hbm>>
    tpu.wait_indirect_dma semaphore(%arg28 : memref<!tpu.dma_semaphore, #tpu.memory_space<semaphore_mem>>) src(%dma_wait3A_647 : memref<1000000x64xf32, #tpu.memory_space<hbm>>) dst(%arg22 : memref<128x64xf32, #tpu.memory_space<vmem>>)
    %dma_wait3A_648 = arith.constant 0 : i32
    %dma_wait3A_649 = arith.constant 0 : i32
    %dma_wait3A_650 = tpu.memref_slice %arg3[%dma_wait3A_648, %dma_wait3A_649] : memref<1000x64xf32, #tpu.memory_space<hbm>> -> memref<1000x64xf32, #tpu.memory_space<hbm>>
    tpu.wait_indirect_dma semaphore(%arg28 : memref<!tpu.dma_semaphore, #tpu.memory_space<semaphore_mem>>) src(%dma_wait3A_650 : memref<1000x64xf32, #tpu.memory_space<hbm>>) dst(%arg23 : memref<128x64xf32, #tpu.memory_space<vmem>>)
    %dma_wait3A_651 = arith.constant 0 : i32
    %dma_wait3A_652 = arith.constant 0 : i32
    %dma_wait3A_653 = tpu.memref_slice %arg2[%dma_wait3A_651, %dma_wait3A_652] : memref<1000000x64xf32, #tpu.memory_space<hbm>> -> memref<1000000x64xf32, #tpu.memory_space<hbm>>
    tpu.wait_indirect_dma semaphore(%arg28 : memref<!tpu.dma_semaphore, #tpu.memory_space<semaphore_mem>>) src(%dma_wait3A_653 : memref<1000000x64xf32, #tpu.memory_space<hbm>>) dst(%arg24 : memref<128x64xf32, #tpu.memory_space<vmem>>)
    %add3A_654 = arith.constant 0 : i32
    %add3A_655 = vector.broadcast %add3A_654 : i32 to vector<16xi32>
    %add3A_656 = arith.addi %iota3A, %add3A_655 : vector<16xi32>
    %scan3A_657 = arith.constant 0 : i32
    %scan3A_658 = arith.constant 64 : i32
    %scan3A_659 = arith.addi %scan3A_657, %scan3A_658 : i32
    %scan3A_660 = arith.constant 1 : i32
    %scan3A_661:8 = scf.for %scan3A_838 = %scan3A_657 to %scan3A_659 step %scan3A_660 iter_args(%scan3A_839 = %broadcast_in_dim3A_3, %scan3A_840 = %broadcast_in_dim3A_3, %scan3A_841 = %scan3A_602#2, %scan3A_842 = %scan3A_602#3, %scan3A_843 = %scan3A_602#4, %scan3A_844 = %scan3A_602#5, %scan3A_845 = %scan3A_602#6, %scan3A_846 = %scan3A_602#7) -> (vector<16xf32>, vector<16xf32>, vector<16xf32>, vector<16xf32>, vector<16xf32>, vector<16xf32>, vector<16xf32>, vector<16xf32>)  : i32 {
      %broadcast_in_dim3A_847 = arith.constant 0 : i32
      %broadcast_in_dim3A_848 = vector.broadcast %broadcast_in_dim3A_847 : i32 to vector<16xi32>
      %add3A_849 = vector.broadcast %scan3A_838 : i32 to vector<16xi32>
      %add3A_850 = arith.addi %broadcast_in_dim3A_848, %add3A_849 : vector<16xi32>
      %gather3A = tpu.vector_load_idx %arg19[%add3A_656, %add3A_850] : memref<128x64xf32, #tpu.memory_space<vmem>>[vector<16xi32>, vector<16xi32>], vector<16xf32>,
      %gather3A_851 = tpu.vector_load_idx %arg20[%add3A_656, %add3A_850] : memref<128x64xf32, #tpu.memory_space<vmem>>[vector<16xi32>, vector<16xi32>], vector<16xf32>,
      %gather3A_852 = tpu.vector_load_idx %arg21[%add3A_656, %add3A_850] : memref<128x64xf32, #tpu.memory_space<vmem>>[vector<16xi32>, vector<16xi32>], vector<16xf32>,
      %gather3A_853 = tpu.vector_load_idx %arg22[%add3A_656, %add3A_850] : memref<128x64xf32, #tpu.memory_space<vmem>>[vector<16xi32>, vector<16xi32>], vector<16xf32>,
      %gather3A_854 = tpu.vector_load_idx %arg23[%add3A_656, %add3A_850] : memref<128x64xf32, #tpu.memory_space<vmem>>[vector<16xi32>, vector<16xi32>], vector<16xf32>,
      %gather3A_855 = tpu.vector_load_idx %arg24[%add3A_656, %add3A_850] : memref<128x64xf32, #tpu.memory_space<vmem>>[vector<16xi32>, vector<16xi32>], vector<16xf32>,
      %add3A_856 = arith.addf %gather3A, %gather3A_851 : vector<16xf32>
      %sub3A_857 = arith.subf %add3A_856, %gather3A_852 : vector<16xf32>
      %abs3A = math.absf %sub3A_857 : vector<16xf32>
      %add3A_858 = arith.addf %scan3A_839, %abs3A : vector<16xf32>
      %add3A_859 = arith.addf %gather3A_853, %gather3A_854 : vector<16xf32>
      %sub3A_860 = arith.subf %add3A_859, %gather3A_855 : vector<16xf32>
      %abs3A_861 = math.absf %sub3A_860 : vector<16xf32>
      %add3A_862 = arith.addf %scan3A_840, %abs3A_861 : vector<16xf32>
      %abs3A_863 = math.absf %gather3A : vector<16xf32>
      %add3A_864 = arith.addf %scan3A_841, %abs3A_863 : vector<16xf32>
      %mul3A_865 = arith.mulf %gather3A_851, %gather3A_851 : vector<16xf32>
      %add3A_866 = arith.addf %scan3A_842, %mul3A_865 : vector<16xf32>
      %abs3A_867 = math.absf %gather3A_852 : vector<16xf32>
      %add3A_868 = arith.addf %scan3A_843, %abs3A_867 : vector<16xf32>
      %abs3A_869 = math.absf %gather3A_853 : vector<16xf32>
      %add3A_870 = arith.addf %scan3A_844, %abs3A_869 : vector<16xf32>
      %mul3A_871 = arith.mulf %gather3A_854, %gather3A_854 : vector<16xf32>
      %add3A_872 = arith.addf %scan3A_845, %mul3A_871 : vector<16xf32>
      %abs3A_873 = math.absf %gather3A_855 : vector<16xf32>
      %add3A_874 = arith.addf %scan3A_846, %abs3A_873 : vector<16xf32>
      scf.yield %add3A_858, %add3A_862, %add3A_864, %add3A_866, %add3A_868, %add3A_870, %add3A_872, %add3A_874 : vector<16xf32>, vector<16xf32>, vector<16xf32>, vector<16xf32>, vector<16xf32>, vector<16xf32>, vector<16xf32>, vector<16xf32>
    }
    %scan3A_662 = arith.constant 64 : i32
    %sub3A_663 = arith.subf %scan3A_661#0, %scan3A_661#1 : vector<16xf32>
    %add3A_664 = arith.constant 2.000000e+00 : f32
    %add3A_665 = vector.broadcast %add3A_664 : f32 to vector<16xf32>
    %add3A_666 = arith.addf %sub3A_663, %add3A_665 : vector<16xf32>
    %max3A_667 = arith.constant 0.000000e+00 : f32
    %max3A_668 = vector.broadcast %max3A_667 : f32 to vector<16xf32>
    %max3A_669 = arith.maximumf %max3A_668, %add3A_666 : vector<16xf32>
    %add3A_670 = arith.addf %add3A_611, %max3A_669 : vector<16xf32>
    %swap3A_671 = arith.constant 384 : index
    %swap3A_672 = tpu.vector_load %arg25[%swap3A_671] {strides = array<i32>} : memref<512xf32, #tpu.memory_space<vmem>>, vector<16xf32>,
    tpu.vector_store %arg25[%swap3A_671], %scan3A_661#0 {strides = array<i32>} : memref<512xf32, #tpu.memory_space<vmem>>, vector<16xf32>,
    %swap3A_673 = arith.constant 384 : index
    %swap3A_674 = tpu.vector_load %arg26[%swap3A_673] {strides = array<i32>} : memref<512xf32, #tpu.memory_space<vmem>>, vector<16xf32>,
    tpu.vector_store %arg26[%swap3A_673], %scan3A_661#1 {strides = array<i32>} : memref<512xf32, #tpu.memory_space<vmem>>, vector<16xf32>,
    %add3A_675 = arith.constant 16 : i32
    %add3A_676 = vector.broadcast %add3A_675 : i32 to vector<16xi32>
    %add3A_677 = arith.addi %iota3A, %add3A_676 : vector<16xi32>
    %scan3A_678 = arith.constant 0 : i32
    %scan3A_679 = arith.constant 64 : i32
    %scan3A_680 = arith.addi %scan3A_678, %scan3A_679 : i32
    %scan3A_681 = arith.constant 1 : i32
    %scan3A_682:8 = scf.for %scan3A_838 = %scan3A_678 to %scan3A_680 step %scan3A_681 iter_args(%scan3A_839 = %broadcast_in_dim3A_3, %scan3A_840 = %broadcast_in_dim3A_3, %scan3A_841 = %scan3A_661#2, %scan3A_842 = %scan3A_661#3, %scan3A_843 = %scan3A_661#4, %scan3A_844 = %scan3A_661#5, %scan3A_845 = %scan3A_661#6, %scan3A_846 = %scan3A_661#7) -> (vector<16xf32>, vector<16xf32>, vector<16xf32>, vector<16xf32>, vector<16xf32>, vector<16xf32>, vector<16xf32>, vector<16xf32>)  : i32 {
      %broadcast_in_dim3A_847 = arith.constant 0 : i32
      %broadcast_in_dim3A_848 = vector.broadcast %broadcast_in_dim3A_847 : i32 to vector<16xi32>
      %add3A_849 = vector.broadcast %scan3A_838 : i32 to vector<16xi32>
      %add3A_850 = arith.addi %broadcast_in_dim3A_848, %add3A_849 : vector<16xi32>
      %gather3A = tpu.vector_load_idx %arg19[%add3A_677, %add3A_850] : memref<128x64xf32, #tpu.memory_space<vmem>>[vector<16xi32>, vector<16xi32>], vector<16xf32>,
      %gather3A_851 = tpu.vector_load_idx %arg20[%add3A_677, %add3A_850] : memref<128x64xf32, #tpu.memory_space<vmem>>[vector<16xi32>, vector<16xi32>], vector<16xf32>,
      %gather3A_852 = tpu.vector_load_idx %arg21[%add3A_677, %add3A_850] : memref<128x64xf32, #tpu.memory_space<vmem>>[vector<16xi32>, vector<16xi32>], vector<16xf32>,
      %gather3A_853 = tpu.vector_load_idx %arg22[%add3A_677, %add3A_850] : memref<128x64xf32, #tpu.memory_space<vmem>>[vector<16xi32>, vector<16xi32>], vector<16xf32>,
      %gather3A_854 = tpu.vector_load_idx %arg23[%add3A_677, %add3A_850] : memref<128x64xf32, #tpu.memory_space<vmem>>[vector<16xi32>, vector<16xi32>], vector<16xf32>,
      %gather3A_855 = tpu.vector_load_idx %arg24[%add3A_677, %add3A_850] : memref<128x64xf32, #tpu.memory_space<vmem>>[vector<16xi32>, vector<16xi32>], vector<16xf32>,
      %add3A_856 = arith.addf %gather3A, %gather3A_851 : vector<16xf32>
      %sub3A_857 = arith.subf %add3A_856, %gather3A_852 : vector<16xf32>
      %abs3A = math.absf %sub3A_857 : vector<16xf32>
      %add3A_858 = arith.addf %scan3A_839, %abs3A : vector<16xf32>
      %add3A_859 = arith.addf %gather3A_853, %gather3A_854 : vector<16xf32>
      %sub3A_860 = arith.subf %add3A_859, %gather3A_855 : vector<16xf32>
      %abs3A_861 = math.absf %sub3A_860 : vector<16xf32>
      %add3A_862 = arith.addf %scan3A_840, %abs3A_861 : vector<16xf32>
      %abs3A_863 = math.absf %gather3A : vector<16xf32>
      %add3A_864 = arith.addf %scan3A_841, %abs3A_863 : vector<16xf32>
      %mul3A_865 = arith.mulf %gather3A_851, %gather3A_851 : vector<16xf32>
      %add3A_866 = arith.addf %scan3A_842, %mul3A_865 : vector<16xf32>
      %abs3A_867 = math.absf %gather3A_852 : vector<16xf32>
      %add3A_868 = arith.addf %scan3A_843, %abs3A_867 : vector<16xf32>
      %abs3A_869 = math.absf %gather3A_853 : vector<16xf32>
      %add3A_870 = arith.addf %scan3A_844, %abs3A_869 : vector<16xf32>
      %mul3A_871 = arith.mulf %gather3A_854, %gather3A_854 : vector<16xf32>
      %add3A_872 = arith.addf %scan3A_845, %mul3A_871 : vector<16xf32>
      %abs3A_873 = math.absf %gather3A_855 : vector<16xf32>
      %add3A_874 = arith.addf %scan3A_846, %abs3A_873 : vector<16xf32>
      scf.yield %add3A_858, %add3A_862, %add3A_864, %add3A_866, %add3A_868, %add3A_870, %add3A_872, %add3A_874 : vector<16xf32>, vector<16xf32>, vector<16xf32>, vector<16xf32>, vector<16xf32>, vector<16xf32>, vector<16xf32>, vector<16xf32>
    }
    %scan3A_683 = arith.constant 64 : i32
    %sub3A_684 = arith.subf %scan3A_682#0, %scan3A_682#1 : vector<16xf32>
    %add3A_685 = arith.constant 2.000000e+00 : f32
    %add3A_686 = vector.broadcast %add3A_685 : f32 to vector<16xf32>
    %add3A_687 = arith.addf %sub3A_684, %add3A_686 : vector<16xf32>
    %max3A_688 = arith.constant 0.000000e+00 : f32
    %max3A_689 = vector.broadcast %max3A_688 : f32 to vector<16xf32>
    %max3A_690 = arith.maximumf %max3A_689, %add3A_687 : vector<16xf32>
    %add3A_691 = arith.addf %add3A_670, %max3A_690 : vector<16xf32>
    %swap3A_692 = arith.constant 400 : index
    %swap3A_693 = tpu.vector_load %arg25[%swap3A_692] {strides = array<i32>} : memref<512xf32, #tpu.memory_space<vmem>>, vector<16xf32>,
    tpu.vector_store %arg25[%swap3A_692], %scan3A_682#0 {strides = array<i32>} : memref<512xf32, #tpu.memory_space<vmem>>, vector<16xf32>,
    %swap3A_694 = arith.constant 400 : index
    %swap3A_695 = tpu.vector_load %arg26[%swap3A_694] {strides = array<i32>} : memref<512xf32, #tpu.memory_space<vmem>>, vector<16xf32>,
    tpu.vector_store %arg26[%swap3A_694], %scan3A_682#1 {strides = array<i32>} : memref<512xf32, #tpu.memory_space<vmem>>, vector<16xf32>,
    %add3A_696 = arith.constant 32 : i32
    %add3A_697 = vector.broadcast %add3A_696 : i32 to vector<16xi32>
    %add3A_698 = arith.addi %iota3A, %add3A_697 : vector<16xi32>
    %scan3A_699 = arith.constant 0 : i32
    %scan3A_700 = arith.constant 64 : i32
    %scan3A_701 = arith.addi %scan3A_699, %scan3A_700 : i32
    %scan3A_702 = arith.constant 1 : i32
    %scan3A_703:8 = scf.for %scan3A_838 = %scan3A_699 to %scan3A_701 step %scan3A_702 iter_args(%scan3A_839 = %broadcast_in_dim3A_3, %scan3A_840 = %broadcast_in_dim3A_3, %scan3A_841 = %scan3A_682#2, %scan3A_842 = %scan3A_682#3, %scan3A_843 = %scan3A_682#4, %scan3A_844 = %scan3A_682#5, %scan3A_845 = %scan3A_682#6, %scan3A_846 = %scan3A_682#7) -> (vector<16xf32>, vector<16xf32>, vector<16xf32>, vector<16xf32>, vector<16xf32>, vector<16xf32>, vector<16xf32>, vector<16xf32>)  : i32 {
      %broadcast_in_dim3A_847 = arith.constant 0 : i32
      %broadcast_in_dim3A_848 = vector.broadcast %broadcast_in_dim3A_847 : i32 to vector<16xi32>
      %add3A_849 = vector.broadcast %scan3A_838 : i32 to vector<16xi32>
      %add3A_850 = arith.addi %broadcast_in_dim3A_848, %add3A_849 : vector<16xi32>
      %gather3A = tpu.vector_load_idx %arg19[%add3A_698, %add3A_850] : memref<128x64xf32, #tpu.memory_space<vmem>>[vector<16xi32>, vector<16xi32>], vector<16xf32>,
      %gather3A_851 = tpu.vector_load_idx %arg20[%add3A_698, %add3A_850] : memref<128x64xf32, #tpu.memory_space<vmem>>[vector<16xi32>, vector<16xi32>], vector<16xf32>,
      %gather3A_852 = tpu.vector_load_idx %arg21[%add3A_698, %add3A_850] : memref<128x64xf32, #tpu.memory_space<vmem>>[vector<16xi32>, vector<16xi32>], vector<16xf32>,
      %gather3A_853 = tpu.vector_load_idx %arg22[%add3A_698, %add3A_850] : memref<128x64xf32, #tpu.memory_space<vmem>>[vector<16xi32>, vector<16xi32>], vector<16xf32>,
      %gather3A_854 = tpu.vector_load_idx %arg23[%add3A_698, %add3A_850] : memref<128x64xf32, #tpu.memory_space<vmem>>[vector<16xi32>, vector<16xi32>], vector<16xf32>,
      %gather3A_855 = tpu.vector_load_idx %arg24[%add3A_698, %add3A_850] : memref<128x64xf32, #tpu.memory_space<vmem>>[vector<16xi32>, vector<16xi32>], vector<16xf32>,
      %add3A_856 = arith.addf %gather3A, %gather3A_851 : vector<16xf32>
      %sub3A_857 = arith.subf %add3A_856, %gather3A_852 : vector<16xf32>
      %abs3A = math.absf %sub3A_857 : vector<16xf32>
      %add3A_858 = arith.addf %scan3A_839, %abs3A : vector<16xf32>
      %add3A_859 = arith.addf %gather3A_853, %gather3A_854 : vector<16xf32>
      %sub3A_860 = arith.subf %add3A_859, %gather3A_855 : vector<16xf32>
      %abs3A_861 = math.absf %sub3A_860 : vector<16xf32>
      %add3A_862 = arith.addf %scan3A_840, %abs3A_861 : vector<16xf32>
      %abs3A_863 = math.absf %gather3A : vector<16xf32>
      %add3A_864 = arith.addf %scan3A_841, %abs3A_863 : vector<16xf32>
      %mul3A_865 = arith.mulf %gather3A_851, %gather3A_851 : vector<16xf32>
      %add3A_866 = arith.addf %scan3A_842, %mul3A_865 : vector<16xf32>
      %abs3A_867 = math.absf %gather3A_852 : vector<16xf32>
      %add3A_868 = arith.addf %scan3A_843, %abs3A_867 : vector<16xf32>
      %abs3A_869 = math.absf %gather3A_853 : vector<16xf32>
      %add3A_870 = arith.addf %scan3A_844, %abs3A_869 : vector<16xf32>
      %mul3A_871 = arith.mulf %gather3A_854, %gather3A_854 : vector<16xf32>
      %add3A_872 = arith.addf %scan3A_845, %mul3A_871 : vector<16xf32>
      %abs3A_873 = math.absf %gather3A_855 : vector<16xf32>
      %add3A_874 = arith.addf %scan3A_846, %abs3A_873 : vector<16xf32>
      scf.yield %add3A_858, %add3A_862, %add3A_864, %add3A_866, %add3A_868, %add3A_870, %add3A_872, %add3A_874 : vector<16xf32>, vector<16xf32>, vector<16xf32>, vector<16xf32>, vector<16xf32>, vector<16xf32>, vector<16xf32>, vector<16xf32>
    }
    %scan3A_704 = arith.constant 64 : i32
    %sub3A_705 = arith.subf %scan3A_703#0, %scan3A_703#1 : vector<16xf32>
    %add3A_706 = arith.constant 2.000000e+00 : f32
    %add3A_707 = vector.broadcast %add3A_706 : f32 to vector<16xf32>
    %add3A_708 = arith.addf %sub3A_705, %add3A_707 : vector<16xf32>
    %max3A_709 = arith.constant 0.000000e+00 : f32
    %max3A_710 = vector.broadcast %max3A_709 : f32 to vector<16xf32>
    %max3A_711 = arith.maximumf %max3A_710, %add3A_708 : vector<16xf32>
    %add3A_712 = arith.addf %add3A_691, %max3A_711 : vector<16xf32>
    %swap3A_713 = arith.constant 416 : index
    %swap3A_714 = tpu.vector_load %arg25[%swap3A_713] {strides = array<i32>} : memref<512xf32, #tpu.memory_space<vmem>>, vector<16xf32>,
    tpu.vector_store %arg25[%swap3A_713], %scan3A_703#0 {strides = array<i32>} : memref<512xf32, #tpu.memory_space<vmem>>, vector<16xf32>,
    %swap3A_715 = arith.constant 416 : index
    %swap3A_716 = tpu.vector_load %arg26[%swap3A_715] {strides = array<i32>} : memref<512xf32, #tpu.memory_space<vmem>>, vector<16xf32>,
    tpu.vector_store %arg26[%swap3A_715], %scan3A_703#1 {strides = array<i32>} : memref<512xf32, #tpu.memory_space<vmem>>, vector<16xf32>,
    %add3A_717 = arith.constant 48 : i32
    %add3A_718 = vector.broadcast %add3A_717 : i32 to vector<16xi32>
    %add3A_719 = arith.addi %iota3A, %add3A_718 : vector<16xi32>
    %scan3A_720 = arith.constant 0 : i32
    %scan3A_721 = arith.constant 64 : i32
    %scan3A_722 = arith.addi %scan3A_720, %scan3A_721 : i32
    %scan3A_723 = arith.constant 1 : i32
    %scan3A_724:8 = scf.for %scan3A_838 = %scan3A_720 to %scan3A_722 step %scan3A_723 iter_args(%scan3A_839 = %broadcast_in_dim3A_3, %scan3A_840 = %broadcast_in_dim3A_3, %scan3A_841 = %scan3A_703#2, %scan3A_842 = %scan3A_703#3, %scan3A_843 = %scan3A_703#4, %scan3A_844 = %scan3A_703#5, %scan3A_845 = %scan3A_703#6, %scan3A_846 = %scan3A_703#7) -> (vector<16xf32>, vector<16xf32>, vector<16xf32>, vector<16xf32>, vector<16xf32>, vector<16xf32>, vector<16xf32>, vector<16xf32>)  : i32 {
      %broadcast_in_dim3A_847 = arith.constant 0 : i32
      %broadcast_in_dim3A_848 = vector.broadcast %broadcast_in_dim3A_847 : i32 to vector<16xi32>
      %add3A_849 = vector.broadcast %scan3A_838 : i32 to vector<16xi32>
      %add3A_850 = arith.addi %broadcast_in_dim3A_848, %add3A_849 : vector<16xi32>
      %gather3A = tpu.vector_load_idx %arg19[%add3A_719, %add3A_850] : memref<128x64xf32, #tpu.memory_space<vmem>>[vector<16xi32>, vector<16xi32>], vector<16xf32>,
      %gather3A_851 = tpu.vector_load_idx %arg20[%add3A_719, %add3A_850] : memref<128x64xf32, #tpu.memory_space<vmem>>[vector<16xi32>, vector<16xi32>], vector<16xf32>,
      %gather3A_852 = tpu.vector_load_idx %arg21[%add3A_719, %add3A_850] : memref<128x64xf32, #tpu.memory_space<vmem>>[vector<16xi32>, vector<16xi32>], vector<16xf32>,
      %gather3A_853 = tpu.vector_load_idx %arg22[%add3A_719, %add3A_850] : memref<128x64xf32, #tpu.memory_space<vmem>>[vector<16xi32>, vector<16xi32>], vector<16xf32>,
      %gather3A_854 = tpu.vector_load_idx %arg23[%add3A_719, %add3A_850] : memref<128x64xf32, #tpu.memory_space<vmem>>[vector<16xi32>, vector<16xi32>], vector<16xf32>,
      %gather3A_855 = tpu.vector_load_idx %arg24[%add3A_719, %add3A_850] : memref<128x64xf32, #tpu.memory_space<vmem>>[vector<16xi32>, vector<16xi32>], vector<16xf32>,
      %add3A_856 = arith.addf %gather3A, %gather3A_851 : vector<16xf32>
      %sub3A_857 = arith.subf %add3A_856, %gather3A_852 : vector<16xf32>
      %abs3A = math.absf %sub3A_857 : vector<16xf32>
      %add3A_858 = arith.addf %scan3A_839, %abs3A : vector<16xf32>
      %add3A_859 = arith.addf %gather3A_853, %gather3A_854 : vector<16xf32>
      %sub3A_860 = arith.subf %add3A_859, %gather3A_855 : vector<16xf32>
      %abs3A_861 = math.absf %sub3A_860 : vector<16xf32>
      %add3A_862 = arith.addf %scan3A_840, %abs3A_861 : vector<16xf32>
      %abs3A_863 = math.absf %gather3A : vector<16xf32>
      %add3A_864 = arith.addf %scan3A_841, %abs3A_863 : vector<16xf32>
      %mul3A_865 = arith.mulf %gather3A_851, %gather3A_851 : vector<16xf32>
      %add3A_866 = arith.addf %scan3A_842, %mul3A_865 : vector<16xf32>
      %abs3A_867 = math.absf %gather3A_852 : vector<16xf32>
      %add3A_868 = arith.addf %scan3A_843, %abs3A_867 : vector<16xf32>
      %abs3A_869 = math.absf %gather3A_853 : vector<16xf32>
      %add3A_870 = arith.addf %scan3A_844, %abs3A_869 : vector<16xf32>
      %mul3A_871 = arith.mulf %gather3A_854, %gather3A_854 : vector<16xf32>
      %add3A_872 = arith.addf %scan3A_845, %mul3A_871 : vector<16xf32>
      %abs3A_873 = math.absf %gather3A_855 : vector<16xf32>
      %add3A_874 = arith.addf %scan3A_846, %abs3A_873 : vector<16xf32>
      scf.yield %add3A_858, %add3A_862, %add3A_864, %add3A_866, %add3A_868, %add3A_870, %add3A_872, %add3A_874 : vector<16xf32>, vector<16xf32>, vector<16xf32>, vector<16xf32>, vector<16xf32>, vector<16xf32>, vector<16xf32>, vector<16xf32>
    }
    %scan3A_725 = arith.constant 64 : i32
    %sub3A_726 = arith.subf %scan3A_724#0, %scan3A_724#1 : vector<16xf32>
    %add3A_727 = arith.constant 2.000000e+00 : f32
    %add3A_728 = vector.broadcast %add3A_727 : f32 to vector<16xf32>
    %add3A_729 = arith.addf %sub3A_726, %add3A_728 : vector<16xf32>
    %max3A_730 = arith.constant 0.000000e+00 : f32
    %max3A_731 = vector.broadcast %max3A_730 : f32 to vector<16xf32>
    %max3A_732 = arith.maximumf %max3A_731, %add3A_729 : vector<16xf32>
    %add3A_733 = arith.addf %add3A_712, %max3A_732 : vector<16xf32>
    %swap3A_734 = arith.constant 432 : index
    %swap3A_735 = tpu.vector_load %arg25[%swap3A_734] {strides = array<i32>} : memref<512xf32, #tpu.memory_space<vmem>>, vector<16xf32>,
    tpu.vector_store %arg25[%swap3A_734], %scan3A_724#0 {strides = array<i32>} : memref<512xf32, #tpu.memory_space<vmem>>, vector<16xf32>,
    %swap3A_736 = arith.constant 432 : index
    %swap3A_737 = tpu.vector_load %arg26[%swap3A_736] {strides = array<i32>} : memref<512xf32, #tpu.memory_space<vmem>>, vector<16xf32>,
    tpu.vector_store %arg26[%swap3A_736], %scan3A_724#1 {strides = array<i32>} : memref<512xf32, #tpu.memory_space<vmem>>, vector<16xf32>,
    %add3A_738 = arith.constant 64 : i32
    %add3A_739 = vector.broadcast %add3A_738 : i32 to vector<16xi32>
    %add3A_740 = arith.addi %iota3A, %add3A_739 : vector<16xi32>
    %scan3A_741 = arith.constant 0 : i32
    %scan3A_742 = arith.constant 64 : i32
    %scan3A_743 = arith.addi %scan3A_741, %scan3A_742 : i32
    %scan3A_744 = arith.constant 1 : i32
    %scan3A_745:8 = scf.for %scan3A_838 = %scan3A_741 to %scan3A_743 step %scan3A_744 iter_args(%scan3A_839 = %broadcast_in_dim3A_3, %scan3A_840 = %broadcast_in_dim3A_3, %scan3A_841 = %scan3A_724#2, %scan3A_842 = %scan3A_724#3, %scan3A_843 = %scan3A_724#4, %scan3A_844 = %scan3A_724#5, %scan3A_845 = %scan3A_724#6, %scan3A_846 = %scan3A_724#7) -> (vector<16xf32>, vector<16xf32>, vector<16xf32>, vector<16xf32>, vector<16xf32>, vector<16xf32>, vector<16xf32>, vector<16xf32>)  : i32 {
      %broadcast_in_dim3A_847 = arith.constant 0 : i32
      %broadcast_in_dim3A_848 = vector.broadcast %broadcast_in_dim3A_847 : i32 to vector<16xi32>
      %add3A_849 = vector.broadcast %scan3A_838 : i32 to vector<16xi32>
      %add3A_850 = arith.addi %broadcast_in_dim3A_848, %add3A_849 : vector<16xi32>
      %gather3A = tpu.vector_load_idx %arg19[%add3A_740, %add3A_850] : memref<128x64xf32, #tpu.memory_space<vmem>>[vector<16xi32>, vector<16xi32>], vector<16xf32>,
      %gather3A_851 = tpu.vector_load_idx %arg20[%add3A_740, %add3A_850] : memref<128x64xf32, #tpu.memory_space<vmem>>[vector<16xi32>, vector<16xi32>], vector<16xf32>,
      %gather3A_852 = tpu.vector_load_idx %arg21[%add3A_740, %add3A_850] : memref<128x64xf32, #tpu.memory_space<vmem>>[vector<16xi32>, vector<16xi32>], vector<16xf32>,
      %gather3A_853 = tpu.vector_load_idx %arg22[%add3A_740, %add3A_850] : memref<128x64xf32, #tpu.memory_space<vmem>>[vector<16xi32>, vector<16xi32>], vector<16xf32>,
      %gather3A_854 = tpu.vector_load_idx %arg23[%add3A_740, %add3A_850] : memref<128x64xf32, #tpu.memory_space<vmem>>[vector<16xi32>, vector<16xi32>], vector<16xf32>,
      %gather3A_855 = tpu.vector_load_idx %arg24[%add3A_740, %add3A_850] : memref<128x64xf32, #tpu.memory_space<vmem>>[vector<16xi32>, vector<16xi32>], vector<16xf32>,
      %add3A_856 = arith.addf %gather3A, %gather3A_851 : vector<16xf32>
      %sub3A_857 = arith.subf %add3A_856, %gather3A_852 : vector<16xf32>
      %abs3A = math.absf %sub3A_857 : vector<16xf32>
      %add3A_858 = arith.addf %scan3A_839, %abs3A : vector<16xf32>
      %add3A_859 = arith.addf %gather3A_853, %gather3A_854 : vector<16xf32>
      %sub3A_860 = arith.subf %add3A_859, %gather3A_855 : vector<16xf32>
      %abs3A_861 = math.absf %sub3A_860 : vector<16xf32>
      %add3A_862 = arith.addf %scan3A_840, %abs3A_861 : vector<16xf32>
      %abs3A_863 = math.absf %gather3A : vector<16xf32>
      %add3A_864 = arith.addf %scan3A_841, %abs3A_863 : vector<16xf32>
      %mul3A_865 = arith.mulf %gather3A_851, %gather3A_851 : vector<16xf32>
      %add3A_866 = arith.addf %scan3A_842, %mul3A_865 : vector<16xf32>
      %abs3A_867 = math.absf %gather3A_852 : vector<16xf32>
      %add3A_868 = arith.addf %scan3A_843, %abs3A_867 : vector<16xf32>
      %abs3A_869 = math.absf %gather3A_853 : vector<16xf32>
      %add3A_870 = arith.addf %scan3A_844, %abs3A_869 : vector<16xf32>
      %mul3A_871 = arith.mulf %gather3A_854, %gather3A_854 : vector<16xf32>
      %add3A_872 = arith.addf %scan3A_845, %mul3A_871 : vector<16xf32>
      %abs3A_873 = math.absf %gather3A_855 : vector<16xf32>
      %add3A_874 = arith.addf %scan3A_846, %abs3A_873 : vector<16xf32>
      scf.yield %add3A_858, %add3A_862, %add3A_864, %add3A_866, %add3A_868, %add3A_870, %add3A_872, %add3A_874 : vector<16xf32>, vector<16xf32>, vector<16xf32>, vector<16xf32>, vector<16xf32>, vector<16xf32>, vector<16xf32>, vector<16xf32>
    }
    %scan3A_746 = arith.constant 64 : i32
    %sub3A_747 = arith.subf %scan3A_745#0, %scan3A_745#1 : vector<16xf32>
    %add3A_748 = arith.constant 2.000000e+00 : f32
    %add3A_749 = vector.broadcast %add3A_748 : f32 to vector<16xf32>
    %add3A_750 = arith.addf %sub3A_747, %add3A_749 : vector<16xf32>
    %max3A_751 = arith.constant 0.000000e+00 : f32
    %max3A_752 = vector.broadcast %max3A_751 : f32 to vector<16xf32>
    %max3A_753 = arith.maximumf %max3A_752, %add3A_750 : vector<16xf32>
    %add3A_754 = arith.addf %add3A_733, %max3A_753 : vector<16xf32>
    %swap3A_755 = arith.constant 448 : index
    %swap3A_756 = tpu.vector_load %arg25[%swap3A_755] {strides = array<i32>} : memref<512xf32, #tpu.memory_space<vmem>>, vector<16xf32>,
    tpu.vector_store %arg25[%swap3A_755], %scan3A_745#0 {strides = array<i32>} : memref<512xf32, #tpu.memory_space<vmem>>, vector<16xf32>,
    %swap3A_757 = arith.constant 448 : index
    %swap3A_758 = tpu.vector_load %arg26[%swap3A_757] {strides = array<i32>} : memref<512xf32, #tpu.memory_space<vmem>>, vector<16xf32>,
    tpu.vector_store %arg26[%swap3A_757], %scan3A_745#1 {strides = array<i32>} : memref<512xf32, #tpu.memory_space<vmem>>, vector<16xf32>,
    %add3A_759 = arith.constant 80 : i32
    %add3A_760 = vector.broadcast %add3A_759 : i32 to vector<16xi32>
    %add3A_761 = arith.addi %iota3A, %add3A_760 : vector<16xi32>
    %scan3A_762 = arith.constant 0 : i32
    %scan3A_763 = arith.constant 64 : i32
    %scan3A_764 = arith.addi %scan3A_762, %scan3A_763 : i32
    %scan3A_765 = arith.constant 1 : i32
    %scan3A_766:8 = scf.for %scan3A_838 = %scan3A_762 to %scan3A_764 step %scan3A_765 iter_args(%scan3A_839 = %broadcast_in_dim3A_3, %scan3A_840 = %broadcast_in_dim3A_3, %scan3A_841 = %scan3A_745#2, %scan3A_842 = %scan3A_745#3, %scan3A_843 = %scan3A_745#4, %scan3A_844 = %scan3A_745#5, %scan3A_845 = %scan3A_745#6, %scan3A_846 = %scan3A_745#7) -> (vector<16xf32>, vector<16xf32>, vector<16xf32>, vector<16xf32>, vector<16xf32>, vector<16xf32>, vector<16xf32>, vector<16xf32>)  : i32 {
      %broadcast_in_dim3A_847 = arith.constant 0 : i32
      %broadcast_in_dim3A_848 = vector.broadcast %broadcast_in_dim3A_847 : i32 to vector<16xi32>
      %add3A_849 = vector.broadcast %scan3A_838 : i32 to vector<16xi32>
      %add3A_850 = arith.addi %broadcast_in_dim3A_848, %add3A_849 : vector<16xi32>
      %gather3A = tpu.vector_load_idx %arg19[%add3A_761, %add3A_850] : memref<128x64xf32, #tpu.memory_space<vmem>>[vector<16xi32>, vector<16xi32>], vector<16xf32>,
      %gather3A_851 = tpu.vector_load_idx %arg20[%add3A_761, %add3A_850] : memref<128x64xf32, #tpu.memory_space<vmem>>[vector<16xi32>, vector<16xi32>], vector<16xf32>,
      %gather3A_852 = tpu.vector_load_idx %arg21[%add3A_761, %add3A_850] : memref<128x64xf32, #tpu.memory_space<vmem>>[vector<16xi32>, vector<16xi32>], vector<16xf32>,
      %gather3A_853 = tpu.vector_load_idx %arg22[%add3A_761, %add3A_850] : memref<128x64xf32, #tpu.memory_space<vmem>>[vector<16xi32>, vector<16xi32>], vector<16xf32>,
      %gather3A_854 = tpu.vector_load_idx %arg23[%add3A_761, %add3A_850] : memref<128x64xf32, #tpu.memory_space<vmem>>[vector<16xi32>, vector<16xi32>], vector<16xf32>,
      %gather3A_855 = tpu.vector_load_idx %arg24[%add3A_761, %add3A_850] : memref<128x64xf32, #tpu.memory_space<vmem>>[vector<16xi32>, vector<16xi32>], vector<16xf32>,
      %add3A_856 = arith.addf %gather3A, %gather3A_851 : vector<16xf32>
      %sub3A_857 = arith.subf %add3A_856, %gather3A_852 : vector<16xf32>
      %abs3A = math.absf %sub3A_857 : vector<16xf32>
      %add3A_858 = arith.addf %scan3A_839, %abs3A : vector<16xf32>
      %add3A_859 = arith.addf %gather3A_853, %gather3A_854 : vector<16xf32>
      %sub3A_860 = arith.subf %add3A_859, %gather3A_855 : vector<16xf32>
      %abs3A_861 = math.absf %sub3A_860 : vector<16xf32>
      %add3A_862 = arith.addf %scan3A_840, %abs3A_861 : vector<16xf32>
      %abs3A_863 = math.absf %gather3A : vector<16xf32>
      %add3A_864 = arith.addf %scan3A_841, %abs3A_863 : vector<16xf32>
      %mul3A_865 = arith.mulf %gather3A_851, %gather3A_851 : vector<16xf32>
      %add3A_866 = arith.addf %scan3A_842, %mul3A_865 : vector<16xf32>
      %abs3A_867 = math.absf %gather3A_852 : vector<16xf32>
      %add3A_868 = arith.addf %scan3A_843, %abs3A_867 : vector<16xf32>
      %abs3A_869 = math.absf %gather3A_853 : vector<16xf32>
      %add3A_870 = arith.addf %scan3A_844, %abs3A_869 : vector<16xf32>
      %mul3A_871 = arith.mulf %gather3A_854, %gather3A_854 : vector<16xf32>
      %add3A_872 = arith.addf %scan3A_845, %mul3A_871 : vector<16xf32>
      %abs3A_873 = math.absf %gather3A_855 : vector<16xf32>
      %add3A_874 = arith.addf %scan3A_846, %abs3A_873 : vector<16xf32>
      scf.yield %add3A_858, %add3A_862, %add3A_864, %add3A_866, %add3A_868, %add3A_870, %add3A_872, %add3A_874 : vector<16xf32>, vector<16xf32>, vector<16xf32>, vector<16xf32>, vector<16xf32>, vector<16xf32>, vector<16xf32>, vector<16xf32>
    }
    %scan3A_767 = arith.constant 64 : i32
    %sub3A_768 = arith.subf %scan3A_766#0, %scan3A_766#1 : vector<16xf32>
    %add3A_769 = arith.constant 2.000000e+00 : f32
    %add3A_770 = vector.broadcast %add3A_769 : f32 to vector<16xf32>
    %add3A_771 = arith.addf %sub3A_768, %add3A_770 : vector<16xf32>
    %max3A_772 = arith.constant 0.000000e+00 : f32
    %max3A_773 = vector.broadcast %max3A_772 : f32 to vector<16xf32>
    %max3A_774 = arith.maximumf %max3A_773, %add3A_771 : vector<16xf32>
    %add3A_775 = arith.addf %add3A_754, %max3A_774 : vector<16xf32>
    %swap3A_776 = arith.constant 464 : index
    %swap3A_777 = tpu.vector_load %arg25[%swap3A_776] {strides = array<i32>} : memref<512xf32, #tpu.memory_space<vmem>>, vector<16xf32>,
    tpu.vector_store %arg25[%swap3A_776], %scan3A_766#0 {strides = array<i32>} : memref<512xf32, #tpu.memory_space<vmem>>, vector<16xf32>,
    %swap3A_778 = arith.constant 464 : index
    %swap3A_779 = tpu.vector_load %arg26[%swap3A_778] {strides = array<i32>} : memref<512xf32, #tpu.memory_space<vmem>>, vector<16xf32>,
    tpu.vector_store %arg26[%swap3A_778], %scan3A_766#1 {strides = array<i32>} : memref<512xf32, #tpu.memory_space<vmem>>, vector<16xf32>,
    %add3A_780 = arith.constant 96 : i32
    %add3A_781 = vector.broadcast %add3A_780 : i32 to vector<16xi32>
    %add3A_782 = arith.addi %iota3A, %add3A_781 : vector<16xi32>
    %scan3A_783 = arith.constant 0 : i32
    %scan3A_784 = arith.constant 64 : i32
    %scan3A_785 = arith.addi %scan3A_783, %scan3A_784 : i32
    %scan3A_786 = arith.constant 1 : i32
    %scan3A_787:8 = scf.for %scan3A_838 = %scan3A_783 to %scan3A_785 step %scan3A_786 iter_args(%scan3A_839 = %broadcast_in_dim3A_3, %scan3A_840 = %broadcast_in_dim3A_3, %scan3A_841 = %scan3A_766#2, %scan3A_842 = %scan3A_766#3, %scan3A_843 = %scan3A_766#4, %scan3A_844 = %scan3A_766#5, %scan3A_845 = %scan3A_766#6, %scan3A_846 = %scan3A_766#7) -> (vector<16xf32>, vector<16xf32>, vector<16xf32>, vector<16xf32>, vector<16xf32>, vector<16xf32>, vector<16xf32>, vector<16xf32>)  : i32 {
      %broadcast_in_dim3A_847 = arith.constant 0 : i32
      %broadcast_in_dim3A_848 = vector.broadcast %broadcast_in_dim3A_847 : i32 to vector<16xi32>
      %add3A_849 = vector.broadcast %scan3A_838 : i32 to vector<16xi32>
      %add3A_850 = arith.addi %broadcast_in_dim3A_848, %add3A_849 : vector<16xi32>
      %gather3A = tpu.vector_load_idx %arg19[%add3A_782, %add3A_850] : memref<128x64xf32, #tpu.memory_space<vmem>>[vector<16xi32>, vector<16xi32>], vector<16xf32>,
      %gather3A_851 = tpu.vector_load_idx %arg20[%add3A_782, %add3A_850] : memref<128x64xf32, #tpu.memory_space<vmem>>[vector<16xi32>, vector<16xi32>], vector<16xf32>,
      %gather3A_852 = tpu.vector_load_idx %arg21[%add3A_782, %add3A_850] : memref<128x64xf32, #tpu.memory_space<vmem>>[vector<16xi32>, vector<16xi32>], vector<16xf32>,
      %gather3A_853 = tpu.vector_load_idx %arg22[%add3A_782, %add3A_850] : memref<128x64xf32, #tpu.memory_space<vmem>>[vector<16xi32>, vector<16xi32>], vector<16xf32>,
      %gather3A_854 = tpu.vector_load_idx %arg23[%add3A_782, %add3A_850] : memref<128x64xf32, #tpu.memory_space<vmem>>[vector<16xi32>, vector<16xi32>], vector<16xf32>,
      %gather3A_855 = tpu.vector_load_idx %arg24[%add3A_782, %add3A_850] : memref<128x64xf32, #tpu.memory_space<vmem>>[vector<16xi32>, vector<16xi32>], vector<16xf32>,
      %add3A_856 = arith.addf %gather3A, %gather3A_851 : vector<16xf32>
      %sub3A_857 = arith.subf %add3A_856, %gather3A_852 : vector<16xf32>
      %abs3A = math.absf %sub3A_857 : vector<16xf32>
      %add3A_858 = arith.addf %scan3A_839, %abs3A : vector<16xf32>
      %add3A_859 = arith.addf %gather3A_853, %gather3A_854 : vector<16xf32>
      %sub3A_860 = arith.subf %add3A_859, %gather3A_855 : vector<16xf32>
      %abs3A_861 = math.absf %sub3A_860 : vector<16xf32>
      %add3A_862 = arith.addf %scan3A_840, %abs3A_861 : vector<16xf32>
      %abs3A_863 = math.absf %gather3A : vector<16xf32>
      %add3A_864 = arith.addf %scan3A_841, %abs3A_863 : vector<16xf32>
      %mul3A_865 = arith.mulf %gather3A_851, %gather3A_851 : vector<16xf32>
      %add3A_866 = arith.addf %scan3A_842, %mul3A_865 : vector<16xf32>
      %abs3A_867 = math.absf %gather3A_852 : vector<16xf32>
      %add3A_868 = arith.addf %scan3A_843, %abs3A_867 : vector<16xf32>
      %abs3A_869 = math.absf %gather3A_853 : vector<16xf32>
      %add3A_870 = arith.addf %scan3A_844, %abs3A_869 : vector<16xf32>
      %mul3A_871 = arith.mulf %gather3A_854, %gather3A_854 : vector<16xf32>
      %add3A_872 = arith.addf %scan3A_845, %mul3A_871 : vector<16xf32>
      %abs3A_873 = math.absf %gather3A_855 : vector<16xf32>
      %add3A_874 = arith.addf %scan3A_846, %abs3A_873 : vector<16xf32>
      scf.yield %add3A_858, %add3A_862, %add3A_864, %add3A_866, %add3A_868, %add3A_870, %add3A_872, %add3A_874 : vector<16xf32>, vector<16xf32>, vector<16xf32>, vector<16xf32>, vector<16xf32>, vector<16xf32>, vector<16xf32>, vector<16xf32>
    }
    %scan3A_788 = arith.constant 64 : i32
    %sub3A_789 = arith.subf %scan3A_787#0, %scan3A_787#1 : vector<16xf32>
    %add3A_790 = arith.constant 2.000000e+00 : f32
    %add3A_791 = vector.broadcast %add3A_790 : f32 to vector<16xf32>
    %add3A_792 = arith.addf %sub3A_789, %add3A_791 : vector<16xf32>
    %max3A_793 = arith.constant 0.000000e+00 : f32
    %max3A_794 = vector.broadcast %max3A_793 : f32 to vector<16xf32>
    %max3A_795 = arith.maximumf %max3A_794, %add3A_792 : vector<16xf32>
    %add3A_796 = arith.addf %add3A_775, %max3A_795 : vector<16xf32>
    %swap3A_797 = arith.constant 480 : index
    %swap3A_798 = tpu.vector_load %arg25[%swap3A_797] {strides = array<i32>} : memref<512xf32, #tpu.memory_space<vmem>>, vector<16xf32>,
    tpu.vector_store %arg25[%swap3A_797], %scan3A_787#0 {strides = array<i32>} : memref<512xf32, #tpu.memory_space<vmem>>, vector<16xf32>,
    %swap3A_799 = arith.constant 480 : index
    %swap3A_800 = tpu.vector_load %arg26[%swap3A_799] {strides = array<i32>} : memref<512xf32, #tpu.memory_space<vmem>>, vector<16xf32>,
    tpu.vector_store %arg26[%swap3A_799], %scan3A_787#1 {strides = array<i32>} : memref<512xf32, #tpu.memory_space<vmem>>, vector<16xf32>,
    %add3A_801 = arith.constant 112 : i32
    %add3A_802 = vector.broadcast %add3A_801 : i32 to vector<16xi32>
    %add3A_803 = arith.addi %iota3A, %add3A_802 : vector<16xi32>
    %scan3A_804 = arith.constant 0 : i32
    %scan3A_805 = arith.constant 64 : i32
    %scan3A_806 = arith.addi %scan3A_804, %scan3A_805 : i32
    %scan3A_807 = arith.constant 1 : i32
    %scan3A_808:8 = scf.for %scan3A_838 = %scan3A_804 to %scan3A_806 step %scan3A_807 iter_args(%scan3A_839 = %broadcast_in_dim3A_3, %scan3A_840 = %broadcast_in_dim3A_3, %scan3A_841 = %scan3A_787#2, %scan3A_842 = %scan3A_787#3, %scan3A_843 = %scan3A_787#4, %scan3A_844 = %scan3A_787#5, %scan3A_845 = %scan3A_787#6, %scan3A_846 = %scan3A_787#7) -> (vector<16xf32>, vector<16xf32>, vector<16xf32>, vector<16xf32>, vector<16xf32>, vector<16xf32>, vector<16xf32>, vector<16xf32>)  : i32 {
      %broadcast_in_dim3A_847 = arith.constant 0 : i32
      %broadcast_in_dim3A_848 = vector.broadcast %broadcast_in_dim3A_847 : i32 to vector<16xi32>
      %add3A_849 = vector.broadcast %scan3A_838 : i32 to vector<16xi32>
      %add3A_850 = arith.addi %broadcast_in_dim3A_848, %add3A_849 : vector<16xi32>
      %gather3A = tpu.vector_load_idx %arg19[%add3A_803, %add3A_850] : memref<128x64xf32, #tpu.memory_space<vmem>>[vector<16xi32>, vector<16xi32>], vector<16xf32>,
      %gather3A_851 = tpu.vector_load_idx %arg20[%add3A_803, %add3A_850] : memref<128x64xf32, #tpu.memory_space<vmem>>[vector<16xi32>, vector<16xi32>], vector<16xf32>,
      %gather3A_852 = tpu.vector_load_idx %arg21[%add3A_803, %add3A_850] : memref<128x64xf32, #tpu.memory_space<vmem>>[vector<16xi32>, vector<16xi32>], vector<16xf32>,
      %gather3A_853 = tpu.vector_load_idx %arg22[%add3A_803, %add3A_850] : memref<128x64xf32, #tpu.memory_space<vmem>>[vector<16xi32>, vector<16xi32>], vector<16xf32>,
      %gather3A_854 = tpu.vector_load_idx %arg23[%add3A_803, %add3A_850] : memref<128x64xf32, #tpu.memory_space<vmem>>[vector<16xi32>, vector<16xi32>], vector<16xf32>,
      %gather3A_855 = tpu.vector_load_idx %arg24[%add3A_803, %add3A_850] : memref<128x64xf32, #tpu.memory_space<vmem>>[vector<16xi32>, vector<16xi32>], vector<16xf32>,
      %add3A_856 = arith.addf %gather3A, %gather3A_851 : vector<16xf32>
      %sub3A_857 = arith.subf %add3A_856, %gather3A_852 : vector<16xf32>
      %abs3A = math.absf %sub3A_857 : vector<16xf32>
      %add3A_858 = arith.addf %scan3A_839, %abs3A : vector<16xf32>
      %add3A_859 = arith.addf %gather3A_853, %gather3A_854 : vector<16xf32>
      %sub3A_860 = arith.subf %add3A_859, %gather3A_855 : vector<16xf32>
      %abs3A_861 = math.absf %sub3A_860 : vector<16xf32>
      %add3A_862 = arith.addf %scan3A_840, %abs3A_861 : vector<16xf32>
      %abs3A_863 = math.absf %gather3A : vector<16xf32>
      %add3A_864 = arith.addf %scan3A_841, %abs3A_863 : vector<16xf32>
      %mul3A_865 = arith.mulf %gather3A_851, %gather3A_851 : vector<16xf32>
      %add3A_866 = arith.addf %scan3A_842, %mul3A_865 : vector<16xf32>
      %abs3A_867 = math.absf %gather3A_852 : vector<16xf32>
      %add3A_868 = arith.addf %scan3A_843, %abs3A_867 : vector<16xf32>
      %abs3A_869 = math.absf %gather3A_853 : vector<16xf32>
      %add3A_870 = arith.addf %scan3A_844, %abs3A_869 : vector<16xf32>
      %mul3A_871 = arith.mulf %gather3A_854, %gather3A_854 : vector<16xf32>
      %add3A_872 = arith.addf %scan3A_845, %mul3A_871 : vector<16xf32>
      %abs3A_873 = math.absf %gather3A_855 : vector<16xf32>
      %add3A_874 = arith.addf %scan3A_846, %abs3A_873 : vector<16xf32>
      scf.yield %add3A_858, %add3A_862, %add3A_864, %add3A_866, %add3A_868, %add3A_870, %add3A_872, %add3A_874 : vector<16xf32>, vector<16xf32>, vector<16xf32>, vector<16xf32>, vector<16xf32>, vector<16xf32>, vector<16xf32>, vector<16xf32>
    }
    %scan3A_809 = arith.constant 64 : i32
    %sub3A_810 = arith.subf %scan3A_808#0, %scan3A_808#1 : vector<16xf32>
    %add3A_811 = arith.constant 2.000000e+00 : f32
    %add3A_812 = vector.broadcast %add3A_811 : f32 to vector<16xf32>
    %add3A_813 = arith.addf %sub3A_810, %add3A_812 : vector<16xf32>
    %max3A_814 = arith.constant 0.000000e+00 : f32
    %max3A_815 = vector.broadcast %max3A_814 : f32 to vector<16xf32>
    %max3A_816 = arith.maximumf %max3A_815, %add3A_813 : vector<16xf32>
    %add3A_817 = arith.addf %add3A_796, %max3A_816 : vector<16xf32>
    %swap3A_818 = arith.constant 496 : index
    %swap3A_819 = tpu.vector_load %arg25[%swap3A_818] {strides = array<i32>} : memref<512xf32, #tpu.memory_space<vmem>>, vector<16xf32>,
    tpu.vector_store %arg25[%swap3A_818], %scan3A_808#0 {strides = array<i32>} : memref<512xf32, #tpu.memory_space<vmem>>, vector<16xf32>,
    %swap3A_820 = arith.constant 496 : index
    %swap3A_821 = tpu.vector_load %arg26[%swap3A_820] {strides = array<i32>} : memref<512xf32, #tpu.memory_space<vmem>>, vector<16xf32>,
    tpu.vector_store %arg26[%swap3A_820], %scan3A_808#1 {strides = array<i32>} : memref<512xf32, #tpu.memory_space<vmem>>, vector<16xf32>,
    %swap3A_822 = arith.constant 0 : index
    %swap3A_823 = tpu.vector_load %arg27[%swap3A_822] {strides = array<i32>} : memref<128xf32, #tpu.memory_space<vmem>>, vector<16xf32>,
    tpu.vector_store %arg27[%swap3A_822], %scan3A_808#2 {strides = array<i32>} : memref<128xf32, #tpu.memory_space<vmem>>, vector<16xf32>,
    %swap3A_824 = arith.constant 16 : index
    %swap3A_825 = tpu.vector_load %arg27[%swap3A_824] {strides = array<i32>} : memref<128xf32, #tpu.memory_space<vmem>>, vector<16xf32>,
    tpu.vector_store %arg27[%swap3A_824], %scan3A_808#3 {strides = array<i32>} : memref<128xf32, #tpu.memory_space<vmem>>, vector<16xf32>,
    %swap3A_826 = arith.constant 32 : index
    %swap3A_827 = tpu.vector_load %arg27[%swap3A_826] {strides = array<i32>} : memref<128xf32, #tpu.memory_space<vmem>>, vector<16xf32>,
    tpu.vector_store %arg27[%swap3A_826], %scan3A_808#4 {strides = array<i32>} : memref<128xf32, #tpu.memory_space<vmem>>, vector<16xf32>,
    %swap3A_828 = arith.constant 48 : index
    %swap3A_829 = tpu.vector_load %arg27[%swap3A_828] {strides = array<i32>} : memref<128xf32, #tpu.memory_space<vmem>>, vector<16xf32>,
    tpu.vector_store %arg27[%swap3A_828], %scan3A_808#5 {strides = array<i32>} : memref<128xf32, #tpu.memory_space<vmem>>, vector<16xf32>,
    %swap3A_830 = arith.constant 64 : index
    %swap3A_831 = tpu.vector_load %arg27[%swap3A_830] {strides = array<i32>} : memref<128xf32, #tpu.memory_space<vmem>>, vector<16xf32>,
    tpu.vector_store %arg27[%swap3A_830], %scan3A_808#6 {strides = array<i32>} : memref<128xf32, #tpu.memory_space<vmem>>, vector<16xf32>,
    %swap3A_832 = arith.constant 80 : index
    %swap3A_833 = tpu.vector_load %arg27[%swap3A_832] {strides = array<i32>} : memref<128xf32, #tpu.memory_space<vmem>>, vector<16xf32>,
    tpu.vector_store %arg27[%swap3A_832], %scan3A_808#7 {strides = array<i32>} : memref<128xf32, #tpu.memory_space<vmem>>, vector<16xf32>,
    %swap3A_834 = arith.constant 96 : index
    %swap3A_835 = tpu.vector_load %arg27[%swap3A_834] {strides = array<i32>} : memref<128xf32, #tpu.memory_space<vmem>>, vector<16xf32>,
    tpu.vector_store %arg27[%swap3A_834], %add3A_817 {strides = array<i32>} : memref<128xf32, #tpu.memory_space<vmem>>, vector<16xf32>,
    %swap3A_836 = arith.constant 112 : index
    %swap3A_837 = tpu.vector_load %arg27[%swap3A_836] {strides = array<i32>} : memref<128xf32, #tpu.memory_space<vmem>>, vector<16xf32>,
    tpu.vector_store %arg27[%swap3A_836], %broadcast_in_dim3A_3 {strides = array<i32>} : memref<128xf32, #tpu.memory_space<vmem>>, vector<16xf32>,
    "tpu.region"() ({
      %run_scoped3A = tpu.sem_alloc : memref<!tpu.dma_semaphore, #tpu.memory_space<semaphore_mem>>
      %dma_start3A_838 = tpu.memref_slice %arg10[%mul3A_2] : memref<16384xf32, #tpu.memory_space<hbm>> -> memref<512xf32, #tpu.memory_space<hbm>>
      %dma_start3A_839 = tpu.memref_slice %arg10[%mul3A_2] : memref<16384xf32, #tpu.memory_space<hbm>> -> memref<512xf32, #tpu.memory_space<hbm>>
      tpu.enqueue_dma source(%arg25 : memref<512xf32, #tpu.memory_space<vmem>>) target(%dma_start3A_839 : memref<512xf32, #tpu.memory_space<hbm>>) target_semaphore(%run_scoped3A : memref<!tpu.dma_semaphore, #tpu.memory_space<semaphore_mem>>)
      %dma_wait3A_840 = tpu.memref_slice %arg10[%mul3A_2] : memref<16384xf32, #tpu.memory_space<hbm>> -> memref<512xf32, #tpu.memory_space<hbm>>
      %dma_wait3A_841 = tpu.memref_slice %arg10[%mul3A_2] : memref<16384xf32, #tpu.memory_space<hbm>> -> memref<512xf32, #tpu.memory_space<hbm>>
      tpu.wait_dma2 semaphore(%run_scoped3A : memref<!tpu.dma_semaphore, #tpu.memory_space<semaphore_mem>>) src(%arg25 : memref<512xf32, #tpu.memory_space<vmem>>) dst(%dma_wait3A_841 : memref<512xf32, #tpu.memory_space<hbm>>)
      tpu.yield
    }) : () -> ()
    "tpu.region"() ({
      %run_scoped3A = tpu.sem_alloc : memref<!tpu.dma_semaphore, #tpu.memory_space<semaphore_mem>>
      %dma_start3A_838 = tpu.memref_slice %arg11[%mul3A_2] : memref<16384xf32, #tpu.memory_space<hbm>> -> memref<512xf32, #tpu.memory_space<hbm>>
      %dma_start3A_839 = tpu.memref_slice %arg11[%mul3A_2] : memref<16384xf32, #tpu.memory_space<hbm>> -> memref<512xf32, #tpu.memory_space<hbm>>
      tpu.enqueue_dma source(%arg26 : memref<512xf32, #tpu.memory_space<vmem>>) target(%dma_start3A_839 : memref<512xf32, #tpu.memory_space<hbm>>) target_semaphore(%run_scoped3A : memref<!tpu.dma_semaphore, #tpu.memory_space<semaphore_mem>>)
      %dma_wait3A_840 = tpu.memref_slice %arg11[%mul3A_2] : memref<16384xf32, #tpu.memory_space<hbm>> -> memref<512xf32, #tpu.memory_space<hbm>>
      %dma_wait3A_841 = tpu.memref_slice %arg11[%mul3A_2] : memref<16384xf32, #tpu.memory_space<hbm>> -> memref<512xf32, #tpu.memory_space<hbm>>
      tpu.wait_dma2 semaphore(%run_scoped3A : memref<!tpu.dma_semaphore, #tpu.memory_space<semaphore_mem>>) src(%arg26 : memref<512xf32, #tpu.memory_space<vmem>>) dst(%dma_wait3A_841 : memref<512xf32, #tpu.memory_space<hbm>>)
      tpu.yield
    }) : () -> ()
    "tpu.region"() ({
      %run_scoped3A = tpu.sem_alloc : memref<!tpu.dma_semaphore, #tpu.memory_space<semaphore_mem>>
      %dma_start3A_838 = arith.constant 0 : i32
      %dma_start3A_839 = tpu.memref_slice %arg12[%add3A, %dma_start3A_838] : memref<32x128xf32, #tpu.memory_space<hbm>> -> memref<1x128xf32, #tpu.memory_space<hbm>>
      %dma_start3A_840 = tpu.memref_squeeze %dma_start3A_839 : memref<1x128xf32, #tpu.memory_space<hbm>> -> memref<128xf32, #tpu.memory_space<hbm>>
      %dma_start3A_841 = arith.constant 0 : i32
      %dma_start3A_842 = tpu.memref_slice %arg12[%add3A, %dma_start3A_841] : memref<32x128xf32, #tpu.memory_space<hbm>> -> memref<1x128xf32, #tpu.memory_space<hbm>>
      %dma_start3A_843 = tpu.memref_squeeze %dma_start3A_842 : memref<1x128xf32, #tpu.memory_space<hbm>> -> memref<128xf32, #tpu.memory_space<hbm>>
      tpu.enqueue_dma source(%arg27 : memref<128xf32, #tpu.memory_space<vmem>>) target(%dma_start3A_843 : memref<128xf32, #tpu.memory_space<hbm>>) target_semaphore(%run_scoped3A : memref<!tpu.dma_semaphore, #tpu.memory_space<semaphore_mem>>)
      %dma_wait3A_844 = arith.constant 0 : i32
      %dma_wait3A_845 = tpu.memref_slice %arg12[%add3A, %dma_wait3A_844] : memref<32x128xf32, #tpu.memory_space<hbm>> -> memref<1x128xf32, #tpu.memory_space<hbm>>
      %dma_wait3A_846 = tpu.memref_squeeze %dma_wait3A_845 : memref<1x128xf32, #tpu.memory_space<hbm>> -> memref<128xf32, #tpu.memory_space<hbm>>
      %dma_wait3A_847 = arith.constant 0 : i32
      %dma_wait3A_848 = tpu.memref_slice %arg12[%add3A, %dma_wait3A_847] : memref<32x128xf32, #tpu.memory_space<hbm>> -> memref<1x128xf32, #tpu.memory_space<hbm>>
      %dma_wait3A_849 = tpu.memref_squeeze %dma_wait3A_848 : memref<1x128xf32, #tpu.memory_space<hbm>> -> memref<128xf32, #tpu.memory_space<hbm>>
      tpu.wait_dma2 semaphore(%run_scoped3A : memref<!tpu.dma_semaphore, #tpu.memory_space<semaphore_mem>>) src(%arg27 : memref<128xf32, #tpu.memory_space<vmem>>) dst(%dma_wait3A_849 : memref<128xf32, #tpu.memory_space<hbm>>)
      tpu.yield
    }) : () -> ()
    return
  }
}

</mosaic_0001>

<sc_bundles>
// kernel: kernel.3.cloned.1.call-start
scs
__scs_entry_jumppad:
0x0: {  	(pc) =	sbr.rel $0x88, $3  }
0x1: {  	(tag) =	ssettag $0x0;
	lr =	simm.s32 $0x1  }
0x2: {  	[smem:$0x3F99] =	sst lr;
	_ =	strace $0xD0000000  }
0x3: {  	_ = 	snop  }
0x4: {  	_ = 	snop  }
0x5: {  	_ = 	snop  }
0x6: {  	_ = 	snop  }
0x7: {  	_ = 	snop  }
__scs_overlays_trampoline_lowered:
0x8: {  	[smem:$0x3FA8] =	sst s0  }
0x9: {  	[smem:$0x3FA9] =	sst s1  }
0xa: {  	[smem:$0x3FAA] =	sst s2  }
0xb: {  	[smem:$0x3FAB] =	sst s3  }
0xc: {  	[smem:$0x3FAC] =	sst s4  }
0xd: {  	[smem:$0x3FAD] =	sst s5  }
0xe: {  	[smem:$0x3FAE] =	sst s6  }
0xf: {  	[smem:$0x3FAF] =	sst s7  }
0x10: {  	[smem:$0x3FB0] =	sst s8  }
0x11: {  	[smem:$0x3FB1] =	sst s9;
	s0 =	simm.s32 @!p0 $0x0  }
0x12: {  	s1 =	sld [smem:$0x3F97];
	s0 =	simm.s32 @p0 $0x1  }
0x13: {  	[smem:$0x3FB2] =	sst s0;
	s0 =	simm.s32 @!p1 $0x0  }
0x14: {  	s2 =	sld [smem:$0x3F96];
	s0 =	simm.s32 @p1 $0x1  }
0x15: {  	[smem:$0x3FB3] =	sst s0;
	s0 =	simm.s32 @!p2 $0x0  }
0x16: {  	s3 =	sld [smem:$0x3FDB];
	s0 =	simm.s32 @p2 $0x1  }
0x17: {  	s4 =	simm.s32 $0x1BF5;
	[smem:$0x3FB5] =	sst s0  }
0x18: {  	s0 =	sld [smem:$0x3F98];
	_ =	swait.ge [sflag:s4], $0x0  }
0x19: {  	s7 =	sld [smem:$0x3F99]  }
0x1a: {  	s8 =	sadd.s32 $0xFFFFE003, lr  }
0x1b: {  	s9 =	sadd.s32 $0xFFFFFEF7, lr;
	s5 =	simm.s32 $0xFFFFFFFF;
	p2 =	slt.u32 s8, $0xFFFFF086  }
0x1c: {  	p1 =	slt.u32 s9, $0xF7A;
	s5 =	simm.s32 @!p2 $0x0  }
0x1d: {  	s5 =	simm.s32 @p1 $0x1;
	p0 =	seq.s32 s7, s2  }
0x1e: {  	s7 =	smul.u32 @!p0 $0xF7A, s2;
	p2 =	seq.s32 @!p0 s5, $0x0  }
0x1f: {  	s9 =	smul.u32 $0xF7A, s1;
	s8 =	simm.s32 @!p0 $0x1BF5;
	p2 =	por !p2, p0  }
0x20: {  	[sflag:s8] =	ssyncset.s32 @!p0 $0xFFFFF086;
	s6 =	sadd.s32 @!p0 s3, s7;
	s7 =	simm.s32 @!p0 $0x108  }
0x21: {  	s3 =	sadd.s32 s3, s9;
	s6 =	sadd.s32 @!p0 $0x88, s6;
	s7 =	simm.s32 @p2 $0x1082  }
0x22: {  	[simem:s7], [sflag:s8] =	dma.local @!p0 [hbm:s6], $0xF7A  }
0x23: {  	s9 =	sor.u32 $0xD0000000, s2;
	s6 =	simm.s32 $0x108;
	_ =	swait.ge @!p0 [sflag:s8], $0x0  }
0x24: {  	s3 =	sadd.s32 $0x88, s3;
	s6 =	simm.s32 @!p1 $0x1082;
	[sflag:s4] =	ssyncset.s32 $0xFFFFF086  }
0x25: {  	[simem:s6], [sflag:s4] =	dma.local [hbm:s3], $0xF7A  }
0x26: {  	[smem:$0x3F99] =	sst s1;
	(tag) =	ssettag s2;
	_ =	strace s9  }
0x27: {  	s1 =	sld [smem:$0x3FA9]  }
0x28: {  	s2 =	sld [smem:$0x3FAA]  }
0x29: {  	s4 =	sld [smem:$0x3FAC]  }
0x2a: {  	p0 =	seq.s32 s5, $0x0;
	s5 =	sld [smem:$0x3FAD]  }
0x2b: {  	s6 =	sld [smem:$0x3FAE]  }
0x2c: {  	s7 =	sld [smem:$0x3FAF]  }
0x2d: {  	s3 =	simm.s32 $0x108;
	s8 =	sld [smem:$0x3FB0]  }
0x2e: {  	s3 =	simm.s32 @!p0 $0x1082;
	s9 =	sld [smem:$0x3FB1]  }
0x2f: {  	lr =	sadd.s32 s0, s3;
	s0 =	sld [smem:$0x3FA8]  }
0x30: {  	s3 =	sld [smem:$0x3FAB]  }
0x31: {  	[smem:$0x3FB4] =	sst s10  }
0x32: {  	s10 =	sld [smem:$0x3FB2];
	_ =	sdelay $0x3  }
0x33: {  	p0 =	seq.s32 s10, $0x1;
	s10 =	sld [smem:$0x3FB4];
	_ =	sdelay $0x3  }
0x34: {  	[smem:$0x3FB4] =	sst s10  }
0x35: {  	s10 =	sld [smem:$0x3FB3];
	_ =	sdelay $0x3  }
0x36: {  	p1 =	seq.s32 s10, $0x1;
	s10 =	sld [smem:$0x3FB4];
	_ =	sdelay $0x3  }
0x37: {  	[smem:$0x3FB4] =	sst s10  }
0x38: {  	s10 =	sld [smem:$0x3FB5]  }
0x39: {  	_ = 	snop;
	(pc) =	sbr.ind lr, $3  }
0x3a: {  	_ = 	snop  }
0x3b: {  	_ = 	snop  }
0x3c: {  	p2 =	seq.s32 s10, $0x1;
	s10 =	sld [smem:$0x3FB4]  }
0x3d: {  	_ =	shalt  }
0x3e: {  	_ =	shalt  }
0x3f: {  	_ =	shalt  }
0x40: {  	_ =	shalt  }
0x41: {  	_ =	shalt  }
0x42: {  	_ =	shalt  }
0x43: {  	_ =	shalt  }
0x44: {  	_ =	shalt  }
0x45: {  	_ =	shalt  }
0x46: {  	_ =	shalt  }
0x47: {  	_ =	shalt  }
0x48: {  	_ =	shalt  }
0x49: {  	_ =	shalt  }
0x4a: {  	_ =	shalt  }
0x4b: {  	_ =	shalt  }
0x4c: {  	_ =	shalt  }
0x4d: {  	_ =	shalt  }
0x4e: {  	_ =	shalt  }
0x4f: {  	_ =	shalt  }
0x50: {  	_ =	shalt  }
0x51: {  	_ =	shalt  }
0x52: {  	_ =	shalt  }
0x53: {  	_ =	shalt  }
0x54: {  	_ =	shalt  }
0x55: {  	_ =	shalt  }
0x56: {  	_ =	shalt  }
0x57: {  	_ =	shalt  }
0x58: {  	_ =	shalt  }
0x59: {  	_ =	shalt  }
0x5a: {  	_ =	shalt  }
0x5b: {  	_ =	shalt  }
0x5c: {  	_ =	shalt  }
0x5d: {  	_ =	shalt  }
0x5e: {  	_ =	shalt  }
0x5f: {  	_ =	shalt  }
0x60: {  	_ =	shalt  }
0x61: {  	_ =	shalt  }
0x62: {  	_ =	shalt  }
0x63: {  	_ =	shalt  }
0x64: {  	_ =	shalt  }
0x65: {  	_ =	shalt  }
0x66: {  	_ =	shalt  }
0x67: {  	_ =	shalt  }
0x68: {  	_ =	shalt  }
0x69: {  	_ =	shalt  }
0x6a: {  	_ =	shalt  }
0x6b: {  	_ =	shalt  }
0x6c: {  	_ =	shalt  }
0x6d: {  	_ =	shalt  }
0x6e: {  	_ =	shalt  }
0x6f: {  	_ =	shalt  }
0x70: {  	_ =	shalt  }
0x71: {  	_ =	shalt  }
0x72: {  	_ =	shalt  }
0x73: {  	_ =	shalt  }
0x74: {  	_ =	shalt  }
0x75: {  	_ =	shalt  }
0x76: {  	_ =	shalt  }
0x77: {  	_ =	shalt  }
0x78: {  	_ =	shalt  }
0x79: {  	_ =	shalt  }
0x7a: {  	_ =	shalt  }
0x7b: {  	_ =	shalt  }
0x7c: {  	_ =	shalt  }
0x7d: {  	_ =	shalt  }
0x7e: {  	_ =	shalt  }
0x7f: {  	_ =	shalt  }
0x80: {  	_ =	shalt  }
0x81: {  	_ =	shalt  }
0x82: {  	_ =	shalt  }
0x83: {  	_ =	shalt  }
0x84: {  	_ =	shalt  }
0x85: {  	_ =	shalt  }
0x86: {  	_ =	shalt  }
0x87: {  	_ =	shalt  }
.Lfunc_end0:
.L_simem_size_0:
called_computation_lowered:
.L_overlay_start_0:
0x88: {  	s2 =	sld [smem:$0x3FD9]  }
0x89: {  	s3 =	sld [smem:$0x3FFE];
	_ =	sdelay $0x1  }
0x8a: {  	s1 =	srdreg.scid  }
0x8b: {  	s0 =	sand.u32 $0x1, s1  }
0x8c: {  	s14 =	sshll.u32 s0, $0xA;
	s2 =	sadd.s32 s3, s2  }
0x8d: {  	s2 =	sadd.s32 s2, s14  }
0x8e: {  	[smem:$0x3FC0] =	sst s2  }
0x8f: {  	_ = 	snop  }
0x90: {  	s2 =	sld [smem:$0x3FC7]  }
0x91: {  	s15 =	sld [smem:$0x3FC6]  }
0x92: {  	s4 =	sld [smem:$0x3FC5]  }
0x93: {  	s5 =	sld [smem:$0x3FD0]  }
0x94: {  	s6 =	sld [smem:$0x3FC4]  }
0x95: {  	s7 =	sld [smem:$0x3FC3]  }
0x96: {  	s9 =	simm.s32 $0xA;
	s10 =	simm.s32 $0x10;
	s8 =	sld [smem:$0x3FC2]  }
0x97: {  	[smem:s10], [sflag:s9] =	dma.local [hbm:s5], $0x1  }
0x98: {  	_ =	swait.eq [sflag:s9], $0x1  }
0x99: {  	[sflag:s9] =	ssyncset.done $0x0  }
0x9a: {  	s16 =	sld [smem:$0x11];
	[sflag:s9] =	ssyncadd.s32 $0xFFFFFFFF  }
0x9b: {  	s17 =	sld [smem:$0x12];
	(tm) =	ssettm $0x1  }
0x9c: {  	s18 =	sld [smem:$0x3FFB];
	_ =	sdelay $0x3  }
0x9d: {  	_ =	strace s18  }
0x9e: {  	s10 =	sld [smem:$0x3FFC];
	_ =	sdelay $0x3  }
0x9f: {  	_ =	strace s10  }
0xa0: {  	s10 =	sld [smem:$0x3FFD];
	_ =	sdelay $0x3  }
0xa1: {  	_ =	strace s10  }
0xa2: {  	_ =	strace $0x8FFFFFFF  }
0xa3: {  	s19 =	sld [smem:$0x3FDB];
	_ =	sdelay $0x1  }
0xa4: {  	s11 =	simm.s32 $_scs_section_size  }
0xa5: {  	s12 =	simm.s32 $_size__tile_overlayer_lowered;
	s13 =	simm.s32 $_tile_overlayer_lowered  }
0xa6: {  	s22 =	simm.s32 $0x1BFF;
	s21 =	sshll.u32 s13, $0x1;
	s10 =	sadd.s32 s11, s19  }
0xa7: {  	s20 =	sshll.u32 s12, $0x1;
	s14 =	simm.s32 $0x0;
	s12 =	sadd.s32 s21, s10  }
0xa8: {  	[timem:s14], [sflag:s22] =	dma.local [hbm:s12], s20  }
0xa9: {  	_ =	swait.ge [sflag:s22], s20  }
0xaa: {  	s11 =	ssub.s32 $0x0, s20;
	[sflag:s22] =	ssyncset.done $0x0  }
0xab: {  	[sflag:s22] =	ssyncadd.s32 s11;
	_ =	sdelay $0x1  }
0xac: {  	s23 =	simm.s32 $0x1B8B  }
0xad: {  	_ =	swait.ge [sflag:s23], $0x1  }
0xae: {  	[sflag:s23] =	ssyncset.done $0x0  }
0xaf: {  	s25 =	simm.s32 $0x1B8E;
	s24 =	sld [smem:$0x3FFE];
	[sflag:s23] =	ssyncadd.s32 $0xFFFFFFFF  }
0xb0: {  	s26 =	simm.s32 $execute0_lowered;
	[smem:$0x3FD2] =	sst s25  }
0xb1: {  	s12 =	sshll.u32 s26, $0x1;
	_ =	strace $0x80000046;
	[dreg:$0x1] =	wrdreg $0xFFFFFFFF  }
0xb2: {  	s28 =	simm.s32 $_size_execute0_lowered;
	s10 =	sadd.s32 s10, s12;
	[dreg:$0x0] =	wrdreg $0x0  }
0xb3: {  	s12 =	sshll.u32 s28, $0x1;
	[dreg:$0x2] =	wrdreg s10  }
0xb4: {  	[dreg:$0x3] =	wrdreg s12  }
0xb5: {  	[dreg:$0x4] =	wrdreg $0xC0  }
0xb6: {  	_ =	task [dreg:s14], $0x5FFFF  }
0xb7: {  	[dreg:$0x1] =	wrdreg $0xFFFFFFFF  }
0xb8: {  	[dreg:$0x0] =	wrdreg $0x60  }
0xb9: {  	[dreg:$0x2] =	wrdreg s24  }
0xba: {  	[dreg:$0x3] =	wrdreg s2  }
0xbb: {  	[dreg:$0x4] =	wrdreg s15  }
0xbc: {  	[dreg:$0x5] =	wrdreg s4  }
0xbd: {  	[dreg:$0x6] =	wrdreg s6  }
0xbe: {  	[dreg:$0x7] =	wrdreg s7  }
0xbf: {  	[dreg:$0x8] =	wrdreg s8  }
0xc0: {  	[dreg:$0x9] =	wrdreg s16  }
0xc1: {  	[dreg:$0xa] =	wrdreg s17  }
0xc2: {  	[dreg:$0xb] =	wrdreg $0x9  }
0xc3: {  	_ =	task.clear_ibuf [dreg:s14], $0xCFFFF;
	_ =	strace $0x90000046  }
0xc4: {  	s29 =	simm.s32 $0x9;
	_ =	strace $0x80000048  }
0xc5: {  	_ =	swait.ge [sflag:s29], $0x1  }
0xc6: {  	[sflag:s29] =	ssyncadd.s32 $0xFFFFFFFF  }
0xc7: {  	_ =	strace $0x90000048  }
0xc8: {  	_ =	sfence  }
0xc9: {  	s30 =	sld [smem:$0x0];
	_ =	sdelay $0x2  }
0xca: {  	s31 =	sshll.u32 s1, $0xD;
	s1 =	sshrl.u32 s1, $0x2  }
0xcb: {  	s3 =	sand.u32 $0x4000, s31;
	s1 =	sadd.s32 s1, s30  }
0xcc: {  	s0 =	sor.u32 s3, s0;
	s1 =	sshll.u32 s1, $0x11  }
0xcd: {  	s0 =	sor.u32 s1, s0  }
0xce: {  	s0 =	sadd.s32 $0x8F2B, s0  }
0xcf: {  	[sflag:s0] =	ssyncadd.remote.s32 $0x1  }
0xd0: {  	_ =	sfence.sel $0xFFFF  }
0xd1: {  	[dreg:$0x0] =	wrdreg $0xFFFFFFFF;
	(pc) =	sbr.abs _section_cstart, $3  }
0xd2: {  	[dreg:$0x1] =	wrdreg $0xFFFFFFFF  }
0xd3: {  	_ =	task.clear_ibuf [dreg:s14], $0x2FFFF;
	_ =	strace $0x9FFFFFFF  }
0xd4: {  	(tm) =	ssettm $0x7FFFFFFF  }
0xd5: {  	_ =	shalt  }
tec
execute0_lowered:
.L_overlay_start_1:
0x0: {  	(tag) =	ssettag $0x1  }
0x1: {  	s0 =	rddreg [dreg:$0x1]  }
0x2: {  	s2 =	rddreg [dreg:$0x2]  }
0x3: {  	s3 =	rddreg [dreg:$0x3]  }
0x4: {  	s4 =	rddreg [dreg:$0x4]  }
0x5: {  	s5 =	rddreg [dreg:$0x5]  }
0x6: {  	s7 =	srdreg.scid;
	s8 =	stileid.u32  }
0x7: {  	s6 =	rddreg [dreg:$0x6];
	s7 =	sand.u32 $0x1, s7;
	s8 =	sshll.u32 s8, $0x1  }
0x8: {  	s1 =	simm.s32 $0x0;
	s8 =	sor.u32 s7, s8;
	s7 =	ssub.s32 $0x2, s7  }
0x9: {  	s9 =	sshll.u32 s8, $0x4;
	s10 =	sshrl.u32 s7, $0x1;
	s8 =	sshll.u32 s8, $0x6  }
0xa: {  	[smem:$0x7FF] =	sst s1;
	s7 =	ssub.s32 s7, s10;
	s15 =	sadd.s32 s0, s8  }
0xb: {  	s16 =	sor.u32 $0x10, s8;
	s11 =	sadd.s32 s2, s8;
	[dreg:$0xa] =	wrdreg s15  }
0xc: {  	[dreg:$0xb] =	wrdreg s11;
	s17 =	sadd.s32 s0, s16;
	s18 =	sadd.s32 s2, s16  }
0xd: {  	s19 =	sadd.s32 s3, s16;
	s20 =	sadd.s32 s4, s16;
	s15 =	rddreg [dreg:$0x0]  }
0xe: {  	s12 =	sadd.s32 s5, s16;
	s10 =	sadd.s32 s6, s16;
	s16 =	rddreg [dreg:$0x7]  }
0xf: {  	[dreg:$0xc] =	wrdreg s17  }
0x10: {  	[dreg:$0xd] =	wrdreg s18  }
0x11: {  	[dreg:$0xe] =	wrdreg s19  }
0x12: {  	[dreg:$0xf] =	wrdreg s20  }
0x13: {  	s21 =	sor.u32 $0x20, s8;
	[dreg:$0x10] =	wrdreg s12  }
0x14: {  	s22 =	sadd.s32 s0, s21;
	[dreg:$0x11] =	wrdreg s10  }
0x15: {  	s23 =	sadd.s32 s2, s21;
	[dreg:$0x12] =	wrdreg s22  }
0x16: {  	s24 =	sadd.s32 s3, s21;
	[dreg:$0x13] =	wrdreg s23  }
0x17: {  	s25 =	sadd.s32 s4, s21;
	[dreg:$0x14] =	wrdreg s24  }
0x18: {  	s13 =	sor.u32 $0x30, s8;
	s26 =	sadd.s32 s5, s21;
	[dreg:$0x15] =	wrdreg s25  }
0x19: {  	s0 =	sadd.s32 s0, s13;
	[dreg:$0x16] =	wrdreg s26  }
0x1a: {  	s14 =	sadd.s32 s2, s13;
	s2 =	simm.s32 $0x2;
	[dreg:$0x18] =	wrdreg s0  }
0x1b: {  	s11 =	simm.s32 $0x6300;
	s12 =	sadd.s32 s6, s21;
	[dreg:$0x19] =	wrdreg s14  }
0x1c: {  	s18 =	sadd.s32 s3, s8;
	s19 =	sadd.s32 s3, s13;
	s20 =	sadd.s32 s4, s8  }
0x1d: {  	s21 =	sadd.s32 s4, s13;
	s23 =	sadd.s32 s5, s8;
	s24 =	sadd.s32 s5, s13  }
0x1e: {  	s25 =	sadd.s32 s6, s13;
	s17 =	rddreg [dreg:$0x8];
	s26 =	sadd.s32 s6, s8  }
0x1f: {  	s28 =	sadd.s32 s16, s8;
	s22 =	sadd.s32 s9, s15;
	s30 =	sadd.s32 $0xF42600, s15  }
0x20: {  	s31 =	sadd.s32 $0x200, s15;
	s0 =	smax.u32 s7, $0x1;
	s3 =	simm.s32 $0x80  }
0x21: {  	v0 =	vlaneseq.u32;
	s4 =	simm.s32 $0x100;
	s5 =	simm.s32 $0x180;
	s6 =	simm.s32 $0x200  }
0x22: {  	v0 =	vmul.u32 $0x40, v0;
	s7 =	simm.s32 $0x280;
	s9 =	simm.s32 $0x2300;
	s10 =	simm.s32 $0x4300  }
0x23: {  	s13 =	simm.s32 $0xA300;
	s14 =	simm.s32 $0x1;
	s15 =	simm.s32 $0x0  }
0x24: {  	v1 =	vor.u32 $0x400, v0;
	[dreg:$0x17] =	wrdreg s12;
	s29 =	sadd.s32 s17, s8;
	s22 =	sadd.s32 $0x2200, s22  }
0x25: {  	v22 =	vimm.f32 $0.0e+00;
	v2 =	vor.u32 $0x800, v0;
	v3 =	vor.u32 $0xC00, v0;
	s8 =	simm.s32 $0x300;
	s12 =	simm.s32 $0x8300;
	_ =	strace $0x80000047  }
.LBB2_1:
0x26: {  	s16 =	rddreg [dreg:$0xa]  }
0x27: {  	[tilespmem:s1], [sflag:$0x2] =	stream.linear.gather [hbm4b:s16+s1], $0x80, $0x38;
	[tilespmem:$0xC780] =	vst v63  }
0x28: {  	_ =	swait.ge [sflag:s2], $0x80  }
0x29: {  	[sflag:s2] =	ssyncset.done $0x0  }
0x2a: {  	s17 =	rddreg [dreg:$0xb];
	[sflag:s2] =	ssyncadd.s32 $0xFFFFFF80  }
0x2b: {  	[tilespmem:s3], [sflag:$0x2] =	stream.linear.gather [hbm4b:s17+s1], $0x80, $0x38;
	[tilespmem:$0xC780] =	vst v63  }
0x2c: {  	_ =	swait.ge [sflag:s2], $0x80  }
0x2d: {  	[sflag:s2] =	ssyncset.done $0x0  }
0x2e: {  	[sflag:s2] =	ssyncadd.s32 $0xFFFFFF80  }
0x2f: {  	[tilespmem:s4], [sflag:$0x2] =	stream.linear.gather [hbm4b:s18+s1], $0x80, $0x38;
	[tilespmem:$0xC780] =	vst v63  }
0x30: {  	_ =	swait.ge [sflag:s2], $0x80  }
0x31: {  	[sflag:s2] =	ssyncset.done $0x0  }
0x32: {  	[sflag:s2] =	ssyncadd.s32 $0xFFFFFF80  }
0x33: {  	[tilespmem:s5], [sflag:$0x2] =	stream.linear.gather [hbm4b:s20+s1], $0x80, $0x38;
	[tilespmem:$0xC780] =	vst v63  }
0x34: {  	_ =	swait.ge [sflag:s2], $0x80  }
0x35: {  	[sflag:s2] =	ssyncset.done $0x0  }
0x36: {  	[sflag:s2] =	ssyncadd.s32 $0xFFFFFF80  }
0x37: {  	[tilespmem:s6], [sflag:$0x2] =	stream.linear.gather [hbm4b:s23+s1], $0x80, $0x38;
	[tilespmem:$0xC780] =	vst v63  }
0x38: {  	_ =	swait.ge [sflag:s2], $0x80  }
0x39: {  	[sflag:s2] =	ssyncset.done $0x0  }
0x3a: {  	[sflag:s2] =	ssyncadd.s32 $0xFFFFFF80  }
0x3b: {  	[tilespmem:s7], [sflag:$0x2] =	stream.linear.gather [hbm4b:s26+s1], $0x80, $0x38;
	[tilespmem:$0xC780] =	vst v63  }
0x3c: {  	_ =	swait.ge [sflag:s2], $0x80  }
0x3d: {  	[sflag:s2] =	ssyncset.done $0x0  }
0x3e: {  	[sflag:s2] =	ssyncadd.s32 $0xFFFFFF80  }
0x3f: {  	[tilespmem:s8], [sflag:$0x1] =	stream.indirect.gather [hbm4b:s30+s3], $0x40, s1, s3, $0xb8;
	[tilespmem:$0xC780] =	vst v63  }
0x40: {  	_ = 	snop  }
0x41: {  	[tilespmem:s9], [sflag:$0x1] =	stream.indirect.gather [hbm4b:s31+s3], $0x40, s3, s3, $0xb8;
	[tilespmem:$0xC780] =	vst v63  }
0x42: {  	_ = 	snop  }
0x43: {  	[tilespmem:s10], [sflag:$0x1] =	stream.indirect.gather [hbm4b:s30+s3], $0x40, s4, s3, $0xb8;
	[tilespmem:$0xC780] =	vst v63  }
0x44: {  	_ = 	snop  }
0x45: {  	[tilespmem:s11], [sflag:$0x1] =	stream.indirect.gather [hbm4b:s30+s3], $0x40, s5, s3, $0xb8;
	[tilespmem:$0xC780] =	vst v63  }
0x46: {  	_ = 	snop  }
0x47: {  	[tilespmem:s12], [sflag:$0x1] =	stream.indirect.gather [hbm4b:s31+s3], $0x40, s6, s3, $0xb8;
	[tilespmem:$0xC780] =	vst v63  }
0x48: {  	_ = 	snop  }
0x49: {  	[tilespmem:s13], [sflag:$0x1] =	stream.indirect.gather [hbm4b:s30+s3], $0x40, s7, s3, $0xb8;
	[tilespmem:$0xC780] =	vst v63  }
0x4a: {  	_ =	swait.ge [sflag:s14], $0x2000  }
0x4b: {  	[sflag:s14] =	ssyncset.done $0x0  }
0x4c: {  	[sflag:s14] =	ssyncadd.s32 $0xFFFFE000  }
0x4d: {  	_ =	swait.ge [sflag:s14], $0x2000  }
0x4e: {  	[sflag:s14] =	ssyncset.done $0x0  }
0x4f: {  	[sflag:s14] =	ssyncadd.s32 $0xFFFFE000  }
0x50: {  	_ =	swait.ge [sflag:s14], $0x2000  }
0x51: {  	[sflag:s14] =	ssyncset.done $0x0  }
0x52: {  	[sflag:s14] =	ssyncadd.s32 $0xFFFFE000  }
0x53: {  	v4 =	vmov s1;
	_ =	swait.ge [sflag:s14], $0x2000  }
0x54: {  	v4 =	vand.u32 $0x3F, v4;
	[sflag:s14] =	ssyncset.done $0x0  }
0x55: {  	v4 =	vbroadcast v4, $0x0;
	[sflag:s14] =	ssyncadd.s32 $0xFFFFE000  }
0x56: {  	_ =	swait.ge [sflag:s14], $0x2000  }
0x57: {  	v4 =	vor.u32 v0, v4;
	[sflag:s14] =	ssyncset.done $0x0  }
0x58: {  	[sflag:s14] =	ssyncadd.s32 $0xFFFFE000  }
0x59: {  	s17 =	simm.s32 $0x1;
	_ =	swait.ge [sflag:s14], $0x2000  }
0x5a: {  	v5 =	vmov s17;
	[sflag:s14] =	ssyncset.done $0x0  }
0x5b: {  	v5 =	vand.u32 $0x3F, v5;
	[sflag:s14] =	ssyncadd.s32 $0xFFFFE000  }
0x5c: {  	v5 =	vbroadcast v5, $0x0;
	v6 =	vld.idx.msk [tilespmem:v4+s13+$0x0], $0xffff  }
0x5d: {  	v8 =	vld.idx.msk [tilespmem:v4+s10+$0x0], $0xffff  }
0x5e: {  	v5 =	vor.u32 v0, v5;
	v7 =	vld.idx.msk [tilespmem:v4+s12+$0x0], $0xffff  }
0x5f: {  	s17 =	simm.s32 $0x2;
	v9 =	vld.idx.msk [tilespmem:v4+s9+$0x0], $0xffff  }
0x60: {  	v11 =	vmov s17;
	v10 =	vld.idx.msk [tilespmem:v4+s11+$0x0], $0xffff  }
0x61: {  	v11 =	vand.u32 $0x3F, v11;
	v4 =	vld.idx.msk [tilespmem:v4+s8+$0x0], $0xffff  }
0x62: {  	v14 =	vbroadcast v11, $0x0  }
0x63: {  	v12 =	vld.idx.msk [tilespmem:v5+s13+$0x0], $0xffff  }
0x64: {  	v16 =	vor.u32 v0, v14  }
0x65: {  	v11 =	vld.idx.msk [tilespmem:v5+s10+$0x0], $0xffff;
	v13 =	vand.u32 $0x7FFFFFFF, v8;
	v15 =	vand.u32 $0x7FFFFFFF, v6;
	v14 =	vmul.f32 v9, v9  }
0x66: {  	v23 =	vld.idx.msk [tilespmem:v5+s12+$0x0], $0xffff;
	v24 =	vadd.f32 v9, v4;
	v4 =	vand.u32 $0x7FFFFFFF, v4;
	v19 =	vadd.f32 v13, v22  }
0x67: {  	v21 =	vld.idx.msk [tilespmem:v5+s9+$0x0], $0xffff;
	v13 =	vmul.f32 v7, v7;
	v20 =	vadd.f32 v15, v22;
	v7 =	vadd.f32 v7, v10  }
0x68: {  	v27 =	vand.u32 $0x7FFFFFFF, v12;
	v4 =	vadd.f32 v4, v22;
	v17 =	vadd.f32 v14, v22  }
0x69: {  	s17 =	simm.s32 $0x3;
	v18 =	vld.idx.msk [tilespmem:v5+s11+$0x0], $0xffff;
	v15 =	vadd.f32 v13, v22;
	v13 =	vsub.f32 v7, v6;
	v6 =	vand.u32 $0x7FFFFFFF, v10  }
0x6a: {  	v25 =	vsub.f32 v24, v8;
	v7 =	vld.idx.msk [tilespmem:v5+s8+$0x0], $0xffff;
	v14 =	vadd.f32 v6, v22;
	v6 =	vmov s17  }
0x6b: {  	v9 =	vld.idx.msk [tilespmem:v16+s13+$0x0], $0xffff;
	v24 =	vmul.f32 v23, v23;
	v5 =	vand.u32 $0x3F, v6;
	v6 =	vand.u32 $0x7FFFFFFF, v11  }
0x6c: {  	v8 =	vld.idx.msk [tilespmem:v16+s12+$0x0], $0xffff;
	v22 =	vmul.f32 v21, v21;
	v26 =	vbroadcast v5, $0x0;
	v5 =	vadd.f32 v6, v19  }
0x6d: {  	s16 =	simm.s32 $0x4;
	v10 =	vld.idx.msk [tilespmem:v16+s10+$0x0], $0xffff;
	v6 =	vadd.f32 v27, v20;
	v20 =	vimm.f32 $0.0e+00;
	v19 =	vimm.f32 $0.0e+00  }
.LBB2_2:
0x6e: {  	p0 =	sne.s32 s16, $0x3F;
	v27 =	vor.u32 v0, v26;
	v28 =	vld.idx.msk [tilespmem:v16+s9+$0x0], $0xffff;
	v23 =	vadd.f32 v23, v18;
	v25 =	vand.u32 $0x7FFFFFFF, v25;
	v26 =	vmovc v18;
	s17 =	smov.u32 s16;
	s16 =	sadd.s32 $0x1, s16  }
0x6f: {  	v21 =	vadd.f32 v21, v7;
	v29 =	vmovc v7;
	v18 =	vld.idx.msk [tilespmem:v16+s11+$0x0], $0xffff;
	v15 =	vadd.f32 v24, v15;
	v24 =	vand.u32 $0x7FFFFFFF, v13  }
0x70: {  	v26 =	vand.u32 $0x7FFFFFFF, v26;
	v20 =	vadd.f32 v25, v20;
	v7 =	vld.idx.msk [tilespmem:v16+s8+$0x0], $0xffff;
	v13 =	vsub.f32 v23, v12;
	v16 =	vmovc v27  }
.Ltmp0:
0x71: {  	v17 =	vadd.f32 v22, v17;
	v30 =	vand.u32 $0x7FFFFFFF, v29;
	v14 =	vadd.f32 v26, v14;
	v12 =	vmovc v9;
	v25 =	vmovc v11;
	(pc) =	sbr.rel @p0 .LBB2_2-.Ltmp0, $4  }
0x72: {  	v9 =	vmov s17;
	v19 =	vadd.f32 v24, v19;
	v29 =	vand.u32 $0x7FFFFFFF, v12;
	v11 =	vmovc v10  }
0x73: {  	v4 =	vadd.f32 v30, v4;
	v10 =	vand.u32 $0x3F, v9;
	v24 =	vand.u32 $0x7FFFFFFF, v11;
	v23 =	vmovc v8;
	v9 =	vld.idx.msk [tilespmem:v27+s13+$0x0], $0xffff  }
0x74: {  	v26 =	vbroadcast v10, $0x0;
	v25 =	vsub.f32 v21, v25;
	v22 =	vmul.f32 v28, v28;
	v21 =	vmovc v28;
	v10 =	vld.idx.msk [tilespmem:v27+s10+$0x0], $0xffff  }
0x75: {  	v6 =	vadd.f32 v29, v6;
	v5 =	vadd.f32 v24, v5;
	v24 =	vmul.f32 v8, v23;
	v8 =	vld.idx.msk [tilespmem:v27+s12+$0x0], $0xffff  }
0x76: {  	_ =	sdelay $0x1  }
0x77: {  	v26 =	vor.u32 v0, v26;
	_ =	sdelay $0x1  }
0x78: {  	v27 =	vld.idx.msk [tilespmem:v16+s9+$0x0], $0xffff  }
0x79: {  	v28 =	vld.idx.msk [tilespmem:v16+s11+$0x0], $0xffff  }
0x7a: {  	v23 =	vadd.f32 v23, v18;
	v16 =	vld.idx.msk [tilespmem:v16+s8+$0x0], $0xffff  }
0x7b: {  	v21 =	vadd.f32 v21, v7;
	v29 =	vld.idx.msk [tilespmem:v26+s12+$0x0], $0xffff  }
0x7c: {  	v25 =	vand.u32 $0x7FFFFFFF, v25;
	v17 =	vadd.f32 v22, v17;
	v12 =	vsub.f32 v23, v12;
	v23 =	vld.idx.msk [tilespmem:v26+s9+$0x0], $0xffff  }
0x7d: {  	v18 =	vand.u32 $0x7FFFFFFF, v18;
	v15 =	vadd.f32 v24, v15;
	v11 =	vsub.f32 v21, v11;
	v22 =	vld.idx.msk [tilespmem:v26+s8+$0x0], $0xffff  }
0x7e: {  	v13 =	vand.u32 $0x7FFFFFFF, v13;
	v20 =	vadd.f32 v25, v20;
	v14 =	vadd.f32 v18, v14;
	v24 =	vld.idx.msk [tilespmem:v26+s11+$0x0], $0xffff  }
0x7f: {  	v13 =	vadd.f32 v13, v19;
	v11 =	vand.u32 $0x7FFFFFFF, v11;
	v18 =	vld.idx.msk [tilespmem:v26+s10+$0x0], $0xffff;
	v25 =	vadd.f32 v27, v16  }
0x80: {  	v12 =	vand.u32 $0x7FFFFFFF, v12;
	v21 =	vadd.f32 v8, v28;
	v19 =	vld.idx.msk [tilespmem:v26+s13+$0x0], $0xffff;
	v11 =	vadd.f32 v11, v20  }
0x81: {  	s16 =	simm.s32 $0x0;
	v7 =	vand.u32 $0x7FFFFFFF, v7;
	v12 =	vadd.f32 v12, v13;
	v20 =	vsub.f32 v25, v10  }
0x82: {  	v21 =	vsub.f32 v21, v9;
	v25 =	vmov s16;
	v13 =	vadd.f32 v23, v22  }
0x83: {  	v25 =	vand.u32 $0x3F, v25;
	v20 =	vand.u32 $0x7FFFFFFF, v20;
	v26 =	vadd.f32 v29, v24  }
0x84: {  	v11 =	vadd.f32 v20, v11;
	v20 =	vbroadcast v25, $0x0;
	v13 =	vsub.f32 v13, v18  }
0x85: {  	v4 =	vadd.f32 v7, v4;
	v21 =	vand.u32 $0x7FFFFFFF, v21;
	v25 =	vsub.f32 v26, v19  }
0x86: {  	v12 =	vadd.f32 v21, v12;
	v20 =	vor.u32 v1, v20;
	v13 =	vand.u32 $0x7FFFFFFF, v13  }
0x87: {  	v8 =	vmul.f32 v8, v8;
	v21 =	vand.u32 $0x7FFFFFFF, v25;
	v11 =	vadd.f32 v13, v11  }
0x88: {  	v7 =	vmul.f32 v27, v27;
	v10 =	vand.u32 $0x7FFFFFFF, v10;
	v12 =	vadd.f32 v21, v12  }
0x89: {  	s17 =	simm.s32 $0x1;
	v9 =	vand.u32 $0x7FFFFFFF, v9;
	v8 =	vadd.f32 v8, v15;
	v5 =	vadd.f32 v10, v5;
	[tilespmem:$0xC300] =	vst v11  }
0x8a: {  	v6 =	vadd.f32 v9, v6;
	v9 =	vmov s17;
	v10 =	vand.u32 $0x7FFFFFFF, v28;
	[tilespmem:$0xC500] =	vst v12  }
0x8b: {  	v9 =	vand.u32 $0x3F, v9;
	v10 =	vadd.f32 v10, v14;
	v14 =	vmul.f32 v29, v29;
	v15 =	vld.idx.msk [tilespmem:v20+s13+$0x0], $0xffff  }
0x8c: {  	v7 =	vadd.f32 v7, v17;
	s17 =	simm.s32 $0x2;
	v9 =	vbroadcast v9, $0x0;
	v25 =	vld.idx.msk [tilespmem:v20+s10+$0x0], $0xffff  }
0x8d: {  	v8 =	vadd.f32 v14, v8;
	v14 =	vmov s17;
	[tilespmem:$0x1FFE0] =	vst v11;
	v11 =	vand.u32 $0x7FFFFFFF, v16;
	v17 =	vld.idx.msk [tilespmem:v20+s12+$0x0], $0xffff  }
0x8e: {  	v13 =	vand.u32 $0x7FFFFFFF, v18;
	v4 =	vadd.f32 v11, v4;
	v11 =	vor.u32 v1, v9;
	v18 =	vld.idx.msk [tilespmem:v20+s9+$0x0], $0xffff  }
0x8f: {  	v5 =	vadd.f32 v13, v5;
	[tilespmem:$0x1FFF0] =	vst v12;
	v12 =	vand.u32 $0x7FFFFFFF, v19;
	v9 =	vmul.f32 v23, v23;
	v19 =	vld.idx.msk [tilespmem:v20+s11+$0x0], $0xffff  }
0x90: {  	v13 =	vand.u32 $0x7FFFFFFF, v22;
	v6 =	vadd.f32 v12, v6;
	v12 =	vand.u32 $0x7FFFFFFF, v24;
	v20 =	vld.idx.msk [tilespmem:v20+s8+$0x0], $0xffff  }
0x91: {  	v10 =	vadd.f32 v12, v10;
	v7 =	vadd.f32 v9, v7;
	v9 =	vand.u32 $0x3F, v14  }
0x92: {  	v4 =	vadd.f32 v13, v4;
	v14 =	vbroadcast v9, $0x0;
	v9 =	vimm.f32 $0.0e+00  }
0x93: {  	v12 =	vand.u32 $0x7FFFFFFF, v25;
	v21 =	vand.u32 $0x7FFFFFFF, v15;
	v13 =	vld.idx.msk [tilespmem:v11+s13+$0x0], $0xffff;
	v24 =	vmul.f32 v17, v17  }
0x94: {  	v16 =	vor.u32 v1, v14;
	v14 =	vadd.f32 v17, v19;
	v26 =	vmul.f32 v18, v18;
	v22 =	vld.idx.msk [tilespmem:v11+s9+$0x0], $0xffff  }
0x95: {  	s17 =	simm.s32 $0x3;
	v27 =	vadd.f32 v18, v20;
	v20 =	vand.u32 $0x7FFFFFFF, v20;
	v5 =	vadd.f32 v12, v5;
	v12 =	vld.idx.msk [tilespmem:v11+s10+$0x0], $0xffff  }
0x96: {  	v23 =	vld.idx.msk [tilespmem:v11+s12+$0x0], $0xffff;
	v6 =	vadd.f32 v21, v6;
	v21 =	vmov s17;
	v4 =	vadd.f32 v20, v4  }
0x97: {  	v18 =	vld.idx.msk [tilespmem:v11+s11+$0x0], $0xffff;
	v17 =	vadd.f32 v24, v8;
	v14 =	vsub.f32 v14, v15;
	v8 =	vand.u32 $0x7FFFFFFF, v19  }
0x98: {  	v19 =	vadd.f32 v26, v7;
	v7 =	vld.idx.msk [tilespmem:v11+s8+$0x0], $0xffff;
	v15 =	vadd.f32 v8, v10;
	v8 =	vand.u32 $0x3F, v21  }
0x99: {  	v20 =	vimm.f32 $0.0e+00;
	v24 =	vsub.f32 v27, v25;
	v26 =	vbroadcast v8, $0x0;
	v10 =	vld.idx.msk [tilespmem:v16+s13+$0x0], $0xffff  }
0x9a: {  	v62 =	vand.u32 $0x7FFFFFFF, v13;
	v11 =	vld.idx.msk [tilespmem:v16+s10+$0x0], $0xffff;
	v21 =	vmul.f32 v22, v22;
	v63 =	vand.u32 $0x7FFFFFFF, v12  }
0x9b: {  	s16 =	simm.s32 $0x4;
	v8 =	vld.idx.msk [tilespmem:v16+s12+$0x0], $0xffff;
	v25 =	vmul.f32 v23, v23;
	v6 =	vadd.f32 v62, v6;
	v5 =	vadd.f32 v63, v5  }
.LBB2_4:
0x9c: {  	p0 =	sne.s32 s16, $0x3F;
	v27 =	vor.u32 v1, v26;
	v28 =	vld.idx.msk [tilespmem:v16+s9+$0x0], $0xffff;
	v23 =	vadd.f32 v23, v18;
	v24 =	vand.u32 $0x7FFFFFFF, v24;
	v26 =	vmovc v18;
	s17 =	smov.u32 s16;
	s16 =	sadd.s32 $0x1, s16  }
0x9d: {  	v22 =	vadd.f32 v22, v7;
	v29 =	vmovc v7;
	v18 =	vld.idx.msk [tilespmem:v16+s11+$0x0], $0xffff;
	v17 =	vadd.f32 v25, v17;
	v25 =	vand.u32 $0x7FFFFFFF, v14  }
0x9e: {  	v26 =	vand.u32 $0x7FFFFFFF, v26;
	v9 =	vadd.f32 v24, v9;
	v7 =	vld.idx.msk [tilespmem:v16+s8+$0x0], $0xffff;
	v14 =	vsub.f32 v23, v13;
	v16 =	vmovc v27  }
.Ltmp1:
0x9f: {  	v19 =	vadd.f32 v21, v19;
	v30 =	vand.u32 $0x7FFFFFFF, v29;
	v15 =	vadd.f32 v26, v15;
	v13 =	vmovc v10;
	v24 =	vmovc v12;
	(pc) =	sbr.rel @p0 .LBB2_4-.Ltmp1, $4  }
0xa0: {  	v10 =	vmov s17;
	v20 =	vadd.f32 v25, v20;
	v29 =	vand.u32 $0x7FFFFFFF, v13;
	v12 =	vmovc v11  }
0xa1: {  	v4 =	vadd.f32 v30, v4;
	v11 =	vand.u32 $0x3F, v10;
	v25 =	vand.u32 $0x7FFFFFFF, v12;
	v23 =	vmovc v8;
	v10 =	vld.idx.msk [tilespmem:v27+s13+$0x0], $0xffff  }
0xa2: {  	v26 =	vbroadcast v11, $0x0;
	v24 =	vsub.f32 v22, v24;
	v21 =	vmul.f32 v28, v28;
	v22 =	vmovc v28;
	v11 =	vld.idx.msk [tilespmem:v27+s10+$0x0], $0xffff  }
0xa3: {  	v6 =	vadd.f32 v29, v6;
	v5 =	vadd.f32 v25, v5;
	v25 =	vmul.f32 v8, v23;
	v8 =	vld.idx.msk [tilespmem:v27+s12+$0x0], $0xffff  }
0xa4: {  	_ =	sdelay $0x1  }
0xa5: {  	v26 =	vor.u32 v1, v26;
	_ =	sdelay $0x1  }
0xa6: {  	v27 =	vld.idx.msk [tilespmem:v16+s9+$0x0], $0xffff  }
0xa7: {  	v28 =	vld.idx.msk [tilespmem:v16+s11+$0x0], $0xffff  }
0xa8: {  	v23 =	vadd.f32 v23, v18;
	v16 =	vld.idx.msk [tilespmem:v16+s8+$0x0], $0xffff  }
0xa9: {  	v22 =	vadd.f32 v22, v7;
	v29 =	vld.idx.msk [tilespmem:v26+s12+$0x0], $0xffff  }
0xaa: {  	v24 =	vand.u32 $0x7FFFFFFF, v24;
	v19 =	vadd.f32 v21, v19;
	v13 =	vsub.f32 v23, v13;
	v23 =	vld.idx.msk [tilespmem:v26+s9+$0x0], $0xffff  }
0xab: {  	v18 =	vand.u32 $0x7FFFFFFF, v18;
	v17 =	vadd.f32 v25, v17;
	v12 =	vsub.f32 v22, v12;
	v21 =	vld.idx.msk [tilespmem:v26+s8+$0x0], $0xffff  }
0xac: {  	v14 =	vand.u32 $0x7FFFFFFF, v14;
	v9 =	vadd.f32 v24, v9;
	v15 =	vadd.f32 v18, v15;
	v24 =	vld.idx.msk [tilespmem:v26+s11+$0x0], $0xffff  }
0xad: {  	v14 =	vadd.f32 v14, v20;
	v12 =	vand.u32 $0x7FFFFFFF, v12;
	v18 =	vld.idx.msk [tilespmem:v26+s10+$0x0], $0xffff;
	v25 =	vadd.f32 v27, v16  }
0xae: {  	v13 =	vand.u32 $0x7FFFFFFF, v13;
	v22 =	vadd.f32 v8, v28;
	v20 =	vld.idx.msk [tilespmem:v26+s13+$0x0], $0xffff;
	v9 =	vadd.f32 v12, v9  }
0xaf: {  	s16 =	simm.s32 $0x0;
	v7 =	vand.u32 $0x7FFFFFFF, v7;
	v13 =	vadd.f32 v13, v14;
	v12 =	vsub.f32 v25, v11  }
0xb0: {  	v22 =	vsub.f32 v22, v10;
	v25 =	vmov s16;
	v14 =	vadd.f32 v23, v21  }
0xb1: {  	v25 =	vand.u32 $0x3F, v25;
	v12 =	vand.u32 $0x7FFFFFFF, v12;
	v26 =	vadd.f32 v29, v24  }
0xb2: {  	v9 =	vadd.f32 v12, v9;
	v12 =	vsub.f32 v14, v18;
	v14 =	vbroadcast v25, $0x0  }
0xb3: {  	v4 =	vadd.f32 v7, v4;
	v22 =	vand.u32 $0x7FFFFFFF, v22;
	v25 =	vsub.f32 v26, v20  }
0xb4: {  	v13 =	vadd.f32 v22, v13;
	v12 =	vand.u32 $0x7FFFFFFF, v12;
	v14 =	vor.u32 v2, v14  }
0xb5: {  	v8 =	vmul.f32 v8, v8;
	v22 =	vand.u32 $0x7FFFFFFF, v25;
	v12 =	vadd.f32 v12, v9  }
0xb6: {  	v10 =	vand.u32 $0x7FFFFFFF, v10;
	v9 =	vand.u32 $0x7FFFFFFF, v11;
	v11 =	vadd.f32 v22, v13  }
0xb7: {  	s17 =	simm.s32 $0x1;
	v7 =	vmul.f32 v27, v27;
	v8 =	vadd.f32 v8, v17;
	v6 =	vadd.f32 v10, v6;
	[tilespmem:$0xC310] =	vst v12  }
0xb8: {  	v10 =	vand.u32 $0x7FFFFFFF, v28;
	v5 =	vadd.f32 v9, v5;
	v9 =	vmov s17;
	[tilespmem:$0xC510] =	vst v11  }
0xb9: {  	v10 =	vadd.f32 v10, v15;
	v15 =	vmul.f32 v29, v29;
	v9 =	vand.u32 $0x3F, v9;
	v25 =	vld.idx.msk [tilespmem:v14+s13+$0x0], $0xffff  }
0xba: {  	v7 =	vadd.f32 v7, v19;
	v9 =	vbroadcast v9, $0x0;
	v27 =	vld.idx.msk [tilespmem:v14+s10+$0x0], $0xffff  }
0xbb: {  	v8 =	vadd.f32 v15, v8;
	v13 =	vand.u32 $0x7FFFFFFF, v18;
	[tilespmem:$0x1FFD0] =	vst v11;
	v11 =	vand.u32 $0x7FFFFFFF, v16;
	v17 =	vld.idx.msk [tilespmem:v14+s12+$0x0], $0xffff  }
0xbc: {  	[tilespmem:$0x1FFC0] =	vst v12;
	v12 =	vand.u32 $0x7FFFFFFF, v20;
	v4 =	vadd.f32 v11, v4;
	v18 =	vld.idx.msk [tilespmem:v14+s9+$0x0], $0xffff;
	v11 =	vor.u32 v2, v9  }
0xbd: {  	s17 =	simm.s32 $0x2;
	v5 =	vadd.f32 v13, v5;
	v6 =	vadd.f32 v12, v6;
	v15 =	vld.idx.msk [tilespmem:v14+s11+$0x0], $0xffff;
	v9 =	vmul.f32 v23, v23  }
0xbe: {  	v12 =	vand.u32 $0x7FFFFFFF, v24;
	v13 =	vand.u32 $0x7FFFFFFF, v21;
	v19 =	vld.idx.msk [tilespmem:v14+s8+$0x0], $0xffff;
	v14 =	vmov s17  }
0xbf: {  	v10 =	vadd.f32 v12, v10;
	v7 =	vadd.f32 v9, v7;
	v9 =	vand.u32 $0x3F, v14  }
0xc0: {  	v4 =	vadd.f32 v13, v4;
	v14 =	vbroadcast v9, $0x0;
	v9 =	vimm.f32 $0.0e+00  }
0xc1: {  	v12 =	vand.u32 $0x7FFFFFFF, v27;
	v20 =	vand.u32 $0x7FFFFFFF, v25;
	v21 =	vmul.f32 v17, v17;
	v13 =	vld.idx.msk [tilespmem:v11+s13+$0x0], $0xffff  }
0xc2: {  	v5 =	vadd.f32 v12, v5;
	v12 =	vld.idx.msk [tilespmem:v11+s10+$0x0], $0xffff;
	v16 =	vor.u32 v2, v14;
	v14 =	vadd.f32 v17, v15  }
0xc3: {  	v24 =	vmul.f32 v18, v18;
	v6 =	vadd.f32 v20, v6;
	v22 =	vld.idx.msk [tilespmem:v11+s9+$0x0], $0xffff;
	v20 =	vadd.f32 v18, v19  }
0xc4: {  	s17 =	simm.s32 $0x3;
	v23 =	vld.idx.msk [tilespmem:v11+s12+$0x0], $0xffff;
	v17 =	vadd.f32 v21, v8;
	v8 =	vand.u32 $0x7FFFFFFF, v15;
	v21 =	vand.u32 $0x7FFFFFFF, v19  }
0xc5: {  	v18 =	vld.idx.msk [tilespmem:v11+s11+$0x0], $0xffff;
	v19 =	vadd.f32 v24, v7;
	v24 =	vmov s17;
	v14 =	vsub.f32 v14, v25  }
0xc6: {  	v7 =	vld.idx.msk [tilespmem:v11+s8+$0x0], $0xffff;
	v15 =	vadd.f32 v8, v10;
	v8 =	vand.u32 $0x3F, v24;
	v4 =	vadd.f32 v21, v4  }
0xc7: {  	v24 =	vsub.f32 v20, v27;
	v20 =	vimm.f32 $0.0e+00;
	v26 =	vbroadcast v8, $0x0;
	v10 =	vld.idx.msk [tilespmem:v16+s13+$0x0], $0xffff  }
0xc8: {  	v63 =	vand.u32 $0x7FFFFFFF, v13;
	v25 =	vand.u32 $0x7FFFFFFF, v12;
	v11 =	vld.idx.msk [tilespmem:v16+s10+$0x0], $0xffff;
	v21 =	vmul.f32 v22, v22  }
0xc9: {  	s16 =	simm.s32 $0x4;
	v8 =	vld.idx.msk [tilespmem:v16+s12+$0x0], $0xffff;
	v5 =	vadd.f32 v25, v5;
	v25 =	vmul.f32 v23, v23;
	v6 =	vadd.f32 v63, v6  }
.LBB2_6:
0xca: {  	p0 =	sne.s32 s16, $0x3F;
	v27 =	vor.u32 v2, v26;
	v28 =	vld.idx.msk [tilespmem:v16+s9+$0x0], $0xffff;
	v23 =	vadd.f32 v23, v18;
	v24 =	vand.u32 $0x7FFFFFFF, v24;
	v26 =	vmovc v18;
	s17 =	smov.u32 s16;
	s16 =	sadd.s32 $0x1, s16  }
0xcb: {  	v22 =	vadd.f32 v22, v7;
	v29 =	vmovc v7;
	v18 =	vld.idx.msk [tilespmem:v16+s11+$0x0], $0xffff;
	v17 =	vadd.f32 v25, v17;
	v25 =	vand.u32 $0x7FFFFFFF, v14  }
0xcc: {  	v26 =	vand.u32 $0x7FFFFFFF, v26;
	v9 =	vadd.f32 v24, v9;
	v7 =	vld.idx.msk [tilespmem:v16+s8+$0x0], $0xffff;
	v14 =	vsub.f32 v23, v13;
	v16 =	vmovc v27  }
.Ltmp2:
0xcd: {  	v19 =	vadd.f32 v21, v19;
	v30 =	vand.u32 $0x7FFFFFFF, v29;
	v15 =	vadd.f32 v26, v15;
	v13 =	vmovc v10;
	v24 =	vmovc v12;
	(pc) =	sbr.rel @p0 .LBB2_6-.Ltmp2, $4  }
0xce: {  	v10 =	vmov s17;
	v20 =	vadd.f32 v25, v20;
	v29 =	vand.u32 $0x7FFFFFFF, v13;
	v12 =	vmovc v11  }
0xcf: {  	v4 =	vadd.f32 v30, v4;
	v11 =	vand.u32 $0x3F, v10;
	v25 =	vand.u32 $0x7FFFFFFF, v12;
	v23 =	vmovc v8;
	v10 =	vld.idx.msk [tilespmem:v27+s13+$0x0], $0xffff  }
0xd0: {  	v26 =	vbroadcast v11, $0x0;
	v24 =	vsub.f32 v22, v24;
	v21 =	vmul.f32 v28, v28;
	v22 =	vmovc v28;
	v11 =	vld.idx.msk [tilespmem:v27+s10+$0x0], $0xffff  }
0xd1: {  	v6 =	vadd.f32 v29, v6;
	v5 =	vadd.f32 v25, v5;
	v25 =	vmul.f32 v8, v23;
	v8 =	vld.idx.msk [tilespmem:v27+s12+$0x0], $0xffff  }
0xd2: {  	_ =	sdelay $0x1  }
0xd3: {  	v26 =	vor.u32 v2, v26;
	_ =	sdelay $0x1  }
0xd4: {  	v27 =	vld.idx.msk [tilespmem:v16+s9+$0x0], $0xffff  }
0xd5: {  	v28 =	vld.idx.msk [tilespmem:v16+s11+$0x0], $0xffff  }
0xd6: {  	v23 =	vadd.f32 v23, v18;
	v16 =	vld.idx.msk [tilespmem:v16+s8+$0x0], $0xffff  }
0xd7: {  	v22 =	vadd.f32 v22, v7;
	v24 =	vand.u32 $0x7FFFFFFF, v24;
	v19 =	vadd.f32 v21, v19;
	v29 =	vld.idx.msk [tilespmem:v26+s12+$0x0], $0xffff  }
0xd8: {  	v18 =	vand.u32 $0x7FFFFFFF, v18;
	v17 =	vadd.f32 v25, v17;
	v13 =	vsub.f32 v23, v13;
	v23 =	vld.idx.msk [tilespmem:v26+s9+$0x0], $0xffff  }
0xd9: {  	v14 =	vand.u32 $0x7FFFFFFF, v14;
	v9 =	vadd.f32 v24, v9;
	v12 =	vsub.f32 v22, v12;
	v21 =	vld.idx.msk [tilespmem:v26+s8+$0x0], $0xffff  }
0xda: {  	v7 =	vand.u32 $0x7FFFFFFF, v7;
	v15 =	vadd.f32 v18, v15;
	v14 =	vadd.f32 v14, v20;
	v24 =	vld.idx.msk [tilespmem:v26+s11+$0x0], $0xffff  }
0xdb: {  	v4 =	vadd.f32 v7, v4;
	v12 =	vand.u32 $0x7FFFFFFF, v12;
	v18 =	vld.idx.msk [tilespmem:v26+s10+$0x0], $0xffff;
	v25 =	vadd.f32 v27, v16  }
0xdc: {  	v13 =	vand.u32 $0x7FFFFFFF, v13;
	v22 =	vadd.f32 v8, v28;
	v20 =	vld.idx.msk [tilespmem:v26+s13+$0x0], $0xffff;
	v9 =	vadd.f32 v12, v9  }
0xdd: {  	s16 =	simm.s32 $0x0;
	v13 =	vadd.f32 v13, v14;
	v8 =	vmul.f32 v8, v8;
	v12 =	vsub.f32 v25, v11  }
0xde: {  	v22 =	vsub.f32 v22, v10;
	v25 =	vmov s16;
	v14 =	vadd.f32 v23, v21  }
0xdf: {  	v25 =	vand.u32 $0x3F, v25;
	v12 =	vand.u32 $0x7FFFFFFF, v12;
	v26 =	vadd.f32 v29, v24  }
0xe0: {  	v9 =	vadd.f32 v12, v9;
	v12 =	vsub.f32 v14, v18;
	v14 =	vbroadcast v25, $0x0  }
0xe1: {  	v7 =	vmul.f32 v27, v27;
	v22 =	vand.u32 $0x7FFFFFFF, v22;
	v25 =	vsub.f32 v26, v20  }
0xe2: {  	v13 =	vadd.f32 v22, v13;
	v12 =	vand.u32 $0x7FFFFFFF, v12;
	v14 =	vor.u32 v3, v14  }
0xe3: {  	v10 =	vand.u32 $0x7FFFFFFF, v10;
	v22 =	vand.u32 $0x7FFFFFFF, v25;
	v12 =	vadd.f32 v12, v9  }
0xe4: {  	s17 =	simm.s32 $0x1;
	v8 =	vadd.f32 v8, v17;
	v9 =	vand.u32 $0x7FFFFFFF, v11;
	v11 =	vadd.f32 v22, v13  }
0xe5: {  	v7 =	vadd.f32 v7, v19;
	v5 =	vadd.f32 v9, v5;
	v9 =	vmov s17;
	[tilespmem:$0xC320] =	vst v12  }
0xe6: {  	v6 =	vadd.f32 v10, v6;
	v10 =	vand.u32 $0x7FFFFFFF, v28;
	[tilespmem:$0xC520] =	vst v11;
	v9 =	vand.u32 $0x3F, v9  }
0xe7: {  	v10 =	vadd.f32 v10, v15;
	v15 =	vand.u32 $0x7FFFFFFF, v18;
	[tilespmem:$0x1FFA0] =	vst v12;
	v9 =	vbroadcast v9, $0x0;
	v12 =	vld.idx.msk [tilespmem:v14+s13+$0x0], $0xffff  }
0xe8: {  	v18 =	vand.u32 $0x7FFFFFFF, v21;
	[tilespmem:$0x1FFB0] =	vst v11;
	v11 =	vand.u32 $0x7FFFFFFF, v16;
	v16 =	vmul.f32 v29, v29;
	v25 =	vld.idx.msk [tilespmem:v14+s10+$0x0], $0xffff  }
0xe9: {  	v13 =	vand.u32 $0x7FFFFFFF, v20;
	v4 =	vadd.f32 v11, v4;
	v17 =	vld.idx.msk [tilespmem:v14+s12+$0x0], $0xffff;
	v11 =	vor.u32 v3, v9  }
0xea: {  	v6 =	vadd.f32 v13, v6;
	s17 =	simm.s32 $0x2;
	v13 =	vadd.f32 v16, v8;
	v16 =	vld.idx.msk [tilespmem:v14+s11+$0x0], $0xffff;
	v9 =	vmul.f32 v23, v23  }
0xeb: {  	v19 =	vmov s17;
	v5 =	vadd.f32 v15, v5;
	v15 =	vld.idx.msk [tilespmem:v14+s9+$0x0], $0xffff;
	v8 =	vand.u32 $0x7FFFFFFF, v24  }
0xec: {  	v14 =	vld.idx.msk [tilespmem:v14+s8+$0x0], $0xffff;
	v21 =	vadd.f32 v8, v10;
	v20 =	vadd.f32 v9, v7;
	v7 =	vand.u32 $0x3F, v19  }
0xed: {  	v4 =	vadd.f32 v18, v4;
	v10 =	vbroadcast v7, $0x0;
	v7 =	vimm.f32 $0.0e+00  }
0xee: {  	v8 =	vand.u32 $0x7FFFFFFF, v25;
	v18 =	vand.u32 $0x7FFFFFFF, v12;
	v19 =	vmul.f32 v17, v17;
	v9 =	vld.idx.msk [tilespmem:v11+s13+$0x0], $0xffff  }
0xef: {  	v17 =	vadd.f32 v17, v16;
	v5 =	vadd.f32 v8, v5;
	v8 =	vld.idx.msk [tilespmem:v11+s10+$0x0], $0xffff;
	v10 =	vor.u32 v3, v10  }
0xf0: {  	v24 =	vmul.f32 v15, v15;
	v16 =	vand.u32 $0x7FFFFFFF, v16;
	v27 =	vadd.f32 v18, v6;
	v22 =	vld.idx.msk [tilespmem:v11+s9+$0x0], $0xffff  }
0xf1: {  	s17 =	simm.s32 $0x3;
	v6 =	vadd.f32 v15, v14;
	v23 =	vld.idx.msk [tilespmem:v11+s12+$0x0], $0xffff;
	v14 =	vand.u32 $0x7FFFFFFF, v14;
	v16 =	vadd.f32 v16, v21  }
0xf2: {  	v18 =	vld.idx.msk [tilespmem:v11+s11+$0x0], $0xffff;
	v15 =	vadd.f32 v19, v13;
	v19 =	vsub.f32 v17, v12;
	v17 =	vmov s17  }
0xf3: {  	v13 =	vadd.f32 v24, v20;
	v12 =	vld.idx.msk [tilespmem:v11+s8+$0x0], $0xffff;
	v11 =	vadd.f32 v14, v4;
	v21 =	vand.u32 $0x3F, v17  }
0xf4: {  	v25 =	vsub.f32 v6, v25;
	v26 =	vbroadcast v21, $0x0;
	v17 =	vld.idx.msk [tilespmem:v10+s13+$0x0], $0xffff;
	v24 =	vand.u32 $0x7FFFFFFF, v8  }
0xf5: {  	v20 =	vand.u32 $0x7FFFFFFF, v9;
	v14 =	vld.idx.msk [tilespmem:v10+s10+$0x0], $0xffff;
	v21 =	vmul.f32 v22, v22;
	v4 =	vadd.f32 v24, v5  }
0xf6: {  	s16 =	simm.s32 $0x4;
	v6 =	vld.idx.msk [tilespmem:v10+s12+$0x0], $0xffff;
	v24 =	vmul.f32 v23, v23;
	v5 =	vadd.f32 v20, v27;
	v20 =	vimm.f32 $0.0e+00  }
.LBB2_8:
0xf7: {  	p0 =	sne.s32 s16, $0x3F;
	v27 =	vor.u32 v3, v26;
	v28 =	vld.idx.msk [tilespmem:v10+s9+$0x0], $0xffff;
	v23 =	vadd.f32 v23, v18;
	v25 =	vand.u32 $0x7FFFFFFF, v25;
	v26 =	vmovc v18;
	s17 =	smov.u32 s16;
	s16 =	sadd.s32 $0x1, s16  }
0xf8: {  	v22 =	vadd.f32 v22, v12;
	v29 =	vmovc v12;
	v18 =	vld.idx.msk [tilespmem:v10+s11+$0x0], $0xffff;
	v15 =	vadd.f32 v24, v15;
	v24 =	vand.u32 $0x7FFFFFFF, v19  }
0xf9: {  	v26 =	vand.u32 $0x7FFFFFFF, v26;
	v7 =	vadd.f32 v25, v7;
	v12 =	vld.idx.msk [tilespmem:v10+s8+$0x0], $0xffff;
	v19 =	vsub.f32 v23, v9;
	v10 =	vmovc v27  }
.Ltmp3:
0xfa: {  	v13 =	vadd.f32 v21, v13;
	v30 =	vand.u32 $0x7FFFFFFF, v29;
	v16 =	vadd.f32 v26, v16;
	v9 =	vmovc v17;
	v25 =	vmovc v8;
	(pc) =	sbr.rel @p0 .LBB2_8-.Ltmp3, $4  }
0xfb: {  	v17 =	vmov s17;
	v20 =	vadd.f32 v24, v20;
	v29 =	vand.u32 $0x7FFFFFFF, v9;
	v8 =	vmovc v14  }
0xfc: {  	v11 =	vadd.f32 v30, v11;
	v14 =	vand.u32 $0x3F, v17;
	v24 =	vand.u32 $0x7FFFFFFF, v8;
	v23 =	vmovc v6;
	v17 =	vld.idx.msk [tilespmem:v27+s13+$0x0], $0xffff  }
0xfd: {  	v26 =	vbroadcast v14, $0x0;
	v25 =	vsub.f32 v22, v25;
	v21 =	vmul.f32 v28, v28;
	v22 =	vmovc v28;
	v14 =	vld.idx.msk [tilespmem:v27+s10+$0x0], $0xffff  }
0xfe: {  	v5 =	vadd.f32 v29, v5;
	v4 =	vadd.f32 v24, v4;
	v24 =	vmul.f32 v6, v23;
	v6 =	vld.idx.msk [tilespmem:v27+s12+$0x0], $0xffff  }
0xff: {  	_ =	sdelay $0x1  }
0x100: {  	v26 =	vor.u32 v3, v26;
	_ =	sdelay $0x1  }
0x101: {  	v27 =	vld.idx.msk [tilespmem:v10+s9+$0x0], $0xffff  }
0x102: {  	v23 =	vadd.f32 v23, v18;
	v28 =	vld.idx.msk [tilespmem:v10+s11+$0x0], $0xffff  }
0x103: {  	v25 =	vand.u32 $0x7FFFFFFF, v25;
	v22 =	vadd.f32 v22, v12;
	v10 =	vld.idx.msk [tilespmem:v10+s8+$0x0], $0xffff  }
0x104: {  	v18 =	vand.u32 $0x7FFFFFFF, v18;
	v13 =	vadd.f32 v21, v13;
	v9 =	vsub.f32 v23, v9;
	v23 =	vld.idx.msk [tilespmem:v26+s12+$0x0], $0xffff  }
0x105: {  	v19 =	vand.u32 $0x7FFFFFFF, v19;
	v15 =	vadd.f32 v24, v15;
	v16 =	vadd.f32 v18, v16;
	v21 =	vld.idx.msk [tilespmem:v26+s9+$0x0], $0xffff  }
0x106: {  	v12 =	vand.u32 $0x7FFFFFFF, v12;
	v18 =	vadd.f32 v19, v20;
	v8 =	vsub.f32 v22, v8;
	v19 =	vld.idx.msk [tilespmem:v26+s8+$0x0], $0xffff  }
0x107: {  	v7 =	vadd.f32 v25, v7;
	v11 =	vadd.f32 v12, v11;
	v22 =	vld.idx.msk [tilespmem:v26+s11+$0x0], $0xffff  }
0x108: {  	v25 =	vand.u32 $0x7FFFFFFF, v17;
	v8 =	vand.u32 $0x7FFFFFFF, v8;
	v12 =	vld.idx.msk [tilespmem:v26+s10+$0x0], $0xffff;
	v24 =	vadd.f32 v27, v10  }
0x109: {  	s16 =	simm.s32 $0x0;
	v9 =	vand.u32 $0x7FFFFFFF, v9;
	v20 =	vadd.f32 v6, v28;
	v7 =	vadd.f32 v8, v7  }
0x10a: {  	v26 =	vld.idx.msk [tilespmem:v26+s13+$0x0], $0xffff;
	v9 =	vadd.f32 v9, v18;
	v18 =	vmov s16;
	v8 =	vsub.f32 v24, v14  }
0x10b: {  	v17 =	vsub.f32 v20, v17;
	v20 =	vand.u32 $0x7FFFFFFF, v14;
	v14 =	vadd.f32 v21, v19  }
0x10c: {  	v18 =	vand.u32 $0x3F, v18;
	v8 =	vand.u32 $0x7FFFFFFF, v8  }
0x10d: {  	v17 =	vand.u32 $0x7FFFFFFF, v17;
	v24 =	vadd.f32 v23, v22;
	v14 =	vsub.f32 v14, v12  }
0x10e: {  	v18 =	vbroadcast v18, $0x0;
	v7 =	vadd.f32 v8, v7;
	v8 =	vadd.f32 v17, v9  }
0x10f: {  	v29 =	vsub.f32 v24, v26;
	v24 =	vor.u32 $0x1000, v0;
	v9 =	vand.u32 $0x7FFFFFFF, v14  }
0x110: {  	v14 =	vor.u32 v24, v18;
	v9 =	vadd.f32 v9, v7  }
0x111: {  	v6 =	vmul.f32 v6, v6;
	v17 =	vand.u32 $0x7FFFFFFF, v29  }
0x112: {  	v17 =	vadd.f32 v17, v8;
	[tilespmem:$0x1FF80] =	vst v9  }
0x113: {  	v6 =	vadd.f32 v6, v15;
	v7 =	vmul.f32 v27, v27;
	[tilespmem:$0xC330] =	vst v9  }
0x114: {  	s17 =	simm.s32 $0x1;
	v8 =	vadd.f32 v25, v5;
	v5 =	vand.u32 $0x7FFFFFFF, v28;
	v9 =	vand.u32 $0x7FFFFFFF, v10;
	[tilespmem:$0xC530] =	vst v17  }
0x115: {  	v7 =	vadd.f32 v7, v13;
	v10 =	vmov s17;
	v13 =	vadd.f32 v5, v16;
	v16 =	vld.idx.msk [tilespmem:v14+s11+$0x0], $0xffff  }
0x116: {  	v4 =	vadd.f32 v20, v4;
	v15 =	vand.u32 $0x7FFFFFFF, v26;
	[tilespmem:$0x1FF90] =	vst v17;
	v5 =	vand.u32 $0x3F, v10;
	v17 =	vld.idx.msk [tilespmem:v14+s12+$0x0], $0xffff  }
0x117: {  	v10 =	vand.u32 $0x7FFFFFFF, v12;
	v9 =	vadd.f32 v9, v11;
	v11 =	vbroadcast v5, $0x0  }
0x118: {  	v12 =	vmul.f32 v21, v21;
	v5 =	vadd.f32 v10, v4;
	v10 =	vmul.f32 v23, v23;
	v21 =	vld.idx.msk [tilespmem:v14+s8+$0x0], $0xffff  }
0x119: {  	v4 =	vadd.f32 v15, v8;
	v15 =	vand.u32 $0x7FFFFFFF, v22;
	v22 =	vld.idx.msk [tilespmem:v14+s13+$0x0], $0xffff;
	v11 =	vor.u32 v24, v11  }
0x11a: {  	v13 =	vadd.f32 v15, v13;
	v8 =	vadd.f32 v10, v6;
	v6 =	vand.u32 $0x7FFFFFFF, v19;
	v19 =	vld.idx.msk [tilespmem:v14+s9+$0x0], $0xffff  }
0x11b: {  	v9 =	vadd.f32 v6, v9;
	v6 =	vand.u32 $0x7FFFFFFF, v16;
	v15 =	vadd.f32 v17, v16;
	v16 =	vld.idx.msk [tilespmem:v14+s10+$0x0], $0xffff  }
0x11c: {  	v10 =	vadd.f32 v12, v7;
	v12 =	vimm.f32 $0.0e+00;
	v18 =	vmul.f32 v17, v17  }
0x11d: {  	s17 =	simm.s32 $0x2;
	v17 =	vand.u32 $0x7FFFFFFF, v21;
	v14 =	vimm.f32 $0.0e+00;
	v7 =	vadd.f32 v6, v13  }
0x11e: {  	v6 =	vmov s17;
	v13 =	vld.idx.msk [tilespmem:v11+s11+$0x0], $0xffff;
	v20 =	vsub.f32 v15, v22;
	v15 =	vand.u32 $0x7FFFFFFF, v22  }
0x11f: {  	s16 =	simm.s32 $0x3;
	v22 =	vand.u32 $0x3F, v6;
	v6 =	vld.idx.msk [tilespmem:v11+s12+$0x0], $0xffff;
	v21 =	vadd.f32 v19, v21;
	v19 =	vmul.f32 v19, v19  }
.LBB2_10:
0x120: {  	p0 =	sne.s32 s16, $0x3F;
	v22 =	vbroadcast v22, $0x0;
	v23 =	vld.idx.msk [tilespmem:v11+s8+$0x0], $0xffff;
	v20 =	vand.u32 $0x7FFFFFFF, v20;
	v25 =	vand.u32 $0x7FFFFFFF, v16  }
0x121: {  	v26 =	vld.idx.msk [tilespmem:v11+s13+$0x0], $0xffff;
	v21 =	vsub.f32 v21, v16;
	v12 =	vadd.f32 v20, v12  }
0x122: {  	v8 =	vadd.f32 v18, v8;
	v10 =	vadd.f32 v19, v10;
	v20 =	vor.u32 v24, v22;
	v27 =	vld.idx.msk [tilespmem:v11+s9+$0x0], $0xffff  }
0x123: {  	v9 =	vadd.f32 v17, v9;
	v5 =	vadd.f32 v25, v5;
	v16 =	vld.idx.msk [tilespmem:v11+s10+$0x0], $0xffff;
	v18 =	vand.u32 $0x7FFFFFFF, v21;
	v11 =	vmovc v20  }
.Ltmp4:
0x124: {  	v4 =	vadd.f32 v15, v4;
	v17 =	vand.u32 $0x7FFFFFFF, v13;
	v14 =	vadd.f32 v18, v14;
	(pc) =	sbr.rel @p0 .LBB2_10-.Ltmp4, $4  }
0x125: {  	v15 =	vadd.f32 v6, v13;
	v7 =	vadd.f32 v17, v7;
	v18 =	vmul.f32 v6, v6  }
0x126: {  	v17 =	vand.u32 $0x7FFFFFFF, v23  }
0x127: {  	v6 =	vmov s16;
	v13 =	vld.idx.msk [tilespmem:v20+s11+$0x0], $0xffff;
	v20 =	vsub.f32 v15, v26;
	v15 =	vand.u32 $0x7FFFFFFF, v26  }
0x128: {  	s16 =	sadd.s32 $0x1, s16;
	v22 =	vand.u32 $0x3F, v6;
	v21 =	vadd.f32 v27, v23;
	v19 =	vmul.f32 v27, v27;
	v6 =	vld.idx.msk [tilespmem:v11+s12+$0x0], $0xffff  }
0x129: {  	_ = 	snop  }
0x12a: {  	v22 =	vbroadcast v22, $0x0;
	_ =	sdelay $0x1  }
0x12b: {  	v22 =	vor.u32 v24, v22  }
0x12c: {  	v23 =	vld.idx.msk [tilespmem:v11+s8+$0x0], $0xffff  }
0x12d: {  	v25 =	vld.idx.msk [tilespmem:v11+s13+$0x0], $0xffff  }
0x12e: {  	v26 =	vld.idx.msk [tilespmem:v11+s9+$0x0], $0xffff  }
0x12f: {  	v11 =	vld.idx.msk [tilespmem:v11+s10+$0x0], $0xffff  }
0x130: {  	v20 =	vand.u32 $0x7FFFFFFF, v20;
	v27 =	vld.idx.msk [tilespmem:v22+s11+$0x0], $0xffff  }
0x131: {  	v21 =	vsub.f32 v21, v16;
	v12 =	vadd.f32 v20, v12;
	v20 =	vld.idx.msk [tilespmem:v22+s8+$0x0], $0xffff  }
0x132: {  	v8 =	vadd.f32 v18, v8;
	v9 =	vadd.f32 v17, v9;
	v16 =	vand.u32 $0x7FFFFFFF, v16;
	v18 =	vld.idx.msk [tilespmem:v22+s9+$0x0], $0xffff  }
0x133: {  	v10 =	vadd.f32 v19, v10;
	v5 =	vadd.f32 v16, v5;
	v19 =	vand.u32 $0x7FFFFFFF, v21;
	v16 =	vld.idx.msk [tilespmem:v22+s12+$0x0], $0xffff  }
0x134: {  	v14 =	vadd.f32 v19, v14;
	v17 =	vadd.f32 v6, v13;
	v19 =	vld.idx.msk [tilespmem:v22+s10+$0x0], $0xffff  }
0x135: {  	v4 =	vadd.f32 v15, v4;
	s16 =	simm.s32 $0x0;
	v13 =	vand.u32 $0x7FFFFFFF, v13;
	v15 =	vadd.f32 v26, v23;
	v22 =	vld.idx.msk [tilespmem:v22+s13+$0x0], $0xffff  }
0x136: {  	v21 =	vmov s16;
	v7 =	vadd.f32 v13, v7;
	v13 =	vsub.f32 v17, v25  }
0x137: {  	v21 =	vand.u32 $0x3F, v21;
	v15 =	vsub.f32 v15, v11;
	v17 =	vadd.f32 v18, v20  }
0x138: {  	v6 =	vmul.f32 v6, v6;
	v29 =	vbroadcast v21, $0x0;
	v28 =	vadd.f32 v16, v27  }
0x139: {  	v21 =	vor.u32 $0x1400, v0;
	v15 =	vand.u32 $0x7FFFFFFF, v15;
	v17 =	vsub.f32 v17, v19  }
0x13a: {  	v13 =	vand.u32 $0x7FFFFFFF, v13;
	v14 =	vadd.f32 v15, v14;
	v15 =	vsub.f32 v28, v22  }
0x13b: {  	v12 =	vadd.f32 v13, v12;
	v13 =	vand.u32 $0x7FFFFFFF, v17;
	v17 =	vor.u32 v21, v29  }
0x13c: {  	v63 =	vadd.f32 v13, v14;
	v14 =	vand.u32 $0x7FFFFFFF, v15  }
0x13d: {  	v6 =	vadd.f32 v6, v8;
	v11 =	vand.u32 $0x7FFFFFFF, v11;
	v14 =	vadd.f32 v14, v12  }
0x13e: {  	s17 =	simm.s32 $0x1;
	v5 =	vadd.f32 v11, v5;
	v13 =	vmul.f32 v26, v26;
	v15 =	vand.u32 $0x7FFFFFFF, v23;
	[tilespmem:$0xC340] =	vst v63  }
0x13f: {  	v11 =	vand.u32 $0x7FFFFFFF, v27;
	v8 =	vadd.f32 v15, v9;
	v9 =	vmov s17;
	[tilespmem:$0xC540] =	vst v14  }
0x140: {  	v16 =	vmul.f32 v16, v16;
	v10 =	vadd.f32 v13, v10;
	v9 =	vand.u32 $0x3F, v9;
	v13 =	vld.idx.msk [tilespmem:v17+s11+$0x0], $0xffff  }
0x141: {  	v12 =	vand.u32 $0x7FFFFFFF, v25;
	v15 =	vadd.f32 v11, v7;
	[tilespmem:$0x1FF70] =	vst v14;
	v9 =	vbroadcast v9, $0x0;
	v14 =	vld.idx.msk [tilespmem:v17+s12+$0x0], $0xffff  }
0x142: {  	v4 =	vadd.f32 v12, v4;
	v12 =	vmul.f32 v18, v18;
	v18 =	vand.u32 $0x7FFFFFFF, v20;
	v25 =	vld.idx.msk [tilespmem:v17+s8+$0x0], $0xffff  }
0x143: {  	v20 =	vand.u32 $0x7FFFFFFF, v22;
	v8 =	vadd.f32 v18, v8;
	v22 =	vld.idx.msk [tilespmem:v17+s13+$0x0], $0xffff;
	v11 =	vor.u32 v21, v9  }
0x144: {  	v7 =	vadd.f32 v12, v10;
	v10 =	vadd.f32 v16, v6;
	v9 =	vand.u32 $0x7FFFFFFF, v19;
	v19 =	vld.idx.msk [tilespmem:v17+s9+$0x0], $0xffff  }
0x145: {  	v4 =	vadd.f32 v20, v4;
	v12 =	vimm.f32 $0.0e+00;
	v16 =	vld.idx.msk [tilespmem:v17+s10+$0x0], $0xffff;
	v9 =	vadd.f32 v9, v5  }
0x146: {  	v5 =	vand.u32 $0x7FFFFFFF, v13;
	v20 =	vadd.f32 v14, v13;
	v18 =	vmul.f32 v14, v14  }
0x147: {  	s17 =	simm.s32 $0x2;
	v17 =	vand.u32 $0x7FFFFFFF, v25;
	v14 =	vimm.f32 $0.0e+00;
	v6 =	vadd.f32 v5, v15  }
0x148: {  	v5 =	vmov s17;
	v13 =	vld.idx.msk [tilespmem:v11+s11+$0x0], $0xffff;
	v15 =	vand.u32 $0x7FFFFFFF, v22;
	v20 =	vsub.f32 v20, v22  }
0x149: {  	s16 =	simm.s32 $0x3;
	[tilespmem:$0x1FF60] =	vst v63;
	v23 =	vand.u32 $0x3F, v5;
	v5 =	vld.idx.msk [tilespmem:v11+s12+$0x0], $0xffff;
	v22 =	vadd.f32 v19, v25;
	v19 =	vmul.f32 v19, v19  }
.LBB2_12:
0x14a: {  	p0 =	sne.s32 s16, $0x3F;
	v23 =	vbroadcast v23, $0x0;
	v25 =	vld.idx.msk [tilespmem:v11+s8+$0x0], $0xffff;
	v20 =	vand.u32 $0x7FFFFFFF, v20;
	v26 =	vand.u32 $0x7FFFFFFF, v16  }
0x14b: {  	v27 =	vld.idx.msk [tilespmem:v11+s13+$0x0], $0xffff;
	v22 =	vsub.f32 v22, v16;
	v12 =	vadd.f32 v20, v12  }
0x14c: {  	v10 =	vadd.f32 v18, v10;
	v7 =	vadd.f32 v19, v7;
	v20 =	vor.u32 v21, v23;
	v28 =	vld.idx.msk [tilespmem:v11+s9+$0x0], $0xffff  }
0x14d: {  	v8 =	vadd.f32 v17, v8;
	v9 =	vadd.f32 v26, v9;
	v16 =	vld.idx.msk [tilespmem:v11+s10+$0x0], $0xffff;
	v18 =	vand.u32 $0x7FFFFFFF, v22;
	v11 =	vmovc v20  }
.Ltmp5:
0x14e: {  	v4 =	vadd.f32 v15, v4;
	v17 =	vand.u32 $0x7FFFFFFF, v13;
	v14 =	vadd.f32 v18, v14;
	(pc) =	sbr.rel @p0 .LBB2_12-.Ltmp5, $4  }
0x14f: {  	v15 =	vadd.f32 v5, v13;
	v6 =	vadd.f32 v17, v6;
	v18 =	vmul.f32 v5, v5  }
0x150: {  	v17 =	vand.u32 $0x7FFFFFFF, v25  }
0x151: {  	v5 =	vmov s16;
	v13 =	vld.idx.msk [tilespmem:v20+s11+$0x0], $0xffff;
	v20 =	vsub.f32 v15, v27;
	v15 =	vand.u32 $0x7FFFFFFF, v27  }
0x152: {  	s16 =	sadd.s32 $0x1, s16;
	v23 =	vand.u32 $0x3F, v5;
	v22 =	vadd.f32 v28, v25;
	v19 =	vmul.f32 v28, v28;
	v5 =	vld.idx.msk [tilespmem:v11+s12+$0x0], $0xffff  }
0x153: {  	_ = 	snop  }
0x154: {  	v23 =	vbroadcast v23, $0x0;
	_ =	sdelay $0x1  }
0x155: {  	v23 =	vor.u32 v21, v23  }
0x156: {  	v25 =	vld.idx.msk [tilespmem:v11+s8+$0x0], $0xffff  }
0x157: {  	v26 =	vld.idx.msk [tilespmem:v11+s13+$0x0], $0xffff  }
0x158: {  	v27 =	vld.idx.msk [tilespmem:v11+s9+$0x0], $0xffff  }
0x159: {  	v11 =	vld.idx.msk [tilespmem:v11+s10+$0x0], $0xffff  }
0x15a: {  	v28 =	vld.idx.msk [tilespmem:v23+s11+$0x0], $0xffff  }
0x15b: {  	v10 =	vadd.f32 v18, v10;
	v22 =	vsub.f32 v22, v16;
	v29 =	vld.idx.msk [tilespmem:v23+s8+$0x0], $0xffff  }
0x15c: {  	v8 =	vadd.f32 v17, v8;
	v4 =	vadd.f32 v15, v4;
	v16 =	vand.u32 $0x7FFFFFFF, v16;
	v18 =	vld.idx.msk [tilespmem:v23+s9+$0x0], $0xffff  }
0x15d: {  	v7 =	vadd.f32 v19, v7;
	v9 =	vadd.f32 v16, v9;
	v19 =	vand.u32 $0x7FFFFFFF, v22;
	v16 =	vld.idx.msk [tilespmem:v23+s12+$0x0], $0xffff  }
0x15e: {  	v20 =	vand.u32 $0x7FFFFFFF, v20;
	v14 =	vadd.f32 v19, v14;
	v17 =	vadd.f32 v5, v13;
	v19 =	vld.idx.msk [tilespmem:v23+s10+$0x0], $0xffff  }
0x15f: {  	s16 =	simm.s32 $0x0;
	v12 =	vadd.f32 v20, v12;
	v13 =	vand.u32 $0x7FFFFFFF, v13;
	v15 =	vadd.f32 v27, v25;
	v22 =	vld.idx.msk [tilespmem:v23+s13+$0x0], $0xffff  }
0x160: {  	v20 =	vmov s16;
	v6 =	vadd.f32 v13, v6;
	v13 =	vsub.f32 v17, v26  }
0x161: {  	v20 =	vand.u32 $0x3F, v20;
	v15 =	vsub.f32 v15, v11;
	v17 =	vadd.f32 v18, v29  }
0x162: {  	v30 =	vbroadcast v20, $0x0;
	v23 =	vadd.f32 v16, v28  }
0x163: {  	v20 =	vor.u32 $0x1800, v0;
	v15 =	vand.u32 $0x7FFFFFFF, v15;
	v17 =	vsub.f32 v17, v19  }
0x164: {  	v13 =	vand.u32 $0x7FFFFFFF, v13;
	v14 =	vadd.f32 v15, v14;
	v15 =	vsub.f32 v23, v22  }
0x165: {  	v12 =	vadd.f32 v13, v12;
	v13 =	vand.u32 $0x7FFFFFFF, v17;
	v17 =	vor.u32 v20, v30  }
0x166: {  	v5 =	vmul.f32 v5, v5;
	v23 =	vadd.f32 v13, v14;
	v14 =	vand.u32 $0x7FFFFFFF, v15  }
0x167: {  	s17 =	simm.s32 $0x1;
	v14 =	vadd.f32 v14, v12  }
0x168: {  	v5 =	vadd.f32 v5, v10;
	v10 =	vmov s17;
	v13 =	vmul.f32 v27, v27;
	[tilespmem:$0xC350] =	vst v23  }
0x169: {  	v11 =	vand.u32 $0x7FFFFFFF, v11;
	v10 =	vand.u32 $0x3F, v10;
	[tilespmem:$0xC550] =	vst v14  }
0x16a: {  	v9 =	vadd.f32 v11, v9;
	v12 =	vand.u32 $0x7FFFFFFF, v26;
	v7 =	vadd.f32 v13, v7;
	v13 =	vld.idx.msk [tilespmem:v17+s11+$0x0], $0xffff  }
0x16b: {  	v15 =	vand.u32 $0x7FFFFFFF, v25;
	v4 =	vadd.f32 v12, v4;
	v12 =	vmul.f32 v18, v18;
	[tilespmem:$0x1FF50] =	vst v14;
	v14 =	vld.idx.msk [tilespmem:v17+s12+$0x0], $0xffff  }
0x16c: {  	v10 =	vbroadcast v10, $0x0;
	v11 =	vand.u32 $0x7FFFFFFF, v28;
	v8 =	vadd.f32 v15, v8;
	[tilespmem:$0x1FF40] =	vst v23;
	v23 =	vld.idx.msk [tilespmem:v17+s8+$0x0], $0xffff  }
0x16d: {  	v15 =	vmul.f32 v16, v16;
	v7 =	vadd.f32 v12, v7;
	v12 =	vand.u32 $0x7FFFFFFF, v19;
	v19 =	vld.idx.msk [tilespmem:v17+s9+$0x0], $0xffff  }
0x16e: {  	v6 =	vadd.f32 v11, v6;
	v11 =	vor.u32 v20, v10;
	v16 =	vand.u32 $0x7FFFFFFF, v29;
	v25 =	vld.idx.msk [tilespmem:v17+s13+$0x0], $0xffff  }
0x16f: {  	v18 =	vand.u32 $0x7FFFFFFF, v22;
	v10 =	vadd.f32 v15, v5;
	v8 =	vadd.f32 v16, v8  }
0x170: {  	v4 =	vadd.f32 v18, v4;
	v16 =	vld.idx.msk [tilespmem:v17+s10+$0x0], $0xffff;
	v9 =	vadd.f32 v12, v9;
	v12 =	vimm.f32 $0.0e+00  }
0x171: {  	v5 =	vand.u32 $0x7FFFFFFF, v13;
	v15 =	vadd.f32 v14, v13;
	v18 =	vmul.f32 v14, v14  }
0x172: {  	s17 =	simm.s32 $0x2;
	v17 =	vand.u32 $0x7FFFFFFF, v23;
	v23 =	vadd.f32 v19, v23;
	v19 =	vmul.f32 v19, v19  }
0x173: {  	v13 =	vld.idx.msk [tilespmem:v11+s11+$0x0], $0xffff;
	v6 =	vadd.f32 v5, v6;
	v5 =	vmov s17;
	v22 =	vsub.f32 v15, v25  }
0x174: {  	s16 =	simm.s32 $0x3;
	v14 =	vimm.f32 $0.0e+00;
	v15 =	vand.u32 $0x7FFFFFFF, v25;
	v25 =	vand.u32 $0x3F, v5;
	v5 =	vld.idx.msk [tilespmem:v11+s12+$0x0], $0xffff  }
.LBB2_14:
0x175: {  	p0 =	sne.s32 s16, $0x3F;
	v25 =	vbroadcast v25, $0x0;
	v26 =	vld.idx.msk [tilespmem:v11+s8+$0x0], $0xffff;
	v22 =	vand.u32 $0x7FFFFFFF, v22;
	v27 =	vand.u32 $0x7FFFFFFF, v16  }
0x176: {  	v28 =	vld.idx.msk [tilespmem:v11+s13+$0x0], $0xffff;
	v23 =	vsub.f32 v23, v16;
	v12 =	vadd.f32 v22, v12  }
0x177: {  	v10 =	vadd.f32 v18, v10;
	v7 =	vadd.f32 v19, v7;
	v22 =	vor.u32 v20, v25;
	v29 =	vld.idx.msk [tilespmem:v11+s9+$0x0], $0xffff  }
0x178: {  	v8 =	vadd.f32 v17, v8;
	v9 =	vadd.f32 v27, v9;
	v16 =	vld.idx.msk [tilespmem:v11+s10+$0x0], $0xffff;
	v18 =	vand.u32 $0x7FFFFFFF, v23;
	v11 =	vmovc v22  }
.Ltmp6:
0x179: {  	v4 =	vadd.f32 v15, v4;
	v17 =	vand.u32 $0x7FFFFFFF, v13;
	v14 =	vadd.f32 v18, v14;
	(pc) =	sbr.rel @p0 .LBB2_14-.Ltmp6, $4  }
0x17a: {  	v15 =	vadd.f32 v5, v13;
	v6 =	vadd.f32 v17, v6;
	v18 =	vmul.f32 v5, v5  }
0x17b: {  	v17 =	vand.u32 $0x7FFFFFFF, v26  }
0x17c: {  	v5 =	vmov s16;
	v13 =	vld.idx.msk [tilespmem:v22+s11+$0x0], $0xffff;
	v22 =	vsub.f32 v15, v28;
	v15 =	vand.u32 $0x7FFFFFFF, v28  }
0x17d: {  	s16 =	sadd.s32 $0x1, s16;
	v25 =	vand.u32 $0x3F, v5;
	v23 =	vadd.f32 v29, v26;
	v19 =	vmul.f32 v29, v29;
	v5 =	vld.idx.msk [tilespmem:v11+s12+$0x0], $0xffff  }
0x17e: {  	_ = 	snop  }
0x17f: {  	v25 =	vbroadcast v25, $0x0;
	_ =	sdelay $0x1  }
0x180: {  	v25 =	vor.u32 v20, v25  }
0x181: {  	v26 =	vld.idx.msk [tilespmem:v11+s8+$0x0], $0xffff  }
0x182: {  	v27 =	vld.idx.msk [tilespmem:v11+s13+$0x0], $0xffff  }
0x183: {  	v28 =	vld.idx.msk [tilespmem:v11+s9+$0x0], $0xffff  }
0x184: {  	v11 =	vld.idx.msk [tilespmem:v11+s10+$0x0], $0xffff  }
0x185: {  	v22 =	vand.u32 $0x7FFFFFFF, v22;
	v29 =	vld.idx.msk [tilespmem:v25+s11+$0x0], $0xffff  }
0x186: {  	v23 =	vsub.f32 v23, v16;
	v12 =	vadd.f32 v22, v12;
	v22 =	vld.idx.msk [tilespmem:v25+s8+$0x0], $0xffff  }
0x187: {  	v10 =	vadd.f32 v18, v10;
	v8 =	vadd.f32 v17, v8;
	v16 =	vand.u32 $0x7FFFFFFF, v16;
	v18 =	vld.idx.msk [tilespmem:v25+s9+$0x0], $0xffff  }
0x188: {  	v7 =	vadd.f32 v19, v7;
	v9 =	vadd.f32 v16, v9;
	v19 =	vand.u32 $0x7FFFFFFF, v23;
	v16 =	vld.idx.msk [tilespmem:v25+s12+$0x0], $0xffff  }
0x189: {  	v14 =	vadd.f32 v19, v14;
	v17 =	vadd.f32 v5, v13;
	v19 =	vld.idx.msk [tilespmem:v25+s10+$0x0], $0xffff  }
0x18a: {  	v4 =	vadd.f32 v15, v4;
	v13 =	vand.u32 $0x7FFFFFFF, v13;
	v15 =	vadd.f32 v28, v26;
	v23 =	vld.idx.msk [tilespmem:v25+s13+$0x0], $0xffff  }
0x18b: {  	s16 =	simm.s32 $0x0;
	v5 =	vmul.f32 v5, v5;
	v6 =	vadd.f32 v13, v6;
	v13 =	vsub.f32 v17, v27  }
0x18c: {  	v15 =	vsub.f32 v15, v11;
	v25 =	vmov s16;
	v17 =	vadd.f32 v18, v22  }
0x18d: {  	v13 =	vand.u32 $0x7FFFFFFF, v13;
	v25 =	vand.u32 $0x3F, v25;
	v30 =	vadd.f32 v16, v29  }
0x18e: {  	v15 =	vand.u32 $0x7FFFFFFF, v15;
	v25 =	vbroadcast v25, $0x0;
	v31 =	vsub.f32 v17, v19  }
0x18f: {  	v14 =	vadd.f32 v15, v14;
	v15 =	vsub.f32 v30, v23;
	v17 =	vor.u32 $0x1C00, v0  }
0x190: {  	v12 =	vadd.f32 v13, v12;
	v30 =	vor.u32 v17, v25;
	v13 =	vand.u32 $0x7FFFFFFF, v31  }
0x191: {  	v25 =	vadd.f32 v13, v14;
	v14 =	vand.u32 $0x7FFFFFFF, v15  }
0x192: {  	s17 =	simm.s32 $0x1;
	v5 =	vadd.f32 v5, v10;
	v14 =	vadd.f32 v14, v12  }
0x193: {  	v10 =	vmov s17;
	v11 =	vand.u32 $0x7FFFFFFF, v11;
	v13 =	vmul.f32 v28, v28;
	[tilespmem:$0xC360] =	vst v25  }
0x194: {  	v10 =	vand.u32 $0x3F, v10;
	v9 =	vadd.f32 v11, v9;
	[tilespmem:$0xC560] =	vst v14  }
0x195: {  	v10 =	vbroadcast v10, $0x0;
	v11 =	vand.u32 $0x7FFFFFFF, v29;
	v7 =	vadd.f32 v13, v7;
	v13 =	vld.idx.msk [tilespmem:v30+s11+$0x0], $0xffff  }
0x196: {  	v11 =	vadd.f32 v11, v6;
	v6 =	vmul.f32 v16, v16;
	v12 =	vand.u32 $0x7FFFFFFF, v27;
	[tilespmem:$0x1FF30] =	vst v14;
	v14 =	vld.idx.msk [tilespmem:v30+s12+$0x0], $0xffff  }
0x197: {  	v15 =	vand.u32 $0x7FFFFFFF, v26;
	v4 =	vadd.f32 v12, v4;
	v12 =	vmul.f32 v18, v18;
	v18 =	vld.idx.msk [tilespmem:v30+s8+$0x0], $0xffff  }
0x198: {  	v16 =	vand.u32 $0x7FFFFFFF, v23;
	v8 =	vadd.f32 v15, v8;
	v15 =	vand.u32 $0x7FFFFFFF, v22;
	v22 =	vld.idx.msk [tilespmem:v30+s13+$0x0], $0xffff  }
0x199: {  	v7 =	vadd.f32 v12, v7;
	v12 =	vor.u32 v17, v10;
	v10 =	vand.u32 $0x7FFFFFFF, v19;
	v19 =	vld.idx.msk [tilespmem:v30+s9+$0x0], $0xffff  }
0x19a: {  	[tilespmem:$0x1FF20] =	vst v25;
	v25 =	vadd.f32 v6, v5;
	v5 =	vadd.f32 v16, v4;
	v4 =	vand.u32 $0x7FFFFFFF, v13  }
0x19b: {  	v6 =	vadd.f32 v15, v8;
	v26 =	vadd.f32 v4, v11;
	v11 =	vld.idx.msk [tilespmem:v30+s10+$0x0], $0xffff  }
0x19c: {  	s17 =	simm.s32 $0x2;
	v8 =	vadd.f32 v10, v9;
	v10 =	vimm.f32 $0.0e+00;
	v9 =	vadd.f32 v14, v13  }
0x19d: {  	v29 =	vand.u32 $0x7FFFFFFF, v18;
	v13 =	vmov s17;
	v28 =	vand.u32 $0x7FFFFFFF, v22  }
0x19e: {  	v27 =	vld.idx.msk [tilespmem:v12+s12+$0x0], $0xffff;
	v15 =	vadd.f32 v19, v18;
	v30 =	vmul.f32 v14, v14;
	v14 =	vsub.f32 v9, v22  }
0x19f: {  	s16 =	simm.s32 $0x3;
	v4 =	vld.idx.msk [tilespmem:v12+s11+$0x0], $0xffff;
	v16 =	vand.u32 $0x3F, v13;
	v13 =	vimm.f32 $0.0e+00;
	v9 =	vmul.f32 v19, v19  }
.LBB2_16:
0x1a0: {  	p0 =	sne.s32 s16, $0x3F;
	v16 =	vbroadcast v16, $0x0;
	v18 =	vld.idx.msk [tilespmem:v12+s8+$0x0], $0xffff;
	v14 =	vand.u32 $0x7FFFFFFF, v14;
	v19 =	vand.u32 $0x7FFFFFFF, v11  }
0x1a1: {  	v22 =	vld.idx.msk [tilespmem:v12+s13+$0x0], $0xffff;
	v15 =	vsub.f32 v15, v11;
	v10 =	vadd.f32 v14, v10  }
0x1a2: {  	v25 =	vadd.f32 v30, v25;
	v7 =	vadd.f32 v9, v7;
	v14 =	vor.u32 v17, v16;
	v23 =	vld.idx.msk [tilespmem:v12+s9+$0x0], $0xffff  }
0x1a3: {  	v6 =	vadd.f32 v29, v6;
	v8 =	vadd.f32 v19, v8;
	v11 =	vld.idx.msk [tilespmem:v12+s10+$0x0], $0xffff;
	v9 =	vand.u32 $0x7FFFFFFF, v15;
	v12 =	vmovc v14  }
.Ltmp7:
0x1a4: {  	v5 =	vadd.f32 v28, v5;
	v15 =	vand.u32 $0x7FFFFFFF, v4;
	v13 =	vadd.f32 v9, v13;
	(pc) =	sbr.rel @p0 .LBB2_16-.Ltmp7, $4  }
0x1a5: {  	v9 =	vadd.f32 v27, v4;
	v26 =	vadd.f32 v15, v26;
	v30 =	vmul.f32 v27, v27  }
0x1a6: {  	v29 =	vand.u32 $0x7FFFFFFF, v18  }
0x1a7: {  	v15 =	vmov s16;
	v28 =	vand.u32 $0x7FFFFFFF, v22;
	v4 =	vld.idx.msk [tilespmem:v14+s11+$0x0], $0xffff;
	v14 =	vsub.f32 v9, v22  }
0x1a8: {  	s16 =	sadd.s32 $0x1, s16;
	v16 =	vand.u32 $0x3F, v15;
	v15 =	vadd.f32 v23, v18;
	v9 =	vmul.f32 v23, v23;
	v27 =	vld.idx.msk [tilespmem:v12+s12+$0x0], $0xffff  }
0x1a9: {  	_ = 	snop  }
0x1aa: {  	v16 =	vbroadcast v16, $0x0;
	_ =	sdelay $0x1  }
0x1ab: {  	v16 =	vor.u32 v17, v16  }
0x1ac: {  	v18 =	vld.idx.msk [tilespmem:v12+s8+$0x0], $0xffff  }
0x1ad: {  	v19 =	vld.idx.msk [tilespmem:v12+s13+$0x0], $0xffff  }
0x1ae: {  	v22 =	vld.idx.msk [tilespmem:v12+s9+$0x0], $0xffff  }
0x1af: {  	v12 =	vld.idx.msk [tilespmem:v12+s10+$0x0], $0xffff  }
0x1b0: {  	v23 =	vld.idx.msk [tilespmem:v16+s11+$0x0], $0xffff  }
0x1b1: {  	v31 =	vld.idx.msk [tilespmem:v16+s8+$0x0], $0xffff  }
0x1b2: {  	v32 =	vld.idx.msk [tilespmem:v16+s9+$0x0], $0xffff  }
0x1b3: {  	v15 =	vsub.f32 v15, v11;
	v33 =	vld.idx.msk [tilespmem:v16+s12+$0x0], $0xffff  }
0x1b4: {  	v34 =	vld.idx.msk [tilespmem:v16+s10+$0x0], $0xffff  }
0x1b5: {  	v15 =	vand.u32 $0x7FFFFFFF, v15;
	v35 =	vadd.f32 v22, v18  }
0x1b6: {  	v13 =	vadd.f32 v15, v13;
	v15 =	vadd.f32 v27, v4;
	v16 =	vld.idx.msk [tilespmem:v16+s13+$0x0], $0xffff  }
0x1b7: {  	v14 =	vand.u32 $0x7FFFFFFF, v14;
	v35 =	vsub.f32 v35, v12;
	v36 =	vadd.f32 v32, v31  }
0x1b8: {  	v10 =	vadd.f32 v14, v10;
	v15 =	vsub.f32 v15, v19  }
0x1b9: {  	v14 =	vand.u32 $0x7FFFFFFF, v35;
	v37 =	vadd.f32 v33, v23;
	v62 =	vsub.f32 v36, v34  }
0x1ba: {  	v13 =	vadd.f32 v14, v13;
	v14 =	vand.u32 $0x7FFFFFFF, v15  }
0x1bb: {  	v10 =	vadd.f32 v14, v10;
	v15 =	vsub.f32 v37, v16;
	v14 =	vand.u32 $0x7FFFFFFF, v62  }
0x1bc: {  	v14 =	vadd.f32 v14, v13  }
0x1bd: {  	v13 =	vand.u32 $0x7FFFFFFF, v15  }
0x1be: {  	v10 =	vadd.f32 v13, v10;
	[tilespmem:$0x1FF00] =	vst v14  }
0x1bf: {  	[tilespmem:$0xC370] =	vst v14  }
0x1c0: {  	[tilespmem:$0x1FF10] =	vst v10  }
0x1c1: {  	s16 =	simm.s32 $0x0;
	s17 =	rddreg [dreg:$0xc];
	[tilespmem:$0xC570] =	vst v10  }
0x1c2: {  	[tilespmem:s16], [sflag:$0x2] =	stream.linear.gather [hbm4b:s17+s16], $0x80, $0x38;
	[tilespmem:$0xC780] =	vst v63  }
0x1c3: {  	_ =	swait.ge [sflag:s2], $0x80  }
0x1c4: {  	[sflag:s2] =	ssyncset.done $0x0  }
0x1c5: {  	s17 =	rddreg [dreg:$0xd];
	[sflag:s2] =	ssyncadd.s32 $0xFFFFFF80  }
0x1c6: {  	[tilespmem:s3], [sflag:$0x2] =	stream.linear.gather [hbm4b:s17+s16], $0x80, $0x38;
	[tilespmem:$0xC780] =	vst v63  }
0x1c7: {  	_ =	swait.ge [sflag:s2], $0x80  }
0x1c8: {  	[sflag:s2] =	ssyncset.done $0x0  }
0x1c9: {  	s17 =	rddreg [dreg:$0xe];
	[sflag:s2] =	ssyncadd.s32 $0xFFFFFF80  }
0x1ca: {  	[tilespmem:s4], [sflag:$0x2] =	stream.linear.gather [hbm4b:s17+s16], $0x80, $0x38;
	[tilespmem:$0xC780] =	vst v63  }
0x1cb: {  	_ =	swait.ge [sflag:s2], $0x80  }
0x1cc: {  	[sflag:s2] =	ssyncset.done $0x0  }
0x1cd: {  	s17 =	rddreg [dreg:$0xf];
	[sflag:s2] =	ssyncadd.s32 $0xFFFFFF80  }
0x1ce: {  	[tilespmem:s5], [sflag:$0x2] =	stream.linear.gather [hbm4b:s17+s16], $0x80, $0x38;
	[tilespmem:$0xC780] =	vst v63  }
0x1cf: {  	_ =	swait.ge [sflag:s2], $0x80  }
0x1d0: {  	[sflag:s2] =	ssyncset.done $0x0  }
0x1d1: {  	s17 =	rddreg [dreg:$0x10];
	[sflag:s2] =	ssyncadd.s32 $0xFFFFFF80  }
0x1d2: {  	[tilespmem:s6], [sflag:$0x2] =	stream.linear.gather [hbm4b:s17+s16], $0x80, $0x38;
	[tilespmem:$0xC780] =	vst v63  }
0x1d3: {  	_ =	swait.ge [sflag:s2], $0x80  }
0x1d4: {  	[sflag:s2] =	ssyncset.done $0x0  }
0x1d5: {  	s17 =	rddreg [dreg:$0x11];
	[sflag:s2] =	ssyncadd.s32 $0xFFFFFF80  }
0x1d6: {  	[tilespmem:s7], [sflag:$0x2] =	stream.linear.gather [hbm4b:s17+s16], $0x80, $0x38;
	[tilespmem:$0xC780] =	vst v63  }
0x1d7: {  	_ =	swait.ge [sflag:s2], $0x80  }
0x1d8: {  	[sflag:s2] =	ssyncset.done $0x0  }
0x1d9: {  	[sflag:s2] =	ssyncadd.s32 $0xFFFFFF80  }
0x1da: {  	[tilespmem:s8], [sflag:$0x1] =	stream.indirect.gather [hbm4b:s30+s3], $0x40, s16, s3, $0xb8;
	[tilespmem:$0xC780] =	vst v63  }
0x1db: {  	_ = 	snop  }
0x1dc: {  	[tilespmem:s9], [sflag:$0x1] =	stream.indirect.gather [hbm4b:s31+s3], $0x40, s3, s3, $0xb8;
	[tilespmem:$0xC780] =	vst v63  }
0x1dd: {  	_ = 	snop  }
0x1de: {  	[tilespmem:s10], [sflag:$0x1] =	stream.indirect.gather [hbm4b:s30+s3], $0x40, s4, s3, $0xb8;
	[tilespmem:$0xC780] =	vst v63  }
0x1df: {  	_ = 	snop  }
0x1e0: {  	[tilespmem:s11], [sflag:$0x1] =	stream.indirect.gather [hbm4b:s30+s3], $0x40, s5, s3, $0xb8;
	[tilespmem:$0xC780] =	vst v63  }
0x1e1: {  	_ = 	snop  }
0x1e2: {  	[tilespmem:s12], [sflag:$0x1] =	stream.indirect.gather [hbm4b:s31+s3], $0x40, s6, s3, $0xb8;
	[tilespmem:$0xC780] =	vst v63  }
0x1e3: {  	_ = 	snop  }
0x1e4: {  	[tilespmem:s13], [sflag:$0x1] =	stream.indirect.gather [hbm4b:s30+s3], $0x40, s7, s3, $0xb8;
	[tilespmem:$0xC780] =	vst v63  }
0x1e5: {  	_ =	swait.ge [sflag:s14], $0x2000  }
0x1e6: {  	[sflag:s14] =	ssyncset.done $0x0  }
0x1e7: {  	[sflag:s14] =	ssyncadd.s32 $0xFFFFE000  }
0x1e8: {  	_ =	swait.ge [sflag:s14], $0x2000  }
0x1e9: {  	[sflag:s14] =	ssyncset.done $0x0  }
0x1ea: {  	[sflag:s14] =	ssyncadd.s32 $0xFFFFE000  }
0x1eb: {  	_ =	swait.ge [sflag:s14], $0x2000  }
0x1ec: {  	[sflag:s14] =	ssyncset.done $0x0  }
0x1ed: {  	[sflag:s14] =	ssyncadd.s32 $0xFFFFE000  }
0x1ee: {  	v10 =	vmov s16;
	_ =	swait.ge [sflag:s14], $0x2000  }
0x1ef: {  	v10 =	vand.u32 $0x3F, v10;
	[sflag:s14] =	ssyncset.done $0x0  }
0x1f0: {  	v10 =	vbroadcast v10, $0x0;
	[sflag:s14] =	ssyncadd.s32 $0xFFFFE000  }
0x1f1: {  	v6 =	vadd.f32 v29, v6;
	v7 =	vadd.f32 v9, v7;
	v9 =	vand.u32 $0x7FFFFFFF, v11;
	_ =	swait.ge [sflag:s14], $0x2000  }
0x1f2: {  	v8 =	vadd.f32 v9, v8;
	v9 =	vmul.f32 v22, v22;
	v10 =	vor.u32 v0, v10;
	[sflag:s14] =	ssyncset.done $0x0  }
0x1f3: {  	v5 =	vadd.f32 v28, v5;
	v11 =	vadd.f32 v30, v25;
	s17 =	simm.s32 $0x1;
	[sflag:s14] =	ssyncadd.s32 $0xFFFFE000  }
0x1f4: {  	v4 =	vand.u32 $0x7FFFFFFF, v4;
	v7 =	vadd.f32 v9, v7;
	v9 =	vmov s17;
	_ =	swait.ge [sflag:s14], $0x2000  }
0x1f5: {  	v4 =	vadd.f32 v4, v26;
	v12 =	vand.u32 $0x7FFFFFFF, v12;
	v9 =	vand.u32 $0x3F, v9;
	[sflag:s14] =	ssyncset.done $0x0  }
0x1f6: {  	v8 =	vadd.f32 v12, v8;
	v14 =	vand.u32 $0x7FFFFFFF, v18;
	v9 =	vbroadcast v9, $0x0;
	[sflag:s14] =	ssyncadd.s32 $0xFFFFE000  }
0x1f7: {  	v12 =	vand.u32 $0x7FFFFFFF, v23;
	v13 =	vmul.f32 v27, v27;
	v6 =	vadd.f32 v14, v6;
	v14 =	vld.idx.msk [tilespmem:v10+s13+$0x0], $0xffff  }
0x1f8: {  	v4 =	vadd.f32 v12, v4;
	v15 =	vand.u32 $0x7FFFFFFF, v19;
	v25 =	vor.u32 v0, v9;
	v23 =	vld.idx.msk [tilespmem:v10+s10+$0x0], $0xffff  }
0x1f9: {  	v12 =	vmul.f32 v33, v33;
	v5 =	vadd.f32 v15, v5;
	v11 =	vadd.f32 v13, v11;
	v15 =	vld.idx.msk [tilespmem:v10+s12+$0x0], $0xffff  }
0x1fa: {  	v16 =	vand.u32 $0x7FFFFFFF, v16;
	v13 =	vmul.f32 v32, v32;
	s17 =	simm.s32 $0x2;
	v18 =	vld.idx.msk [tilespmem:v10+s9+$0x0], $0xffff  }
0x1fb: {  	v11 =	vadd.f32 v12, v11;
	v12 =	vmov s17;
	v9 =	vand.u32 $0x7FFFFFFF, v31;
	v22 =	vld.idx.msk [tilespmem:v10+s11+$0x0], $0xffff  }
0x1fc: {  	v19 =	vand.u32 $0x7FFFFFFF, v34;
	v6 =	vadd.f32 v9, v6;
	v9 =	vand.u32 $0x3F, v12;
	v10 =	vld.idx.msk [tilespmem:v10+s8+$0x0], $0xffff  }
0x1fd: {  	v5 =	vadd.f32 v16, v5;
	v7 =	vadd.f32 v13, v7;
	v16 =	vbroadcast v9, $0x0;
	v13 =	vld.idx.msk [tilespmem:v25+s13+$0x0], $0xffff  }
0x1fe: {  	v8 =	vadd.f32 v19, v8;
	v9 =	vimm.f32 $0.0e+00  }
0x1ff: {  	v16 =	vor.u32 v0, v16;
	v26 =	vld.idx.msk [tilespmem:v25+s9+$0x0], $0xffff;
	v12 =	vand.u32 $0x7FFFFFFF, v23;
	v19 =	vand.u32 $0x7FFFFFFF, v14  }
0x200: {  	v28 =	vmul.f32 v15, v15;
	v15 =	vadd.f32 v15, v22;
	v8 =	vadd.f32 v12, v8  }
0x201: {  	v29 =	vmul.f32 v18, v18;
	v12 =	vld.idx.msk [tilespmem:v25+s10+$0x0], $0xffff;
	v31 =	vadd.f32 v19, v5;
	v5 =	vadd.f32 v18, v10  }
0x202: {  	v27 =	vld.idx.msk [tilespmem:v25+s12+$0x0], $0xffff;
	v63 =	vand.u32 $0x7FFFFFFF, v13;
	v18 =	vadd.f32 v28, v11;
	v14 =	vsub.f32 v15, v14  }
0x203: {  	s17 =	simm.s32 $0x3;
	v19 =	vld.idx.msk [tilespmem:v25+s11+$0x0], $0xffff;
	v11 =	vand.u32 $0x7FFFFFFF, v22;
	v28 =	vand.u32 $0x7FFFFFFF, v10;
	v22 =	vadd.f32 v29, v7  }
0x204: {  	v10 =	vmov s17;
	v7 =	vld.idx.msk [tilespmem:v25+s8+$0x0], $0xffff;
	v25 =	vmul.f32 v26, v26;
	v15 =	vadd.f32 v11, v4  }
0x205: {  	v11 =	vand.u32 $0x3F, v10;
	v10 =	vld.idx.msk [tilespmem:v16+s13+$0x0], $0xffff;
	v4 =	vadd.f32 v28, v6;
	v28 =	vsub.f32 v5, v23  }
0x206: {  	v6 =	vadd.f32 v63, v31;
	v30 =	vbroadcast v11, $0x0;
	v11 =	vld.idx.msk [tilespmem:v16+s10+$0x0], $0xffff;
	v29 =	vand.u32 $0x7FFFFFFF, v12  }
0x207: {  	s16 =	simm.s32 $0x4;
	v23 =	vimm.f32 $0.0e+00;
	v5 =	vadd.f32 v29, v8;
	v8 =	vld.idx.msk [tilespmem:v16+s12+$0x0], $0xffff;
	v29 =	vmul.f32 v27, v27  }
.LBB2_18:
0x208: {  	p0 =	sne.s32 s16, $0x3F;
	v31 =	vor.u32 v0, v30;
	v32 =	vld.idx.msk [tilespmem:v16+s9+$0x0], $0xffff;
	v27 =	vadd.f32 v27, v19;
	v28 =	vand.u32 $0x7FFFFFFF, v28;
	v30 =	vmovc v19;
	s17 =	smov.u32 s16;
	s16 =	sadd.s32 $0x1, s16  }
0x209: {  	v26 =	vadd.f32 v26, v7;
	v33 =	vmovc v7;
	v19 =	vld.idx.msk [tilespmem:v16+s11+$0x0], $0xffff;
	v18 =	vadd.f32 v29, v18;
	v29 =	vand.u32 $0x7FFFFFFF, v14  }
0x20a: {  	v30 =	vand.u32 $0x7FFFFFFF, v30;
	v9 =	vadd.f32 v28, v9;
	v7 =	vld.idx.msk [tilespmem:v16+s8+$0x0], $0xffff;
	v14 =	vsub.f32 v27, v13;
	v16 =	vmovc v31  }
.Ltmp8:
0x20b: {  	v22 =	vadd.f32 v25, v22;
	v34 =	vand.u32 $0x7FFFFFFF, v33;
	v15 =	vadd.f32 v30, v15;
	v13 =	vmovc v10;
	v28 =	vmovc v12;
	(pc) =	sbr.rel @p0 .LBB2_18-.Ltmp8, $4  }
0x20c: {  	v10 =	vmov s17;
	v23 =	vadd.f32 v29, v23;
	v33 =	vand.u32 $0x7FFFFFFF, v13;
	v12 =	vmovc v11  }
0x20d: {  	v4 =	vadd.f32 v34, v4;
	v11 =	vand.u32 $0x3F, v10;
	v29 =	vand.u32 $0x7FFFFFFF, v12;
	v27 =	vmovc v8;
	v10 =	vld.idx.msk [tilespmem:v31+s13+$0x0], $0xffff  }
0x20e: {  	v30 =	vbroadcast v11, $0x0;
	v28 =	vsub.f32 v26, v28;
	v25 =	vmul.f32 v32, v32;
	v26 =	vmovc v32;
	v11 =	vld.idx.msk [tilespmem:v31+s10+$0x0], $0xffff  }
0x20f: {  	v6 =	vadd.f32 v33, v6;
	v5 =	vadd.f32 v29, v5;
	v29 =	vmul.f32 v8, v27;
	v8 =	vld.idx.msk [tilespmem:v31+s12+$0x0], $0xffff  }
0x210: {  	_ =	sdelay $0x1  }
0x211: {  	v30 =	vor.u32 v0, v30;
	_ =	sdelay $0x1  }
0x212: {  	v31 =	vld.idx.msk [tilespmem:v16+s9+$0x0], $0xffff  }
0x213: {  	v32 =	vld.idx.msk [tilespmem:v16+s11+$0x0], $0xffff  }
0x214: {  	v27 =	vadd.f32 v27, v19;
	v16 =	vld.idx.msk [tilespmem:v16+s8+$0x0], $0xffff  }
0x215: {  	v26 =	vadd.f32 v26, v7;
	v33 =	vld.idx.msk [tilespmem:v30+s12+$0x0], $0xffff  }
0x216: {  	v28 =	vand.u32 $0x7FFFFFFF, v28;
	v22 =	vadd.f32 v25, v22;
	v13 =	vsub.f32 v27, v13;
	v27 =	vld.idx.msk [tilespmem:v30+s9+$0x0], $0xffff  }
0x217: {  	v19 =	vand.u32 $0x7FFFFFFF, v19;
	v18 =	vadd.f32 v29, v18;
	v12 =	vsub.f32 v26, v12;
	v25 =	vld.idx.msk [tilespmem:v30+s8+$0x0], $0xffff  }
0x218: {  	v14 =	vand.u32 $0x7FFFFFFF, v14;
	v9 =	vadd.f32 v28, v9;
	v15 =	vadd.f32 v19, v15;
	v28 =	vld.idx.msk [tilespmem:v30+s11+$0x0], $0xffff  }
0x219: {  	v14 =	vadd.f32 v14, v23;
	v12 =	vand.u32 $0x7FFFFFFF, v12;
	v19 =	vld.idx.msk [tilespmem:v30+s10+$0x0], $0xffff;
	v29 =	vadd.f32 v31, v16  }
0x21a: {  	v13 =	vand.u32 $0x7FFFFFFF, v13;
	v26 =	vadd.f32 v8, v32;
	v23 =	vld.idx.msk [tilespmem:v30+s13+$0x0], $0xffff;
	v9 =	vadd.f32 v12, v9  }
0x21b: {  	s16 =	simm.s32 $0x0;
	v7 =	vand.u32 $0x7FFFFFFF, v7;
	v13 =	vadd.f32 v13, v14;
	v12 =	vsub.f32 v29, v11  }
0x21c: {  	v26 =	vsub.f32 v26, v10;
	v29 =	vmov s16;
	v14 =	vadd.f32 v27, v25  }
0x21d: {  	v29 =	vand.u32 $0x3F, v29;
	v12 =	vand.u32 $0x7FFFFFFF, v12;
	v30 =	vadd.f32 v33, v28  }
0x21e: {  	v9 =	vadd.f32 v12, v9;
	v12 =	vsub.f32 v14, v19;
	v14 =	vbroadcast v29, $0x0  }
0x21f: {  	v4 =	vadd.f32 v7, v4;
	v26 =	vand.u32 $0x7FFFFFFF, v26;
	v29 =	vsub.f32 v30, v23  }
0x220: {  	v13 =	vadd.f32 v26, v13;
	v12 =	vand.u32 $0x7FFFFFFF, v12;
	v14 =	vor.u32 v1, v14  }
0x221: {  	v8 =	vmul.f32 v8, v8;
	v26 =	vand.u32 $0x7FFFFFFF, v29;
	v12 =	vadd.f32 v12, v9  }
0x222: {  	v10 =	vand.u32 $0x7FFFFFFF, v10;
	v9 =	vand.u32 $0x7FFFFFFF, v11;
	v11 =	vadd.f32 v26, v13  }
0x223: {  	s17 =	simm.s32 $0x1;
	v7 =	vmul.f32 v31, v31;
	v8 =	vadd.f32 v8, v18;
	v6 =	vadd.f32 v10, v6;
	[tilespmem:$0xC380] =	vst v12  }
0x224: {  	v10 =	vand.u32 $0x7FFFFFFF, v32;
	v5 =	vadd.f32 v9, v5;
	v9 =	vmov s17;
	[tilespmem:$0xC580] =	vst v11  }
0x225: {  	v10 =	vadd.f32 v10, v15;
	v15 =	vmul.f32 v33, v33;
	v9 =	vand.u32 $0x3F, v9;
	v29 =	vld.idx.msk [tilespmem:v14+s13+$0x0], $0xffff  }
0x226: {  	v7 =	vadd.f32 v7, v22;
	v9 =	vbroadcast v9, $0x0;
	v31 =	vld.idx.msk [tilespmem:v14+s10+$0x0], $0xffff  }
0x227: {  	v8 =	vadd.f32 v15, v8;
	v13 =	vand.u32 $0x7FFFFFFF, v19;
	[tilespmem:$0x1FEF0] =	vst v11;
	v11 =	vand.u32 $0x7FFFFFFF, v16;
	v18 =	vld.idx.msk [tilespmem:v14+s12+$0x0], $0xffff  }
0x228: {  	[tilespmem:$0x1FEE0] =	vst v12;
	v12 =	vand.u32 $0x7FFFFFFF, v23;
	v4 =	vadd.f32 v11, v4;
	v19 =	vld.idx.msk [tilespmem:v14+s9+$0x0], $0xffff;
	v11 =	vor.u32 v1, v9  }
0x229: {  	s17 =	simm.s32 $0x2;
	v5 =	vadd.f32 v13, v5;
	v6 =	vadd.f32 v12, v6;
	v15 =	vld.idx.msk [tilespmem:v14+s11+$0x0], $0xffff;
	v9 =	vmul.f32 v27, v27  }
0x22a: {  	v12 =	vand.u32 $0x7FFFFFFF, v28;
	v13 =	vand.u32 $0x7FFFFFFF, v25;
	v22 =	vld.idx.msk [tilespmem:v14+s8+$0x0], $0xffff;
	v14 =	vmov s17  }
0x22b: {  	v10 =	vadd.f32 v12, v10;
	v7 =	vadd.f32 v9, v7;
	v9 =	vand.u32 $0x3F, v14  }
0x22c: {  	v4 =	vadd.f32 v13, v4;
	v14 =	vbroadcast v9, $0x0;
	v9 =	vimm.f32 $0.0e+00  }
0x22d: {  	v12 =	vand.u32 $0x7FFFFFFF, v31;
	v23 =	vand.u32 $0x7FFFFFFF, v29;
	v25 =	vmul.f32 v18, v18;
	v13 =	vld.idx.msk [tilespmem:v11+s13+$0x0], $0xffff  }
0x22e: {  	v5 =	vadd.f32 v12, v5;
	v12 =	vld.idx.msk [tilespmem:v11+s10+$0x0], $0xffff;
	v16 =	vor.u32 v1, v14;
	v14 =	vadd.f32 v18, v15  }
0x22f: {  	v28 =	vmul.f32 v19, v19;
	v6 =	vadd.f32 v23, v6;
	v26 =	vld.idx.msk [tilespmem:v11+s9+$0x0], $0xffff;
	v23 =	vadd.f32 v19, v22  }
0x230: {  	s17 =	simm.s32 $0x3;
	v27 =	vld.idx.msk [tilespmem:v11+s12+$0x0], $0xffff;
	v18 =	vadd.f32 v25, v8;
	v8 =	vand.u32 $0x7FFFFFFF, v15;
	v25 =	vand.u32 $0x7FFFFFFF, v22  }
0x231: {  	v19 =	vld.idx.msk [tilespmem:v11+s11+$0x0], $0xffff;
	v22 =	vadd.f32 v28, v7;
	v28 =	vmov s17;
	v14 =	vsub.f32 v14, v29  }
0x232: {  	v7 =	vld.idx.msk [tilespmem:v11+s8+$0x0], $0xffff;
	v15 =	vadd.f32 v8, v10;
	v8 =	vand.u32 $0x3F, v28;
	v4 =	vadd.f32 v25, v4  }
0x233: {  	v28 =	vsub.f32 v23, v31;
	v23 =	vimm.f32 $0.0e+00;
	v30 =	vbroadcast v8, $0x0;
	v10 =	vld.idx.msk [tilespmem:v16+s13+$0x0], $0xffff  }
0x234: {  	v63 =	vand.u32 $0x7FFFFFFF, v13;
	v29 =	vand.u32 $0x7FFFFFFF, v12;
	v11 =	vld.idx.msk [tilespmem:v16+s10+$0x0], $0xffff;
	v25 =	vmul.f32 v26, v26  }
0x235: {  	s16 =	simm.s32 $0x4;
	v8 =	vld.idx.msk [tilespmem:v16+s12+$0x0], $0xffff;
	v5 =	vadd.f32 v29, v5;
	v29 =	vmul.f32 v27, v27;
	v6 =	vadd.f32 v63, v6  }
.LBB2_20:
0x236: {  	p0 =	sne.s32 s16, $0x3F;
	v31 =	vor.u32 v1, v30;
	v32 =	vld.idx.msk [tilespmem:v16+s9+$0x0], $0xffff;
	v27 =	vadd.f32 v27, v19;
	v28 =	vand.u32 $0x7FFFFFFF, v28;
	v30 =	vmovc v19;
	s17 =	smov.u32 s16;
	s16 =	sadd.s32 $0x1, s16  }
0x237: {  	v26 =	vadd.f32 v26, v7;
	v33 =	vmovc v7;
	v19 =	vld.idx.msk [tilespmem:v16+s11+$0x0], $0xffff;
	v18 =	vadd.f32 v29, v18;
	v29 =	vand.u32 $0x7FFFFFFF, v14  }
0x238: {  	v30 =	vand.u32 $0x7FFFFFFF, v30;
	v9 =	vadd.f32 v28, v9;
	v7 =	vld.idx.msk [tilespmem:v16+s8+$0x0], $0xffff;
	v14 =	vsub.f32 v27, v13;
	v16 =	vmovc v31  }
.Ltmp9:
0x239: {  	v22 =	vadd.f32 v25, v22;
	v34 =	vand.u32 $0x7FFFFFFF, v33;
	v15 =	vadd.f32 v30, v15;
	v13 =	vmovc v10;
	v28 =	vmovc v12;
	(pc) =	sbr.rel @p0 .LBB2_20-.Ltmp9, $4  }
0x23a: {  	v10 =	vmov s17;
	v23 =	vadd.f32 v29, v23;
	v33 =	vand.u32 $0x7FFFFFFF, v13;
	v12 =	vmovc v11  }
0x23b: {  	v4 =	vadd.f32 v34, v4;
	v11 =	vand.u32 $0x3F, v10;
	v29 =	vand.u32 $0x7FFFFFFF, v12;
	v27 =	vmovc v8;
	v10 =	vld.idx.msk [tilespmem:v31+s13+$0x0], $0xffff  }
0x23c: {  	v30 =	vbroadcast v11, $0x0;
	v28 =	vsub.f32 v26, v28;
	v25 =	vmul.f32 v32, v32;
	v26 =	vmovc v32;
	v11 =	vld.idx.msk [tilespmem:v31+s10+$0x0], $0xffff  }
0x23d: {  	v6 =	vadd.f32 v33, v6;
	v5 =	vadd.f32 v29, v5;
	v29 =	vmul.f32 v8, v27;
	v8 =	vld.idx.msk [tilespmem:v31+s12+$0x0], $0xffff  }
0x23e: {  	_ =	sdelay $0x1  }
0x23f: {  	v30 =	vor.u32 v1, v30;
	_ =	sdelay $0x1  }
0x240: {  	v31 =	vld.idx.msk [tilespmem:v16+s9+$0x0], $0xffff  }
0x241: {  	v32 =	vld.idx.msk [tilespmem:v16+s11+$0x0], $0xffff  }
0x242: {  	v27 =	vadd.f32 v27, v19;
	v16 =	vld.idx.msk [tilespmem:v16+s8+$0x0], $0xffff  }
0x243: {  	v26 =	vadd.f32 v26, v7;
	v33 =	vld.idx.msk [tilespmem:v30+s12+$0x0], $0xffff  }
0x244: {  	v28 =	vand.u32 $0x7FFFFFFF, v28;
	v22 =	vadd.f32 v25, v22;
	v13 =	vsub.f32 v27, v13;
	v27 =	vld.idx.msk [tilespmem:v30+s9+$0x0], $0xffff  }
0x245: {  	v19 =	vand.u32 $0x7FFFFFFF, v19;
	v18 =	vadd.f32 v29, v18;
	v12 =	vsub.f32 v26, v12;
	v25 =	vld.idx.msk [tilespmem:v30+s8+$0x0], $0xffff  }
0x246: {  	v14 =	vand.u32 $0x7FFFFFFF, v14;
	v9 =	vadd.f32 v28, v9;
	v15 =	vadd.f32 v19, v15;
	v28 =	vld.idx.msk [tilespmem:v30+s11+$0x0], $0xffff  }
0x247: {  	v14 =	vadd.f32 v14, v23;
	v12 =	vand.u32 $0x7FFFFFFF, v12;
	v19 =	vld.idx.msk [tilespmem:v30+s10+$0x0], $0xffff;
	v29 =	vadd.f32 v31, v16  }
0x248: {  	v13 =	vand.u32 $0x7FFFFFFF, v13;
	v26 =	vadd.f32 v8, v32;
	v23 =	vld.idx.msk [tilespmem:v30+s13+$0x0], $0xffff;
	v9 =	vadd.f32 v12, v9  }
0x249: {  	s16 =	simm.s32 $0x0;
	v7 =	vand.u32 $0x7FFFFFFF, v7;
	v13 =	vadd.f32 v13, v14;
	v12 =	vsub.f32 v29, v11  }
0x24a: {  	v26 =	vsub.f32 v26, v10;
	v29 =	vmov s16;
	v14 =	vadd.f32 v27, v25  }
0x24b: {  	v29 =	vand.u32 $0x3F, v29;
	v12 =	vand.u32 $0x7FFFFFFF, v12;
	v30 =	vadd.f32 v33, v28  }
0x24c: {  	v9 =	vadd.f32 v12, v9;
	v12 =	vsub.f32 v14, v19;
	v14 =	vbroadcast v29, $0x0  }
0x24d: {  	v4 =	vadd.f32 v7, v4;
	v26 =	vand.u32 $0x7FFFFFFF, v26;
	v29 =	vsub.f32 v30, v23  }
0x24e: {  	v13 =	vadd.f32 v26, v13;
	v12 =	vand.u32 $0x7FFFFFFF, v12;
	v14 =	vor.u32 v2, v14  }
0x24f: {  	v8 =	vmul.f32 v8, v8;
	v26 =	vand.u32 $0x7FFFFFFF, v29;
	v12 =	vadd.f32 v12, v9  }
0x250: {  	v10 =	vand.u32 $0x7FFFFFFF, v10;
	v9 =	vand.u32 $0x7FFFFFFF, v11;
	v11 =	vadd.f32 v26, v13  }
0x251: {  	s17 =	simm.s32 $0x1;
	v7 =	vmul.f32 v31, v31;
	v8 =	vadd.f32 v8, v18;
	v6 =	vadd.f32 v10, v6;
	[tilespmem:$0xC390] =	vst v12  }
0x252: {  	v10 =	vand.u32 $0x7FFFFFFF, v32;
	v5 =	vadd.f32 v9, v5;
	v9 =	vmov s17;
	[tilespmem:$0xC590] =	vst v11  }
0x253: {  	v10 =	vadd.f32 v10, v15;
	v15 =	vmul.f32 v33, v33;
	v9 =	vand.u32 $0x3F, v9;
	v29 =	vld.idx.msk [tilespmem:v14+s13+$0x0], $0xffff  }
0x254: {  	v7 =	vadd.f32 v7, v22;
	v9 =	vbroadcast v9, $0x0;
	v31 =	vld.idx.msk [tilespmem:v14+s10+$0x0], $0xffff  }
0x255: {  	v8 =	vadd.f32 v15, v8;
	v13 =	vand.u32 $0x7FFFFFFF, v19;
	[tilespmem:$0x1FED0] =	vst v11;
	v11 =	vand.u32 $0x7FFFFFFF, v16;
	v18 =	vld.idx.msk [tilespmem:v14+s12+$0x0], $0xffff  }
0x256: {  	[tilespmem:$0x1FEC0] =	vst v12;
	v12 =	vand.u32 $0x7FFFFFFF, v23;
	v4 =	vadd.f32 v11, v4;
	v19 =	vld.idx.msk [tilespmem:v14+s9+$0x0], $0xffff;
	v11 =	vor.u32 v2, v9  }
0x257: {  	s17 =	simm.s32 $0x2;
	v5 =	vadd.f32 v13, v5;
	v6 =	vadd.f32 v12, v6;
	v15 =	vld.idx.msk [tilespmem:v14+s11+$0x0], $0xffff;
	v9 =	vmul.f32 v27, v27  }
0x258: {  	v12 =	vand.u32 $0x7FFFFFFF, v28;
	v13 =	vand.u32 $0x7FFFFFFF, v25;
	v22 =	vld.idx.msk [tilespmem:v14+s8+$0x0], $0xffff;
	v14 =	vmov s17  }
0x259: {  	v10 =	vadd.f32 v12, v10;
	v7 =	vadd.f32 v9, v7;
	v9 =	vand.u32 $0x3F, v14  }
0x25a: {  	v4 =	vadd.f32 v13, v4;
	v14 =	vbroadcast v9, $0x0;
	v9 =	vimm.f32 $0.0e+00  }
0x25b: {  	v12 =	vand.u32 $0x7FFFFFFF, v31;
	v23 =	vand.u32 $0x7FFFFFFF, v29;
	v25 =	vmul.f32 v18, v18;
	v13 =	vld.idx.msk [tilespmem:v11+s13+$0x0], $0xffff  }
0x25c: {  	v5 =	vadd.f32 v12, v5;
	v12 =	vld.idx.msk [tilespmem:v11+s10+$0x0], $0xffff;
	v16 =	vor.u32 v2, v14;
	v14 =	vadd.f32 v18, v15  }
0x25d: {  	v28 =	vmul.f32 v19, v19;
	v6 =	vadd.f32 v23, v6;
	v26 =	vld.idx.msk [tilespmem:v11+s9+$0x0], $0xffff;
	v23 =	vadd.f32 v19, v22  }
0x25e: {  	s17 =	simm.s32 $0x3;
	v27 =	vld.idx.msk [tilespmem:v11+s12+$0x0], $0xffff;
	v18 =	vadd.f32 v25, v8;
	v8 =	vand.u32 $0x7FFFFFFF, v15;
	v25 =	vand.u32 $0x7FFFFFFF, v22  }
0x25f: {  	v19 =	vld.idx.msk [tilespmem:v11+s11+$0x0], $0xffff;
	v22 =	vadd.f32 v28, v7;
	v28 =	vmov s17;
	v14 =	vsub.f32 v14, v29  }
0x260: {  	v7 =	vld.idx.msk [tilespmem:v11+s8+$0x0], $0xffff;
	v15 =	vadd.f32 v8, v10;
	v8 =	vand.u32 $0x3F, v28;
	v4 =	vadd.f32 v25, v4  }
0x261: {  	v28 =	vsub.f32 v23, v31;
	v23 =	vimm.f32 $0.0e+00;
	v30 =	vbroadcast v8, $0x0;
	v10 =	vld.idx.msk [tilespmem:v16+s13+$0x0], $0xffff  }
0x262: {  	v63 =	vand.u32 $0x7FFFFFFF, v13;
	v29 =	vand.u32 $0x7FFFFFFF, v12;
	v11 =	vld.idx.msk [tilespmem:v16+s10+$0x0], $0xffff;
	v25 =	vmul.f32 v26, v26  }
0x263: {  	s16 =	simm.s32 $0x4;
	v8 =	vld.idx.msk [tilespmem:v16+s12+$0x0], $0xffff;
	v5 =	vadd.f32 v29, v5;
	v29 =	vmul.f32 v27, v27;
	v6 =	vadd.f32 v63, v6  }
.LBB2_22:
0x264: {  	p0 =	sne.s32 s16, $0x3F;
	v31 =	vor.u32 v2, v30;
	v32 =	vld.idx.msk [tilespmem:v16+s9+$0x0], $0xffff;
	v27 =	vadd.f32 v27, v19;
	v28 =	vand.u32 $0x7FFFFFFF, v28;
	v30 =	vmovc v19;
	s17 =	smov.u32 s16;
	s16 =	sadd.s32 $0x1, s16  }
0x265: {  	v26 =	vadd.f32 v26, v7;
	v33 =	vmovc v7;
	v19 =	vld.idx.msk [tilespmem:v16+s11+$0x0], $0xffff;
	v18 =	vadd.f32 v29, v18;
	v29 =	vand.u32 $0x7FFFFFFF, v14  }
0x266: {  	v30 =	vand.u32 $0x7FFFFFFF, v30;
	v9 =	vadd.f32 v28, v9;
	v7 =	vld.idx.msk [tilespmem:v16+s8+$0x0], $0xffff;
	v14 =	vsub.f32 v27, v13;
	v16 =	vmovc v31  }
.Ltmp10:
0x267: {  	v22 =	vadd.f32 v25, v22;
	v34 =	vand.u32 $0x7FFFFFFF, v33;
	v15 =	vadd.f32 v30, v15;
	v13 =	vmovc v10;
	v28 =	vmovc v12;
	(pc) =	sbr.rel @p0 .LBB2_22-.Ltmp10, $4  }
0x268: {  	v10 =	vmov s17;
	v23 =	vadd.f32 v29, v23;
	v33 =	vand.u32 $0x7FFFFFFF, v13;
	v12 =	vmovc v11  }
0x269: {  	v4 =	vadd.f32 v34, v4;
	v11 =	vand.u32 $0x3F, v10;
	v29 =	vand.u32 $0x7FFFFFFF, v12;
	v27 =	vmovc v8;
	v10 =	vld.idx.msk [tilespmem:v31+s13+$0x0], $0xffff  }
0x26a: {  	v30 =	vbroadcast v11, $0x0;
	v28 =	vsub.f32 v26, v28;
	v25 =	vmul.f32 v32, v32;
	v26 =	vmovc v32;
	v11 =	vld.idx.msk [tilespmem:v31+s10+$0x0], $0xffff  }
0x26b: {  	v6 =	vadd.f32 v33, v6;
	v5 =	vadd.f32 v29, v5;
	v29 =	vmul.f32 v8, v27;
	v8 =	vld.idx.msk [tilespmem:v31+s12+$0x0], $0xffff  }
0x26c: {  	_ =	sdelay $0x1  }
0x26d: {  	v30 =	vor.u32 v2, v30;
	_ =	sdelay $0x1  }
0x26e: {  	v31 =	vld.idx.msk [tilespmem:v16+s9+$0x0], $0xffff  }
0x26f: {  	v32 =	vld.idx.msk [tilespmem:v16+s11+$0x0], $0xffff  }
0x270: {  	v27 =	vadd.f32 v27, v19;
	v16 =	vld.idx.msk [tilespmem:v16+s8+$0x0], $0xffff  }
0x271: {  	v26 =	vadd.f32 v26, v7;
	v33 =	vld.idx.msk [tilespmem:v30+s12+$0x0], $0xffff  }
0x272: {  	v28 =	vand.u32 $0x7FFFFFFF, v28;
	v22 =	vadd.f32 v25, v22;
	v13 =	vsub.f32 v27, v13;
	v27 =	vld.idx.msk [tilespmem:v30+s9+$0x0], $0xffff  }
0x273: {  	v19 =	vand.u32 $0x7FFFFFFF, v19;
	v18 =	vadd.f32 v29, v18;
	v12 =	vsub.f32 v26, v12;
	v25 =	vld.idx.msk [tilespmem:v30+s8+$0x0], $0xffff  }
0x274: {  	v14 =	vand.u32 $0x7FFFFFFF, v14;
	v9 =	vadd.f32 v28, v9;
	v15 =	vadd.f32 v19, v15;
	v28 =	vld.idx.msk [tilespmem:v30+s11+$0x0], $0xffff  }
0x275: {  	v14 =	vadd.f32 v14, v23;
	v12 =	vand.u32 $0x7FFFFFFF, v12;
	v19 =	vld.idx.msk [tilespmem:v30+s10+$0x0], $0xffff;
	v29 =	vadd.f32 v31, v16  }
0x276: {  	v13 =	vand.u32 $0x7FFFFFFF, v13;
	v26 =	vadd.f32 v8, v32;
	v23 =	vld.idx.msk [tilespmem:v30+s13+$0x0], $0xffff;
	v9 =	vadd.f32 v12, v9  }
0x277: {  	s16 =	simm.s32 $0x0;
	v7 =	vand.u32 $0x7FFFFFFF, v7;
	v13 =	vadd.f32 v13, v14;
	v12 =	vsub.f32 v29, v11  }
0x278: {  	v26 =	vsub.f32 v26, v10;
	v29 =	vmov s16;
	v14 =	vadd.f32 v27, v25  }
0x279: {  	v29 =	vand.u32 $0x3F, v29;
	v12 =	vand.u32 $0x7FFFFFFF, v12;
	v30 =	vadd.f32 v33, v28  }
0x27a: {  	v9 =	vadd.f32 v12, v9;
	v12 =	vsub.f32 v14, v19;
	v14 =	vbroadcast v29, $0x0  }
0x27b: {  	v4 =	vadd.f32 v7, v4;
	v26 =	vand.u32 $0x7FFFFFFF, v26;
	v29 =	vsub.f32 v30, v23  }
0x27c: {  	v13 =	vadd.f32 v26, v13;
	v12 =	vand.u32 $0x7FFFFFFF, v12;
	v14 =	vor.u32 v3, v14  }
0x27d: {  	v8 =	vmul.f32 v8, v8;
	v26 =	vand.u32 $0x7FFFFFFF, v29;
	v12 =	vadd.f32 v12, v9  }
0x27e: {  	v10 =	vand.u32 $0x7FFFFFFF, v10;
	v9 =	vand.u32 $0x7FFFFFFF, v11;
	v11 =	vadd.f32 v26, v13  }
0x27f: {  	s17 =	simm.s32 $0x1;
	v7 =	vmul.f32 v31, v31;
	v8 =	vadd.f32 v8, v18;
	v6 =	vadd.f32 v10, v6;
	[tilespmem:$0xC3A0] =	vst v12  }
0x280: {  	v10 =	vand.u32 $0x7FFFFFFF, v32;
	v5 =	vadd.f32 v9, v5;
	v9 =	vmov s17;
	[tilespmem:$0xC5A0] =	vst v11  }
0x281: {  	v10 =	vadd.f32 v10, v15;
	v15 =	vmul.f32 v33, v33;
	v9 =	vand.u32 $0x3F, v9;
	v29 =	vld.idx.msk [tilespmem:v14+s13+$0x0], $0xffff  }
0x282: {  	v7 =	vadd.f32 v7, v22;
	v9 =	vbroadcast v9, $0x0;
	v31 =	vld.idx.msk [tilespmem:v14+s10+$0x0], $0xffff  }
0x283: {  	v8 =	vadd.f32 v15, v8;
	v13 =	vand.u32 $0x7FFFFFFF, v19;
	[tilespmem:$0x1FEB0] =	vst v11;
	v11 =	vand.u32 $0x7FFFFFFF, v16;
	v18 =	vld.idx.msk [tilespmem:v14+s12+$0x0], $0xffff  }
0x284: {  	[tilespmem:$0x1FEA0] =	vst v12;
	v12 =	vand.u32 $0x7FFFFFFF, v23;
	v4 =	vadd.f32 v11, v4;
	v19 =	vld.idx.msk [tilespmem:v14+s9+$0x0], $0xffff;
	v11 =	vor.u32 v3, v9  }
0x285: {  	s17 =	simm.s32 $0x2;
	v5 =	vadd.f32 v13, v5;
	v6 =	vadd.f32 v12, v6;
	v15 =	vld.idx.msk [tilespmem:v14+s11+$0x0], $0xffff;
	v9 =	vmul.f32 v27, v27  }
0x286: {  	v12 =	vand.u32 $0x7FFFFFFF, v28;
	v13 =	vand.u32 $0x7FFFFFFF, v25;
	v22 =	vld.idx.msk [tilespmem:v14+s8+$0x0], $0xffff;
	v14 =	vmov s17  }
0x287: {  	v10 =	vadd.f32 v12, v10;
	v7 =	vadd.f32 v9, v7;
	v9 =	vand.u32 $0x3F, v14  }
0x288: {  	v4 =	vadd.f32 v13, v4;
	v14 =	vbroadcast v9, $0x0;
	v9 =	vimm.f32 $0.0e+00  }
0x289: {  	v12 =	vand.u32 $0x7FFFFFFF, v31;
	v23 =	vand.u32 $0x7FFFFFFF, v29;
	v25 =	vmul.f32 v18, v18;
	v13 =	vld.idx.msk [tilespmem:v11+s13+$0x0], $0xffff  }
0x28a: {  	v5 =	vadd.f32 v12, v5;
	v12 =	vld.idx.msk [tilespmem:v11+s10+$0x0], $0xffff;
	v16 =	vor.u32 v3, v14;
	v14 =	vadd.f32 v18, v15  }
0x28b: {  	v28 =	vmul.f32 v19, v19;
	v6 =	vadd.f32 v23, v6;
	v26 =	vld.idx.msk [tilespmem:v11+s9+$0x0], $0xffff;
	v23 =	vadd.f32 v19, v22  }
0x28c: {  	s17 =	simm.s32 $0x3;
	v27 =	vld.idx.msk [tilespmem:v11+s12+$0x0], $0xffff;
	v18 =	vadd.f32 v25, v8;
	v8 =	vand.u32 $0x7FFFFFFF, v15;
	v25 =	vand.u32 $0x7FFFFFFF, v22  }
0x28d: {  	v19 =	vld.idx.msk [tilespmem:v11+s11+$0x0], $0xffff;
	v22 =	vadd.f32 v28, v7;
	v28 =	vmov s17;
	v14 =	vsub.f32 v14, v29  }
0x28e: {  	v7 =	vld.idx.msk [tilespmem:v11+s8+$0x0], $0xffff;
	v15 =	vadd.f32 v8, v10;
	v8 =	vand.u32 $0x3F, v28;
	v4 =	vadd.f32 v25, v4  }
0x28f: {  	v28 =	vsub.f32 v23, v31;
	v23 =	vimm.f32 $0.0e+00;
	v30 =	vbroadcast v8, $0x0;
	v10 =	vld.idx.msk [tilespmem:v16+s13+$0x0], $0xffff  }
0x290: {  	v63 =	vand.u32 $0x7FFFFFFF, v13;
	v29 =	vand.u32 $0x7FFFFFFF, v12;
	v11 =	vld.idx.msk [tilespmem:v16+s10+$0x0], $0xffff;
	v25 =	vmul.f32 v26, v26  }
0x291: {  	s16 =	simm.s32 $0x4;
	v8 =	vld.idx.msk [tilespmem:v16+s12+$0x0], $0xffff;
	v5 =	vadd.f32 v29, v5;
	v29 =	vmul.f32 v27, v27;
	v6 =	vadd.f32 v63, v6  }
.LBB2_24:
0x292: {  	p0 =	sne.s32 s16, $0x3F;
	v31 =	vor.u32 v3, v30;
	v32 =	vld.idx.msk [tilespmem:v16+s9+$0x0], $0xffff;
	v27 =	vadd.f32 v27, v19;
	v28 =	vand.u32 $0x7FFFFFFF, v28;
	v30 =	vmovc v19;
	s17 =	smov.u32 s16;
	s16 =	sadd.s32 $0x1, s16  }
0x293: {  	v26 =	vadd.f32 v26, v7;
	v33 =	vmovc v7;
	v19 =	vld.idx.msk [tilespmem:v16+s11+$0x0], $0xffff;
	v18 =	vadd.f32 v29, v18;
	v29 =	vand.u32 $0x7FFFFFFF, v14  }
0x294: {  	v30 =	vand.u32 $0x7FFFFFFF, v30;
	v9 =	vadd.f32 v28, v9;
	v7 =	vld.idx.msk [tilespmem:v16+s8+$0x0], $0xffff;
	v14 =	vsub.f32 v27, v13;
	v16 =	vmovc v31  }
.Ltmp11:
0x295: {  	v22 =	vadd.f32 v25, v22;
	v34 =	vand.u32 $0x7FFFFFFF, v33;
	v15 =	vadd.f32 v30, v15;
	v13 =	vmovc v10;
	v28 =	vmovc v12;
	(pc) =	sbr.rel @p0 .LBB2_24-.Ltmp11, $4  }
0x296: {  	v10 =	vmov s17;
	v23 =	vadd.f32 v29, v23;
	v33 =	vand.u32 $0x7FFFFFFF, v13;
	v12 =	vmovc v11  }
0x297: {  	v4 =	vadd.f32 v34, v4;
	v11 =	vand.u32 $0x3F, v10;
	v29 =	vand.u32 $0x7FFFFFFF, v12;
	v27 =	vmovc v8;
	v10 =	vld.idx.msk [tilespmem:v31+s13+$0x0], $0xffff  }
0x298: {  	v30 =	vbroadcast v11, $0x0;
	v28 =	vsub.f32 v26, v28;
	v25 =	vmul.f32 v32, v32;
	v26 =	vmovc v32;
	v11 =	vld.idx.msk [tilespmem:v31+s10+$0x0], $0xffff  }
0x299: {  	v6 =	vadd.f32 v33, v6;
	v5 =	vadd.f32 v29, v5;
	v29 =	vmul.f32 v8, v27;
	v8 =	vld.idx.msk [tilespmem:v31+s12+$0x0], $0xffff  }
0x29a: {  	_ =	sdelay $0x1  }
0x29b: {  	v30 =	vor.u32 v3, v30;
	_ =	sdelay $0x1  }
0x29c: {  	v31 =	vld.idx.msk [tilespmem:v16+s9+$0x0], $0xffff  }
0x29d: {  	v32 =	vld.idx.msk [tilespmem:v16+s11+$0x0], $0xffff  }
0x29e: {  	v27 =	vadd.f32 v27, v19;
	v16 =	vld.idx.msk [tilespmem:v16+s8+$0x0], $0xffff  }
0x29f: {  	v26 =	vadd.f32 v26, v7;
	v33 =	vld.idx.msk [tilespmem:v30+s12+$0x0], $0xffff  }
0x2a0: {  	v28 =	vand.u32 $0x7FFFFFFF, v28;
	v22 =	vadd.f32 v25, v22;
	v13 =	vsub.f32 v27, v13;
	v27 =	vld.idx.msk [tilespmem:v30+s9+$0x0], $0xffff  }
0x2a1: {  	v19 =	vand.u32 $0x7FFFFFFF, v19;
	v18 =	vadd.f32 v29, v18;
	v12 =	vsub.f32 v26, v12;
	v25 =	vld.idx.msk [tilespmem:v30+s8+$0x0], $0xffff  }
0x2a2: {  	v14 =	vand.u32 $0x7FFFFFFF, v14;
	v9 =	vadd.f32 v28, v9;
	v15 =	vadd.f32 v19, v15;
	v28 =	vld.idx.msk [tilespmem:v30+s11+$0x0], $0xffff  }
0x2a3: {  	v14 =	vadd.f32 v14, v23;
	v12 =	vand.u32 $0x7FFFFFFF, v12;
	v19 =	vld.idx.msk [tilespmem:v30+s10+$0x0], $0xffff;
	v29 =	vadd.f32 v31, v16  }
0x2a4: {  	v13 =	vand.u32 $0x7FFFFFFF, v13;
	v26 =	vadd.f32 v8, v32;
	v23 =	vld.idx.msk [tilespmem:v30+s13+$0x0], $0xffff;
	v9 =	vadd.f32 v12, v9  }
0x2a5: {  	s16 =	simm.s32 $0x0;
	v7 =	vand.u32 $0x7FFFFFFF, v7;
	v13 =	vadd.f32 v13, v14;
	v12 =	vsub.f32 v29, v11  }
0x2a6: {  	v26 =	vsub.f32 v26, v10;
	v29 =	vmov s16;
	v14 =	vadd.f32 v27, v25  }
0x2a7: {  	v29 =	vand.u32 $0x3F, v29;
	v12 =	vand.u32 $0x7FFFFFFF, v12;
	v30 =	vadd.f32 v33, v28  }
0x2a8: {  	v9 =	vadd.f32 v12, v9;
	v12 =	vsub.f32 v14, v19;
	v14 =	vbroadcast v29, $0x0  }
0x2a9: {  	v4 =	vadd.f32 v7, v4;
	v26 =	vand.u32 $0x7FFFFFFF, v26;
	v29 =	vsub.f32 v30, v23  }
0x2aa: {  	v13 =	vadd.f32 v26, v13;
	v12 =	vand.u32 $0x7FFFFFFF, v12;
	v14 =	vor.u32 v24, v14  }
0x2ab: {  	v8 =	vmul.f32 v8, v8;
	v26 =	vand.u32 $0x7FFFFFFF, v29;
	v12 =	vadd.f32 v12, v9  }
0x2ac: {  	v10 =	vand.u32 $0x7FFFFFFF, v10;
	v9 =	vand.u32 $0x7FFFFFFF, v11;
	v11 =	vadd.f32 v26, v13  }
0x2ad: {  	s17 =	simm.s32 $0x1;
	v7 =	vmul.f32 v31, v31;
	v8 =	vadd.f32 v8, v18;
	v6 =	vadd.f32 v10, v6;
	[tilespmem:$0xC3B0] =	vst v12  }
0x2ae: {  	v10 =	vand.u32 $0x7FFFFFFF, v32;
	v5 =	vadd.f32 v9, v5;
	v9 =	vmov s17;
	[tilespmem:$0xC5B0] =	vst v11  }
0x2af: {  	v10 =	vadd.f32 v10, v15;
	v15 =	vmul.f32 v33, v33;
	v9 =	vand.u32 $0x3F, v9;
	v29 =	vld.idx.msk [tilespmem:v14+s13+$0x0], $0xffff  }
0x2b0: {  	v7 =	vadd.f32 v7, v22;
	v9 =	vbroadcast v9, $0x0;
	v31 =	vld.idx.msk [tilespmem:v14+s10+$0x0], $0xffff  }
0x2b1: {  	v8 =	vadd.f32 v15, v8;
	v13 =	vand.u32 $0x7FFFFFFF, v19;
	[tilespmem:$0x1FE90] =	vst v11;
	v11 =	vand.u32 $0x7FFFFFFF, v16;
	v18 =	vld.idx.msk [tilespmem:v14+s12+$0x0], $0xffff  }
0x2b2: {  	[tilespmem:$0x1FE80] =	vst v12;
	v12 =	vand.u32 $0x7FFFFFFF, v23;
	v4 =	vadd.f32 v11, v4;
	v19 =	vld.idx.msk [tilespmem:v14+s9+$0x0], $0xffff;
	v11 =	vor.u32 v24, v9  }
0x2b3: {  	s17 =	simm.s32 $0x2;
	v5 =	vadd.f32 v13, v5;
	v6 =	vadd.f32 v12, v6;
	v15 =	vld.idx.msk [tilespmem:v14+s11+$0x0], $0xffff;
	v9 =	vmul.f32 v27, v27  }
0x2b4: {  	v12 =	vand.u32 $0x7FFFFFFF, v28;
	v13 =	vand.u32 $0x7FFFFFFF, v25;
	v22 =	vld.idx.msk [tilespmem:v14+s8+$0x0], $0xffff;
	v14 =	vmov s17  }
0x2b5: {  	v10 =	vadd.f32 v12, v10;
	v7 =	vadd.f32 v9, v7;
	v9 =	vand.u32 $0x3F, v14  }
0x2b6: {  	v4 =	vadd.f32 v13, v4;
	v14 =	vbroadcast v9, $0x0;
	v9 =	vimm.f32 $0.0e+00  }
0x2b7: {  	v12 =	vand.u32 $0x7FFFFFFF, v31;
	v23 =	vand.u32 $0x7FFFFFFF, v29;
	v25 =	vmul.f32 v18, v18;
	v13 =	vld.idx.msk [tilespmem:v11+s13+$0x0], $0xffff  }
0x2b8: {  	v5 =	vadd.f32 v12, v5;
	v12 =	vld.idx.msk [tilespmem:v11+s10+$0x0], $0xffff;
	v16 =	vor.u32 v24, v14;
	v14 =	vadd.f32 v18, v15  }
0x2b9: {  	v28 =	vmul.f32 v19, v19;
	v6 =	vadd.f32 v23, v6;
	v26 =	vld.idx.msk [tilespmem:v11+s9+$0x0], $0xffff;
	v23 =	vadd.f32 v19, v22  }
0x2ba: {  	s17 =	simm.s32 $0x3;
	v27 =	vld.idx.msk [tilespmem:v11+s12+$0x0], $0xffff;
	v18 =	vadd.f32 v25, v8;
	v8 =	vand.u32 $0x7FFFFFFF, v15;
	v25 =	vand.u32 $0x7FFFFFFF, v22  }
0x2bb: {  	v19 =	vld.idx.msk [tilespmem:v11+s11+$0x0], $0xffff;
	v22 =	vadd.f32 v28, v7;
	v28 =	vmov s17;
	v14 =	vsub.f32 v14, v29  }
0x2bc: {  	v7 =	vld.idx.msk [tilespmem:v11+s8+$0x0], $0xffff;
	v15 =	vadd.f32 v8, v10;
	v8 =	vand.u32 $0x3F, v28;
	v4 =	vadd.f32 v25, v4  }
0x2bd: {  	v28 =	vsub.f32 v23, v31;
	v23 =	vimm.f32 $0.0e+00;
	v30 =	vbroadcast v8, $0x0;
	v10 =	vld.idx.msk [tilespmem:v16+s13+$0x0], $0xffff  }
0x2be: {  	v63 =	vand.u32 $0x7FFFFFFF, v13;
	v29 =	vand.u32 $0x7FFFFFFF, v12;
	v11 =	vld.idx.msk [tilespmem:v16+s10+$0x0], $0xffff;
	v25 =	vmul.f32 v26, v26  }
0x2bf: {  	s16 =	simm.s32 $0x4;
	v8 =	vld.idx.msk [tilespmem:v16+s12+$0x0], $0xffff;
	v5 =	vadd.f32 v29, v5;
	v29 =	vmul.f32 v27, v27;
	v6 =	vadd.f32 v63, v6  }
.LBB2_26:
0x2c0: {  	p0 =	sne.s32 s16, $0x3F;
	v31 =	vor.u32 v24, v30;
	v32 =	vld.idx.msk [tilespmem:v16+s9+$0x0], $0xffff;
	v27 =	vadd.f32 v27, v19;
	v28 =	vand.u32 $0x7FFFFFFF, v28;
	v30 =	vmovc v19;
	s17 =	smov.u32 s16;
	s16 =	sadd.s32 $0x1, s16  }
0x2c1: {  	v26 =	vadd.f32 v26, v7;
	v33 =	vmovc v7;
	v19 =	vld.idx.msk [tilespmem:v16+s11+$0x0], $0xffff;
	v18 =	vadd.f32 v29, v18;
	v29 =	vand.u32 $0x7FFFFFFF, v14  }
0x2c2: {  	v30 =	vand.u32 $0x7FFFFFFF, v30;
	v9 =	vadd.f32 v28, v9;
	v7 =	vld.idx.msk [tilespmem:v16+s8+$0x0], $0xffff;
	v14 =	vsub.f32 v27, v13;
	v16 =	vmovc v31  }
.Ltmp12:
0x2c3: {  	v22 =	vadd.f32 v25, v22;
	v34 =	vand.u32 $0x7FFFFFFF, v33;
	v15 =	vadd.f32 v30, v15;
	v13 =	vmovc v10;
	v28 =	vmovc v12;
	(pc) =	sbr.rel @p0 .LBB2_26-.Ltmp12, $4  }
0x2c4: {  	v10 =	vmov s17;
	v23 =	vadd.f32 v29, v23;
	v33 =	vand.u32 $0x7FFFFFFF, v13;
	v12 =	vmovc v11  }
0x2c5: {  	v4 =	vadd.f32 v34, v4;
	v11 =	vand.u32 $0x3F, v10;
	v29 =	vand.u32 $0x7FFFFFFF, v12;
	v27 =	vmovc v8;
	v10 =	vld.idx.msk [tilespmem:v31+s13+$0x0], $0xffff  }
0x2c6: {  	v30 =	vbroadcast v11, $0x0;
	v28 =	vsub.f32 v26, v28;
	v25 =	vmul.f32 v32, v32;
	v26 =	vmovc v32;
	v11 =	vld.idx.msk [tilespmem:v31+s10+$0x0], $0xffff  }
0x2c7: {  	v6 =	vadd.f32 v33, v6;
	v5 =	vadd.f32 v29, v5;
	v29 =	vmul.f32 v8, v27;
	v8 =	vld.idx.msk [tilespmem:v31+s12+$0x0], $0xffff  }
0x2c8: {  	_ =	sdelay $0x1  }
0x2c9: {  	v30 =	vor.u32 v24, v30;
	_ =	sdelay $0x1  }
0x2ca: {  	v31 =	vld.idx.msk [tilespmem:v16+s9+$0x0], $0xffff  }
0x2cb: {  	v32 =	vld.idx.msk [tilespmem:v16+s11+$0x0], $0xffff  }
0x2cc: {  	v27 =	vadd.f32 v27, v19;
	v16 =	vld.idx.msk [tilespmem:v16+s8+$0x0], $0xffff  }
0x2cd: {  	v26 =	vadd.f32 v26, v7;
	v33 =	vld.idx.msk [tilespmem:v30+s12+$0x0], $0xffff  }
0x2ce: {  	v28 =	vand.u32 $0x7FFFFFFF, v28;
	v22 =	vadd.f32 v25, v22;
	v13 =	vsub.f32 v27, v13;
	v27 =	vld.idx.msk [tilespmem:v30+s9+$0x0], $0xffff  }
0x2cf: {  	v19 =	vand.u32 $0x7FFFFFFF, v19;
	v18 =	vadd.f32 v29, v18;
	v12 =	vsub.f32 v26, v12;
	v25 =	vld.idx.msk [tilespmem:v30+s8+$0x0], $0xffff  }
0x2d0: {  	v14 =	vand.u32 $0x7FFFFFFF, v14;
	v9 =	vadd.f32 v28, v9;
	v15 =	vadd.f32 v19, v15;
	v28 =	vld.idx.msk [tilespmem:v30+s11+$0x0], $0xffff  }
0x2d1: {  	v14 =	vadd.f32 v14, v23;
	v12 =	vand.u32 $0x7FFFFFFF, v12;
	v19 =	vld.idx.msk [tilespmem:v30+s10+$0x0], $0xffff;
	v29 =	vadd.f32 v31, v16  }
0x2d2: {  	v13 =	vand.u32 $0x7FFFFFFF, v13;
	v26 =	vadd.f32 v8, v32;
	v23 =	vld.idx.msk [tilespmem:v30+s13+$0x0], $0xffff;
	v9 =	vadd.f32 v12, v9  }
0x2d3: {  	s16 =	simm.s32 $0x0;
	v7 =	vand.u32 $0x7FFFFFFF, v7;
	v13 =	vadd.f32 v13, v14;
	v12 =	vsub.f32 v29, v11  }
0x2d4: {  	v26 =	vsub.f32 v26, v10;
	v29 =	vmov s16;
	v14 =	vadd.f32 v27, v25  }
0x2d5: {  	v29 =	vand.u32 $0x3F, v29;
	v12 =	vand.u32 $0x7FFFFFFF, v12;
	v30 =	vadd.f32 v33, v28  }
0x2d6: {  	v9 =	vadd.f32 v12, v9;
	v12 =	vsub.f32 v14, v19;
	v14 =	vbroadcast v29, $0x0  }
0x2d7: {  	v4 =	vadd.f32 v7, v4;
	v26 =	vand.u32 $0x7FFFFFFF, v26;
	v29 =	vsub.f32 v30, v23  }
0x2d8: {  	v13 =	vadd.f32 v26, v13;
	v12 =	vand.u32 $0x7FFFFFFF, v12;
	v14 =	vor.u32 v21, v14  }
0x2d9: {  	v8 =	vmul.f32 v8, v8;
	v26 =	vand.u32 $0x7FFFFFFF, v29;
	v12 =	vadd.f32 v12, v9  }
0x2da: {  	v10 =	vand.u32 $0x7FFFFFFF, v10;
	v9 =	vand.u32 $0x7FFFFFFF, v11;
	v11 =	vadd.f32 v26, v13  }
0x2db: {  	s17 =	simm.s32 $0x1;
	v7 =	vmul.f32 v31, v31;
	v8 =	vadd.f32 v8, v18;
	v6 =	vadd.f32 v10, v6;
	[tilespmem:$0xC3C0] =	vst v12  }
0x2dc: {  	v10 =	vand.u32 $0x7FFFFFFF, v32;
	v5 =	vadd.f32 v9, v5;
	v9 =	vmov s17;
	[tilespmem:$0xC5C0] =	vst v11  }
0x2dd: {  	v10 =	vadd.f32 v10, v15;
	v15 =	vmul.f32 v33, v33;
	v9 =	vand.u32 $0x3F, v9;
	v29 =	vld.idx.msk [tilespmem:v14+s13+$0x0], $0xffff  }
0x2de: {  	v7 =	vadd.f32 v7, v22;
	v9 =	vbroadcast v9, $0x0;
	v31 =	vld.idx.msk [tilespmem:v14+s10+$0x0], $0xffff  }
0x2df: {  	v8 =	vadd.f32 v15, v8;
	v13 =	vand.u32 $0x7FFFFFFF, v19;
	[tilespmem:$0x1FE70] =	vst v11;
	v11 =	vand.u32 $0x7FFFFFFF, v16;
	v18 =	vld.idx.msk [tilespmem:v14+s12+$0x0], $0xffff  }
0x2e0: {  	[tilespmem:$0x1FE60] =	vst v12;
	v12 =	vand.u32 $0x7FFFFFFF, v23;
	v4 =	vadd.f32 v11, v4;
	v19 =	vld.idx.msk [tilespmem:v14+s9+$0x0], $0xffff;
	v11 =	vor.u32 v21, v9  }
0x2e1: {  	s17 =	simm.s32 $0x2;
	v5 =	vadd.f32 v13, v5;
	v6 =	vadd.f32 v12, v6;
	v15 =	vld.idx.msk [tilespmem:v14+s11+$0x0], $0xffff;
	v9 =	vmul.f32 v27, v27  }
0x2e2: {  	v12 =	vand.u32 $0x7FFFFFFF, v28;
	v13 =	vand.u32 $0x7FFFFFFF, v25;
	v22 =	vld.idx.msk [tilespmem:v14+s8+$0x0], $0xffff;
	v14 =	vmov s17  }
0x2e3: {  	v10 =	vadd.f32 v12, v10;
	v7 =	vadd.f32 v9, v7;
	v9 =	vand.u32 $0x3F, v14  }
0x2e4: {  	v4 =	vadd.f32 v13, v4;
	v14 =	vbroadcast v9, $0x0;
	v9 =	vimm.f32 $0.0e+00  }
0x2e5: {  	v12 =	vand.u32 $0x7FFFFFFF, v31;
	v23 =	vand.u32 $0x7FFFFFFF, v29;
	v25 =	vmul.f32 v18, v18;
	v13 =	vld.idx.msk [tilespmem:v11+s13+$0x0], $0xffff  }
0x2e6: {  	v5 =	vadd.f32 v12, v5;
	v12 =	vld.idx.msk [tilespmem:v11+s10+$0x0], $0xffff;
	v16 =	vor.u32 v21, v14;
	v14 =	vadd.f32 v18, v15  }
0x2e7: {  	v28 =	vmul.f32 v19, v19;
	v6 =	vadd.f32 v23, v6;
	v26 =	vld.idx.msk [tilespmem:v11+s9+$0x0], $0xffff;
	v23 =	vadd.f32 v19, v22  }
0x2e8: {  	s17 =	simm.s32 $0x3;
	v27 =	vld.idx.msk [tilespmem:v11+s12+$0x0], $0xffff;
	v18 =	vadd.f32 v25, v8;
	v8 =	vand.u32 $0x7FFFFFFF, v15;
	v25 =	vand.u32 $0x7FFFFFFF, v22  }
0x2e9: {  	v19 =	vld.idx.msk [tilespmem:v11+s11+$0x0], $0xffff;
	v22 =	vadd.f32 v28, v7;
	v28 =	vmov s17;
	v14 =	vsub.f32 v14, v29  }
0x2ea: {  	v7 =	vld.idx.msk [tilespmem:v11+s8+$0x0], $0xffff;
	v15 =	vadd.f32 v8, v10;
	v8 =	vand.u32 $0x3F, v28;
	v4 =	vadd.f32 v25, v4  }
0x2eb: {  	v28 =	vsub.f32 v23, v31;
	v23 =	vimm.f32 $0.0e+00;
	v30 =	vbroadcast v8, $0x0;
	v10 =	vld.idx.msk [tilespmem:v16+s13+$0x0], $0xffff  }
0x2ec: {  	v63 =	vand.u32 $0x7FFFFFFF, v13;
	v29 =	vand.u32 $0x7FFFFFFF, v12;
	v11 =	vld.idx.msk [tilespmem:v16+s10+$0x0], $0xffff;
	v25 =	vmul.f32 v26, v26  }
0x2ed: {  	s16 =	simm.s32 $0x4;
	v8 =	vld.idx.msk [tilespmem:v16+s12+$0x0], $0xffff;
	v5 =	vadd.f32 v29, v5;
	v29 =	vmul.f32 v27, v27;
	v6 =	vadd.f32 v63, v6  }
.LBB2_28:
0x2ee: {  	p0 =	sne.s32 s16, $0x3F;
	v31 =	vor.u32 v21, v30;
	v32 =	vld.idx.msk [tilespmem:v16+s9+$0x0], $0xffff;
	v27 =	vadd.f32 v27, v19;
	v28 =	vand.u32 $0x7FFFFFFF, v28;
	v30 =	vmovc v19;
	s17 =	smov.u32 s16;
	s16 =	sadd.s32 $0x1, s16  }
0x2ef: {  	v26 =	vadd.f32 v26, v7;
	v33 =	vmovc v7;
	v19 =	vld.idx.msk [tilespmem:v16+s11+$0x0], $0xffff;
	v18 =	vadd.f32 v29, v18;
	v29 =	vand.u32 $0x7FFFFFFF, v14  }
0x2f0: {  	v30 =	vand.u32 $0x7FFFFFFF, v30;
	v9 =	vadd.f32 v28, v9;
	v7 =	vld.idx.msk [tilespmem:v16+s8+$0x0], $0xffff;
	v14 =	vsub.f32 v27, v13;
	v16 =	vmovc v31  }
.Ltmp13:
0x2f1: {  	v22 =	vadd.f32 v25, v22;
	v34 =	vand.u32 $0x7FFFFFFF, v33;
	v15 =	vadd.f32 v30, v15;
	v13 =	vmovc v10;
	v28 =	vmovc v12;
	(pc) =	sbr.rel @p0 .LBB2_28-.Ltmp13, $4  }
0x2f2: {  	v10 =	vmov s17;
	v23 =	vadd.f32 v29, v23;
	v33 =	vand.u32 $0x7FFFFFFF, v13;
	v12 =	vmovc v11  }
0x2f3: {  	v4 =	vadd.f32 v34, v4;
	v11 =	vand.u32 $0x3F, v10;
	v29 =	vand.u32 $0x7FFFFFFF, v12;
	v27 =	vmovc v8;
	v10 =	vld.idx.msk [tilespmem:v31+s13+$0x0], $0xffff  }
0x2f4: {  	v30 =	vbroadcast v11, $0x0;
	v28 =	vsub.f32 v26, v28;
	v25 =	vmul.f32 v32, v32;
	v26 =	vmovc v32;
	v11 =	vld.idx.msk [tilespmem:v31+s10+$0x0], $0xffff  }
0x2f5: {  	v6 =	vadd.f32 v33, v6;
	v5 =	vadd.f32 v29, v5;
	v29 =	vmul.f32 v8, v27;
	v8 =	vld.idx.msk [tilespmem:v31+s12+$0x0], $0xffff  }
0x2f6: {  	_ =	sdelay $0x1  }
0x2f7: {  	v30 =	vor.u32 v21, v30;
	_ =	sdelay $0x1  }
0x2f8: {  	v31 =	vld.idx.msk [tilespmem:v16+s9+$0x0], $0xffff  }
0x2f9: {  	v32 =	vld.idx.msk [tilespmem:v16+s11+$0x0], $0xffff  }
0x2fa: {  	v27 =	vadd.f32 v27, v19;
	v16 =	vld.idx.msk [tilespmem:v16+s8+$0x0], $0xffff  }
0x2fb: {  	v26 =	vadd.f32 v26, v7;
	v33 =	vld.idx.msk [tilespmem:v30+s12+$0x0], $0xffff  }
0x2fc: {  	v28 =	vand.u32 $0x7FFFFFFF, v28;
	v22 =	vadd.f32 v25, v22;
	v13 =	vsub.f32 v27, v13;
	v27 =	vld.idx.msk [tilespmem:v30+s9+$0x0], $0xffff  }
0x2fd: {  	v19 =	vand.u32 $0x7FFFFFFF, v19;
	v18 =	vadd.f32 v29, v18;
	v12 =	vsub.f32 v26, v12;
	v25 =	vld.idx.msk [tilespmem:v30+s8+$0x0], $0xffff  }
0x2fe: {  	v14 =	vand.u32 $0x7FFFFFFF, v14;
	v9 =	vadd.f32 v28, v9;
	v15 =	vadd.f32 v19, v15;
	v28 =	vld.idx.msk [tilespmem:v30+s11+$0x0], $0xffff  }
0x2ff: {  	v14 =	vadd.f32 v14, v23;
	v12 =	vand.u32 $0x7FFFFFFF, v12;
	v19 =	vld.idx.msk [tilespmem:v30+s10+$0x0], $0xffff;
	v29 =	vadd.f32 v31, v16  }
0x300: {  	v13 =	vand.u32 $0x7FFFFFFF, v13;
	v26 =	vadd.f32 v8, v32;
	v23 =	vld.idx.msk [tilespmem:v30+s13+$0x0], $0xffff;
	v9 =	vadd.f32 v12, v9  }
0x301: {  	s16 =	simm.s32 $0x0;
	v7 =	vand.u32 $0x7FFFFFFF, v7;
	v13 =	vadd.f32 v13, v14;
	v12 =	vsub.f32 v29, v11  }
0x302: {  	v26 =	vsub.f32 v26, v10;
	v29 =	vmov s16;
	v14 =	vadd.f32 v27, v25  }
0x303: {  	v29 =	vand.u32 $0x3F, v29;
	v12 =	vand.u32 $0x7FFFFFFF, v12;
	v30 =	vadd.f32 v33, v28  }
0x304: {  	v9 =	vadd.f32 v12, v9;
	v12 =	vsub.f32 v14, v19;
	v14 =	vbroadcast v29, $0x0  }
0x305: {  	v4 =	vadd.f32 v7, v4;
	v26 =	vand.u32 $0x7FFFFFFF, v26;
	v29 =	vsub.f32 v30, v23  }
0x306: {  	v13 =	vadd.f32 v26, v13;
	v12 =	vand.u32 $0x7FFFFFFF, v12;
	v14 =	vor.u32 v20, v14  }
0x307: {  	v8 =	vmul.f32 v8, v8;
	v26 =	vand.u32 $0x7FFFFFFF, v29;
	v12 =	vadd.f32 v12, v9  }
0x308: {  	v10 =	vand.u32 $0x7FFFFFFF, v10;
	v9 =	vand.u32 $0x7FFFFFFF, v11;
	v11 =	vadd.f32 v26, v13  }
0x309: {  	s17 =	simm.s32 $0x1;
	v7 =	vmul.f32 v31, v31;
	v8 =	vadd.f32 v8, v18;
	v6 =	vadd.f32 v10, v6;
	[tilespmem:$0xC3D0] =	vst v12  }
0x30a: {  	v10 =	vand.u32 $0x7FFFFFFF, v32;
	v5 =	vadd.f32 v9, v5;
	v9 =	vmov s17;
	[tilespmem:$0xC5D0] =	vst v11  }
0x30b: {  	v10 =	vadd.f32 v10, v15;
	v15 =	vmul.f32 v33, v33;
	v9 =	vand.u32 $0x3F, v9;
	v29 =	vld.idx.msk [tilespmem:v14+s13+$0x0], $0xffff  }
0x30c: {  	v7 =	vadd.f32 v7, v22;
	v9 =	vbroadcast v9, $0x0;
	v31 =	vld.idx.msk [tilespmem:v14+s10+$0x0], $0xffff  }
0x30d: {  	v8 =	vadd.f32 v15, v8;
	v13 =	vand.u32 $0x7FFFFFFF, v19;
	[tilespmem:$0x1FE50] =	vst v11;
	v11 =	vand.u32 $0x7FFFFFFF, v16;
	v18 =	vld.idx.msk [tilespmem:v14+s12+$0x0], $0xffff  }
0x30e: {  	[tilespmem:$0x1FE40] =	vst v12;
	v12 =	vand.u32 $0x7FFFFFFF, v23;
	v4 =	vadd.f32 v11, v4;
	v19 =	vld.idx.msk [tilespmem:v14+s9+$0x0], $0xffff;
	v11 =	vor.u32 v20, v9  }
0x30f: {  	s17 =	simm.s32 $0x2;
	v5 =	vadd.f32 v13, v5;
	v6 =	vadd.f32 v12, v6;
	v15 =	vld.idx.msk [tilespmem:v14+s11+$0x0], $0xffff;
	v9 =	vmul.f32 v27, v27  }
0x310: {  	v12 =	vand.u32 $0x7FFFFFFF, v28;
	v13 =	vand.u32 $0x7FFFFFFF, v25;
	v22 =	vld.idx.msk [tilespmem:v14+s8+$0x0], $0xffff;
	v14 =	vmov s17  }
0x311: {  	v10 =	vadd.f32 v12, v10;
	v7 =	vadd.f32 v9, v7;
	v9 =	vand.u32 $0x3F, v14  }
0x312: {  	v4 =	vadd.f32 v13, v4;
	v14 =	vbroadcast v9, $0x0;
	v9 =	vimm.f32 $0.0e+00  }
0x313: {  	v12 =	vand.u32 $0x7FFFFFFF, v31;
	v23 =	vand.u32 $0x7FFFFFFF, v29;
	v25 =	vmul.f32 v18, v18;
	v13 =	vld.idx.msk [tilespmem:v11+s13+$0x0], $0xffff  }
0x314: {  	v5 =	vadd.f32 v12, v5;
	v12 =	vld.idx.msk [tilespmem:v11+s10+$0x0], $0xffff;
	v16 =	vor.u32 v20, v14;
	v14 =	vadd.f32 v18, v15  }
0x315: {  	v28 =	vmul.f32 v19, v19;
	v6 =	vadd.f32 v23, v6;
	v26 =	vld.idx.msk [tilespmem:v11+s9+$0x0], $0xffff;
	v23 =	vadd.f32 v19, v22  }
0x316: {  	s17 =	simm.s32 $0x3;
	v27 =	vld.idx.msk [tilespmem:v11+s12+$0x0], $0xffff;
	v18 =	vadd.f32 v25, v8;
	v8 =	vand.u32 $0x7FFFFFFF, v15;
	v25 =	vand.u32 $0x7FFFFFFF, v22  }
0x317: {  	v19 =	vld.idx.msk [tilespmem:v11+s11+$0x0], $0xffff;
	v22 =	vadd.f32 v28, v7;
	v28 =	vmov s17;
	v14 =	vsub.f32 v14, v29  }
0x318: {  	v7 =	vld.idx.msk [tilespmem:v11+s8+$0x0], $0xffff;
	v15 =	vadd.f32 v8, v10;
	v8 =	vand.u32 $0x3F, v28;
	v4 =	vadd.f32 v25, v4  }
0x319: {  	v28 =	vsub.f32 v23, v31;
	v23 =	vimm.f32 $0.0e+00;
	v30 =	vbroadcast v8, $0x0;
	v10 =	vld.idx.msk [tilespmem:v16+s13+$0x0], $0xffff  }
0x31a: {  	v63 =	vand.u32 $0x7FFFFFFF, v13;
	v29 =	vand.u32 $0x7FFFFFFF, v12;
	v11 =	vld.idx.msk [tilespmem:v16+s10+$0x0], $0xffff;
	v25 =	vmul.f32 v26, v26  }
0x31b: {  	s16 =	simm.s32 $0x4;
	v8 =	vld.idx.msk [tilespmem:v16+s12+$0x0], $0xffff;
	v5 =	vadd.f32 v29, v5;
	v29 =	vmul.f32 v27, v27;
	v6 =	vadd.f32 v63, v6  }
.LBB2_30:
0x31c: {  	p0 =	sne.s32 s16, $0x3F;
	v31 =	vor.u32 v20, v30;
	v32 =	vld.idx.msk [tilespmem:v16+s9+$0x0], $0xffff;
	v27 =	vadd.f32 v27, v19;
	v28 =	vand.u32 $0x7FFFFFFF, v28;
	v30 =	vmovc v19;
	s17 =	smov.u32 s16;
	s16 =	sadd.s32 $0x1, s16  }
0x31d: {  	v26 =	vadd.f32 v26, v7;
	v33 =	vmovc v7;
	v19 =	vld.idx.msk [tilespmem:v16+s11+$0x0], $0xffff;
	v18 =	vadd.f32 v29, v18;
	v29 =	vand.u32 $0x7FFFFFFF, v14  }
0x31e: {  	v30 =	vand.u32 $0x7FFFFFFF, v30;
	v9 =	vadd.f32 v28, v9;
	v7 =	vld.idx.msk [tilespmem:v16+s8+$0x0], $0xffff;
	v14 =	vsub.f32 v27, v13;
	v16 =	vmovc v31  }
.Ltmp14:
0x31f: {  	v22 =	vadd.f32 v25, v22;
	v34 =	vand.u32 $0x7FFFFFFF, v33;
	v15 =	vadd.f32 v30, v15;
	v13 =	vmovc v10;
	v28 =	vmovc v12;
	(pc) =	sbr.rel @p0 .LBB2_30-.Ltmp14, $4  }
0x320: {  	v10 =	vmov s17;
	v23 =	vadd.f32 v29, v23;
	v33 =	vand.u32 $0x7FFFFFFF, v13;
	v12 =	vmovc v11  }
0x321: {  	v4 =	vadd.f32 v34, v4;
	v11 =	vand.u32 $0x3F, v10;
	v29 =	vand.u32 $0x7FFFFFFF, v12;
	v27 =	vmovc v8;
	v10 =	vld.idx.msk [tilespmem:v31+s13+$0x0], $0xffff  }
0x322: {  	v30 =	vbroadcast v11, $0x0;
	v28 =	vsub.f32 v26, v28;
	v25 =	vmul.f32 v32, v32;
	v26 =	vmovc v32;
	v11 =	vld.idx.msk [tilespmem:v31+s10+$0x0], $0xffff  }
0x323: {  	v6 =	vadd.f32 v33, v6;
	v5 =	vadd.f32 v29, v5;
	v29 =	vmul.f32 v8, v27;
	v8 =	vld.idx.msk [tilespmem:v31+s12+$0x0], $0xffff  }
0x324: {  	_ =	sdelay $0x1  }
0x325: {  	v30 =	vor.u32 v20, v30;
	_ =	sdelay $0x1  }
0x326: {  	v31 =	vld.idx.msk [tilespmem:v16+s9+$0x0], $0xffff  }
0x327: {  	v32 =	vld.idx.msk [tilespmem:v16+s11+$0x0], $0xffff  }
0x328: {  	v27 =	vadd.f32 v27, v19;
	v16 =	vld.idx.msk [tilespmem:v16+s8+$0x0], $0xffff  }
0x329: {  	v26 =	vadd.f32 v26, v7;
	v33 =	vld.idx.msk [tilespmem:v30+s12+$0x0], $0xffff  }
0x32a: {  	v28 =	vand.u32 $0x7FFFFFFF, v28;
	v22 =	vadd.f32 v25, v22;
	v13 =	vsub.f32 v27, v13;
	v27 =	vld.idx.msk [tilespmem:v30+s9+$0x0], $0xffff  }
0x32b: {  	v19 =	vand.u32 $0x7FFFFFFF, v19;
	v18 =	vadd.f32 v29, v18;
	v9 =	vadd.f32 v28, v9;
	v25 =	vld.idx.msk [tilespmem:v30+s8+$0x0], $0xffff  }
0x32c: {  	v14 =	vand.u32 $0x7FFFFFFF, v14;
	v15 =	vadd.f32 v19, v15;
	v12 =	vsub.f32 v26, v12;
	v57 =	vld.idx.msk [tilespmem:v30+s11+$0x0], $0xffff  }
0x32d: {  	s16 =	simm.s32 $0x0;
	v14 =	vadd.f32 v14, v23;
	v19 =	vld.idx.msk [tilespmem:v30+s10+$0x0], $0xffff;
	v58 =	vadd.f32 v31, v16  }
0x32e: {  	v59 =	vmov s16;
	v12 =	vand.u32 $0x7FFFFFFF, v12;
	v26 =	vadd.f32 v8, v32;
	v23 =	vld.idx.msk [tilespmem:v30+s13+$0x0], $0xffff  }
0x32f: {  	v13 =	vand.u32 $0x7FFFFFFF, v13;
	v9 =	vadd.f32 v12, v9;
	v12 =	vsub.f32 v58, v11  }
0x330: {  	v29 =	vand.u32 $0x3F, v59;
	v13 =	vadd.f32 v13, v14;
	v14 =	vadd.f32 v27, v25  }
0x331: {  	v26 =	vsub.f32 v26, v10;
	v12 =	vand.u32 $0x7FFFFFFF, v12;
	v60 =	vadd.f32 v33, v57  }
0x332: {  	v9 =	vadd.f32 v12, v9;
	v12 =	vsub.f32 v14, v19;
	v14 =	vbroadcast v29, $0x0  }
0x333: {  	v7 =	vand.u32 $0x7FFFFFFF, v7;
	v26 =	vand.u32 $0x7FFFFFFF, v26;
	v61 =	vsub.f32 v60, v23  }
0x334: {  	v13 =	vadd.f32 v26, v13;
	v12 =	vand.u32 $0x7FFFFFFF, v12;
	v14 =	vor.u32 v17, v14  }
0x335: {  	v8 =	vmul.f32 v8, v8;
	v26 =	vand.u32 $0x7FFFFFFF, v61;
	v12 =	vadd.f32 v12, v9  }
0x336: {  	v4 =	vadd.f32 v7, v4;
	v7 =	vmul.f32 v31, v31;
	v38 =	vadd.f32 v26, v13  }
0x337: {  	s17 =	simm.s32 $0x1;
	v10 =	vand.u32 $0x7FFFFFFF, v10;
	v8 =	vadd.f32 v8, v18;
	v9 =	vand.u32 $0x7FFFFFFF, v11;
	[tilespmem:$0xC3E0] =	vst v12  }
0x338: {  	v7 =	vadd.f32 v7, v22;
	v5 =	vadd.f32 v9, v5;
	v9 =	vmov s17;
	[tilespmem:$0xC5E0] =	vst v38  }
0x339: {  	v6 =	vadd.f32 v10, v6;
	v10 =	vand.u32 $0x7FFFFFFF, v32;
	v9 =	vand.u32 $0x3F, v9;
	v13 =	vld.idx.msk [tilespmem:v14+s13+$0x0], $0xffff  }
0x33a: {  	v10 =	vadd.f32 v10, v15;
	v18 =	vmul.f32 v33, v33;
	v9 =	vbroadcast v9, $0x0;
	v15 =	vld.idx.msk [tilespmem:v14+s10+$0x0], $0xffff  }
0x33b: {  	v11 =	vand.u32 $0x7FFFFFFF, v16;
	v16 =	vand.u32 $0x7FFFFFFF, v19;
	[tilespmem:$0x1FE30] =	vst v12;
	v12 =	vand.u32 $0x7FFFFFFF, v23;
	v23 =	vld.idx.msk [tilespmem:v14+s9+$0x0], $0xffff  }
0x33c: {  	v6 =	vadd.f32 v12, v6;
	v12 =	vand.u32 $0x7FFFFFFF, v25;
	v25 =	vld.idx.msk [tilespmem:v14+s8+$0x0], $0xffff;
	v22 =	vor.u32 v17, v9  }
0x33d: {  	v4 =	vadd.f32 v11, v4;
	s17 =	simm.s32 $0x2;
	v11 =	vand.u32 $0x7FFFFFFF, v57;
	v19 =	vld.idx.msk [tilespmem:v14+s12+$0x0], $0xffff;
	v9 =	vmul.f32 v27, v27  }
0x33e: {  	v8 =	vadd.f32 v18, v8;
	v10 =	vadd.f32 v11, v10;
	v26 =	vld.idx.msk [tilespmem:v14+s11+$0x0], $0xffff;
	v14 =	vmov s17  }
0x33f: {  	v5 =	vadd.f32 v16, v5;
	v7 =	vadd.f32 v9, v7;
	v9 =	vand.u32 $0x3F, v14  }
0x340: {  	v4 =	vadd.f32 v12, v4;
	v14 =	vbroadcast v9, $0x0;
	v11 =	vand.u32 $0x7FFFFFFF, v15  }
0x341: {  	v16 =	vand.u32 $0x7FFFFFFF, v13;
	v62 =	vmul.f32 v23, v23;
	v23 =	vadd.f32 v23, v25;
	v12 =	vld.idx.msk [tilespmem:v22+s13+$0x0], $0xffff  }
0x342: {  	v27 =	vadd.f32 v11, v5;
	v11 =	vld.idx.msk [tilespmem:v22+s10+$0x0], $0xffff;
	v5 =	vmul.f32 v19, v19;
	v14 =	vor.u32 v17, v14  }
0x343: {  	s17 =	simm.s32 $0x3;
	v9 =	vimm.f32 $0.0e+00;
	v19 =	vadd.f32 v19, v26;
	v63 =	vadd.f32 v16, v6;
	v16 =	vld.idx.msk [tilespmem:v22+s9+$0x0], $0xffff  }
0x344: {  	v18 =	vld.idx.msk [tilespmem:v22+s12+$0x0], $0xffff;
	v6 =	vadd.f32 v62, v7;
	v7 =	vmov s17;
	v5 =	vadd.f32 v5, v8  }
0x345: {  	v44 =	vld.idx.msk [tilespmem:v22+s11+$0x0], $0xffff;
	v13 =	vsub.f32 v19, v13;
	v8 =	vand.u32 $0x7FFFFFFF, v26;
	v19 =	vand.u32 $0x7FFFFFFF, v25  }
0x346: {  	v42 =	vld.idx.msk [tilespmem:v22+s8+$0x0], $0xffff;
	v8 =	vadd.f32 v8, v10;
	v10 =	vand.u32 $0x3F, v7;
	v7 =	vadd.f32 v19, v4  }
0x347: {  	v19 =	vsub.f32 v23, v15;
	v15 =	vimm.f32 $0.0e+00;
	v22 =	vbroadcast v10, $0x0;
	v46 =	vld.idx.msk [tilespmem:v14+s13+$0x0], $0xffff  }
0x348: {  	v25 =	vand.u32 $0x7FFFFFFF, v12;
	v26 =	vand.u32 $0x7FFFFFFF, v11;
	v47 =	vld.idx.msk [tilespmem:v14+s10+$0x0], $0xffff;
	v4 =	vmul.f32 v16, v16  }
0x349: {  	s16 =	simm.s32 $0x4;
	v45 =	vld.idx.msk [tilespmem:v14+s12+$0x0], $0xffff;
	v10 =	vmul.f32 v18, v18;
	v41 =	vadd.f32 v26, v27;
	v43 =	vadd.f32 v25, v63  }
.LBB2_32:
0x34a: {  	p0 =	sne.s32 s16, $0x3F;
	v23 =	vor.u32 v17, v22;
	v25 =	vld.idx.msk [tilespmem:v14+s9+$0x0], $0xffff;
	v18 =	vadd.f32 v18, v44;
	v19 =	vand.u32 $0x7FFFFFFF, v19;
	v22 =	vmovc v44;
	s17 =	smov.u32 s16;
	s16 =	sadd.s32 $0x1, s16  }
0x34b: {  	v16 =	vadd.f32 v16, v42;
	v26 =	vmovc v42;
	v44 =	vld.idx.msk [tilespmem:v14+s11+$0x0], $0xffff;
	v5 =	vadd.f32 v10, v5;
	v10 =	vand.u32 $0x7FFFFFFF, v13  }
0x34c: {  	v22 =	vand.u32 $0x7FFFFFFF, v22;
	v9 =	vadd.f32 v19, v9;
	v42 =	vld.idx.msk [tilespmem:v14+s8+$0x0], $0xffff;
	v13 =	vsub.f32 v18, v12;
	v14 =	vmovc v23  }
.Ltmp15:
0x34d: {  	v6 =	vadd.f32 v4, v6;
	v27 =	vand.u32 $0x7FFFFFFF, v26;
	v8 =	vadd.f32 v22, v8;
	v12 =	vmovc v46;
	v19 =	vmovc v11;
	(pc) =	sbr.rel @p0 .LBB2_32-.Ltmp15, $4  }
0x34e: {  	v4 =	vmov s17;
	v15 =	vadd.f32 v10, v15;
	v26 =	vand.u32 $0x7FFFFFFF, v12;
	v11 =	vmovc v47  }
0x34f: {  	v4 =	vand.u32 $0x3F, v4;
	v7 =	vadd.f32 v27, v7;
	v10 =	vand.u32 $0x7FFFFFFF, v11;
	v18 =	vmovc v45;
	v46 =	vld.idx.msk [tilespmem:v23+s13+$0x0], $0xffff  }
0x350: {  	v22 =	vbroadcast v4, $0x0;
	v19 =	vsub.f32 v16, v19;
	v4 =	vmul.f32 v25, v25;
	v16 =	vmovc v25;
	v47 =	vld.idx.msk [tilespmem:v23+s10+$0x0], $0xffff  }
0x351: {  	v43 =	vadd.f32 v26, v43;
	v41 =	vadd.f32 v10, v41;
	v10 =	vmul.f32 v45, v18;
	v45 =	vld.idx.msk [tilespmem:v23+s12+$0x0], $0xffff  }
0x352: {  	_ =	sdelay $0x1  }
0x353: {  	v22 =	vor.u32 v17, v22;
	_ =	sdelay $0x1  }
0x354: {  	v23 =	vld.idx.msk [tilespmem:v14+s9+$0x0], $0xffff  }
0x355: {  	v25 =	vld.idx.msk [tilespmem:v14+s11+$0x0], $0xffff  }
0x356: {  	v14 =	vld.idx.msk [tilespmem:v14+s8+$0x0], $0xffff  }
0x357: {  	v26 =	vld.idx.msk [tilespmem:v22+s12+$0x0], $0xffff  }
0x358: {  	v18 =	vadd.f32 v18, v44;
	v27 =	vld.idx.msk [tilespmem:v22+s9+$0x0], $0xffff  }
0x359: {  	v28 =	vld.idx.msk [tilespmem:v22+s8+$0x0], $0xffff  }
0x35a: {  	v19 =	vand.u32 $0x7FFFFFFF, v19;
	v16 =	vadd.f32 v16, v42;
	v12 =	vsub.f32 v18, v12;
	v18 =	vld.idx.msk [tilespmem:v22+s11+$0x0], $0xffff  }
0x35b: {  	v9 =	vadd.f32 v19, v9;
	v19 =	vld.idx.msk [tilespmem:v22+s10+$0x0], $0xffff;
	v29 =	vadd.f32 v45, v25  }
0x35c: {  	v13 =	vand.u32 $0x7FFFFFFF, v13;
	v11 =	vsub.f32 v16, v11;
	v22 =	vld.idx.msk [tilespmem:v22+s13+$0x0], $0xffff;
	v16 =	vadd.f32 v23, v14  }
0x35d: {  	v13 =	vadd.f32 v13, v15;
	v15 =	vsub.f32 v29, v46  }
0x35e: {  	v11 =	vand.u32 $0x7FFFFFFF, v11;
	v16 =	vsub.f32 v16, v47;
	v29 =	vadd.f32 v27, v28  }
0x35f: {  	v12 =	vand.u32 $0x7FFFFFFF, v12;
	v9 =	vadd.f32 v11, v9;
	v11 =	vadd.f32 v26, v18  }
0x360: {  	v12 =	vadd.f32 v12, v13;
	v13 =	vand.u32 $0x7FFFFFFF, v16;
	v16 =	vsub.f32 v29, v19  }
0x361: {  	v9 =	vadd.f32 v13, v9;
	v13 =	vand.u32 $0x7FFFFFFF, v15;
	v11 =	vsub.f32 v11, v22  }
0x362: {  	v12 =	vadd.f32 v13, v12;
	v13 =	vand.u32 $0x7FFFFFFF, v16  }
0x363: {  	v39 =	vadd.f32 v13, v9;
	v9 =	vand.u32 $0x7FFFFFFF, v11  }
0x364: {  	v40 =	vadd.f32 v9, v12  }
0x365: {  	[tilespmem:$0xC3F0] =	vst v39  }
0x366: {  	s16 =	simm.s32 $0x0;
	s17 =	rddreg [dreg:$0x12];
	[tilespmem:$0xC5F0] =	vst v40  }
0x367: {  	[tilespmem:s16], [sflag:$0x2] =	stream.linear.gather [hbm4b:s17+s16], $0x80, $0x38;
	[tilespmem:$0xC780] =	vst v63  }
0x368: {  	_ =	swait.ge [sflag:s2], $0x80  }
0x369: {  	[sflag:s2] =	ssyncset.done $0x0  }
0x36a: {  	s17 =	rddreg [dreg:$0x13];
	[sflag:s2] =	ssyncadd.s32 $0xFFFFFF80  }
0x36b: {  	[tilespmem:s3], [sflag:$0x2] =	stream.linear.gather [hbm4b:s17+s16], $0x80, $0x38;
	[tilespmem:$0xC780] =	vst v63  }
0x36c: {  	_ =	swait.ge [sflag:s2], $0x80  }
0x36d: {  	[sflag:s2] =	ssyncset.done $0x0  }
0x36e: {  	s17 =	rddreg [dreg:$0x14];
	[sflag:s2] =	ssyncadd.s32 $0xFFFFFF80  }
0x36f: {  	[tilespmem:s4], [sflag:$0x2] =	stream.linear.gather [hbm4b:s17+s16], $0x80, $0x38;
	[tilespmem:$0xC780] =	vst v63  }
0x370: {  	_ =	swait.ge [sflag:s2], $0x80  }
0x371: {  	[sflag:s2] =	ssyncset.done $0x0  }
0x372: {  	s17 =	rddreg [dreg:$0x15];
	[sflag:s2] =	ssyncadd.s32 $0xFFFFFF80  }
0x373: {  	[tilespmem:s5], [sflag:$0x2] =	stream.linear.gather [hbm4b:s17+s16], $0x80, $0x38;
	[tilespmem:$0xC780] =	vst v63  }
0x374: {  	_ =	swait.ge [sflag:s2], $0x80  }
0x375: {  	[sflag:s2] =	ssyncset.done $0x0  }
0x376: {  	s17 =	rddreg [dreg:$0x16];
	[sflag:s2] =	ssyncadd.s32 $0xFFFFFF80  }
0x377: {  	[tilespmem:s6], [sflag:$0x2] =	stream.linear.gather [hbm4b:s17+s16], $0x80, $0x38;
	[tilespmem:$0xC780] =	vst v63  }
0x378: {  	_ =	swait.ge [sflag:s2], $0x80  }
0x379: {  	[sflag:s2] =	ssyncset.done $0x0  }
0x37a: {  	s17 =	rddreg [dreg:$0x17];
	[sflag:s2] =	ssyncadd.s32 $0xFFFFFF80  }
0x37b: {  	[tilespmem:s7], [sflag:$0x2] =	stream.linear.gather [hbm4b:s17+s16], $0x80, $0x38;
	[tilespmem:$0xC780] =	vst v63  }
0x37c: {  	_ =	swait.ge [sflag:s2], $0x80  }
0x37d: {  	[sflag:s2] =	ssyncset.done $0x0  }
0x37e: {  	[sflag:s2] =	ssyncadd.s32 $0xFFFFFF80  }
0x37f: {  	[tilespmem:s8], [sflag:$0x1] =	stream.indirect.gather [hbm4b:s30+s3], $0x40, s16, s3, $0xb8;
	[tilespmem:$0xC780] =	vst v63  }
0x380: {  	_ = 	snop  }
0x381: {  	[tilespmem:s9], [sflag:$0x1] =	stream.indirect.gather [hbm4b:s31+s3], $0x40, s3, s3, $0xb8;
	[tilespmem:$0xC780] =	vst v63  }
0x382: {  	_ = 	snop  }
0x383: {  	[tilespmem:s10], [sflag:$0x1] =	stream.indirect.gather [hbm4b:s30+s3], $0x40, s4, s3, $0xb8;
	[tilespmem:$0xC780] =	vst v63  }
0x384: {  	_ = 	snop  }
0x385: {  	[tilespmem:s11], [sflag:$0x1] =	stream.indirect.gather [hbm4b:s30+s3], $0x40, s5, s3, $0xb8;
	[tilespmem:$0xC780] =	vst v63  }
0x386: {  	_ = 	snop  }
0x387: {  	[tilespmem:s12], [sflag:$0x1] =	stream.indirect.gather [hbm4b:s31+s3], $0x40, s6, s3, $0xb8;
	[tilespmem:$0xC780] =	vst v63  }
0x388: {  	_ = 	snop  }
0x389: {  	[tilespmem:s13], [sflag:$0x1] =	stream.indirect.gather [hbm4b:s30+s3], $0x40, s7, s3, $0xb8;
	[tilespmem:$0xC780] =	vst v63  }
0x38a: {  	_ =	swait.ge [sflag:s14], $0x2000  }
0x38b: {  	[sflag:s14] =	ssyncset.done $0x0  }
0x38c: {  	[sflag:s14] =	ssyncadd.s32 $0xFFFFE000  }
0x38d: {  	_ =	swait.ge [sflag:s14], $0x2000  }
0x38e: {  	[sflag:s14] =	ssyncset.done $0x0  }
0x38f: {  	[sflag:s14] =	ssyncadd.s32 $0xFFFFE000  }
0x390: {  	_ =	swait.ge [sflag:s14], $0x2000  }
0x391: {  	[sflag:s14] =	ssyncset.done $0x0  }
0x392: {  	[sflag:s14] =	ssyncadd.s32 $0xFFFFE000  }
0x393: {  	v9 =	vmov s16;
	_ =	swait.ge [sflag:s14], $0x2000  }
0x394: {  	v9 =	vand.u32 $0x3F, v9;
	[sflag:s14] =	ssyncset.done $0x0  }
0x395: {  	v9 =	vbroadcast v9, $0x0;
	[sflag:s14] =	ssyncadd.s32 $0xFFFFE000  }
0x396: {  	v5 =	vadd.f32 v10, v5;
	_ =	swait.ge [sflag:s14], $0x2000  }
0x397: {  	v11 =	vand.u32 $0x7FFFFFFF, v42;
	v12 =	vmul.f32 v45, v45;
	v9 =	vor.u32 v0, v9;
	[sflag:s14] =	ssyncset.done $0x0  }
0x398: {  	v4 =	vadd.f32 v4, v6;
	v10 =	vand.u32 $0x7FFFFFFF, v44;
	v7 =	vadd.f32 v11, v7;
	s17 =	simm.s32 $0x1;
	[sflag:s14] =	ssyncadd.s32 $0xFFFFE000  }
0x399: {  	v11 =	vmul.f32 v23, v23;
	v5 =	vadd.f32 v12, v5;
	v12 =	vmov s17;
	_ =	swait.ge [sflag:s14], $0x2000  }
0x39a: {  	v6 =	vadd.f32 v10, v8;
	v8 =	vand.u32 $0x7FFFFFFF, v46;
	v12 =	vand.u32 $0x3F, v12;
	[sflag:s14] =	ssyncset.done $0x0  }
0x39b: {  	v10 =	vand.u32 $0x7FFFFFFF, v47;
	v4 =	vadd.f32 v11, v4;
	v11 =	vbroadcast v12, $0x0;
	[sflag:s14] =	ssyncadd.s32 $0xFFFFE000  }
0x39c: {  	v8 =	vadd.f32 v8, v43;
	v10 =	vadd.f32 v10, v41;
	v15 =	vld.idx.msk [tilespmem:v9+s13+$0x0], $0xffff  }
0x39d: {  	v14 =	vand.u32 $0x7FFFFFFF, v14;
	v13 =	vand.u32 $0x7FFFFFFF, v25;
	v11 =	vor.u32 v0, v11;
	v23 =	vld.idx.msk [tilespmem:v9+s10+$0x0], $0xffff  }
0x39e: {  	v16 =	vmul.f32 v26, v26;
	v6 =	vadd.f32 v13, v6;
	v13 =	vand.u32 $0x7FFFFFFF, v19;
	v19 =	vld.idx.msk [tilespmem:v9+s12+$0x0], $0xffff  }
0x39f: {  	v10 =	vadd.f32 v13, v10;
	v7 =	vadd.f32 v14, v7;
	v14 =	vld.idx.msk [tilespmem:v9+s9+$0x0], $0xffff  }
0x3a0: {  	v13 =	vmul.f32 v27, v27;
	v5 =	vadd.f32 v16, v5;
	s17 =	simm.s32 $0x2;
	v12 =	vand.u32 $0x7FFFFFFF, v22;
	v22 =	vld.idx.msk [tilespmem:v9+s11+$0x0], $0xffff  }
0x3a1: {  	v8 =	vadd.f32 v12, v8;
	v12 =	vand.u32 $0x7FFFFFFF, v18;
	v25 =	vld.idx.msk [tilespmem:v9+s8+$0x0], $0xffff;
	v9 =	vmov s17  }
0x3a2: {  	v16 =	vand.u32 $0x7FFFFFFF, v28;
	v6 =	vadd.f32 v12, v6;
	v12 =	vld.idx.msk [tilespmem:v11+s10+$0x0], $0xffff;
	v9 =	vand.u32 $0x3F, v9  }
0x3a3: {  	v28 =	vadd.f32 v16, v7;
	v16 =	vbroadcast v9, $0x0  }
0x3a4: {  	v4 =	vadd.f32 v13, v4;
	v9 =	vimm.f32 $0.0e+00  }
0x3a5: {  	v13 =	vld.idx.msk [tilespmem:v11+s13+$0x0], $0xffff;
	v16 =	vor.u32 v0, v16;
	v7 =	vand.u32 $0x7FFFFFFF, v23;
	v18 =	vand.u32 $0x7FFFFFFF, v15  }
0x3a6: {  	v26 =	vld.idx.msk [tilespmem:v11+s9+$0x0], $0xffff;
	v30 =	vmul.f32 v14, v14;
	v29 =	vadd.f32 v7, v10;
	v7 =	vmul.f32 v19, v19  }
0x3a7: {  	v32 =	vand.u32 $0x7FFFFFFF, v12;
	v10 =	vadd.f32 v19, v22;
	v31 =	vadd.f32 v18, v8  }
0x3a8: {  	v27 =	vld.idx.msk [tilespmem:v11+s12+$0x0], $0xffff;
	v8 =	vadd.f32 v14, v25;
	v25 =	vand.u32 $0x7FFFFFFF, v25;
	v18 =	vadd.f32 v7, v5  }
0x3a9: {  	s17 =	simm.s32 $0x3;
	v19 =	vld.idx.msk [tilespmem:v11+s11+$0x0], $0xffff;
	v14 =	vsub.f32 v10, v15;
	v5 =	vand.u32 $0x7FFFFFFF, v22;
	v22 =	vadd.f32 v30, v4  }
0x3aa: {  	v4 =	vmov s17;
	v7 =	vld.idx.msk [tilespmem:v11+s8+$0x0], $0xffff;
	v15 =	vadd.f32 v5, v6;
	v6 =	vand.u32 $0x7FFFFFFF, v13  }
0x3ab: {  	v5 =	vand.u32 $0x3F, v4;
	v10 =	vld.idx.msk [tilespmem:v16+s13+$0x0], $0xffff;
	v4 =	vadd.f32 v25, v28;
	v25 =	vmul.f32 v26, v26  }
0x3ac: {  	v11 =	vld.idx.msk [tilespmem:v16+s10+$0x0], $0xffff;
	v28 =	vsub.f32 v8, v23;
	v23 =	vimm.f32 $0.0e+00;
	v30 =	vbroadcast v5, $0x0  }
0x3ad: {  	s16 =	simm.s32 $0x4;
	v8 =	vld.idx.msk [tilespmem:v16+s12+$0x0], $0xffff;
	v5 =	vadd.f32 v32, v29;
	v29 =	vmul.f32 v27, v27;
	v6 =	vadd.f32 v6, v31  }
.LBB2_34:
0x3ae: {  	p0 =	sne.s32 s16, $0x3F;
	v31 =	vor.u32 v0, v30;
	v32 =	vld.idx.msk [tilespmem:v16+s9+$0x0], $0xffff;
	v27 =	vadd.f32 v27, v19;
	v28 =	vand.u32 $0x7FFFFFFF, v28;
	v30 =	vmovc v19;
	s17 =	smov.u32 s16;
	s16 =	sadd.s32 $0x1, s16  }
0x3af: {  	v26 =	vadd.f32 v26, v7;
	v33 =	vmovc v7;
	v19 =	vld.idx.msk [tilespmem:v16+s11+$0x0], $0xffff;
	v18 =	vadd.f32 v29, v18;
	v29 =	vand.u32 $0x7FFFFFFF, v14  }
0x3b0: {  	v30 =	vand.u32 $0x7FFFFFFF, v30;
	v9 =	vadd.f32 v28, v9;
	v7 =	vld.idx.msk [tilespmem:v16+s8+$0x0], $0xffff;
	v14 =	vsub.f32 v27, v13;
	v16 =	vmovc v31  }
.Ltmp16:
0x3b1: {  	v22 =	vadd.f32 v25, v22;
	v34 =	vand.u32 $0x7FFFFFFF, v33;
	v15 =	vadd.f32 v30, v15;
	v13 =	vmovc v10;
	v28 =	vmovc v12;
	(pc) =	sbr.rel @p0 .LBB2_34-.Ltmp16, $4  }
0x3b2: {  	v10 =	vmov s17;
	v23 =	vadd.f32 v29, v23;
	v33 =	vand.u32 $0x7FFFFFFF, v13;
	v12 =	vmovc v11  }
0x3b3: {  	v4 =	vadd.f32 v34, v4;
	v11 =	vand.u32 $0x3F, v10;
	v29 =	vand.u32 $0x7FFFFFFF, v12;
	v27 =	vmovc v8;
	v10 =	vld.idx.msk [tilespmem:v31+s13+$0x0], $0xffff  }
0x3b4: {  	v30 =	vbroadcast v11, $0x0;
	v28 =	vsub.f32 v26, v28;
	v25 =	vmul.f32 v32, v32;
	v26 =	vmovc v32;
	v11 =	vld.idx.msk [tilespmem:v31+s10+$0x0], $0xffff  }
0x3b5: {  	v6 =	vadd.f32 v33, v6;
	v5 =	vadd.f32 v29, v5;
	v29 =	vmul.f32 v8, v27;
	v8 =	vld.idx.msk [tilespmem:v31+s12+$0x0], $0xffff  }
0x3b6: {  	_ =	sdelay $0x1  }
0x3b7: {  	v30 =	vor.u32 v0, v30;
	_ =	sdelay $0x1  }
0x3b8: {  	v31 =	vld.idx.msk [tilespmem:v16+s9+$0x0], $0xffff  }
0x3b9: {  	v32 =	vld.idx.msk [tilespmem:v16+s11+$0x0], $0xffff  }
0x3ba: {  	v27 =	vadd.f32 v27, v19;
	v16 =	vld.idx.msk [tilespmem:v16+s8+$0x0], $0xffff  }
0x3bb: {  	v26 =	vadd.f32 v26, v7;
	v33 =	vld.idx.msk [tilespmem:v30+s12+$0x0], $0xffff  }
0x3bc: {  	v28 =	vand.u32 $0x7FFFFFFF, v28;
	v22 =	vadd.f32 v25, v22;
	v13 =	vsub.f32 v27, v13;
	v27 =	vld.idx.msk [tilespmem:v30+s9+$0x0], $0xffff  }
0x3bd: {  	v19 =	vand.u32 $0x7FFFFFFF, v19;
	v18 =	vadd.f32 v29, v18;
	v12 =	vsub.f32 v26, v12;
	v25 =	vld.idx.msk [tilespmem:v30+s8+$0x0], $0xffff  }
0x3be: {  	v14 =	vand.u32 $0x7FFFFFFF, v14;
	v9 =	vadd.f32 v28, v9;
	v15 =	vadd.f32 v19, v15;
	v28 =	vld.idx.msk [tilespmem:v30+s11+$0x0], $0xffff  }
0x3bf: {  	v14 =	vadd.f32 v14, v23;
	v12 =	vand.u32 $0x7FFFFFFF, v12;
	v19 =	vld.idx.msk [tilespmem:v30+s10+$0x0], $0xffff;
	v29 =	vadd.f32 v31, v16  }
0x3c0: {  	v13 =	vand.u32 $0x7FFFFFFF, v13;
	v26 =	vadd.f32 v8, v32;
	v23 =	vld.idx.msk [tilespmem:v30+s13+$0x0], $0xffff;
	v9 =	vadd.f32 v12, v9  }
0x3c1: {  	s16 =	simm.s32 $0x0;
	v7 =	vand.u32 $0x7FFFFFFF, v7;
	v13 =	vadd.f32 v13, v14;
	v12 =	vsub.f32 v29, v11  }
0x3c2: {  	v26 =	vsub.f32 v26, v10;
	v29 =	vmov s16;
	v14 =	vadd.f32 v27, v25  }
0x3c3: {  	v29 =	vand.u32 $0x3F, v29;
	v12 =	vand.u32 $0x7FFFFFFF, v12;
	v30 =	vadd.f32 v33, v28  }
0x3c4: {  	v9 =	vadd.f32 v12, v9;
	v12 =	vsub.f32 v14, v19;
	v14 =	vbroadcast v29, $0x0  }
0x3c5: {  	v4 =	vadd.f32 v7, v4;
	v26 =	vand.u32 $0x7FFFFFFF, v26;
	v29 =	vsub.f32 v30, v23  }
0x3c6: {  	v13 =	vadd.f32 v26, v13;
	v12 =	vand.u32 $0x7FFFFFFF, v12;
	v14 =	vor.u32 v1, v14  }
0x3c7: {  	v8 =	vmul.f32 v8, v8;
	v26 =	vand.u32 $0x7FFFFFFF, v29;
	v41 =	vadd.f32 v12, v9  }
0x3c8: {  	v7 =	vmul.f32 v31, v31;
	v10 =	vand.u32 $0x7FFFFFFF, v10;
	v42 =	vadd.f32 v26, v13  }
0x3c9: {  	s17 =	simm.s32 $0x1;
	v8 =	vadd.f32 v8, v18;
	v6 =	vadd.f32 v10, v6;
	v9 =	vand.u32 $0x7FFFFFFF, v11;
	[tilespmem:$0xC400] =	vst v41  }
0x3ca: {  	v10 =	vand.u32 $0x7FFFFFFF, v32;
	v5 =	vadd.f32 v9, v5;
	v9 =	vmov s17;
	[tilespmem:$0xC600] =	vst v42  }
0x3cb: {  	v10 =	vadd.f32 v10, v15;
	v15 =	vmul.f32 v33, v33;
	v9 =	vand.u32 $0x3F, v9;
	v29 =	vld.idx.msk [tilespmem:v14+s13+$0x0], $0xffff  }
0x3cc: {  	v7 =	vadd.f32 v7, v22;
	v9 =	vbroadcast v9, $0x0;
	v31 =	vld.idx.msk [tilespmem:v14+s10+$0x0], $0xffff  }
0x3cd: {  	v8 =	vadd.f32 v15, v8;
	v11 =	vand.u32 $0x7FFFFFFF, v16;
	v12 =	vand.u32 $0x7FFFFFFF, v23;
	v18 =	vld.idx.msk [tilespmem:v14+s12+$0x0], $0xffff  }
0x3ce: {  	v13 =	vand.u32 $0x7FFFFFFF, v19;
	v4 =	vadd.f32 v11, v4;
	v19 =	vld.idx.msk [tilespmem:v14+s9+$0x0], $0xffff;
	v11 =	vor.u32 v1, v9  }
0x3cf: {  	v6 =	vadd.f32 v12, v6;
	s17 =	simm.s32 $0x2;
	v12 =	vand.u32 $0x7FFFFFFF, v28;
	v15 =	vld.idx.msk [tilespmem:v14+s11+$0x0], $0xffff;
	v9 =	vmul.f32 v27, v27  }
0x3d0: {  	v10 =	vadd.f32 v12, v10;
	v5 =	vadd.f32 v13, v5;
	v22 =	vld.idx.msk [tilespmem:v14+s8+$0x0], $0xffff;
	v14 =	vmov s17  }
0x3d1: {  	v13 =	vand.u32 $0x7FFFFFFF, v25;
	v7 =	vadd.f32 v9, v7;
	v9 =	vand.u32 $0x3F, v14  }
0x3d2: {  	v4 =	vadd.f32 v13, v4;
	v14 =	vbroadcast v9, $0x0;
	v9 =	vimm.f32 $0.0e+00  }
0x3d3: {  	v12 =	vand.u32 $0x7FFFFFFF, v31;
	v23 =	vand.u32 $0x7FFFFFFF, v29;
	v25 =	vmul.f32 v18, v18;
	v13 =	vld.idx.msk [tilespmem:v11+s13+$0x0], $0xffff  }
0x3d4: {  	v5 =	vadd.f32 v12, v5;
	v12 =	vld.idx.msk [tilespmem:v11+s10+$0x0], $0xffff;
	v16 =	vor.u32 v1, v14;
	v14 =	vadd.f32 v18, v15  }
0x3d5: {  	v28 =	vmul.f32 v19, v19;
	v6 =	vadd.f32 v23, v6;
	v26 =	vld.idx.msk [tilespmem:v11+s9+$0x0], $0xffff;
	v23 =	vadd.f32 v19, v22  }
0x3d6: {  	s17 =	simm.s32 $0x3;
	v27 =	vld.idx.msk [tilespmem:v11+s12+$0x0], $0xffff;
	v18 =	vadd.f32 v25, v8;
	v8 =	vand.u32 $0x7FFFFFFF, v15;
	v25 =	vand.u32 $0x7FFFFFFF, v22  }
0x3d7: {  	v19 =	vld.idx.msk [tilespmem:v11+s11+$0x0], $0xffff;
	v22 =	vadd.f32 v28, v7;
	v28 =	vmov s17;
	v14 =	vsub.f32 v14, v29  }
0x3d8: {  	v7 =	vld.idx.msk [tilespmem:v11+s8+$0x0], $0xffff;
	v15 =	vadd.f32 v8, v10;
	v8 =	vand.u32 $0x3F, v28;
	v4 =	vadd.f32 v25, v4  }
0x3d9: {  	v28 =	vsub.f32 v23, v31;
	v23 =	vimm.f32 $0.0e+00;
	v30 =	vbroadcast v8, $0x0;
	v10 =	vld.idx.msk [tilespmem:v16+s13+$0x0], $0xffff  }
0x3da: {  	v63 =	vand.u32 $0x7FFFFFFF, v13;
	v29 =	vand.u32 $0x7FFFFFFF, v12;
	v11 =	vld.idx.msk [tilespmem:v16+s10+$0x0], $0xffff;
	v25 =	vmul.f32 v26, v26  }
0x3db: {  	s16 =	simm.s32 $0x4;
	v8 =	vld.idx.msk [tilespmem:v16+s12+$0x0], $0xffff;
	v5 =	vadd.f32 v29, v5;
	v29 =	vmul.f32 v27, v27;
	v6 =	vadd.f32 v63, v6  }
.LBB2_36:
0x3dc: {  	p0 =	sne.s32 s16, $0x3F;
	v31 =	vor.u32 v1, v30;
	v32 =	vld.idx.msk [tilespmem:v16+s9+$0x0], $0xffff;
	v27 =	vadd.f32 v27, v19;
	v28 =	vand.u32 $0x7FFFFFFF, v28;
	v30 =	vmovc v19;
	s17 =	smov.u32 s16;
	s16 =	sadd.s32 $0x1, s16  }
0x3dd: {  	v26 =	vadd.f32 v26, v7;
	v33 =	vmovc v7;
	v19 =	vld.idx.msk [tilespmem:v16+s11+$0x0], $0xffff;
	v18 =	vadd.f32 v29, v18;
	v29 =	vand.u32 $0x7FFFFFFF, v14  }
0x3de: {  	v30 =	vand.u32 $0x7FFFFFFF, v30;
	v9 =	vadd.f32 v28, v9;
	v7 =	vld.idx.msk [tilespmem:v16+s8+$0x0], $0xffff;
	v14 =	vsub.f32 v27, v13;
	v16 =	vmovc v31  }
.Ltmp17:
0x3df: {  	v22 =	vadd.f32 v25, v22;
	v34 =	vand.u32 $0x7FFFFFFF, v33;
	v15 =	vadd.f32 v30, v15;
	v13 =	vmovc v10;
	v28 =	vmovc v12;
	(pc) =	sbr.rel @p0 .LBB2_36-.Ltmp17, $4  }
0x3e0: {  	v10 =	vmov s17;
	v23 =	vadd.f32 v29, v23;
	v33 =	vand.u32 $0x7FFFFFFF, v13;
	v12 =	vmovc v11  }
0x3e1: {  	v4 =	vadd.f32 v34, v4;
	v11 =	vand.u32 $0x3F, v10;
	v29 =	vand.u32 $0x7FFFFFFF, v12;
	v27 =	vmovc v8;
	v10 =	vld.idx.msk [tilespmem:v31+s13+$0x0], $0xffff  }
0x3e2: {  	v30 =	vbroadcast v11, $0x0;
	v28 =	vsub.f32 v26, v28;
	v25 =	vmul.f32 v32, v32;
	v26 =	vmovc v32;
	v11 =	vld.idx.msk [tilespmem:v31+s10+$0x0], $0xffff  }
0x3e3: {  	v6 =	vadd.f32 v33, v6;
	v5 =	vadd.f32 v29, v5;
	v29 =	vmul.f32 v8, v27;
	v8 =	vld.idx.msk [tilespmem:v31+s12+$0x0], $0xffff  }
0x3e4: {  	_ =	sdelay $0x1  }
0x3e5: {  	v30 =	vor.u32 v1, v30;
	_ =	sdelay $0x1  }
0x3e6: {  	v31 =	vld.idx.msk [tilespmem:v16+s9+$0x0], $0xffff  }
0x3e7: {  	v32 =	vld.idx.msk [tilespmem:v16+s11+$0x0], $0xffff  }
0x3e8: {  	v27 =	vadd.f32 v27, v19;
	v16 =	vld.idx.msk [tilespmem:v16+s8+$0x0], $0xffff  }
0x3e9: {  	v26 =	vadd.f32 v26, v7;
	v33 =	vld.idx.msk [tilespmem:v30+s12+$0x0], $0xffff  }
0x3ea: {  	v28 =	vand.u32 $0x7FFFFFFF, v28;
	v22 =	vadd.f32 v25, v22;
	v13 =	vsub.f32 v27, v13;
	v27 =	vld.idx.msk [tilespmem:v30+s9+$0x0], $0xffff  }
0x3eb: {  	v19 =	vand.u32 $0x7FFFFFFF, v19;
	v18 =	vadd.f32 v29, v18;
	v12 =	vsub.f32 v26, v12;
	v25 =	vld.idx.msk [tilespmem:v30+s8+$0x0], $0xffff  }
0x3ec: {  	v14 =	vand.u32 $0x7FFFFFFF, v14;
	v9 =	vadd.f32 v28, v9;
	v15 =	vadd.f32 v19, v15;
	v28 =	vld.idx.msk [tilespmem:v30+s11+$0x0], $0xffff  }
0x3ed: {  	v14 =	vadd.f32 v14, v23;
	v12 =	vand.u32 $0x7FFFFFFF, v12;
	v19 =	vld.idx.msk [tilespmem:v30+s10+$0x0], $0xffff;
	v29 =	vadd.f32 v31, v16  }
0x3ee: {  	v13 =	vand.u32 $0x7FFFFFFF, v13;
	v26 =	vadd.f32 v8, v32;
	v23 =	vld.idx.msk [tilespmem:v30+s13+$0x0], $0xffff;
	v9 =	vadd.f32 v12, v9  }
0x3ef: {  	s16 =	simm.s32 $0x0;
	v7 =	vand.u32 $0x7FFFFFFF, v7;
	v13 =	vadd.f32 v13, v14;
	v12 =	vsub.f32 v29, v11  }
0x3f0: {  	v26 =	vsub.f32 v26, v10;
	v29 =	vmov s16;
	v14 =	vadd.f32 v27, v25  }
0x3f1: {  	v29 =	vand.u32 $0x3F, v29;
	v12 =	vand.u32 $0x7FFFFFFF, v12;
	v30 =	vadd.f32 v33, v28  }
0x3f2: {  	v9 =	vadd.f32 v12, v9;
	v12 =	vsub.f32 v14, v19;
	v14 =	vbroadcast v29, $0x0  }
0x3f3: {  	v4 =	vadd.f32 v7, v4;
	v26 =	vand.u32 $0x7FFFFFFF, v26;
	v29 =	vsub.f32 v30, v23  }
0x3f4: {  	v13 =	vadd.f32 v26, v13;
	v12 =	vand.u32 $0x7FFFFFFF, v12;
	v14 =	vor.u32 v2, v14  }
0x3f5: {  	v8 =	vmul.f32 v8, v8;
	v26 =	vand.u32 $0x7FFFFFFF, v29;
	v43 =	vadd.f32 v12, v9  }
0x3f6: {  	v7 =	vmul.f32 v31, v31;
	v10 =	vand.u32 $0x7FFFFFFF, v10;
	v44 =	vadd.f32 v26, v13  }
0x3f7: {  	s17 =	simm.s32 $0x1;
	v8 =	vadd.f32 v8, v18;
	v6 =	vadd.f32 v10, v6;
	v9 =	vand.u32 $0x7FFFFFFF, v11;
	[tilespmem:$0xC410] =	vst v43  }
0x3f8: {  	v10 =	vand.u32 $0x7FFFFFFF, v32;
	v5 =	vadd.f32 v9, v5;
	v9 =	vmov s17;
	[tilespmem:$0xC610] =	vst v44  }
0x3f9: {  	v10 =	vadd.f32 v10, v15;
	v15 =	vmul.f32 v33, v33;
	v9 =	vand.u32 $0x3F, v9;
	v29 =	vld.idx.msk [tilespmem:v14+s13+$0x0], $0xffff  }
0x3fa: {  	v7 =	vadd.f32 v7, v22;
	v9 =	vbroadcast v9, $0x0;
	v31 =	vld.idx.msk [tilespmem:v14+s10+$0x0], $0xffff  }
0x3fb: {  	v8 =	vadd.f32 v15, v8;
	v11 =	vand.u32 $0x7FFFFFFF, v16;
	v12 =	vand.u32 $0x7FFFFFFF, v23;
	v18 =	vld.idx.msk [tilespmem:v14+s12+$0x0], $0xffff  }
0x3fc: {  	v13 =	vand.u32 $0x7FFFFFFF, v19;
	v4 =	vadd.f32 v11, v4;
	v19 =	vld.idx.msk [tilespmem:v14+s9+$0x0], $0xffff;
	v11 =	vor.u32 v2, v9  }
0x3fd: {  	v6 =	vadd.f32 v12, v6;
	s17 =	simm.s32 $0x2;
	v12 =	vand.u32 $0x7FFFFFFF, v28;
	v15 =	vld.idx.msk [tilespmem:v14+s11+$0x0], $0xffff;
	v9 =	vmul.f32 v27, v27  }
0x3fe: {  	v10 =	vadd.f32 v12, v10;
	v5 =	vadd.f32 v13, v5;
	v22 =	vld.idx.msk [tilespmem:v14+s8+$0x0], $0xffff;
	v14 =	vmov s17  }
0x3ff: {  	v13 =	vand.u32 $0x7FFFFFFF, v25;
	v7 =	vadd.f32 v9, v7;
	v9 =	vand.u32 $0x3F, v14  }
0x400: {  	v4 =	vadd.f32 v13, v4;
	v14 =	vbroadcast v9, $0x0;
	v9 =	vimm.f32 $0.0e+00  }
0x401: {  	v12 =	vand.u32 $0x7FFFFFFF, v31;
	v23 =	vand.u32 $0x7FFFFFFF, v29;
	v25 =	vmul.f32 v18, v18;
	v13 =	vld.idx.msk [tilespmem:v11+s13+$0x0], $0xffff  }
0x402: {  	v5 =	vadd.f32 v12, v5;
	v12 =	vld.idx.msk [tilespmem:v11+s10+$0x0], $0xffff;
	v16 =	vor.u32 v2, v14;
	v14 =	vadd.f32 v18, v15  }
0x403: {  	v28 =	vmul.f32 v19, v19;
	v6 =	vadd.f32 v23, v6;
	v26 =	vld.idx.msk [tilespmem:v11+s9+$0x0], $0xffff;
	v23 =	vadd.f32 v19, v22  }
0x404: {  	s17 =	simm.s32 $0x3;
	v27 =	vld.idx.msk [tilespmem:v11+s12+$0x0], $0xffff;
	v18 =	vadd.f32 v25, v8;
	v8 =	vand.u32 $0x7FFFFFFF, v15;
	v25 =	vand.u32 $0x7FFFFFFF, v22  }
0x405: {  	v19 =	vld.idx.msk [tilespmem:v11+s11+$0x0], $0xffff;
	v22 =	vadd.f32 v28, v7;
	v28 =	vmov s17;
	v14 =	vsub.f32 v14, v29  }
0x406: {  	v7 =	vld.idx.msk [tilespmem:v11+s8+$0x0], $0xffff;
	v15 =	vadd.f32 v8, v10;
	v8 =	vand.u32 $0x3F, v28;
	v4 =	vadd.f32 v25, v4  }
0x407: {  	v28 =	vsub.f32 v23, v31;
	v23 =	vimm.f32 $0.0e+00;
	v30 =	vbroadcast v8, $0x0;
	v10 =	vld.idx.msk [tilespmem:v16+s13+$0x0], $0xffff  }
0x408: {  	v63 =	vand.u32 $0x7FFFFFFF, v13;
	v29 =	vand.u32 $0x7FFFFFFF, v12;
	v11 =	vld.idx.msk [tilespmem:v16+s10+$0x0], $0xffff;
	v25 =	vmul.f32 v26, v26  }
0x409: {  	s16 =	simm.s32 $0x4;
	v8 =	vld.idx.msk [tilespmem:v16+s12+$0x0], $0xffff;
	v5 =	vadd.f32 v29, v5;
	v29 =	vmul.f32 v27, v27;
	v6 =	vadd.f32 v63, v6  }
.LBB2_38:
0x40a: {  	p0 =	sne.s32 s16, $0x3F;
	v31 =	vor.u32 v2, v30;
	v32 =	vld.idx.msk [tilespmem:v16+s9+$0x0], $0xffff;
	v27 =	vadd.f32 v27, v19;
	v28 =	vand.u32 $0x7FFFFFFF, v28;
	v30 =	vmovc v19;
	s17 =	smov.u32 s16;
	s16 =	sadd.s32 $0x1, s16  }
0x40b: {  	v26 =	vadd.f32 v26, v7;
	v33 =	vmovc v7;
	v19 =	vld.idx.msk [tilespmem:v16+s11+$0x0], $0xffff;
	v18 =	vadd.f32 v29, v18;
	v29 =	vand.u32 $0x7FFFFFFF, v14  }
0x40c: {  	v30 =	vand.u32 $0x7FFFFFFF, v30;
	v9 =	vadd.f32 v28, v9;
	v7 =	vld.idx.msk [tilespmem:v16+s8+$0x0], $0xffff;
	v14 =	vsub.f32 v27, v13;
	v16 =	vmovc v31  }
.Ltmp18:
0x40d: {  	v22 =	vadd.f32 v25, v22;
	v34 =	vand.u32 $0x7FFFFFFF, v33;
	v15 =	vadd.f32 v30, v15;
	v13 =	vmovc v10;
	v28 =	vmovc v12;
	(pc) =	sbr.rel @p0 .LBB2_38-.Ltmp18, $4  }
0x40e: {  	v10 =	vmov s17;
	v23 =	vadd.f32 v29, v23;
	v33 =	vand.u32 $0x7FFFFFFF, v13;
	v12 =	vmovc v11  }
0x40f: {  	v4 =	vadd.f32 v34, v4;
	v11 =	vand.u32 $0x3F, v10;
	v29 =	vand.u32 $0x7FFFFFFF, v12;
	v27 =	vmovc v8;
	v10 =	vld.idx.msk [tilespmem:v31+s13+$0x0], $0xffff  }
0x410: {  	v30 =	vbroadcast v11, $0x0;
	v28 =	vsub.f32 v26, v28;
	v25 =	vmul.f32 v32, v32;
	v26 =	vmovc v32;
	v11 =	vld.idx.msk [tilespmem:v31+s10+$0x0], $0xffff  }
0x411: {  	v6 =	vadd.f32 v33, v6;
	v5 =	vadd.f32 v29, v5;
	v29 =	vmul.f32 v8, v27;
	v8 =	vld.idx.msk [tilespmem:v31+s12+$0x0], $0xffff  }
0x412: {  	_ =	sdelay $0x1  }
0x413: {  	v30 =	vor.u32 v2, v30;
	_ =	sdelay $0x1  }
0x414: {  	v31 =	vld.idx.msk [tilespmem:v16+s9+$0x0], $0xffff  }
0x415: {  	v32 =	vld.idx.msk [tilespmem:v16+s11+$0x0], $0xffff  }
0x416: {  	v27 =	vadd.f32 v27, v19;
	v16 =	vld.idx.msk [tilespmem:v16+s8+$0x0], $0xffff  }
0x417: {  	v26 =	vadd.f32 v26, v7;
	v33 =	vld.idx.msk [tilespmem:v30+s12+$0x0], $0xffff  }
0x418: {  	v28 =	vand.u32 $0x7FFFFFFF, v28;
	v22 =	vadd.f32 v25, v22;
	v13 =	vsub.f32 v27, v13;
	v27 =	vld.idx.msk [tilespmem:v30+s9+$0x0], $0xffff  }
0x419: {  	v19 =	vand.u32 $0x7FFFFFFF, v19;
	v18 =	vadd.f32 v29, v18;
	v12 =	vsub.f32 v26, v12;
	v25 =	vld.idx.msk [tilespmem:v30+s8+$0x0], $0xffff  }
0x41a: {  	v14 =	vand.u32 $0x7FFFFFFF, v14;
	v9 =	vadd.f32 v28, v9;
	v15 =	vadd.f32 v19, v15;
	v28 =	vld.idx.msk [tilespmem:v30+s11+$0x0], $0xffff  }
0x41b: {  	v14 =	vadd.f32 v14, v23;
	v12 =	vand.u32 $0x7FFFFFFF, v12;
	v19 =	vld.idx.msk [tilespmem:v30+s10+$0x0], $0xffff;
	v29 =	vadd.f32 v31, v16  }
0x41c: {  	v13 =	vand.u32 $0x7FFFFFFF, v13;
	v26 =	vadd.f32 v8, v32;
	v23 =	vld.idx.msk [tilespmem:v30+s13+$0x0], $0xffff;
	v9 =	vadd.f32 v12, v9  }
0x41d: {  	s16 =	simm.s32 $0x0;
	v7 =	vand.u32 $0x7FFFFFFF, v7;
	v13 =	vadd.f32 v13, v14;
	v12 =	vsub.f32 v29, v11  }
0x41e: {  	v26 =	vsub.f32 v26, v10;
	v29 =	vmov s16;
	v14 =	vadd.f32 v27, v25  }
0x41f: {  	v29 =	vand.u32 $0x3F, v29;
	v12 =	vand.u32 $0x7FFFFFFF, v12;
	v30 =	vadd.f32 v33, v28  }
0x420: {  	v9 =	vadd.f32 v12, v9;
	v12 =	vsub.f32 v14, v19;
	v14 =	vbroadcast v29, $0x0  }
0x421: {  	v4 =	vadd.f32 v7, v4;
	v26 =	vand.u32 $0x7FFFFFFF, v26;
	v29 =	vsub.f32 v30, v23  }
0x422: {  	v13 =	vadd.f32 v26, v13;
	v12 =	vand.u32 $0x7FFFFFFF, v12;
	v14 =	vor.u32 v3, v14  }
0x423: {  	v8 =	vmul.f32 v8, v8;
	v26 =	vand.u32 $0x7FFFFFFF, v29;
	v45 =	vadd.f32 v12, v9  }
0x424: {  	v7 =	vmul.f32 v31, v31;
	v10 =	vand.u32 $0x7FFFFFFF, v10;
	v46 =	vadd.f32 v26, v13  }
0x425: {  	s17 =	simm.s32 $0x1;
	v8 =	vadd.f32 v8, v18;
	v6 =	vadd.f32 v10, v6;
	v9 =	vand.u32 $0x7FFFFFFF, v11;
	[tilespmem:$0xC420] =	vst v45  }
0x426: {  	v10 =	vand.u32 $0x7FFFFFFF, v32;
	v5 =	vadd.f32 v9, v5;
	v9 =	vmov s17;
	[tilespmem:$0xC620] =	vst v46  }
0x427: {  	v10 =	vadd.f32 v10, v15;
	v15 =	vmul.f32 v33, v33;
	v9 =	vand.u32 $0x3F, v9;
	v29 =	vld.idx.msk [tilespmem:v14+s13+$0x0], $0xffff  }
0x428: {  	v7 =	vadd.f32 v7, v22;
	v9 =	vbroadcast v9, $0x0;
	v31 =	vld.idx.msk [tilespmem:v14+s10+$0x0], $0xffff  }
0x429: {  	v8 =	vadd.f32 v15, v8;
	v11 =	vand.u32 $0x7FFFFFFF, v16;
	v12 =	vand.u32 $0x7FFFFFFF, v23;
	v18 =	vld.idx.msk [tilespmem:v14+s12+$0x0], $0xffff  }
0x42a: {  	v13 =	vand.u32 $0x7FFFFFFF, v19;
	v4 =	vadd.f32 v11, v4;
	v19 =	vld.idx.msk [tilespmem:v14+s9+$0x0], $0xffff;
	v11 =	vor.u32 v3, v9  }
0x42b: {  	v6 =	vadd.f32 v12, v6;
	s17 =	simm.s32 $0x2;
	v12 =	vand.u32 $0x7FFFFFFF, v28;
	v15 =	vld.idx.msk [tilespmem:v14+s11+$0x0], $0xffff;
	v9 =	vmul.f32 v27, v27  }
0x42c: {  	v10 =	vadd.f32 v12, v10;
	v5 =	vadd.f32 v13, v5;
	v22 =	vld.idx.msk [tilespmem:v14+s8+$0x0], $0xffff;
	v14 =	vmov s17  }
0x42d: {  	v13 =	vand.u32 $0x7FFFFFFF, v25;
	v7 =	vadd.f32 v9, v7;
	v9 =	vand.u32 $0x3F, v14  }
0x42e: {  	v4 =	vadd.f32 v13, v4;
	v14 =	vbroadcast v9, $0x0;
	v9 =	vimm.f32 $0.0e+00  }
0x42f: {  	v12 =	vand.u32 $0x7FFFFFFF, v31;
	v23 =	vand.u32 $0x7FFFFFFF, v29;
	v25 =	vmul.f32 v18, v18;
	v13 =	vld.idx.msk [tilespmem:v11+s13+$0x0], $0xffff  }
0x430: {  	v5 =	vadd.f32 v12, v5;
	v12 =	vld.idx.msk [tilespmem:v11+s10+$0x0], $0xffff;
	v16 =	vor.u32 v3, v14;
	v14 =	vadd.f32 v18, v15  }
0x431: {  	v28 =	vmul.f32 v19, v19;
	v6 =	vadd.f32 v23, v6;
	v26 =	vld.idx.msk [tilespmem:v11+s9+$0x0], $0xffff;
	v23 =	vadd.f32 v19, v22  }
0x432: {  	s17 =	simm.s32 $0x3;
	v27 =	vld.idx.msk [tilespmem:v11+s12+$0x0], $0xffff;
	v18 =	vadd.f32 v25, v8;
	v8 =	vand.u32 $0x7FFFFFFF, v15;
	v25 =	vand.u32 $0x7FFFFFFF, v22  }
0x433: {  	v19 =	vld.idx.msk [tilespmem:v11+s11+$0x0], $0xffff;
	v22 =	vadd.f32 v28, v7;
	v28 =	vmov s17;
	v14 =	vsub.f32 v14, v29  }
0x434: {  	v7 =	vld.idx.msk [tilespmem:v11+s8+$0x0], $0xffff;
	v15 =	vadd.f32 v8, v10;
	v8 =	vand.u32 $0x3F, v28;
	v4 =	vadd.f32 v25, v4  }
0x435: {  	v28 =	vsub.f32 v23, v31;
	v23 =	vimm.f32 $0.0e+00;
	v30 =	vbroadcast v8, $0x0;
	v10 =	vld.idx.msk [tilespmem:v16+s13+$0x0], $0xffff  }
0x436: {  	v63 =	vand.u32 $0x7FFFFFFF, v13;
	v29 =	vand.u32 $0x7FFFFFFF, v12;
	v11 =	vld.idx.msk [tilespmem:v16+s10+$0x0], $0xffff;
	v25 =	vmul.f32 v26, v26  }
0x437: {  	s16 =	simm.s32 $0x4;
	v8 =	vld.idx.msk [tilespmem:v16+s12+$0x0], $0xffff;
	v5 =	vadd.f32 v29, v5;
	v29 =	vmul.f32 v27, v27;
	v6 =	vadd.f32 v63, v6  }
.LBB2_40:
0x438: {  	p0 =	sne.s32 s16, $0x3F;
	v31 =	vor.u32 v3, v30;
	v32 =	vld.idx.msk [tilespmem:v16+s9+$0x0], $0xffff;
	v27 =	vadd.f32 v27, v19;
	v28 =	vand.u32 $0x7FFFFFFF, v28;
	v30 =	vmovc v19;
	s17 =	smov.u32 s16;
	s16 =	sadd.s32 $0x1, s16  }
0x439: {  	v26 =	vadd.f32 v26, v7;
	v33 =	vmovc v7;
	v19 =	vld.idx.msk [tilespmem:v16+s11+$0x0], $0xffff;
	v18 =	vadd.f32 v29, v18;
	v29 =	vand.u32 $0x7FFFFFFF, v14  }
0x43a: {  	v30 =	vand.u32 $0x7FFFFFFF, v30;
	v9 =	vadd.f32 v28, v9;
	v7 =	vld.idx.msk [tilespmem:v16+s8+$0x0], $0xffff;
	v14 =	vsub.f32 v27, v13;
	v16 =	vmovc v31  }
.Ltmp19:
0x43b: {  	v22 =	vadd.f32 v25, v22;
	v34 =	vand.u32 $0x7FFFFFFF, v33;
	v15 =	vadd.f32 v30, v15;
	v13 =	vmovc v10;
	v28 =	vmovc v12;
	(pc) =	sbr.rel @p0 .LBB2_40-.Ltmp19, $4  }
0x43c: {  	v10 =	vmov s17;
	v23 =	vadd.f32 v29, v23;
	v33 =	vand.u32 $0x7FFFFFFF, v13;
	v12 =	vmovc v11  }
0x43d: {  	v4 =	vadd.f32 v34, v4;
	v11 =	vand.u32 $0x3F, v10;
	v29 =	vand.u32 $0x7FFFFFFF, v12;
	v27 =	vmovc v8;
	v10 =	vld.idx.msk [tilespmem:v31+s13+$0x0], $0xffff  }
0x43e: {  	v30 =	vbroadcast v11, $0x0;
	v28 =	vsub.f32 v26, v28;
	v25 =	vmul.f32 v32, v32;
	v26 =	vmovc v32;
	v11 =	vld.idx.msk [tilespmem:v31+s10+$0x0], $0xffff  }
0x43f: {  	v6 =	vadd.f32 v33, v6;
	v5 =	vadd.f32 v29, v5;
	v29 =	vmul.f32 v8, v27;
	v8 =	vld.idx.msk [tilespmem:v31+s12+$0x0], $0xffff  }
0x440: {  	_ =	sdelay $0x1  }
0x441: {  	v30 =	vor.u32 v3, v30;
	_ =	sdelay $0x1  }
0x442: {  	v31 =	vld.idx.msk [tilespmem:v16+s9+$0x0], $0xffff  }
0x443: {  	v32 =	vld.idx.msk [tilespmem:v16+s11+$0x0], $0xffff  }
0x444: {  	v27 =	vadd.f32 v27, v19;
	v16 =	vld.idx.msk [tilespmem:v16+s8+$0x0], $0xffff  }
0x445: {  	v26 =	vadd.f32 v26, v7;
	v33 =	vld.idx.msk [tilespmem:v30+s12+$0x0], $0xffff  }
0x446: {  	v28 =	vand.u32 $0x7FFFFFFF, v28;
	v22 =	vadd.f32 v25, v22;
	v13 =	vsub.f32 v27, v13;
	v27 =	vld.idx.msk [tilespmem:v30+s9+$0x0], $0xffff  }
0x447: {  	v19 =	vand.u32 $0x7FFFFFFF, v19;
	v18 =	vadd.f32 v29, v18;
	v12 =	vsub.f32 v26, v12;
	v25 =	vld.idx.msk [tilespmem:v30+s8+$0x0], $0xffff  }
0x448: {  	v14 =	vand.u32 $0x7FFFFFFF, v14;
	v9 =	vadd.f32 v28, v9;
	v15 =	vadd.f32 v19, v15;
	v28 =	vld.idx.msk [tilespmem:v30+s11+$0x0], $0xffff  }
0x449: {  	v14 =	vadd.f32 v14, v23;
	v12 =	vand.u32 $0x7FFFFFFF, v12;
	v19 =	vld.idx.msk [tilespmem:v30+s10+$0x0], $0xffff;
	v29 =	vadd.f32 v31, v16  }
0x44a: {  	v13 =	vand.u32 $0x7FFFFFFF, v13;
	v26 =	vadd.f32 v8, v32;
	v23 =	vld.idx.msk [tilespmem:v30+s13+$0x0], $0xffff;
	v9 =	vadd.f32 v12, v9  }
0x44b: {  	s16 =	simm.s32 $0x0;
	v7 =	vand.u32 $0x7FFFFFFF, v7;
	v13 =	vadd.f32 v13, v14;
	v12 =	vsub.f32 v29, v11  }
0x44c: {  	v26 =	vsub.f32 v26, v10;
	v29 =	vmov s16;
	v14 =	vadd.f32 v27, v25  }
0x44d: {  	v29 =	vand.u32 $0x3F, v29;
	v12 =	vand.u32 $0x7FFFFFFF, v12;
	v30 =	vadd.f32 v33, v28  }
0x44e: {  	v9 =	vadd.f32 v12, v9;
	v12 =	vsub.f32 v14, v19;
	v14 =	vbroadcast v29, $0x0  }
0x44f: {  	v4 =	vadd.f32 v7, v4;
	v26 =	vand.u32 $0x7FFFFFFF, v26;
	v29 =	vsub.f32 v30, v23  }
0x450: {  	v13 =	vadd.f32 v26, v13;
	v12 =	vand.u32 $0x7FFFFFFF, v12;
	v14 =	vor.u32 v24, v14  }
0x451: {  	v8 =	vmul.f32 v8, v8;
	v26 =	vand.u32 $0x7FFFFFFF, v29;
	v47 =	vadd.f32 v12, v9  }
0x452: {  	v7 =	vmul.f32 v31, v31;
	v10 =	vand.u32 $0x7FFFFFFF, v10;
	v48 =	vadd.f32 v26, v13  }
0x453: {  	s17 =	simm.s32 $0x1;
	v8 =	vadd.f32 v8, v18;
	v6 =	vadd.f32 v10, v6;
	v9 =	vand.u32 $0x7FFFFFFF, v11;
	[tilespmem:$0xC430] =	vst v47  }
0x454: {  	v10 =	vand.u32 $0x7FFFFFFF, v32;
	v5 =	vadd.f32 v9, v5;
	v9 =	vmov s17;
	[tilespmem:$0xC630] =	vst v48  }
0x455: {  	v10 =	vadd.f32 v10, v15;
	v15 =	vmul.f32 v33, v33;
	v9 =	vand.u32 $0x3F, v9;
	v29 =	vld.idx.msk [tilespmem:v14+s13+$0x0], $0xffff  }
0x456: {  	v7 =	vadd.f32 v7, v22;
	v9 =	vbroadcast v9, $0x0;
	v31 =	vld.idx.msk [tilespmem:v14+s10+$0x0], $0xffff  }
0x457: {  	v8 =	vadd.f32 v15, v8;
	v11 =	vand.u32 $0x7FFFFFFF, v16;
	v12 =	vand.u32 $0x7FFFFFFF, v23;
	v18 =	vld.idx.msk [tilespmem:v14+s12+$0x0], $0xffff  }
0x458: {  	v13 =	vand.u32 $0x7FFFFFFF, v19;
	v4 =	vadd.f32 v11, v4;
	v19 =	vld.idx.msk [tilespmem:v14+s9+$0x0], $0xffff;
	v11 =	vor.u32 v24, v9  }
0x459: {  	v6 =	vadd.f32 v12, v6;
	s17 =	simm.s32 $0x2;
	v12 =	vand.u32 $0x7FFFFFFF, v28;
	v15 =	vld.idx.msk [tilespmem:v14+s11+$0x0], $0xffff;
	v9 =	vmul.f32 v27, v27  }
0x45a: {  	v10 =	vadd.f32 v12, v10;
	v5 =	vadd.f32 v13, v5;
	v22 =	vld.idx.msk [tilespmem:v14+s8+$0x0], $0xffff;
	v14 =	vmov s17  }
0x45b: {  	v13 =	vand.u32 $0x7FFFFFFF, v25;
	v7 =	vadd.f32 v9, v7;
	v9 =	vand.u32 $0x3F, v14  }
0x45c: {  	v4 =	vadd.f32 v13, v4;
	v14 =	vbroadcast v9, $0x0;
	v9 =	vimm.f32 $0.0e+00  }
0x45d: {  	v12 =	vand.u32 $0x7FFFFFFF, v31;
	v23 =	vand.u32 $0x7FFFFFFF, v29;
	v25 =	vmul.f32 v18, v18;
	v13 =	vld.idx.msk [tilespmem:v11+s13+$0x0], $0xffff  }
0x45e: {  	v5 =	vadd.f32 v12, v5;
	v12 =	vld.idx.msk [tilespmem:v11+s10+$0x0], $0xffff;
	v16 =	vor.u32 v24, v14;
	v14 =	vadd.f32 v18, v15  }
0x45f: {  	v28 =	vmul.f32 v19, v19;
	v6 =	vadd.f32 v23, v6;
	v26 =	vld.idx.msk [tilespmem:v11+s9+$0x0], $0xffff;
	v23 =	vadd.f32 v19, v22  }
0x460: {  	s17 =	simm.s32 $0x3;
	v27 =	vld.idx.msk [tilespmem:v11+s12+$0x0], $0xffff;
	v18 =	vadd.f32 v25, v8;
	v8 =	vand.u32 $0x7FFFFFFF, v15;
	v25 =	vand.u32 $0x7FFFFFFF, v22  }
0x461: {  	v19 =	vld.idx.msk [tilespmem:v11+s11+$0x0], $0xffff;
	v22 =	vadd.f32 v28, v7;
	v28 =	vmov s17;
	v14 =	vsub.f32 v14, v29  }
0x462: {  	v7 =	vld.idx.msk [tilespmem:v11+s8+$0x0], $0xffff;
	v15 =	vadd.f32 v8, v10;
	v8 =	vand.u32 $0x3F, v28;
	v4 =	vadd.f32 v25, v4  }
0x463: {  	v28 =	vsub.f32 v23, v31;
	v23 =	vimm.f32 $0.0e+00;
	v30 =	vbroadcast v8, $0x0;
	v10 =	vld.idx.msk [tilespmem:v16+s13+$0x0], $0xffff  }
0x464: {  	v63 =	vand.u32 $0x7FFFFFFF, v13;
	v29 =	vand.u32 $0x7FFFFFFF, v12;
	v11 =	vld.idx.msk [tilespmem:v16+s10+$0x0], $0xffff;
	v25 =	vmul.f32 v26, v26  }
0x465: {  	s16 =	simm.s32 $0x4;
	v8 =	vld.idx.msk [tilespmem:v16+s12+$0x0], $0xffff;
	v5 =	vadd.f32 v29, v5;
	v29 =	vmul.f32 v27, v27;
	v6 =	vadd.f32 v63, v6  }
.LBB2_42:
0x466: {  	p0 =	sne.s32 s16, $0x3F;
	v31 =	vor.u32 v24, v30;
	v32 =	vld.idx.msk [tilespmem:v16+s9+$0x0], $0xffff;
	v27 =	vadd.f32 v27, v19;
	v28 =	vand.u32 $0x7FFFFFFF, v28;
	v30 =	vmovc v19;
	s17 =	smov.u32 s16;
	s16 =	sadd.s32 $0x1, s16  }
0x467: {  	v26 =	vadd.f32 v26, v7;
	v33 =	vmovc v7;
	v19 =	vld.idx.msk [tilespmem:v16+s11+$0x0], $0xffff;
	v18 =	vadd.f32 v29, v18;
	v29 =	vand.u32 $0x7FFFFFFF, v14  }
0x468: {  	v30 =	vand.u32 $0x7FFFFFFF, v30;
	v9 =	vadd.f32 v28, v9;
	v7 =	vld.idx.msk [tilespmem:v16+s8+$0x0], $0xffff;
	v14 =	vsub.f32 v27, v13;
	v16 =	vmovc v31  }
.Ltmp20:
0x469: {  	v22 =	vadd.f32 v25, v22;
	v34 =	vand.u32 $0x7FFFFFFF, v33;
	v15 =	vadd.f32 v30, v15;
	v13 =	vmovc v10;
	v28 =	vmovc v12;
	(pc) =	sbr.rel @p0 .LBB2_42-.Ltmp20, $4  }
0x46a: {  	v10 =	vmov s17;
	v23 =	vadd.f32 v29, v23;
	v33 =	vand.u32 $0x7FFFFFFF, v13;
	v12 =	vmovc v11  }
0x46b: {  	v4 =	vadd.f32 v34, v4;
	v11 =	vand.u32 $0x3F, v10;
	v29 =	vand.u32 $0x7FFFFFFF, v12;
	v27 =	vmovc v8;
	v10 =	vld.idx.msk [tilespmem:v31+s13+$0x0], $0xffff  }
0x46c: {  	v30 =	vbroadcast v11, $0x0;
	v28 =	vsub.f32 v26, v28;
	v25 =	vmul.f32 v32, v32;
	v26 =	vmovc v32;
	v11 =	vld.idx.msk [tilespmem:v31+s10+$0x0], $0xffff  }
0x46d: {  	v6 =	vadd.f32 v33, v6;
	v5 =	vadd.f32 v29, v5;
	v29 =	vmul.f32 v8, v27;
	v8 =	vld.idx.msk [tilespmem:v31+s12+$0x0], $0xffff  }
0x46e: {  	_ =	sdelay $0x1  }
0x46f: {  	v30 =	vor.u32 v24, v30;
	_ =	sdelay $0x1  }
0x470: {  	v31 =	vld.idx.msk [tilespmem:v16+s9+$0x0], $0xffff  }
0x471: {  	v32 =	vld.idx.msk [tilespmem:v16+s11+$0x0], $0xffff  }
0x472: {  	v27 =	vadd.f32 v27, v19;
	v16 =	vld.idx.msk [tilespmem:v16+s8+$0x0], $0xffff  }
0x473: {  	v26 =	vadd.f32 v26, v7;
	v33 =	vld.idx.msk [tilespmem:v30+s12+$0x0], $0xffff  }
0x474: {  	v28 =	vand.u32 $0x7FFFFFFF, v28;
	v22 =	vadd.f32 v25, v22;
	v13 =	vsub.f32 v27, v13;
	v27 =	vld.idx.msk [tilespmem:v30+s9+$0x0], $0xffff  }
0x475: {  	v19 =	vand.u32 $0x7FFFFFFF, v19;
	v18 =	vadd.f32 v29, v18;
	v12 =	vsub.f32 v26, v12;
	v25 =	vld.idx.msk [tilespmem:v30+s8+$0x0], $0xffff  }
0x476: {  	v14 =	vand.u32 $0x7FFFFFFF, v14;
	v9 =	vadd.f32 v28, v9;
	v15 =	vadd.f32 v19, v15;
	v28 =	vld.idx.msk [tilespmem:v30+s11+$0x0], $0xffff  }
0x477: {  	v14 =	vadd.f32 v14, v23;
	v12 =	vand.u32 $0x7FFFFFFF, v12;
	v19 =	vld.idx.msk [tilespmem:v30+s10+$0x0], $0xffff;
	v29 =	vadd.f32 v31, v16  }
0x478: {  	v13 =	vand.u32 $0x7FFFFFFF, v13;
	v26 =	vadd.f32 v8, v32;
	v23 =	vld.idx.msk [tilespmem:v30+s13+$0x0], $0xffff;
	v9 =	vadd.f32 v12, v9  }
0x479: {  	s16 =	simm.s32 $0x0;
	v7 =	vand.u32 $0x7FFFFFFF, v7;
	v13 =	vadd.f32 v13, v14;
	v12 =	vsub.f32 v29, v11  }
0x47a: {  	v26 =	vsub.f32 v26, v10;
	v29 =	vmov s16;
	v14 =	vadd.f32 v27, v25  }
0x47b: {  	v29 =	vand.u32 $0x3F, v29;
	v12 =	vand.u32 $0x7FFFFFFF, v12;
	v30 =	vadd.f32 v33, v28  }
0x47c: {  	v9 =	vadd.f32 v12, v9;
	v12 =	vsub.f32 v14, v19;
	v14 =	vbroadcast v29, $0x0  }
0x47d: {  	v4 =	vadd.f32 v7, v4;
	v26 =	vand.u32 $0x7FFFFFFF, v26;
	v29 =	vsub.f32 v30, v23  }
0x47e: {  	v13 =	vadd.f32 v26, v13;
	v12 =	vand.u32 $0x7FFFFFFF, v12;
	v14 =	vor.u32 v21, v14  }
0x47f: {  	v8 =	vmul.f32 v8, v8;
	v26 =	vand.u32 $0x7FFFFFFF, v29;
	v49 =	vadd.f32 v12, v9  }
0x480: {  	v7 =	vmul.f32 v31, v31;
	v10 =	vand.u32 $0x7FFFFFFF, v10;
	v50 =	vadd.f32 v26, v13  }
0x481: {  	s17 =	simm.s32 $0x1;
	v8 =	vadd.f32 v8, v18;
	v6 =	vadd.f32 v10, v6;
	v9 =	vand.u32 $0x7FFFFFFF, v11;
	[tilespmem:$0xC440] =	vst v49  }
0x482: {  	v10 =	vand.u32 $0x7FFFFFFF, v32;
	v5 =	vadd.f32 v9, v5;
	v9 =	vmov s17;
	[tilespmem:$0xC640] =	vst v50  }
0x483: {  	v10 =	vadd.f32 v10, v15;
	v15 =	vmul.f32 v33, v33;
	v9 =	vand.u32 $0x3F, v9;
	v29 =	vld.idx.msk [tilespmem:v14+s13+$0x0], $0xffff  }
0x484: {  	v7 =	vadd.f32 v7, v22;
	v9 =	vbroadcast v9, $0x0;
	v31 =	vld.idx.msk [tilespmem:v14+s10+$0x0], $0xffff  }
0x485: {  	v8 =	vadd.f32 v15, v8;
	v11 =	vand.u32 $0x7FFFFFFF, v16;
	v12 =	vand.u32 $0x7FFFFFFF, v23;
	v18 =	vld.idx.msk [tilespmem:v14+s12+$0x0], $0xffff  }
0x486: {  	v13 =	vand.u32 $0x7FFFFFFF, v19;
	v4 =	vadd.f32 v11, v4;
	v19 =	vld.idx.msk [tilespmem:v14+s9+$0x0], $0xffff;
	v11 =	vor.u32 v21, v9  }
0x487: {  	v6 =	vadd.f32 v12, v6;
	s17 =	simm.s32 $0x2;
	v12 =	vand.u32 $0x7FFFFFFF, v28;
	v15 =	vld.idx.msk [tilespmem:v14+s11+$0x0], $0xffff;
	v9 =	vmul.f32 v27, v27  }
0x488: {  	v10 =	vadd.f32 v12, v10;
	v5 =	vadd.f32 v13, v5;
	v22 =	vld.idx.msk [tilespmem:v14+s8+$0x0], $0xffff;
	v14 =	vmov s17  }
0x489: {  	v13 =	vand.u32 $0x7FFFFFFF, v25;
	v7 =	vadd.f32 v9, v7;
	v9 =	vand.u32 $0x3F, v14  }
0x48a: {  	v4 =	vadd.f32 v13, v4;
	v14 =	vbroadcast v9, $0x0;
	v9 =	vimm.f32 $0.0e+00  }
0x48b: {  	v12 =	vand.u32 $0x7FFFFFFF, v31;
	v23 =	vand.u32 $0x7FFFFFFF, v29;
	v25 =	vmul.f32 v18, v18;
	v13 =	vld.idx.msk [tilespmem:v11+s13+$0x0], $0xffff  }
0x48c: {  	v5 =	vadd.f32 v12, v5;
	v12 =	vld.idx.msk [tilespmem:v11+s10+$0x0], $0xffff;
	v16 =	vor.u32 v21, v14;
	v14 =	vadd.f32 v18, v15  }
0x48d: {  	v28 =	vmul.f32 v19, v19;
	v6 =	vadd.f32 v23, v6;
	v26 =	vld.idx.msk [tilespmem:v11+s9+$0x0], $0xffff;
	v23 =	vadd.f32 v19, v22  }
0x48e: {  	s17 =	simm.s32 $0x3;
	v27 =	vld.idx.msk [tilespmem:v11+s12+$0x0], $0xffff;
	v18 =	vadd.f32 v25, v8;
	v8 =	vand.u32 $0x7FFFFFFF, v15;
	v25 =	vand.u32 $0x7FFFFFFF, v22  }
0x48f: {  	v19 =	vld.idx.msk [tilespmem:v11+s11+$0x0], $0xffff;
	v22 =	vadd.f32 v28, v7;
	v28 =	vmov s17;
	v14 =	vsub.f32 v14, v29  }
0x490: {  	v7 =	vld.idx.msk [tilespmem:v11+s8+$0x0], $0xffff;
	v15 =	vadd.f32 v8, v10;
	v8 =	vand.u32 $0x3F, v28;
	v4 =	vadd.f32 v25, v4  }
0x491: {  	v28 =	vsub.f32 v23, v31;
	v23 =	vimm.f32 $0.0e+00;
	v30 =	vbroadcast v8, $0x0;
	v10 =	vld.idx.msk [tilespmem:v16+s13+$0x0], $0xffff  }
0x492: {  	v63 =	vand.u32 $0x7FFFFFFF, v13;
	v29 =	vand.u32 $0x7FFFFFFF, v12;
	v11 =	vld.idx.msk [tilespmem:v16+s10+$0x0], $0xffff;
	v25 =	vmul.f32 v26, v26  }
0x493: {  	s16 =	simm.s32 $0x4;
	v8 =	vld.idx.msk [tilespmem:v16+s12+$0x0], $0xffff;
	v5 =	vadd.f32 v29, v5;
	v29 =	vmul.f32 v27, v27;
	v6 =	vadd.f32 v63, v6  }
.LBB2_44:
0x494: {  	p0 =	sne.s32 s16, $0x3F;
	v31 =	vor.u32 v21, v30;
	v32 =	vld.idx.msk [tilespmem:v16+s9+$0x0], $0xffff;
	v27 =	vadd.f32 v27, v19;
	v28 =	vand.u32 $0x7FFFFFFF, v28;
	v30 =	vmovc v19;
	s17 =	smov.u32 s16;
	s16 =	sadd.s32 $0x1, s16  }
0x495: {  	v26 =	vadd.f32 v26, v7;
	v33 =	vmovc v7;
	v19 =	vld.idx.msk [tilespmem:v16+s11+$0x0], $0xffff;
	v18 =	vadd.f32 v29, v18;
	v29 =	vand.u32 $0x7FFFFFFF, v14  }
0x496: {  	v30 =	vand.u32 $0x7FFFFFFF, v30;
	v9 =	vadd.f32 v28, v9;
	v7 =	vld.idx.msk [tilespmem:v16+s8+$0x0], $0xffff;
	v14 =	vsub.f32 v27, v13;
	v16 =	vmovc v31  }
.Ltmp21:
0x497: {  	v22 =	vadd.f32 v25, v22;
	v34 =	vand.u32 $0x7FFFFFFF, v33;
	v15 =	vadd.f32 v30, v15;
	v13 =	vmovc v10;
	v28 =	vmovc v12;
	(pc) =	sbr.rel @p0 .LBB2_44-.Ltmp21, $4  }
0x498: {  	v10 =	vmov s17;
	v23 =	vadd.f32 v29, v23;
	v33 =	vand.u32 $0x7FFFFFFF, v13;
	v12 =	vmovc v11  }
0x499: {  	v4 =	vadd.f32 v34, v4;
	v11 =	vand.u32 $0x3F, v10;
	v29 =	vand.u32 $0x7FFFFFFF, v12;
	v27 =	vmovc v8;
	v10 =	vld.idx.msk [tilespmem:v31+s13+$0x0], $0xffff  }
0x49a: {  	v30 =	vbroadcast v11, $0x0;
	v28 =	vsub.f32 v26, v28;
	v25 =	vmul.f32 v32, v32;
	v26 =	vmovc v32;
	v11 =	vld.idx.msk [tilespmem:v31+s10+$0x0], $0xffff  }
0x49b: {  	v6 =	vadd.f32 v33, v6;
	v5 =	vadd.f32 v29, v5;
	v29 =	vmul.f32 v8, v27;
	v8 =	vld.idx.msk [tilespmem:v31+s12+$0x0], $0xffff  }
0x49c: {  	_ =	sdelay $0x1  }
0x49d: {  	v30 =	vor.u32 v21, v30;
	_ =	sdelay $0x1  }
0x49e: {  	v31 =	vld.idx.msk [tilespmem:v16+s9+$0x0], $0xffff  }
0x49f: {  	v32 =	vld.idx.msk [tilespmem:v16+s11+$0x0], $0xffff  }
0x4a0: {  	v27 =	vadd.f32 v27, v19;
	v16 =	vld.idx.msk [tilespmem:v16+s8+$0x0], $0xffff  }
0x4a1: {  	v26 =	vadd.f32 v26, v7;
	v33 =	vld.idx.msk [tilespmem:v30+s12+$0x0], $0xffff  }
0x4a2: {  	v28 =	vand.u32 $0x7FFFFFFF, v28;
	v22 =	vadd.f32 v25, v22;
	v13 =	vsub.f32 v27, v13;
	v27 =	vld.idx.msk [tilespmem:v30+s9+$0x0], $0xffff  }
0x4a3: {  	v19 =	vand.u32 $0x7FFFFFFF, v19;
	v18 =	vadd.f32 v29, v18;
	v12 =	vsub.f32 v26, v12;
	v25 =	vld.idx.msk [tilespmem:v30+s8+$0x0], $0xffff  }
0x4a4: {  	v14 =	vand.u32 $0x7FFFFFFF, v14;
	v9 =	vadd.f32 v28, v9;
	v15 =	vadd.f32 v19, v15;
	v28 =	vld.idx.msk [tilespmem:v30+s11+$0x0], $0xffff  }
0x4a5: {  	v14 =	vadd.f32 v14, v23;
	v12 =	vand.u32 $0x7FFFFFFF, v12;
	v19 =	vld.idx.msk [tilespmem:v30+s10+$0x0], $0xffff;
	v29 =	vadd.f32 v31, v16  }
0x4a6: {  	v13 =	vand.u32 $0x7FFFFFFF, v13;
	v26 =	vadd.f32 v8, v32;
	v23 =	vld.idx.msk [tilespmem:v30+s13+$0x0], $0xffff;
	v9 =	vadd.f32 v12, v9  }
0x4a7: {  	s16 =	simm.s32 $0x0;
	v7 =	vand.u32 $0x7FFFFFFF, v7;
	v13 =	vadd.f32 v13, v14;
	v12 =	vsub.f32 v29, v11  }
0x4a8: {  	v26 =	vsub.f32 v26, v10;
	v29 =	vmov s16;
	v14 =	vadd.f32 v27, v25  }
0x4a9: {  	v29 =	vand.u32 $0x3F, v29;
	v12 =	vand.u32 $0x7FFFFFFF, v12;
	v30 =	vadd.f32 v33, v28  }
0x4aa: {  	v9 =	vadd.f32 v12, v9;
	v12 =	vsub.f32 v14, v19;
	v14 =	vbroadcast v29, $0x0  }
0x4ab: {  	v4 =	vadd.f32 v7, v4;
	v26 =	vand.u32 $0x7FFFFFFF, v26;
	v29 =	vsub.f32 v30, v23  }
0x4ac: {  	v13 =	vadd.f32 v26, v13;
	v12 =	vand.u32 $0x7FFFFFFF, v12;
	v14 =	vor.u32 v20, v14  }
0x4ad: {  	v8 =	vmul.f32 v8, v8;
	v26 =	vand.u32 $0x7FFFFFFF, v29;
	v51 =	vadd.f32 v12, v9  }
0x4ae: {  	v7 =	vmul.f32 v31, v31;
	v10 =	vand.u32 $0x7FFFFFFF, v10;
	v52 =	vadd.f32 v26, v13  }
0x4af: {  	s17 =	simm.s32 $0x1;
	v8 =	vadd.f32 v8, v18;
	v6 =	vadd.f32 v10, v6;
	v9 =	vand.u32 $0x7FFFFFFF, v11;
	[tilespmem:$0xC450] =	vst v51  }
0x4b0: {  	v10 =	vand.u32 $0x7FFFFFFF, v32;
	v5 =	vadd.f32 v9, v5;
	v9 =	vmov s17;
	[tilespmem:$0xC650] =	vst v52  }
0x4b1: {  	v10 =	vadd.f32 v10, v15;
	v15 =	vmul.f32 v33, v33;
	v9 =	vand.u32 $0x3F, v9;
	v29 =	vld.idx.msk [tilespmem:v14+s13+$0x0], $0xffff  }
0x4b2: {  	v7 =	vadd.f32 v7, v22;
	v9 =	vbroadcast v9, $0x0;
	v31 =	vld.idx.msk [tilespmem:v14+s10+$0x0], $0xffff  }
0x4b3: {  	v8 =	vadd.f32 v15, v8;
	v11 =	vand.u32 $0x7FFFFFFF, v16;
	v12 =	vand.u32 $0x7FFFFFFF, v23;
	v18 =	vld.idx.msk [tilespmem:v14+s12+$0x0], $0xffff  }
0x4b4: {  	v13 =	vand.u32 $0x7FFFFFFF, v19;
	v4 =	vadd.f32 v11, v4;
	v19 =	vld.idx.msk [tilespmem:v14+s9+$0x0], $0xffff;
	v11 =	vor.u32 v20, v9  }
0x4b5: {  	v6 =	vadd.f32 v12, v6;
	s17 =	simm.s32 $0x2;
	v12 =	vand.u32 $0x7FFFFFFF, v28;
	v15 =	vld.idx.msk [tilespmem:v14+s11+$0x0], $0xffff;
	v9 =	vmul.f32 v27, v27  }
0x4b6: {  	v10 =	vadd.f32 v12, v10;
	v5 =	vadd.f32 v13, v5;
	v22 =	vld.idx.msk [tilespmem:v14+s8+$0x0], $0xffff;
	v14 =	vmov s17  }
0x4b7: {  	v13 =	vand.u32 $0x7FFFFFFF, v25;
	v7 =	vadd.f32 v9, v7;
	v9 =	vand.u32 $0x3F, v14  }
0x4b8: {  	v4 =	vadd.f32 v13, v4;
	v14 =	vbroadcast v9, $0x0;
	v9 =	vimm.f32 $0.0e+00  }
0x4b9: {  	v12 =	vand.u32 $0x7FFFFFFF, v31;
	v23 =	vand.u32 $0x7FFFFFFF, v29;
	v25 =	vmul.f32 v18, v18;
	v13 =	vld.idx.msk [tilespmem:v11+s13+$0x0], $0xffff  }
0x4ba: {  	v5 =	vadd.f32 v12, v5;
	v12 =	vld.idx.msk [tilespmem:v11+s10+$0x0], $0xffff;
	v16 =	vor.u32 v20, v14;
	v14 =	vadd.f32 v18, v15  }
0x4bb: {  	v28 =	vmul.f32 v19, v19;
	v6 =	vadd.f32 v23, v6;
	v26 =	vld.idx.msk [tilespmem:v11+s9+$0x0], $0xffff;
	v23 =	vadd.f32 v19, v22  }
0x4bc: {  	s17 =	simm.s32 $0x3;
	v27 =	vld.idx.msk [tilespmem:v11+s12+$0x0], $0xffff;
	v18 =	vadd.f32 v25, v8;
	v8 =	vand.u32 $0x7FFFFFFF, v15;
	v25 =	vand.u32 $0x7FFFFFFF, v22  }
0x4bd: {  	v19 =	vld.idx.msk [tilespmem:v11+s11+$0x0], $0xffff;
	v22 =	vadd.f32 v28, v7;
	v28 =	vmov s17;
	v14 =	vsub.f32 v14, v29  }
0x4be: {  	v7 =	vld.idx.msk [tilespmem:v11+s8+$0x0], $0xffff;
	v15 =	vadd.f32 v8, v10;
	v8 =	vand.u32 $0x3F, v28;
	v4 =	vadd.f32 v25, v4  }
0x4bf: {  	v28 =	vsub.f32 v23, v31;
	v23 =	vimm.f32 $0.0e+00;
	v30 =	vbroadcast v8, $0x0;
	v10 =	vld.idx.msk [tilespmem:v16+s13+$0x0], $0xffff  }
0x4c0: {  	v63 =	vand.u32 $0x7FFFFFFF, v13;
	v29 =	vand.u32 $0x7FFFFFFF, v12;
	v11 =	vld.idx.msk [tilespmem:v16+s10+$0x0], $0xffff;
	v25 =	vmul.f32 v26, v26  }
0x4c1: {  	s16 =	simm.s32 $0x4;
	v8 =	vld.idx.msk [tilespmem:v16+s12+$0x0], $0xffff;
	v5 =	vadd.f32 v29, v5;
	v29 =	vmul.f32 v27, v27;
	v6 =	vadd.f32 v63, v6  }
.LBB2_46:
0x4c2: {  	p0 =	sne.s32 s16, $0x3F;
	v31 =	vor.u32 v20, v30;
	v32 =	vld.idx.msk [tilespmem:v16+s9+$0x0], $0xffff;
	v27 =	vadd.f32 v27, v19;
	v28 =	vand.u32 $0x7FFFFFFF, v28;
	v30 =	vmovc v19;
	s17 =	smov.u32 s16;
	s16 =	sadd.s32 $0x1, s16  }
0x4c3: {  	v26 =	vadd.f32 v26, v7;
	v33 =	vmovc v7;
	v19 =	vld.idx.msk [tilespmem:v16+s11+$0x0], $0xffff;
	v18 =	vadd.f32 v29, v18;
	v29 =	vand.u32 $0x7FFFFFFF, v14  }
0x4c4: {  	v30 =	vand.u32 $0x7FFFFFFF, v30;
	v9 =	vadd.f32 v28, v9;
	v7 =	vld.idx.msk [tilespmem:v16+s8+$0x0], $0xffff;
	v14 =	vsub.f32 v27, v13;
	v16 =	vmovc v31  }
.Ltmp22:
0x4c5: {  	v22 =	vadd.f32 v25, v22;
	v34 =	vand.u32 $0x7FFFFFFF, v33;
	v15 =	vadd.f32 v30, v15;
	v13 =	vmovc v10;
	v28 =	vmovc v12;
	(pc) =	sbr.rel @p0 .LBB2_46-.Ltmp22, $4  }
0x4c6: {  	v10 =	vmov s17;
	v23 =	vadd.f32 v29, v23;
	v33 =	vand.u32 $0x7FFFFFFF, v13;
	v12 =	vmovc v11  }
0x4c7: {  	v4 =	vadd.f32 v34, v4;
	v11 =	vand.u32 $0x3F, v10;
	v29 =	vand.u32 $0x7FFFFFFF, v12;
	v27 =	vmovc v8;
	v10 =	vld.idx.msk [tilespmem:v31+s13+$0x0], $0xffff  }
0x4c8: {  	v30 =	vbroadcast v11, $0x0;
	v28 =	vsub.f32 v26, v28;
	v25 =	vmul.f32 v32, v32;
	v26 =	vmovc v32;
	v11 =	vld.idx.msk [tilespmem:v31+s10+$0x0], $0xffff  }
0x4c9: {  	v6 =	vadd.f32 v33, v6;
	v5 =	vadd.f32 v29, v5;
	v29 =	vmul.f32 v8, v27;
	v8 =	vld.idx.msk [tilespmem:v31+s12+$0x0], $0xffff  }
0x4ca: {  	_ =	sdelay $0x1  }
0x4cb: {  	v30 =	vor.u32 v20, v30;
	_ =	sdelay $0x1  }
0x4cc: {  	v31 =	vld.idx.msk [tilespmem:v16+s9+$0x0], $0xffff  }
0x4cd: {  	v32 =	vld.idx.msk [tilespmem:v16+s11+$0x0], $0xffff  }
0x4ce: {  	v27 =	vadd.f32 v27, v19;
	v16 =	vld.idx.msk [tilespmem:v16+s8+$0x0], $0xffff  }
0x4cf: {  	v26 =	vadd.f32 v26, v7;
	v33 =	vld.idx.msk [tilespmem:v30+s12+$0x0], $0xffff  }
0x4d0: {  	v28 =	vand.u32 $0x7FFFFFFF, v28;
	v22 =	vadd.f32 v25, v22;
	v13 =	vsub.f32 v27, v13;
	v27 =	vld.idx.msk [tilespmem:v30+s9+$0x0], $0xffff  }
0x4d1: {  	v19 =	vand.u32 $0x7FFFFFFF, v19;
	v18 =	vadd.f32 v29, v18;
	v9 =	vadd.f32 v28, v9;
	v25 =	vld.idx.msk [tilespmem:v30+s8+$0x0], $0xffff  }
0x4d2: {  	v14 =	vand.u32 $0x7FFFFFFF, v14;
	v15 =	vadd.f32 v19, v15;
	v12 =	vsub.f32 v26, v12;
	v62 =	vld.idx.msk [tilespmem:v30+s11+$0x0], $0xffff  }
0x4d3: {  	s16 =	simm.s32 $0x0;
	v14 =	vadd.f32 v14, v23;
	v19 =	vld.idx.msk [tilespmem:v30+s10+$0x0], $0xffff;
	v63 =	vadd.f32 v31, v16  }
0x4d4: {  	v34 =	vmov s16;
	v12 =	vand.u32 $0x7FFFFFFF, v12;
	v26 =	vadd.f32 v8, v32;
	v23 =	vld.idx.msk [tilespmem:v30+s13+$0x0], $0xffff  }
0x4d5: {  	v13 =	vand.u32 $0x7FFFFFFF, v13;
	v9 =	vadd.f32 v12, v9;
	v12 =	vsub.f32 v63, v11  }
0x4d6: {  	v29 =	vand.u32 $0x3F, v34;
	v13 =	vadd.f32 v13, v14;
	v14 =	vadd.f32 v27, v25  }
0x4d7: {  	v26 =	vsub.f32 v26, v10;
	v12 =	vand.u32 $0x7FFFFFFF, v12;
	v35 =	vadd.f32 v33, v62  }
0x4d8: {  	v9 =	vadd.f32 v12, v9;
	v12 =	vsub.f32 v14, v19;
	v14 =	vbroadcast v29, $0x0  }
0x4d9: {  	v7 =	vand.u32 $0x7FFFFFFF, v7;
	v26 =	vand.u32 $0x7FFFFFFF, v26;
	v36 =	vsub.f32 v35, v23  }
0x4da: {  	v13 =	vadd.f32 v26, v13;
	v12 =	vand.u32 $0x7FFFFFFF, v12;
	v14 =	vor.u32 v17, v14  }
0x4db: {  	v8 =	vmul.f32 v8, v8;
	v26 =	vand.u32 $0x7FFFFFFF, v36;
	v53 =	vadd.f32 v12, v9  }
0x4dc: {  	v4 =	vadd.f32 v7, v4;
	v7 =	vmul.f32 v31, v31;
	v54 =	vadd.f32 v26, v13  }
0x4dd: {  	s17 =	simm.s32 $0x1;
	v10 =	vand.u32 $0x7FFFFFFF, v10;
	v8 =	vadd.f32 v8, v18;
	v9 =	vand.u32 $0x7FFFFFFF, v11;
	[tilespmem:$0xC460] =	vst v53  }
0x4de: {  	v7 =	vadd.f32 v7, v22;
	v5 =	vadd.f32 v9, v5;
	v9 =	vmov s17;
	[tilespmem:$0xC660] =	vst v54  }
0x4df: {  	v6 =	vadd.f32 v10, v6;
	v10 =	vand.u32 $0x7FFFFFFF, v32;
	v9 =	vand.u32 $0x3F, v9;
	v13 =	vld.idx.msk [tilespmem:v14+s13+$0x0], $0xffff  }
0x4e0: {  	v10 =	vadd.f32 v10, v15;
	v18 =	vmul.f32 v33, v33;
	v9 =	vbroadcast v9, $0x0;
	v15 =	vld.idx.msk [tilespmem:v14+s10+$0x0], $0xffff  }
0x4e1: {  	v11 =	vand.u32 $0x7FFFFFFF, v16;
	v12 =	vand.u32 $0x7FFFFFFF, v23;
	v16 =	vand.u32 $0x7FFFFFFF, v19;
	v23 =	vld.idx.msk [tilespmem:v14+s9+$0x0], $0xffff  }
0x4e2: {  	v6 =	vadd.f32 v12, v6;
	v12 =	vand.u32 $0x7FFFFFFF, v25;
	v25 =	vld.idx.msk [tilespmem:v14+s8+$0x0], $0xffff;
	v22 =	vor.u32 v17, v9  }
0x4e3: {  	v4 =	vadd.f32 v11, v4;
	s17 =	simm.s32 $0x2;
	v11 =	vand.u32 $0x7FFFFFFF, v62;
	v19 =	vld.idx.msk [tilespmem:v14+s12+$0x0], $0xffff;
	v9 =	vmul.f32 v27, v27  }
0x4e4: {  	v8 =	vadd.f32 v18, v8;
	v10 =	vadd.f32 v11, v10;
	v26 =	vld.idx.msk [tilespmem:v14+s11+$0x0], $0xffff;
	v14 =	vmov s17  }
0x4e5: {  	v5 =	vadd.f32 v16, v5;
	v7 =	vadd.f32 v9, v7;
	v9 =	vand.u32 $0x3F, v14  }
0x4e6: {  	v4 =	vadd.f32 v12, v4;
	v14 =	vbroadcast v9, $0x0;
	v11 =	vand.u32 $0x7FFFFFFF, v15  }
0x4e7: {  	v16 =	vand.u32 $0x7FFFFFFF, v13;
	v37 =	vmul.f32 v23, v23;
	v23 =	vadd.f32 v23, v25;
	v12 =	vld.idx.msk [tilespmem:v22+s13+$0x0], $0xffff  }
0x4e8: {  	v27 =	vadd.f32 v11, v5;
	v11 =	vld.idx.msk [tilespmem:v22+s10+$0x0], $0xffff;
	v5 =	vmul.f32 v19, v19;
	v14 =	vor.u32 v17, v14  }
0x4e9: {  	s17 =	simm.s32 $0x3;
	v9 =	vimm.f32 $0.0e+00;
	v19 =	vadd.f32 v19, v26;
	v55 =	vadd.f32 v16, v6;
	v16 =	vld.idx.msk [tilespmem:v22+s9+$0x0], $0xffff  }
0x4ea: {  	v18 =	vld.idx.msk [tilespmem:v22+s12+$0x0], $0xffff;
	v6 =	vadd.f32 v37, v7;
	v7 =	vmov s17;
	v5 =	vadd.f32 v5, v8  }
0x4eb: {  	v60 =	vld.idx.msk [tilespmem:v22+s11+$0x0], $0xffff;
	v13 =	vsub.f32 v19, v13;
	v8 =	vand.u32 $0x7FFFFFFF, v26;
	v19 =	vand.u32 $0x7FFFFFFF, v25  }
0x4ec: {  	v58 =	vld.idx.msk [tilespmem:v22+s8+$0x0], $0xffff;
	v8 =	vadd.f32 v8, v10;
	v10 =	vand.u32 $0x3F, v7;
	v7 =	vadd.f32 v19, v4  }
0x4ed: {  	v19 =	vsub.f32 v23, v15;
	v15 =	vimm.f32 $0.0e+00;
	v22 =	vbroadcast v10, $0x0;
	v62 =	vld.idx.msk [tilespmem:v14+s13+$0x0], $0xffff  }
0x4ee: {  	v25 =	vand.u32 $0x7FFFFFFF, v12;
	v26 =	vand.u32 $0x7FFFFFFF, v11;
	v63 =	vld.idx.msk [tilespmem:v14+s10+$0x0], $0xffff;
	v4 =	vmul.f32 v16, v16  }
0x4ef: {  	s16 =	simm.s32 $0x4;
	v61 =	vld.idx.msk [tilespmem:v14+s12+$0x0], $0xffff;
	v10 =	vmul.f32 v18, v18;
	v57 =	vadd.f32 v26, v27;
	v59 =	vadd.f32 v25, v55  }
.LBB2_48:
0x4f0: {  	p0 =	sne.s32 s16, $0x3F;
	v23 =	vor.u32 v17, v22;
	v25 =	vld.idx.msk [tilespmem:v14+s9+$0x0], $0xffff;
	v18 =	vadd.f32 v18, v60;
	v19 =	vand.u32 $0x7FFFFFFF, v19;
	v22 =	vmovc v60;
	s17 =	smov.u32 s16;
	s16 =	sadd.s32 $0x1, s16  }
0x4f1: {  	v16 =	vadd.f32 v16, v58;
	v26 =	vmovc v58;
	v60 =	vld.idx.msk [tilespmem:v14+s11+$0x0], $0xffff;
	v5 =	vadd.f32 v10, v5;
	v10 =	vand.u32 $0x7FFFFFFF, v13  }
0x4f2: {  	v22 =	vand.u32 $0x7FFFFFFF, v22;
	v9 =	vadd.f32 v19, v9;
	v58 =	vld.idx.msk [tilespmem:v14+s8+$0x0], $0xffff;
	v13 =	vsub.f32 v18, v12;
	v14 =	vmovc v23  }
.Ltmp23:
0x4f3: {  	v6 =	vadd.f32 v4, v6;
	v27 =	vand.u32 $0x7FFFFFFF, v26;
	v8 =	vadd.f32 v22, v8;
	v12 =	vmovc v62;
	v19 =	vmovc v11;
	(pc) =	sbr.rel @p0 .LBB2_48-.Ltmp23, $4  }
0x4f4: {  	v4 =	vmov s17;
	v15 =	vadd.f32 v10, v15;
	v26 =	vand.u32 $0x7FFFFFFF, v12;
	v11 =	vmovc v63  }
0x4f5: {  	v4 =	vand.u32 $0x3F, v4;
	v7 =	vadd.f32 v27, v7;
	v10 =	vand.u32 $0x7FFFFFFF, v11;
	v18 =	vmovc v61;
	v62 =	vld.idx.msk [tilespmem:v23+s13+$0x0], $0xffff  }
0x4f6: {  	v22 =	vbroadcast v4, $0x0;
	v19 =	vsub.f32 v16, v19;
	v4 =	vmul.f32 v25, v25;
	v16 =	vmovc v25;
	v63 =	vld.idx.msk [tilespmem:v23+s10+$0x0], $0xffff  }
0x4f7: {  	v59 =	vadd.f32 v26, v59;
	v57 =	vadd.f32 v10, v57;
	v10 =	vmul.f32 v61, v18;
	v61 =	vld.idx.msk [tilespmem:v23+s12+$0x0], $0xffff  }
0x4f8: {  	_ =	sdelay $0x1  }
0x4f9: {  	v22 =	vor.u32 v17, v22;
	_ =	sdelay $0x1  }
0x4fa: {  	v23 =	vld.idx.msk [tilespmem:v14+s9+$0x0], $0xffff  }
0x4fb: {  	v25 =	vld.idx.msk [tilespmem:v14+s11+$0x0], $0xffff  }
0x4fc: {  	v14 =	vld.idx.msk [tilespmem:v14+s8+$0x0], $0xffff  }
0x4fd: {  	v26 =	vld.idx.msk [tilespmem:v22+s12+$0x0], $0xffff  }
0x4fe: {  	v18 =	vadd.f32 v18, v60;
	v27 =	vld.idx.msk [tilespmem:v22+s9+$0x0], $0xffff  }
0x4ff: {  	v28 =	vld.idx.msk [tilespmem:v22+s8+$0x0], $0xffff  }
0x500: {  	v19 =	vand.u32 $0x7FFFFFFF, v19;
	v16 =	vadd.f32 v16, v58;
	v12 =	vsub.f32 v18, v12;
	v18 =	vld.idx.msk [tilespmem:v22+s11+$0x0], $0xffff  }
0x501: {  	v9 =	vadd.f32 v19, v9;
	v19 =	vld.idx.msk [tilespmem:v22+s10+$0x0], $0xffff;
	v29 =	vadd.f32 v61, v25  }
0x502: {  	v13 =	vand.u32 $0x7FFFFFFF, v13;
	v11 =	vsub.f32 v16, v11;
	v22 =	vld.idx.msk [tilespmem:v22+s13+$0x0], $0xffff;
	v16 =	vadd.f32 v23, v14  }
0x503: {  	v13 =	vadd.f32 v13, v15;
	v15 =	vsub.f32 v29, v62  }
0x504: {  	v11 =	vand.u32 $0x7FFFFFFF, v11;
	v16 =	vsub.f32 v16, v63;
	v29 =	vadd.f32 v27, v28  }
0x505: {  	v12 =	vand.u32 $0x7FFFFFFF, v12;
	v9 =	vadd.f32 v11, v9;
	v11 =	vadd.f32 v26, v18  }
0x506: {  	v12 =	vadd.f32 v12, v13;
	v13 =	vand.u32 $0x7FFFFFFF, v16;
	v16 =	vsub.f32 v29, v19  }
0x507: {  	v9 =	vadd.f32 v13, v9;
	v13 =	vand.u32 $0x7FFFFFFF, v15;
	v11 =	vsub.f32 v11, v22  }
0x508: {  	v12 =	vadd.f32 v13, v12;
	v13 =	vand.u32 $0x7FFFFFFF, v16  }
0x509: {  	v55 =	vadd.f32 v13, v9;
	v9 =	vand.u32 $0x7FFFFFFF, v11  }
0x50a: {  	v56 =	vadd.f32 v9, v12  }
0x50b: {  	[tilespmem:$0xC470] =	vst v55  }
0x50c: {  	s16 =	simm.s32 $0x0;
	s17 =	rddreg [dreg:$0x18];
	[tilespmem:$0xC670] =	vst v56  }
0x50d: {  	[tilespmem:s16], [sflag:$0x2] =	stream.linear.gather [hbm4b:s17+s16], $0x80, $0x38;
	[tilespmem:$0xC780] =	vst v63  }
0x50e: {  	_ =	swait.ge [sflag:s2], $0x80  }
0x50f: {  	[sflag:s2] =	ssyncset.done $0x0  }
0x510: {  	s17 =	rddreg [dreg:$0x19];
	[sflag:s2] =	ssyncadd.s32 $0xFFFFFF80  }
0x511: {  	[tilespmem:s3], [sflag:$0x2] =	stream.linear.gather [hbm4b:s17+s16], $0x80, $0x38;
	[tilespmem:$0xC780] =	vst v63  }
0x512: {  	_ =	swait.ge [sflag:s2], $0x80  }
0x513: {  	[sflag:s2] =	ssyncset.done $0x0  }
0x514: {  	[sflag:s2] =	ssyncadd.s32 $0xFFFFFF80  }
0x515: {  	[tilespmem:s4], [sflag:$0x2] =	stream.linear.gather [hbm4b:s19+s16], $0x80, $0x38;
	[tilespmem:$0xC780] =	vst v63  }
0x516: {  	_ =	swait.ge [sflag:s2], $0x80  }
0x517: {  	[sflag:s2] =	ssyncset.done $0x0  }
0x518: {  	[sflag:s2] =	ssyncadd.s32 $0xFFFFFF80  }
0x519: {  	[tilespmem:s5], [sflag:$0x2] =	stream.linear.gather [hbm4b:s21+s16], $0x80, $0x38;
	[tilespmem:$0xC780] =	vst v63  }
0x51a: {  	_ =	swait.ge [sflag:s2], $0x80  }
0x51b: {  	[sflag:s2] =	ssyncset.done $0x0  }
0x51c: {  	[sflag:s2] =	ssyncadd.s32 $0xFFFFFF80  }
0x51d: {  	[tilespmem:s6], [sflag:$0x2] =	stream.linear.gather [hbm4b:s24+s16], $0x80, $0x38;
	[tilespmem:$0xC780] =	vst v63  }
0x51e: {  	_ =	swait.ge [sflag:s2], $0x80  }
0x51f: {  	[sflag:s2] =	ssyncset.done $0x0  }
0x520: {  	[sflag:s2] =	ssyncadd.s32 $0xFFFFFF80  }
0x521: {  	[tilespmem:s7], [sflag:$0x2] =	stream.linear.gather [hbm4b:s25+s16], $0x80, $0x38;
	[tilespmem:$0xC780] =	vst v63  }
0x522: {  	_ =	swait.ge [sflag:s2], $0x80  }
0x523: {  	[sflag:s2] =	ssyncset.done $0x0  }
0x524: {  	[sflag:s2] =	ssyncadd.s32 $0xFFFFFF80  }
0x525: {  	[tilespmem:s8], [sflag:$0x1] =	stream.indirect.gather [hbm4b:s30+s3], $0x40, s16, s3, $0xb8;
	[tilespmem:$0xC780] =	vst v63  }
0x526: {  	_ = 	snop  }
0x527: {  	[tilespmem:s9], [sflag:$0x1] =	stream.indirect.gather [hbm4b:s31+s3], $0x40, s3, s3, $0xb8;
	[tilespmem:$0xC780] =	vst v63  }
0x528: {  	_ = 	snop  }
0x529: {  	[tilespmem:s10], [sflag:$0x1] =	stream.indirect.gather [hbm4b:s30+s3], $0x40, s4, s3, $0xb8;
	[tilespmem:$0xC780] =	vst v63  }
0x52a: {  	_ = 	snop  }
0x52b: {  	[tilespmem:s11], [sflag:$0x1] =	stream.indirect.gather [hbm4b:s30+s3], $0x40, s5, s3, $0xb8;
	[tilespmem:$0xC780] =	vst v63  }
0x52c: {  	_ = 	snop  }
0x52d: {  	[tilespmem:s12], [sflag:$0x1] =	stream.indirect.gather [hbm4b:s31+s3], $0x40, s6, s3, $0xb8;
	[tilespmem:$0xC780] =	vst v63  }
0x52e: {  	_ = 	snop  }
0x52f: {  	[tilespmem:s13], [sflag:$0x1] =	stream.indirect.gather [hbm4b:s30+s3], $0x40, s7, s3, $0xb8;
	[tilespmem:$0xC780] =	vst v63  }
0x530: {  	_ =	swait.ge [sflag:s14], $0x2000  }
0x531: {  	[sflag:s14] =	ssyncset.done $0x0  }
0x532: {  	[sflag:s14] =	ssyncadd.s32 $0xFFFFE000  }
0x533: {  	_ =	swait.ge [sflag:s14], $0x2000  }
0x534: {  	[sflag:s14] =	ssyncset.done $0x0  }
0x535: {  	[sflag:s14] =	ssyncadd.s32 $0xFFFFE000  }
0x536: {  	_ =	swait.ge [sflag:s14], $0x2000  }
0x537: {  	[sflag:s14] =	ssyncset.done $0x0  }
0x538: {  	[sflag:s14] =	ssyncadd.s32 $0xFFFFE000  }
0x539: {  	v9 =	vmov s16;
	_ =	swait.ge [sflag:s14], $0x2000  }
0x53a: {  	v9 =	vand.u32 $0x3F, v9;
	[sflag:s14] =	ssyncset.done $0x0  }
0x53b: {  	v9 =	vbroadcast v9, $0x0;
	[sflag:s14] =	ssyncadd.s32 $0xFFFFE000  }
0x53c: {  	v5 =	vadd.f32 v10, v5;
	_ =	swait.ge [sflag:s14], $0x2000  }
0x53d: {  	v11 =	vand.u32 $0x7FFFFFFF, v58;
	v12 =	vmul.f32 v61, v61;
	v9 =	vor.u32 v0, v9;
	[sflag:s14] =	ssyncset.done $0x0  }
0x53e: {  	v4 =	vadd.f32 v4, v6;
	v10 =	vand.u32 $0x7FFFFFFF, v60;
	v7 =	vadd.f32 v11, v7;
	s17 =	simm.s32 $0x1;
	[sflag:s14] =	ssyncadd.s32 $0xFFFFE000  }
0x53f: {  	v11 =	vmul.f32 v23, v23;
	v5 =	vadd.f32 v12, v5;
	v12 =	vmov s17;
	_ =	swait.ge [sflag:s14], $0x2000  }
0x540: {  	v6 =	vadd.f32 v10, v8;
	v8 =	vand.u32 $0x7FFFFFFF, v62;
	v12 =	vand.u32 $0x3F, v12;
	[sflag:s14] =	ssyncset.done $0x0  }
0x541: {  	v10 =	vand.u32 $0x7FFFFFFF, v63;
	v4 =	vadd.f32 v11, v4;
	v11 =	vbroadcast v12, $0x0;
	[sflag:s14] =	ssyncadd.s32 $0xFFFFE000  }
0x542: {  	v8 =	vadd.f32 v8, v59;
	v10 =	vadd.f32 v10, v57;
	v15 =	vld.idx.msk [tilespmem:v9+s13+$0x0], $0xffff  }
0x543: {  	v14 =	vand.u32 $0x7FFFFFFF, v14;
	v13 =	vand.u32 $0x7FFFFFFF, v25;
	v11 =	vor.u32 v0, v11;
	v23 =	vld.idx.msk [tilespmem:v9+s10+$0x0], $0xffff  }
0x544: {  	v16 =	vmul.f32 v26, v26;
	v6 =	vadd.f32 v13, v6;
	v13 =	vand.u32 $0x7FFFFFFF, v19;
	v19 =	vld.idx.msk [tilespmem:v9+s12+$0x0], $0xffff  }
0x545: {  	v10 =	vadd.f32 v13, v10;
	v7 =	vadd.f32 v14, v7;
	v14 =	vld.idx.msk [tilespmem:v9+s9+$0x0], $0xffff  }
0x546: {  	v13 =	vmul.f32 v27, v27;
	v5 =	vadd.f32 v16, v5;
	s17 =	simm.s32 $0x2;
	v12 =	vand.u32 $0x7FFFFFFF, v22;
	v22 =	vld.idx.msk [tilespmem:v9+s11+$0x0], $0xffff  }
0x547: {  	v8 =	vadd.f32 v12, v8;
	v12 =	vand.u32 $0x7FFFFFFF, v18;
	v25 =	vld.idx.msk [tilespmem:v9+s8+$0x0], $0xffff;
	v9 =	vmov s17  }
0x548: {  	v16 =	vand.u32 $0x7FFFFFFF, v28;
	v6 =	vadd.f32 v12, v6;
	v12 =	vld.idx.msk [tilespmem:v11+s10+$0x0], $0xffff;
	v9 =	vand.u32 $0x3F, v9  }
0x549: {  	v28 =	vadd.f32 v16, v7;
	v16 =	vbroadcast v9, $0x0  }
0x54a: {  	v4 =	vadd.f32 v13, v4;
	v9 =	vimm.f32 $0.0e+00  }
0x54b: {  	v13 =	vld.idx.msk [tilespmem:v11+s13+$0x0], $0xffff;
	v16 =	vor.u32 v0, v16;
	v7 =	vand.u32 $0x7FFFFFFF, v23;
	v18 =	vand.u32 $0x7FFFFFFF, v15  }
0x54c: {  	v26 =	vld.idx.msk [tilespmem:v11+s9+$0x0], $0xffff;
	v30 =	vmul.f32 v14, v14;
	v29 =	vadd.f32 v7, v10;
	v7 =	vmul.f32 v19, v19  }
0x54d: {  	v32 =	vand.u32 $0x7FFFFFFF, v12;
	v10 =	vadd.f32 v19, v22;
	v31 =	vadd.f32 v18, v8  }
0x54e: {  	v27 =	vld.idx.msk [tilespmem:v11+s12+$0x0], $0xffff;
	v8 =	vadd.f32 v14, v25;
	v25 =	vand.u32 $0x7FFFFFFF, v25;
	v18 =	vadd.f32 v7, v5  }
0x54f: {  	s17 =	simm.s32 $0x3;
	v19 =	vld.idx.msk [tilespmem:v11+s11+$0x0], $0xffff;
	v14 =	vsub.f32 v10, v15;
	v5 =	vand.u32 $0x7FFFFFFF, v22;
	v22 =	vadd.f32 v30, v4  }
0x550: {  	v4 =	vmov s17;
	v7 =	vld.idx.msk [tilespmem:v11+s8+$0x0], $0xffff;
	v15 =	vadd.f32 v5, v6;
	v6 =	vand.u32 $0x7FFFFFFF, v13  }
0x551: {  	v5 =	vand.u32 $0x3F, v4;
	v10 =	vld.idx.msk [tilespmem:v16+s13+$0x0], $0xffff;
	v4 =	vadd.f32 v25, v28;
	v25 =	vmul.f32 v26, v26  }
0x552: {  	v11 =	vld.idx.msk [tilespmem:v16+s10+$0x0], $0xffff;
	v28 =	vsub.f32 v8, v23;
	v23 =	vimm.f32 $0.0e+00;
	v30 =	vbroadcast v5, $0x0  }
0x553: {  	s16 =	simm.s32 $0x4;
	v8 =	vld.idx.msk [tilespmem:v16+s12+$0x0], $0xffff;
	v5 =	vadd.f32 v32, v29;
	v29 =	vmul.f32 v27, v27;
	v6 =	vadd.f32 v6, v31  }
.LBB2_50:
0x554: {  	p0 =	sne.s32 s16, $0x3F;
	v31 =	vor.u32 v0, v30;
	v32 =	vld.idx.msk [tilespmem:v16+s9+$0x0], $0xffff;
	v27 =	vadd.f32 v27, v19;
	v28 =	vand.u32 $0x7FFFFFFF, v28;
	v30 =	vmovc v19;
	s17 =	smov.u32 s16;
	s16 =	sadd.s32 $0x1, s16  }
0x555: {  	v26 =	vadd.f32 v26, v7;
	v33 =	vmovc v7;
	v19 =	vld.idx.msk [tilespmem:v16+s11+$0x0], $0xffff;
	v18 =	vadd.f32 v29, v18;
	v29 =	vand.u32 $0x7FFFFFFF, v14  }
0x556: {  	v30 =	vand.u32 $0x7FFFFFFF, v30;
	v9 =	vadd.f32 v28, v9;
	v7 =	vld.idx.msk [tilespmem:v16+s8+$0x0], $0xffff;
	v14 =	vsub.f32 v27, v13;
	v16 =	vmovc v31  }
.Ltmp24:
0x557: {  	v22 =	vadd.f32 v25, v22;
	v34 =	vand.u32 $0x7FFFFFFF, v33;
	v15 =	vadd.f32 v30, v15;
	v13 =	vmovc v10;
	v28 =	vmovc v12;
	(pc) =	sbr.rel @p0 .LBB2_50-.Ltmp24, $4  }
0x558: {  	v10 =	vmov s17;
	v23 =	vadd.f32 v29, v23;
	v33 =	vand.u32 $0x7FFFFFFF, v13;
	v12 =	vmovc v11  }
0x559: {  	v4 =	vadd.f32 v34, v4;
	v11 =	vand.u32 $0x3F, v10;
	v29 =	vand.u32 $0x7FFFFFFF, v12;
	v27 =	vmovc v8;
	v10 =	vld.idx.msk [tilespmem:v31+s13+$0x0], $0xffff  }
0x55a: {  	v30 =	vbroadcast v11, $0x0;
	v28 =	vsub.f32 v26, v28;
	v25 =	vmul.f32 v32, v32;
	v26 =	vmovc v32;
	v11 =	vld.idx.msk [tilespmem:v31+s10+$0x0], $0xffff  }
0x55b: {  	v6 =	vadd.f32 v33, v6;
	v5 =	vadd.f32 v29, v5;
	v29 =	vmul.f32 v8, v27;
	v8 =	vld.idx.msk [tilespmem:v31+s12+$0x0], $0xffff  }
0x55c: {  	_ =	sdelay $0x1  }
0x55d: {  	v30 =	vor.u32 v0, v30;
	_ =	sdelay $0x1  }
0x55e: {  	v31 =	vld.idx.msk [tilespmem:v16+s9+$0x0], $0xffff  }
0x55f: {  	v32 =	vld.idx.msk [tilespmem:v16+s11+$0x0], $0xffff  }
0x560: {  	v27 =	vadd.f32 v27, v19;
	v16 =	vld.idx.msk [tilespmem:v16+s8+$0x0], $0xffff  }
0x561: {  	v26 =	vadd.f32 v26, v7;
	v33 =	vld.idx.msk [tilespmem:v30+s12+$0x0], $0xffff  }
0x562: {  	v28 =	vand.u32 $0x7FFFFFFF, v28;
	v22 =	vadd.f32 v25, v22;
	v13 =	vsub.f32 v27, v13;
	v27 =	vld.idx.msk [tilespmem:v30+s9+$0x0], $0xffff  }
0x563: {  	v19 =	vand.u32 $0x7FFFFFFF, v19;
	v18 =	vadd.f32 v29, v18;
	v12 =	vsub.f32 v26, v12;
	v25 =	vld.idx.msk [tilespmem:v30+s8+$0x0], $0xffff  }
0x564: {  	v14 =	vand.u32 $0x7FFFFFFF, v14;
	v9 =	vadd.f32 v28, v9;
	v15 =	vadd.f32 v19, v15;
	v28 =	vld.idx.msk [tilespmem:v30+s11+$0x0], $0xffff  }
0x565: {  	v14 =	vadd.f32 v14, v23;
	v12 =	vand.u32 $0x7FFFFFFF, v12;
	v19 =	vld.idx.msk [tilespmem:v30+s10+$0x0], $0xffff;
	v29 =	vadd.f32 v31, v16  }
0x566: {  	v13 =	vand.u32 $0x7FFFFFFF, v13;
	v26 =	vadd.f32 v8, v32;
	v23 =	vld.idx.msk [tilespmem:v30+s13+$0x0], $0xffff;
	v9 =	vadd.f32 v12, v9  }
0x567: {  	s16 =	simm.s32 $0x0;
	v7 =	vand.u32 $0x7FFFFFFF, v7;
	v13 =	vadd.f32 v13, v14;
	v12 =	vsub.f32 v29, v11  }
0x568: {  	v26 =	vsub.f32 v26, v10;
	v29 =	vmov s16;
	v14 =	vadd.f32 v27, v25  }
0x569: {  	v29 =	vand.u32 $0x3F, v29;
	v12 =	vand.u32 $0x7FFFFFFF, v12;
	v30 =	vadd.f32 v33, v28  }
0x56a: {  	v9 =	vadd.f32 v12, v9;
	v12 =	vsub.f32 v14, v19;
	v14 =	vbroadcast v29, $0x0  }
0x56b: {  	v4 =	vadd.f32 v7, v4;
	v26 =	vand.u32 $0x7FFFFFFF, v26;
	v29 =	vsub.f32 v30, v23  }
0x56c: {  	v13 =	vadd.f32 v26, v13;
	v12 =	vand.u32 $0x7FFFFFFF, v12;
	v14 =	vor.u32 v1, v14  }
0x56d: {  	v8 =	vmul.f32 v8, v8;
	v26 =	vand.u32 $0x7FFFFFFF, v29;
	v57 =	vadd.f32 v12, v9  }
0x56e: {  	v7 =	vmul.f32 v31, v31;
	v10 =	vand.u32 $0x7FFFFFFF, v10;
	v58 =	vadd.f32 v26, v13  }
0x56f: {  	s17 =	simm.s32 $0x1;
	v8 =	vadd.f32 v8, v18;
	v6 =	vadd.f32 v10, v6;
	v9 =	vand.u32 $0x7FFFFFFF, v11;
	[tilespmem:$0xC480] =	vst v57  }
0x570: {  	v10 =	vand.u32 $0x7FFFFFFF, v32;
	v5 =	vadd.f32 v9, v5;
	v9 =	vmov s17;
	[tilespmem:$0xC680] =	vst v58  }
0x571: {  	v10 =	vadd.f32 v10, v15;
	v15 =	vmul.f32 v33, v33;
	v9 =	vand.u32 $0x3F, v9;
	v29 =	vld.idx.msk [tilespmem:v14+s13+$0x0], $0xffff  }
0x572: {  	v7 =	vadd.f32 v7, v22;
	v9 =	vbroadcast v9, $0x0;
	v31 =	vld.idx.msk [tilespmem:v14+s10+$0x0], $0xffff  }
0x573: {  	v8 =	vadd.f32 v15, v8;
	v11 =	vand.u32 $0x7FFFFFFF, v16;
	v12 =	vand.u32 $0x7FFFFFFF, v23;
	v18 =	vld.idx.msk [tilespmem:v14+s12+$0x0], $0xffff  }
0x574: {  	v13 =	vand.u32 $0x7FFFFFFF, v19;
	v4 =	vadd.f32 v11, v4;
	v19 =	vld.idx.msk [tilespmem:v14+s9+$0x0], $0xffff;
	v11 =	vor.u32 v1, v9  }
0x575: {  	v6 =	vadd.f32 v12, v6;
	s17 =	simm.s32 $0x2;
	v12 =	vand.u32 $0x7FFFFFFF, v28;
	v15 =	vld.idx.msk [tilespmem:v14+s11+$0x0], $0xffff;
	v9 =	vmul.f32 v27, v27  }
0x576: {  	v10 =	vadd.f32 v12, v10;
	v5 =	vadd.f32 v13, v5;
	v22 =	vld.idx.msk [tilespmem:v14+s8+$0x0], $0xffff;
	v14 =	vmov s17  }
0x577: {  	v13 =	vand.u32 $0x7FFFFFFF, v25;
	v7 =	vadd.f32 v9, v7;
	v9 =	vand.u32 $0x3F, v14  }
0x578: {  	v4 =	vadd.f32 v13, v4;
	v14 =	vbroadcast v9, $0x0;
	v9 =	vimm.f32 $0.0e+00  }
0x579: {  	v12 =	vand.u32 $0x7FFFFFFF, v31;
	v23 =	vand.u32 $0x7FFFFFFF, v29;
	v25 =	vmul.f32 v18, v18;
	v13 =	vld.idx.msk [tilespmem:v11+s13+$0x0], $0xffff  }
0x57a: {  	v5 =	vadd.f32 v12, v5;
	v12 =	vld.idx.msk [tilespmem:v11+s10+$0x0], $0xffff;
	v16 =	vor.u32 v1, v14;
	v14 =	vadd.f32 v18, v15  }
0x57b: {  	v28 =	vmul.f32 v19, v19;
	v6 =	vadd.f32 v23, v6;
	v26 =	vld.idx.msk [tilespmem:v11+s9+$0x0], $0xffff;
	v23 =	vadd.f32 v19, v22  }
0x57c: {  	s17 =	simm.s32 $0x3;
	v27 =	vld.idx.msk [tilespmem:v11+s12+$0x0], $0xffff;
	v18 =	vadd.f32 v25, v8;
	v8 =	vand.u32 $0x7FFFFFFF, v15;
	v25 =	vand.u32 $0x7FFFFFFF, v22  }
0x57d: {  	v19 =	vld.idx.msk [tilespmem:v11+s11+$0x0], $0xffff;
	v22 =	vadd.f32 v28, v7;
	v28 =	vmov s17;
	v14 =	vsub.f32 v14, v29  }
0x57e: {  	v7 =	vld.idx.msk [tilespmem:v11+s8+$0x0], $0xffff;
	v15 =	vadd.f32 v8, v10;
	v8 =	vand.u32 $0x3F, v28;
	v4 =	vadd.f32 v25, v4  }
0x57f: {  	v28 =	vsub.f32 v23, v31;
	v23 =	vimm.f32 $0.0e+00;
	v30 =	vbroadcast v8, $0x0;
	v10 =	vld.idx.msk [tilespmem:v16+s13+$0x0], $0xffff  }
0x580: {  	v63 =	vand.u32 $0x7FFFFFFF, v13;
	v29 =	vand.u32 $0x7FFFFFFF, v12;
	v11 =	vld.idx.msk [tilespmem:v16+s10+$0x0], $0xffff;
	v25 =	vmul.f32 v26, v26  }
0x581: {  	s16 =	simm.s32 $0x4;
	v8 =	vld.idx.msk [tilespmem:v16+s12+$0x0], $0xffff;
	v5 =	vadd.f32 v29, v5;
	v29 =	vmul.f32 v27, v27;
	v6 =	vadd.f32 v63, v6  }
.LBB2_52:
0x582: {  	p0 =	sne.s32 s16, $0x3F;
	v31 =	vor.u32 v1, v30;
	v32 =	vld.idx.msk [tilespmem:v16+s9+$0x0], $0xffff;
	v27 =	vadd.f32 v27, v19;
	v28 =	vand.u32 $0x7FFFFFFF, v28;
	v30 =	vmovc v19;
	s17 =	smov.u32 s16;
	s16 =	sadd.s32 $0x1, s16  }
0x583: {  	v26 =	vadd.f32 v26, v7;
	v33 =	vmovc v7;
	v19 =	vld.idx.msk [tilespmem:v16+s11+$0x0], $0xffff;
	v18 =	vadd.f32 v29, v18;
	v29 =	vand.u32 $0x7FFFFFFF, v14  }
0x584: {  	v30 =	vand.u32 $0x7FFFFFFF, v30;
	v9 =	vadd.f32 v28, v9;
	v7 =	vld.idx.msk [tilespmem:v16+s8+$0x0], $0xffff;
	v14 =	vsub.f32 v27, v13;
	v16 =	vmovc v31  }
.Ltmp25:
0x585: {  	v22 =	vadd.f32 v25, v22;
	v34 =	vand.u32 $0x7FFFFFFF, v33;
	v15 =	vadd.f32 v30, v15;
	v13 =	vmovc v10;
	v28 =	vmovc v12;
	(pc) =	sbr.rel @p0 .LBB2_52-.Ltmp25, $4  }
0x586: {  	v10 =	vmov s17;
	v23 =	vadd.f32 v29, v23;
	v33 =	vand.u32 $0x7FFFFFFF, v13;
	v12 =	vmovc v11  }
0x587: {  	v4 =	vadd.f32 v34, v4;
	v11 =	vand.u32 $0x3F, v10;
	v29 =	vand.u32 $0x7FFFFFFF, v12;
	v27 =	vmovc v8;
	v10 =	vld.idx.msk [tilespmem:v31+s13+$0x0], $0xffff  }
0x588: {  	v30 =	vbroadcast v11, $0x0;
	v28 =	vsub.f32 v26, v28;
	v25 =	vmul.f32 v32, v32;
	v26 =	vmovc v32;
	v11 =	vld.idx.msk [tilespmem:v31+s10+$0x0], $0xffff  }
0x589: {  	v6 =	vadd.f32 v33, v6;
	v5 =	vadd.f32 v29, v5;
	v29 =	vmul.f32 v8, v27;
	v8 =	vld.idx.msk [tilespmem:v31+s12+$0x0], $0xffff  }
0x58a: {  	_ =	sdelay $0x1  }
0x58b: {  	v30 =	vor.u32 v1, v30;
	_ =	sdelay $0x1  }
0x58c: {  	v31 =	vld.idx.msk [tilespmem:v16+s9+$0x0], $0xffff  }
0x58d: {  	v32 =	vld.idx.msk [tilespmem:v16+s11+$0x0], $0xffff  }
0x58e: {  	v27 =	vadd.f32 v27, v19;
	v16 =	vld.idx.msk [tilespmem:v16+s8+$0x0], $0xffff  }
0x58f: {  	v26 =	vadd.f32 v26, v7;
	v33 =	vld.idx.msk [tilespmem:v30+s12+$0x0], $0xffff  }
0x590: {  	v28 =	vand.u32 $0x7FFFFFFF, v28;
	v22 =	vadd.f32 v25, v22;
	v13 =	vsub.f32 v27, v13;
	v27 =	vld.idx.msk [tilespmem:v30+s9+$0x0], $0xffff  }
0x591: {  	v19 =	vand.u32 $0x7FFFFFFF, v19;
	v18 =	vadd.f32 v29, v18;
	v12 =	vsub.f32 v26, v12;
	v25 =	vld.idx.msk [tilespmem:v30+s8+$0x0], $0xffff  }
0x592: {  	v14 =	vand.u32 $0x7FFFFFFF, v14;
	v9 =	vadd.f32 v28, v9;
	v15 =	vadd.f32 v19, v15;
	v28 =	vld.idx.msk [tilespmem:v30+s11+$0x0], $0xffff  }
0x593: {  	v14 =	vadd.f32 v14, v23;
	v12 =	vand.u32 $0x7FFFFFFF, v12;
	v19 =	vld.idx.msk [tilespmem:v30+s10+$0x0], $0xffff;
	v29 =	vadd.f32 v31, v16  }
0x594: {  	v13 =	vand.u32 $0x7FFFFFFF, v13;
	v26 =	vadd.f32 v8, v32;
	v23 =	vld.idx.msk [tilespmem:v30+s13+$0x0], $0xffff;
	v9 =	vadd.f32 v12, v9  }
0x595: {  	s16 =	simm.s32 $0x0;
	v7 =	vand.u32 $0x7FFFFFFF, v7;
	v13 =	vadd.f32 v13, v14;
	v12 =	vsub.f32 v29, v11  }
0x596: {  	v26 =	vsub.f32 v26, v10;
	v29 =	vmov s16;
	v14 =	vadd.f32 v27, v25  }
0x597: {  	v29 =	vand.u32 $0x3F, v29;
	v12 =	vand.u32 $0x7FFFFFFF, v12;
	v30 =	vadd.f32 v33, v28  }
0x598: {  	v9 =	vadd.f32 v12, v9;
	v12 =	vsub.f32 v14, v19;
	v14 =	vbroadcast v29, $0x0  }
0x599: {  	v4 =	vadd.f32 v7, v4;
	v26 =	vand.u32 $0x7FFFFFFF, v26;
	v29 =	vsub.f32 v30, v23  }
0x59a: {  	v13 =	vadd.f32 v26, v13;
	v12 =	vand.u32 $0x7FFFFFFF, v12;
	v14 =	vor.u32 v2, v14  }
0x59b: {  	v8 =	vmul.f32 v8, v8;
	v26 =	vand.u32 $0x7FFFFFFF, v29;
	v59 =	vadd.f32 v12, v9  }
0x59c: {  	v7 =	vmul.f32 v31, v31;
	v10 =	vand.u32 $0x7FFFFFFF, v10;
	v60 =	vadd.f32 v26, v13  }
0x59d: {  	s17 =	simm.s32 $0x1;
	v8 =	vadd.f32 v8, v18;
	v6 =	vadd.f32 v10, v6;
	v9 =	vand.u32 $0x7FFFFFFF, v11;
	[tilespmem:$0xC490] =	vst v59  }
0x59e: {  	v10 =	vand.u32 $0x7FFFFFFF, v32;
	v5 =	vadd.f32 v9, v5;
	v9 =	vmov s17;
	[tilespmem:$0xC690] =	vst v60  }
0x59f: {  	v10 =	vadd.f32 v10, v15;
	v15 =	vmul.f32 v33, v33;
	v9 =	vand.u32 $0x3F, v9;
	v29 =	vld.idx.msk [tilespmem:v14+s13+$0x0], $0xffff  }
0x5a0: {  	v7 =	vadd.f32 v7, v22;
	v9 =	vbroadcast v9, $0x0;
	v31 =	vld.idx.msk [tilespmem:v14+s10+$0x0], $0xffff  }
0x5a1: {  	v8 =	vadd.f32 v15, v8;
	v11 =	vand.u32 $0x7FFFFFFF, v16;
	v12 =	vand.u32 $0x7FFFFFFF, v23;
	v18 =	vld.idx.msk [tilespmem:v14+s12+$0x0], $0xffff  }
0x5a2: {  	v13 =	vand.u32 $0x7FFFFFFF, v19;
	v4 =	vadd.f32 v11, v4;
	v19 =	vld.idx.msk [tilespmem:v14+s9+$0x0], $0xffff;
	v11 =	vor.u32 v2, v9  }
0x5a3: {  	v6 =	vadd.f32 v12, v6;
	s17 =	simm.s32 $0x2;
	v12 =	vand.u32 $0x7FFFFFFF, v28;
	v15 =	vld.idx.msk [tilespmem:v14+s11+$0x0], $0xffff;
	v9 =	vmul.f32 v27, v27  }
0x5a4: {  	v10 =	vadd.f32 v12, v10;
	v5 =	vadd.f32 v13, v5;
	v22 =	vld.idx.msk [tilespmem:v14+s8+$0x0], $0xffff;
	v14 =	vmov s17  }
0x5a5: {  	v13 =	vand.u32 $0x7FFFFFFF, v25;
	v7 =	vadd.f32 v9, v7;
	v9 =	vand.u32 $0x3F, v14  }
0x5a6: {  	v4 =	vadd.f32 v13, v4;
	v14 =	vbroadcast v9, $0x0;
	v9 =	vimm.f32 $0.0e+00  }
0x5a7: {  	v12 =	vand.u32 $0x7FFFFFFF, v31;
	v23 =	vand.u32 $0x7FFFFFFF, v29;
	v25 =	vmul.f32 v18, v18;
	v13 =	vld.idx.msk [tilespmem:v11+s13+$0x0], $0xffff  }
0x5a8: {  	v5 =	vadd.f32 v12, v5;
	v12 =	vld.idx.msk [tilespmem:v11+s10+$0x0], $0xffff;
	v16 =	vor.u32 v2, v14;
	v14 =	vadd.f32 v18, v15  }
0x5a9: {  	v28 =	vmul.f32 v19, v19;
	v6 =	vadd.f32 v23, v6;
	v26 =	vld.idx.msk [tilespmem:v11+s9+$0x0], $0xffff;
	v23 =	vadd.f32 v19, v22  }
0x5aa: {  	s17 =	simm.s32 $0x3;
	v27 =	vld.idx.msk [tilespmem:v11+s12+$0x0], $0xffff;
	v18 =	vadd.f32 v25, v8;
	v8 =	vand.u32 $0x7FFFFFFF, v15;
	v25 =	vand.u32 $0x7FFFFFFF, v22  }
0x5ab: {  	v19 =	vld.idx.msk [tilespmem:v11+s11+$0x0], $0xffff;
	v22 =	vadd.f32 v28, v7;
	v28 =	vmov s17;
	v14 =	vsub.f32 v14, v29  }
0x5ac: {  	v7 =	vld.idx.msk [tilespmem:v11+s8+$0x0], $0xffff;
	v15 =	vadd.f32 v8, v10;
	v8 =	vand.u32 $0x3F, v28;
	v4 =	vadd.f32 v25, v4  }
0x5ad: {  	v28 =	vsub.f32 v23, v31;
	v23 =	vimm.f32 $0.0e+00;
	v30 =	vbroadcast v8, $0x0;
	v10 =	vld.idx.msk [tilespmem:v16+s13+$0x0], $0xffff  }
0x5ae: {  	v63 =	vand.u32 $0x7FFFFFFF, v13;
	v29 =	vand.u32 $0x7FFFFFFF, v12;
	v11 =	vld.idx.msk [tilespmem:v16+s10+$0x0], $0xffff;
	v25 =	vmul.f32 v26, v26  }
0x5af: {  	s16 =	simm.s32 $0x4;
	v8 =	vld.idx.msk [tilespmem:v16+s12+$0x0], $0xffff;
	v5 =	vadd.f32 v29, v5;
	v29 =	vmul.f32 v27, v27;
	v6 =	vadd.f32 v63, v6  }
.LBB2_54:
0x5b0: {  	p0 =	sne.s32 s16, $0x3F;
	v31 =	vor.u32 v2, v30;
	v32 =	vld.idx.msk [tilespmem:v16+s9+$0x0], $0xffff;
	v27 =	vadd.f32 v27, v19;
	v28 =	vand.u32 $0x7FFFFFFF, v28;
	v30 =	vmovc v19;
	s17 =	smov.u32 s16;
	s16 =	sadd.s32 $0x1, s16  }
0x5b1: {  	v26 =	vadd.f32 v26, v7;
	v33 =	vmovc v7;
	v19 =	vld.idx.msk [tilespmem:v16+s11+$0x0], $0xffff;
	v18 =	vadd.f32 v29, v18;
	v29 =	vand.u32 $0x7FFFFFFF, v14  }
0x5b2: {  	v30 =	vand.u32 $0x7FFFFFFF, v30;
	v9 =	vadd.f32 v28, v9;
	v7 =	vld.idx.msk [tilespmem:v16+s8+$0x0], $0xffff;
	v14 =	vsub.f32 v27, v13;
	v16 =	vmovc v31  }
.Ltmp26:
0x5b3: {  	v22 =	vadd.f32 v25, v22;
	v34 =	vand.u32 $0x7FFFFFFF, v33;
	v15 =	vadd.f32 v30, v15;
	v13 =	vmovc v10;
	v28 =	vmovc v12;
	(pc) =	sbr.rel @p0 .LBB2_54-.Ltmp26, $4  }
0x5b4: {  	v10 =	vmov s17;
	v23 =	vadd.f32 v29, v23;
	v33 =	vand.u32 $0x7FFFFFFF, v13;
	v12 =	vmovc v11  }
0x5b5: {  	v4 =	vadd.f32 v34, v4;
	v11 =	vand.u32 $0x3F, v10;
	v29 =	vand.u32 $0x7FFFFFFF, v12;
	v27 =	vmovc v8;
	v10 =	vld.idx.msk [tilespmem:v31+s13+$0x0], $0xffff  }
0x5b6: {  	v30 =	vbroadcast v11, $0x0;
	v28 =	vsub.f32 v26, v28;
	v25 =	vmul.f32 v32, v32;
	v26 =	vmovc v32;
	v11 =	vld.idx.msk [tilespmem:v31+s10+$0x0], $0xffff  }
0x5b7: {  	v6 =	vadd.f32 v33, v6;
	v5 =	vadd.f32 v29, v5;
	v29 =	vmul.f32 v8, v27;
	v8 =	vld.idx.msk [tilespmem:v31+s12+$0x0], $0xffff  }
0x5b8: {  	_ =	sdelay $0x1  }
0x5b9: {  	v30 =	vor.u32 v2, v30;
	_ =	sdelay $0x1  }
0x5ba: {  	v31 =	vld.idx.msk [tilespmem:v16+s9+$0x0], $0xffff  }
0x5bb: {  	v32 =	vld.idx.msk [tilespmem:v16+s11+$0x0], $0xffff  }
0x5bc: {  	v27 =	vadd.f32 v27, v19;
	v16 =	vld.idx.msk [tilespmem:v16+s8+$0x0], $0xffff  }
0x5bd: {  	v26 =	vadd.f32 v26, v7;
	v33 =	vld.idx.msk [tilespmem:v30+s12+$0x0], $0xffff  }
0x5be: {  	v28 =	vand.u32 $0x7FFFFFFF, v28;
	v22 =	vadd.f32 v25, v22;
	v13 =	vsub.f32 v27, v13;
	v27 =	vld.idx.msk [tilespmem:v30+s9+$0x0], $0xffff  }
0x5bf: {  	v19 =	vand.u32 $0x7FFFFFFF, v19;
	v18 =	vadd.f32 v29, v18;
	v12 =	vsub.f32 v26, v12;
	v25 =	vld.idx.msk [tilespmem:v30+s8+$0x0], $0xffff  }
0x5c0: {  	v14 =	vand.u32 $0x7FFFFFFF, v14;
	v9 =	vadd.f32 v28, v9;
	v15 =	vadd.f32 v19, v15;
	v28 =	vld.idx.msk [tilespmem:v30+s11+$0x0], $0xffff  }
0x5c1: {  	v14 =	vadd.f32 v14, v23;
	v12 =	vand.u32 $0x7FFFFFFF, v12;
	v19 =	vld.idx.msk [tilespmem:v30+s10+$0x0], $0xffff;
	v29 =	vadd.f32 v31, v16  }
0x5c2: {  	v13 =	vand.u32 $0x7FFFFFFF, v13;
	v26 =	vadd.f32 v8, v32;
	v23 =	vld.idx.msk [tilespmem:v30+s13+$0x0], $0xffff;
	v9 =	vadd.f32 v12, v9  }
0x5c3: {  	s16 =	simm.s32 $0x0;
	v13 =	vadd.f32 v13, v14;
	v12 =	vsub.f32 v29, v11  }
0x5c4: {  	v26 =	vsub.f32 v26, v10;
	v29 =	vmov s16;
	v14 =	vadd.f32 v27, v25  }
0x5c5: {  	v29 =	vand.u32 $0x3F, v29;
	v12 =	vand.u32 $0x7FFFFFFF, v12;
	v30 =	vadd.f32 v33, v28  }
0x5c6: {  	v9 =	vadd.f32 v12, v9;
	v12 =	vsub.f32 v14, v19;
	v14 =	vbroadcast v29, $0x0  }
0x5c7: {  	v26 =	vand.u32 $0x7FFFFFFF, v26;
	v29 =	vsub.f32 v30, v23  }
0x5c8: {  	v13 =	vadd.f32 v26, v13;
	v12 =	vand.u32 $0x7FFFFFFF, v12;
	v14 =	vor.u32 v3, v14  }
0x5c9: {  	v26 =	vand.u32 $0x7FFFFFFF, v29;
	v61 =	vadd.f32 v12, v9  }
0x5ca: {  	v7 =	vand.u32 $0x7FFFFFFF, v7;
	v62 =	vadd.f32 v26, v13  }
0x5cb: {  	s17 =	simm.s32 $0x1;
	v4 =	vadd.f32 v7, v4;
	v8 =	vmul.f32 v8, v8;
	v9 =	vand.u32 $0x7FFFFFFF, v11;
	[tilespmem:$0xC4A0] =	vst v61  }
0x5cc: {  	v7 =	vmul.f32 v31, v31;
	v5 =	vadd.f32 v9, v5;
	v9 =	vmov s17;
	[tilespmem:$0xC6A0] =	vst v62  }
0x5cd: {  	v10 =	vand.u32 $0x7FFFFFFF, v10;
	v8 =	vadd.f32 v8, v18;
	v9 =	vand.u32 $0x3F, v9;
	v29 =	vld.idx.msk [tilespmem:v14+s13+$0x0], $0xffff  }
0x5ce: {  	v6 =	vadd.f32 v10, v6;
	v10 =	vand.u32 $0x7FFFFFFF, v32;
	v9 =	vbroadcast v9, $0x0;
	v31 =	vld.idx.msk [tilespmem:v14+s10+$0x0], $0xffff  }
0x5cf: {  	v10 =	vadd.f32 v10, v15;
	v15 =	vmul.f32 v33, v33;
	v11 =	vand.u32 $0x7FFFFFFF, v16;
	v18 =	vld.idx.msk [tilespmem:v14+s12+$0x0], $0xffff  }
0x5d0: {  	v13 =	vand.u32 $0x7FFFFFFF, v19;
	v4 =	vadd.f32 v11, v4;
	v19 =	vld.idx.msk [tilespmem:v14+s9+$0x0], $0xffff;
	v11 =	vor.u32 v3, v9  }
0x5d1: {  	v7 =	vadd.f32 v7, v22;
	v8 =	vadd.f32 v15, v8;
	v12 =	vand.u32 $0x7FFFFFFF, v23;
	v15 =	vld.idx.msk [tilespmem:v14+s11+$0x0], $0xffff  }
0x5d2: {  	v6 =	vadd.f32 v12, v6;
	s17 =	simm.s32 $0x2;
	v12 =	vand.u32 $0x7FFFFFFF, v28;
	v22 =	vld.idx.msk [tilespmem:v14+s8+$0x0], $0xffff;
	v9 =	vmul.f32 v27, v27  }
0x5d3: {  	v10 =	vadd.f32 v12, v10;
	v5 =	vadd.f32 v13, v5;
	v14 =	vmov s17  }
0x5d4: {  	v13 =	vand.u32 $0x7FFFFFFF, v25;
	v7 =	vadd.f32 v9, v7;
	v9 =	vand.u32 $0x3F, v14  }
0x5d5: {  	v4 =	vadd.f32 v13, v4;
	v14 =	vbroadcast v9, $0x0;
	v12 =	vand.u32 $0x7FFFFFFF, v31;
	v13 =	vld.idx.msk [tilespmem:v11+s13+$0x0], $0xffff  }
0x5d6: {  	v23 =	vand.u32 $0x7FFFFFFF, v29;
	v25 =	vmul.f32 v19, v19;
	v37 =	vadd.f32 v12, v5;
	v12 =	vld.idx.msk [tilespmem:v11+s10+$0x0], $0xffff  }
0x5d7: {  	v28 =	vand.u32 $0x7FFFFFFF, v22;
	v16 =	vor.u32 v3, v14;
	v14 =	vadd.f32 v18, v15;
	v26 =	vld.idx.msk [tilespmem:v11+s9+$0x0], $0xffff  }
0x5d8: {  	v5 =	vmul.f32 v18, v18;
	v23 =	vadd.f32 v23, v6;
	v6 =	vadd.f32 v19, v22;
	v27 =	vld.idx.msk [tilespmem:v11+s12+$0x0], $0xffff  }
0x5d9: {  	s17 =	simm.s32 $0x3;
	v9 =	vimm.f32 $0.0e+00;
	v4 =	vadd.f32 v28, v4;
	v22 =	vadd.f32 v25, v7  }
0x5da: {  	v19 =	vld.idx.msk [tilespmem:v11+s11+$0x0], $0xffff;
	v7 =	vmov s17;
	v18 =	vadd.f32 v5, v8;
	v14 =	vsub.f32 v14, v29  }
0x5db: {  	v8 =	vand.u32 $0x7FFFFFFF, v15;
	v5 =	vld.idx.msk [tilespmem:v11+s8+$0x0], $0xffff;
	v7 =	vand.u32 $0x3F, v7;
	v28 =	vsub.f32 v6, v31  }
0x5dc: {  	v15 =	vadd.f32 v8, v10;
	v30 =	vbroadcast v7, $0x0;
	v63 =	vand.u32 $0x7FFFFFFF, v13;
	v10 =	vld.idx.msk [tilespmem:v16+s13+$0x0], $0xffff  }
0x5dd: {  	v8 =	vand.u32 $0x7FFFFFFF, v12;
	v11 =	vld.idx.msk [tilespmem:v16+s10+$0x0], $0xffff;
	v25 =	vmul.f32 v26, v26;
	v29 =	vmul.f32 v27, v27  }
0x5de: {  	s16 =	simm.s32 $0x4;
	v6 =	vadd.f32 v8, v37;
	v8 =	vld.idx.msk [tilespmem:v16+s12+$0x0], $0xffff;
	v7 =	vadd.f32 v63, v23;
	v23 =	vimm.f32 $0.0e+00  }
.LBB2_56:
0x5df: {  	p0 =	sne.s32 s16, $0x3F;
	v31 =	vor.u32 v3, v30;
	v32 =	vld.idx.msk [tilespmem:v16+s9+$0x0], $0xffff;
	v27 =	vadd.f32 v27, v19;
	v28 =	vand.u32 $0x7FFFFFFF, v28;
	v30 =	vmovc v19;
	s17 =	smov.u32 s16;
	s16 =	sadd.s32 $0x1, s16  }
0x5e0: {  	v26 =	vadd.f32 v26, v5;
	v33 =	vmovc v5;
	v19 =	vld.idx.msk [tilespmem:v16+s11+$0x0], $0xffff;
	v18 =	vadd.f32 v29, v18;
	v29 =	vand.u32 $0x7FFFFFFF, v14  }
0x5e1: {  	v30 =	vand.u32 $0x7FFFFFFF, v30;
	v9 =	vadd.f32 v28, v9;
	v5 =	vld.idx.msk [tilespmem:v16+s8+$0x0], $0xffff;
	v14 =	vsub.f32 v27, v13;
	v16 =	vmovc v31  }
.Ltmp27:
0x5e2: {  	v22 =	vadd.f32 v25, v22;
	v34 =	vand.u32 $0x7FFFFFFF, v33;
	v15 =	vadd.f32 v30, v15;
	v13 =	vmovc v10;
	v28 =	vmovc v12;
	(pc) =	sbr.rel @p0 .LBB2_56-.Ltmp27, $4  }
0x5e3: {  	v10 =	vmov s17;
	v23 =	vadd.f32 v29, v23;
	v33 =	vand.u32 $0x7FFFFFFF, v13;
	v12 =	vmovc v11  }
0x5e4: {  	v4 =	vadd.f32 v34, v4;
	v11 =	vand.u32 $0x3F, v10;
	v29 =	vand.u32 $0x7FFFFFFF, v12;
	v27 =	vmovc v8;
	v10 =	vld.idx.msk [tilespmem:v31+s13+$0x0], $0xffff  }
0x5e5: {  	v30 =	vbroadcast v11, $0x0;
	v28 =	vsub.f32 v26, v28;
	v25 =	vmul.f32 v32, v32;
	v26 =	vmovc v32;
	v11 =	vld.idx.msk [tilespmem:v31+s10+$0x0], $0xffff  }
0x5e6: {  	v7 =	vadd.f32 v33, v7;
	v6 =	vadd.f32 v29, v6;
	v29 =	vmul.f32 v8, v27;
	v8 =	vld.idx.msk [tilespmem:v31+s12+$0x0], $0xffff  }
0x5e7: {  	_ =	sdelay $0x1  }
0x5e8: {  	v30 =	vor.u32 v3, v30;
	_ =	sdelay $0x1  }
0x5e9: {  	v31 =	vld.idx.msk [tilespmem:v16+s9+$0x0], $0xffff  }
0x5ea: {  	v32 =	vld.idx.msk [tilespmem:v16+s11+$0x0], $0xffff  }
0x5eb: {  	v27 =	vadd.f32 v27, v19;
	v16 =	vld.idx.msk [tilespmem:v16+s8+$0x0], $0xffff  }
0x5ec: {  	v26 =	vadd.f32 v26, v5;
	v33 =	vld.idx.msk [tilespmem:v30+s12+$0x0], $0xffff  }
0x5ed: {  	v28 =	vand.u32 $0x7FFFFFFF, v28;
	v22 =	vadd.f32 v25, v22;
	v13 =	vsub.f32 v27, v13;
	v27 =	vld.idx.msk [tilespmem:v30+s9+$0x0], $0xffff  }
0x5ee: {  	v19 =	vand.u32 $0x7FFFFFFF, v19;
	v18 =	vadd.f32 v29, v18;
	v12 =	vsub.f32 v26, v12;
	v25 =	vld.idx.msk [tilespmem:v30+s8+$0x0], $0xffff  }
0x5ef: {  	v14 =	vand.u32 $0x7FFFFFFF, v14;
	v9 =	vadd.f32 v28, v9;
	v15 =	vadd.f32 v19, v15;
	v28 =	vld.idx.msk [tilespmem:v30+s11+$0x0], $0xffff  }
0x5f0: {  	v14 =	vadd.f32 v14, v23;
	v12 =	vand.u32 $0x7FFFFFFF, v12;
	v19 =	vld.idx.msk [tilespmem:v30+s10+$0x0], $0xffff;
	v29 =	vadd.f32 v31, v16  }
0x5f1: {  	v13 =	vand.u32 $0x7FFFFFFF, v13;
	v26 =	vadd.f32 v8, v32;
	v23 =	vld.idx.msk [tilespmem:v30+s13+$0x0], $0xffff;
	v9 =	vadd.f32 v12, v9  }
0x5f2: {  	s16 =	simm.s32 $0x0;
	v13 =	vadd.f32 v13, v14;
	v8 =	vmul.f32 v8, v8;
	v12 =	vsub.f32 v29, v11  }
0x5f3: {  	v26 =	vsub.f32 v26, v10;
	v29 =	vmov s16;
	v14 =	vadd.f32 v27, v25  }
0x5f4: {  	v29 =	vand.u32 $0x3F, v29;
	v12 =	vand.u32 $0x7FFFFFFF, v12;
	v30 =	vadd.f32 v33, v28  }
0x5f5: {  	v9 =	vadd.f32 v12, v9;
	v12 =	vsub.f32 v14, v19;
	v14 =	vbroadcast v29, $0x0  }
0x5f6: {  	v29 =	vand.u32 $0x7FFFFFFF, v5;
	v5 =	vand.u32 $0x7FFFFFFF, v26;
	v26 =	vsub.f32 v30, v23  }
0x5f7: {  	v5 =	vadd.f32 v5, v13;
	v12 =	vand.u32 $0x7FFFFFFF, v12;
	v13 =	vor.u32 v24, v14  }
0x5f8: {  	v14 =	vand.u32 $0x7FFFFFFF, v26;
	v63 =	vadd.f32 v12, v9  }
0x5f9: {  	v10 =	vand.u32 $0x7FFFFFFF, v10;
	v8 =	vadd.f32 v8, v18;
	v5 =	vadd.f32 v14, v5  }
0x5fa: {  	s17 =	simm.s32 $0x1;
	v7 =	vadd.f32 v10, v7;
	v10 =	vand.u32 $0x7FFFFFFF, v32;
	v9 =	vand.u32 $0x7FFFFFFF, v11;
	[tilespmem:$0xC4B0] =	vst v63  }
0x5fb: {  	v10 =	vadd.f32 v10, v15;
	v6 =	vadd.f32 v9, v6;
	v9 =	vmov s17;
	[tilespmem:$0xC6B0] =	vst v5  }
0x5fc: {  	v18 =	vmul.f32 v33, v33;
	v12 =	vand.u32 $0x7FFFFFFF, v16;
	v9 =	vand.u32 $0x3F, v9;
	v16 =	vld.idx.msk [tilespmem:v13+s13+$0x0], $0xffff  }
0x5fd: {  	v4 =	vadd.f32 v29, v4;
	v11 =	vmul.f32 v31, v31;
	v9 =	vbroadcast v9, $0x0;
	v29 =	vld.idx.msk [tilespmem:v13+s10+$0x0], $0xffff  }
0x5fe: {  	v15 =	vand.u32 $0x7FFFFFFF, v19;
	v8 =	vadd.f32 v18, v8;
	v18 =	vand.u32 $0x7FFFFFFF, v25;
	v19 =	vld.idx.msk [tilespmem:v13+s12+$0x0], $0xffff  }
0x5ff: {  	v4 =	vadd.f32 v12, v4;
	v11 =	vadd.f32 v11, v22;
	v22 =	vld.idx.msk [tilespmem:v13+s11+$0x0], $0xffff;
	v12 =	vor.u32 v24, v9  }
0x600: {  	v14 =	vand.u32 $0x7FFFFFFF, v23;
	s17 =	simm.s32 $0x2;
	v6 =	vadd.f32 v15, v6;
	v15 =	vld.idx.msk [tilespmem:v13+s9+$0x0], $0xffff;
	v9 =	vmul.f32 v27, v27  }
0x601: {  	v7 =	vadd.f32 v14, v7;
	v14 =	vand.u32 $0x7FFFFFFF, v28;
	v23 =	vld.idx.msk [tilespmem:v13+s8+$0x0], $0xffff;
	v13 =	vmov s17  }
0x602: {  	v10 =	vadd.f32 v14, v10;
	v11 =	vadd.f32 v9, v11;
	v9 =	vand.u32 $0x3F, v13  }
0x603: {  	v4 =	vadd.f32 v18, v4;
	v18 =	vbroadcast v9, $0x0;
	v9 =	vimm.f32 $0.0e+00  }
0x604: {  	v13 =	vand.u32 $0x7FFFFFFF, v29;
	v25 =	vand.u32 $0x7FFFFFFF, v16;
	v26 =	vadd.f32 v19, v22;
	v14 =	vld.idx.msk [tilespmem:v12+s13+$0x0], $0xffff  }
0x605: {  	v31 =	vmul.f32 v15, v15;
	v30 =	vadd.f32 v13, v6;
	v13 =	vld.idx.msk [tilespmem:v12+s10+$0x0], $0xffff;
	v18 =	vor.u32 v24, v18  }
0x606: {  	v6 =	vmul.f32 v19, v19;
	v25 =	vadd.f32 v25, v7;
	v27 =	vld.idx.msk [tilespmem:v12+s9+$0x0], $0xffff;
	v7 =	vadd.f32 v15, v23  }
0x607: {  	s17 =	simm.s32 $0x3;
	v28 =	vld.idx.msk [tilespmem:v12+s12+$0x0], $0xffff;
	v15 =	vsub.f32 v26, v16;
	v26 =	vand.u32 $0x7FFFFFFF, v23;
	v23 =	vadd.f32 v31, v11  }
0x608: {  	v11 =	vmov s17;
	v19 =	vadd.f32 v6, v8;
	v8 =	vand.u32 $0x7FFFFFFF, v22;
	v22 =	vld.idx.msk [tilespmem:v12+s11+$0x0], $0xffff  }
0x609: {  	v6 =	vld.idx.msk [tilespmem:v12+s8+$0x0], $0xffff;
	v4 =	vadd.f32 v26, v4;
	v16 =	vadd.f32 v8, v10;
	v10 =	vand.u32 $0x3F, v11  }
0x60a: {  	v29 =	vsub.f32 v7, v29;
	v31 =	vbroadcast v10, $0x0;
	v11 =	vld.idx.msk [tilespmem:v18+s13+$0x0], $0xffff;
	v37 =	vand.u32 $0x7FFFFFFF, v13  }
0x60b: {  	v8 =	vand.u32 $0x7FFFFFFF, v14;
	v12 =	vld.idx.msk [tilespmem:v18+s10+$0x0], $0xffff;
	v26 =	vmul.f32 v27, v27;
	v7 =	vadd.f32 v37, v30  }
0x60c: {  	s16 =	simm.s32 $0x4;
	v10 =	vld.idx.msk [tilespmem:v18+s12+$0x0], $0xffff;
	v30 =	vmul.f32 v28, v28;
	v8 =	vadd.f32 v8, v25;
	v25 =	vimm.f32 $0.0e+00  }
.LBB2_58:
0x60d: {  	p0 =	sne.s32 s16, $0x3F;
	v32 =	vor.u32 v24, v31;
	v33 =	vld.idx.msk [tilespmem:v18+s9+$0x0], $0xffff;
	v28 =	vadd.f32 v28, v22;
	v29 =	vand.u32 $0x7FFFFFFF, v29;
	v31 =	vmovc v22;
	s17 =	smov.u32 s16;
	s16 =	sadd.s32 $0x1, s16  }
0x60e: {  	v27 =	vadd.f32 v27, v6;
	v34 =	vmovc v6;
	v22 =	vld.idx.msk [tilespmem:v18+s11+$0x0], $0xffff;
	v19 =	vadd.f32 v30, v19;
	v30 =	vand.u32 $0x7FFFFFFF, v15  }
0x60f: {  	v31 =	vand.u32 $0x7FFFFFFF, v31;
	v9 =	vadd.f32 v29, v9;
	v6 =	vld.idx.msk [tilespmem:v18+s8+$0x0], $0xffff;
	v15 =	vsub.f32 v28, v14;
	v18 =	vmovc v32  }
.Ltmp28:
0x610: {  	v23 =	vadd.f32 v26, v23;
	v35 =	vand.u32 $0x7FFFFFFF, v34;
	v16 =	vadd.f32 v31, v16;
	v14 =	vmovc v11;
	v29 =	vmovc v13;
	(pc) =	sbr.rel @p0 .LBB2_58-.Ltmp28, $4  }
0x611: {  	v11 =	vmov s17;
	v25 =	vadd.f32 v30, v25;
	v34 =	vand.u32 $0x7FFFFFFF, v14;
	v13 =	vmovc v12  }
0x612: {  	v4 =	vadd.f32 v35, v4;
	v12 =	vand.u32 $0x3F, v11;
	v30 =	vand.u32 $0x7FFFFFFF, v13;
	v28 =	vmovc v10;
	v11 =	vld.idx.msk [tilespmem:v32+s13+$0x0], $0xffff  }
0x613: {  	v31 =	vbroadcast v12, $0x0;
	v29 =	vsub.f32 v27, v29;
	v26 =	vmul.f32 v33, v33;
	v27 =	vmovc v33;
	v12 =	vld.idx.msk [tilespmem:v32+s10+$0x0], $0xffff  }
0x614: {  	v8 =	vadd.f32 v34, v8;
	v7 =	vadd.f32 v30, v7;
	v30 =	vmul.f32 v10, v28;
	v10 =	vld.idx.msk [tilespmem:v32+s12+$0x0], $0xffff  }
0x615: {  	_ =	sdelay $0x1  }
0x616: {  	v24 =	vor.u32 v24, v31;
	_ =	sdelay $0x1  }
0x617: {  	v31 =	vld.idx.msk [tilespmem:v18+s9+$0x0], $0xffff  }
0x618: {  	v32 =	vld.idx.msk [tilespmem:v18+s11+$0x0], $0xffff  }
0x619: {  	v28 =	vadd.f32 v28, v22;
	v18 =	vld.idx.msk [tilespmem:v18+s8+$0x0], $0xffff  }
0x61a: {  	v27 =	vadd.f32 v27, v6;
	v33 =	vld.idx.msk [tilespmem:v24+s12+$0x0], $0xffff  }
0x61b: {  	v29 =	vand.u32 $0x7FFFFFFF, v29;
	v23 =	vadd.f32 v26, v23;
	v14 =	vsub.f32 v28, v14;
	v28 =	vld.idx.msk [tilespmem:v24+s9+$0x0], $0xffff  }
0x61c: {  	v22 =	vand.u32 $0x7FFFFFFF, v22;
	v19 =	vadd.f32 v30, v19;
	v13 =	vsub.f32 v27, v13;
	v26 =	vld.idx.msk [tilespmem:v24+s8+$0x0], $0xffff  }
0x61d: {  	v15 =	vand.u32 $0x7FFFFFFF, v15;
	v9 =	vadd.f32 v29, v9;
	v16 =	vadd.f32 v22, v16;
	v29 =	vld.idx.msk [tilespmem:v24+s11+$0x0], $0xffff  }
0x61e: {  	v15 =	vadd.f32 v15, v25;
	v13 =	vand.u32 $0x7FFFFFFF, v13;
	v22 =	vld.idx.msk [tilespmem:v24+s10+$0x0], $0xffff;
	v30 =	vadd.f32 v31, v18  }
0x61f: {  	v14 =	vand.u32 $0x7FFFFFFF, v14;
	v27 =	vadd.f32 v10, v32;
	v25 =	vld.idx.msk [tilespmem:v24+s13+$0x0], $0xffff;
	v9 =	vadd.f32 v13, v9  }
0x620: {  	s16 =	simm.s32 $0x0;
	v14 =	vadd.f32 v14, v15;
	v13 =	vsub.f32 v30, v12  }
0x621: {  	v24 =	vsub.f32 v27, v11;
	v27 =	vmov s16;
	v15 =	vadd.f32 v28, v26  }
0x622: {  	v27 =	vand.u32 $0x3F, v27;
	v13 =	vand.u32 $0x7FFFFFFF, v13;
	v30 =	vadd.f32 v33, v29  }
0x623: {  	v9 =	vadd.f32 v13, v9;
	v13 =	vsub.f32 v15, v22;
	v15 =	vbroadcast v27, $0x0  }
0x624: {  	v27 =	vand.u32 $0x7FFFFFFF, v6;
	v6 =	vand.u32 $0x7FFFFFFF, v24;
	v24 =	vsub.f32 v30, v25  }
0x625: {  	v6 =	vadd.f32 v6, v14;
	v13 =	vand.u32 $0x7FFFFFFF, v13;
	v14 =	vor.u32 v21, v15  }
0x626: {  	v11 =	vand.u32 $0x7FFFFFFF, v11;
	v15 =	vand.u32 $0x7FFFFFFF, v24;
	v24 =	vadd.f32 v13, v9  }
0x627: {  	v8 =	vadd.f32 v11, v8;
	v11 =	vand.u32 $0x7FFFFFFF, v32;
	v6 =	vadd.f32 v15, v6  }
0x628: {  	v10 =	vmul.f32 v10, v10;
	v11 =	vadd.f32 v11, v16;
	v16 =	vand.u32 $0x7FFFFFFF, v22;
	[tilespmem:$0xC4C0] =	vst v24  }
0x629: {  	s17 =	simm.s32 $0x1;
	v4 =	vadd.f32 v27, v4;
	v9 =	vand.u32 $0x7FFFFFFF, v12;
	v13 =	vand.u32 $0x7FFFFFFF, v18;
	[tilespmem:$0xC6C0] =	vst v6  }
0x62a: {  	v7 =	vadd.f32 v9, v7;
	v9 =	vadd.f32 v10, v19;
	v10 =	vmov s17;
	v18 =	vld.idx.msk [tilespmem:v14+s13+$0x0], $0xffff  }
0x62b: {  	v12 =	vmul.f32 v31, v31;
	v15 =	vand.u32 $0x7FFFFFFF, v25;
	v10 =	vand.u32 $0x3F, v10;
	v30 =	vld.idx.msk [tilespmem:v14+s10+$0x0], $0xffff  }
0x62c: {  	v19 =	vmul.f32 v33, v33;
	v4 =	vadd.f32 v13, v4;
	v10 =	vbroadcast v10, $0x0;
	v22 =	vld.idx.msk [tilespmem:v14+s12+$0x0], $0xffff  }
0x62d: {  	v8 =	vadd.f32 v15, v8;
	v15 =	vand.u32 $0x7FFFFFFF, v26;
	v12 =	vadd.f32 v12, v23;
	v13 =	vld.idx.msk [tilespmem:v14+s9+$0x0], $0xffff  }
0x62e: {  	s17 =	simm.s32 $0x2;
	v7 =	vadd.f32 v16, v7;
	v16 =	vmul.f32 v28, v28;
	v25 =	vld.idx.msk [tilespmem:v14+s11+$0x0], $0xffff;
	v10 =	vor.u32 v21, v10  }
0x62f: {  	v23 =	vadd.f32 v19, v9;
	v9 =	vand.u32 $0x7FFFFFFF, v29;
	v26 =	vld.idx.msk [tilespmem:v14+s8+$0x0], $0xffff;
	v14 =	vmov s17  }
0x630: {  	v11 =	vadd.f32 v9, v11;
	v9 =	vand.u32 $0x3F, v14  }
0x631: {  	v12 =	vadd.f32 v16, v12;
	v16 =	vbroadcast v9, $0x0  }
0x632: {  	v4 =	vadd.f32 v15, v4;
	v9 =	vimm.f32 $0.0e+00  }
0x633: {  	v19 =	vor.u32 v21, v16;
	v14 =	vand.u32 $0x7FFFFFFF, v30;
	v27 =	vand.u32 $0x7FFFFFFF, v18;
	v15 =	vld.idx.msk [tilespmem:v10+s13+$0x0], $0xffff  }
0x634: {  	v16 =	vadd.f32 v22, v25;
	v36 =	vmul.f32 v13, v13;
	v31 =	vadd.f32 v14, v7;
	v14 =	vld.idx.msk [tilespmem:v10+s10+$0x0], $0xffff  }
0x635: {  	v7 =	vmul.f32 v22, v22;
	v37 =	vadd.f32 v27, v8;
	v28 =	vld.idx.msk [tilespmem:v10+s9+$0x0], $0xffff;
	v8 =	vadd.f32 v13, v26  }
0x636: {  	s17 =	simm.s32 $0x3;
	v29 =	vld.idx.msk [tilespmem:v10+s12+$0x0], $0xffff;
	v13 =	vand.u32 $0x7FFFFFFF, v25;
	v26 =	vand.u32 $0x7FFFFFFF, v26;
	v16 =	vsub.f32 v16, v18  }
0x637: {  	v25 =	vadd.f32 v36, v12;
	v12 =	vmov s17;
	v22 =	vadd.f32 v7, v23;
	v23 =	vld.idx.msk [tilespmem:v10+s11+$0x0], $0xffff  }
0x638: {  	v18 =	vadd.f32 v13, v11;
	v4 =	vadd.f32 v26, v4;
	v7 =	vld.idx.msk [tilespmem:v10+s8+$0x0], $0xffff;
	v10 =	vand.u32 $0x3F, v12  }
0x639: {  	v26 =	vimm.f32 $0.0e+00;
	v30 =	vsub.f32 v8, v30;
	v12 =	vld.idx.msk [tilespmem:v19+s13+$0x0], $0xffff;
	v32 =	vbroadcast v10, $0x0  }
0x63a: {  	v13 =	vld.idx.msk [tilespmem:v19+s10+$0x0], $0xffff;
	v11 =	vand.u32 $0x7FFFFFFF, v15;
	v34 =	vand.u32 $0x7FFFFFFF, v14;
	v27 =	vmul.f32 v28, v28  }
0x63b: {  	s16 =	simm.s32 $0x4;
	v10 =	vld.idx.msk [tilespmem:v19+s12+$0x0], $0xffff;
	v8 =	vadd.f32 v34, v31;
	v31 =	vmul.f32 v29, v29;
	v11 =	vadd.f32 v11, v37  }
.LBB2_60:
0x63c: {  	p0 =	sne.s32 s16, $0x3F;
	v33 =	vor.u32 v21, v32;
	v34 =	vld.idx.msk [tilespmem:v19+s9+$0x0], $0xffff;
	v29 =	vadd.f32 v29, v23;
	v30 =	vand.u32 $0x7FFFFFFF, v30;
	v32 =	vmovc v23;
	s17 =	smov.u32 s16;
	s16 =	sadd.s32 $0x1, s16  }
0x63d: {  	v28 =	vadd.f32 v28, v7;
	v35 =	vmovc v7;
	v23 =	vld.idx.msk [tilespmem:v19+s11+$0x0], $0xffff;
	v22 =	vadd.f32 v31, v22;
	v31 =	vand.u32 $0x7FFFFFFF, v16  }
0x63e: {  	v32 =	vand.u32 $0x7FFFFFFF, v32;
	v9 =	vadd.f32 v30, v9;
	v7 =	vld.idx.msk [tilespmem:v19+s8+$0x0], $0xffff;
	v16 =	vsub.f32 v29, v15;
	v19 =	vmovc v33  }
.Ltmp29:
0x63f: {  	v25 =	vadd.f32 v27, v25;
	v36 =	vand.u32 $0x7FFFFFFF, v35;
	v18 =	vadd.f32 v32, v18;
	v15 =	vmovc v12;
	v30 =	vmovc v14;
	(pc) =	sbr.rel @p0 .LBB2_60-.Ltmp29, $4  }
0x640: {  	v12 =	vmov s17;
	v26 =	vadd.f32 v31, v26;
	v35 =	vand.u32 $0x7FFFFFFF, v15;
	v14 =	vmovc v13  }
0x641: {  	v4 =	vadd.f32 v36, v4;
	v13 =	vand.u32 $0x3F, v12;
	v31 =	vand.u32 $0x7FFFFFFF, v14;
	v29 =	vmovc v10;
	v12 =	vld.idx.msk [tilespmem:v33+s13+$0x0], $0xffff  }
0x642: {  	v32 =	vbroadcast v13, $0x0;
	v30 =	vsub.f32 v28, v30;
	v27 =	vmul.f32 v34, v34;
	v28 =	vmovc v34;
	v13 =	vld.idx.msk [tilespmem:v33+s10+$0x0], $0xffff  }
0x643: {  	v11 =	vadd.f32 v35, v11;
	v8 =	vadd.f32 v31, v8;
	v31 =	vmul.f32 v10, v29;
	v10 =	vld.idx.msk [tilespmem:v33+s12+$0x0], $0xffff  }
0x644: {  	_ =	sdelay $0x1  }
0x645: {  	v21 =	vor.u32 v21, v32;
	_ =	sdelay $0x1  }
0x646: {  	v37 =	vld.idx.msk [tilespmem:v19+s9+$0x0], $0xffff  }
0x647: {  	v33 =	vld.idx.msk [tilespmem:v19+s11+$0x0], $0xffff  }
0x648: {  	v29 =	vadd.f32 v29, v23;
	v19 =	vld.idx.msk [tilespmem:v19+s8+$0x0], $0xffff;
	v28 =	vadd.f32 v28, v7  }
0x649: {  	v30 =	vand.u32 $0x7FFFFFFF, v30;
	v25 =	vadd.f32 v27, v25;
	v34 =	vld.idx.msk [tilespmem:v21+s12+$0x0], $0xffff  }
0x64a: {  	v23 =	vand.u32 $0x7FFFFFFF, v23;
	v15 =	vsub.f32 v29, v15;
	v14 =	vsub.f32 v28, v14;
	v29 =	vld.idx.msk [tilespmem:v21+s9+$0x0], $0xffff  }
0x64b: {  	v16 =	vand.u32 $0x7FFFFFFF, v16;
	v22 =	vadd.f32 v31, v22;
	v9 =	vadd.f32 v30, v9;
	v27 =	vld.idx.msk [tilespmem:v21+s8+$0x0], $0xffff  }
0x64c: {  	v18 =	vadd.f32 v23, v18;
	v16 =	vadd.f32 v16, v26;
	v14 =	vand.u32 $0x7FFFFFFF, v14;
	v30 =	vld.idx.msk [tilespmem:v21+s11+$0x0], $0xffff  }
0x64d: {  	v15 =	vand.u32 $0x7FFFFFFF, v15;
	v28 =	vadd.f32 v10, v33;
	v23 =	vld.idx.msk [tilespmem:v21+s10+$0x0], $0xffff;
	v31 =	vadd.f32 v37, v19  }
0x64e: {  	v26 =	vld.idx.msk [tilespmem:v21+s13+$0x0], $0xffff;
	v9 =	vadd.f32 v14, v9;
	v15 =	vadd.f32 v15, v16;
	v10 =	vmul.f32 v10, v10  }
0x64f: {  	s16 =	simm.s32 $0x0;
	v21 =	vsub.f32 v28, v12;
	v14 =	vsub.f32 v31, v13  }
0x650: {  	v28 =	vmov s16;
	v10 =	vadd.f32 v10, v22;
	v16 =	vadd.f32 v29, v27  }
0x651: {  	v28 =	vand.u32 $0x3F, v28;
	v14 =	vand.u32 $0x7FFFFFFF, v14;
	v31 =	vadd.f32 v34, v30  }
0x652: {  	v9 =	vadd.f32 v14, v9;
	v14 =	vsub.f32 v16, v23;
	v16 =	vbroadcast v28, $0x0  }
0x653: {  	v28 =	vand.u32 $0x7FFFFFFF, v7;
	v7 =	vand.u32 $0x7FFFFFFF, v21;
	v21 =	vsub.f32 v31, v26  }
0x654: {  	v7 =	vadd.f32 v7, v15;
	v14 =	vand.u32 $0x7FFFFFFF, v14;
	v15 =	vor.u32 v20, v16  }
0x655: {  	v22 =	vmul.f32 v34, v34;
	v16 =	vand.u32 $0x7FFFFFFF, v21;
	v21 =	vadd.f32 v14, v9  }
0x656: {  	v7 =	vadd.f32 v16, v7  }
0x657: {  	v12 =	vand.u32 $0x7FFFFFFF, v12;
	v10 =	vadd.f32 v22, v10;
	[tilespmem:$0xC4D0] =	vst v21  }
0x658: {  	s17 =	simm.s32 $0x1;
	v4 =	vadd.f32 v28, v4;
	v9 =	vand.u32 $0x7FFFFFFF, v13;
	v14 =	vand.u32 $0x7FFFFFFF, v19;
	[tilespmem:$0xC6D0] =	vst v7  }
0x659: {  	v8 =	vadd.f32 v9, v8;
	v9 =	vadd.f32 v12, v11;
	v11 =	vmov s17;
	v19 =	vld.idx.msk [tilespmem:v15+s13+$0x0], $0xffff  }
0x65a: {  	v13 =	vmul.f32 v37, v37;
	v12 =	vand.u32 $0x7FFFFFFF, v33;
	v11 =	vand.u32 $0x3F, v11;
	v31 =	vld.idx.msk [tilespmem:v15+s10+$0x0], $0xffff  }
0x65b: {  	v12 =	vadd.f32 v12, v18;
	v18 =	vand.u32 $0x7FFFFFFF, v23;
	v11 =	vbroadcast v11, $0x0;
	v23 =	vld.idx.msk [tilespmem:v15+s12+$0x0], $0xffff  }
0x65c: {  	v16 =	vand.u32 $0x7FFFFFFF, v26;
	v4 =	vadd.f32 v14, v4;
	v13 =	vadd.f32 v13, v25;
	v14 =	vld.idx.msk [tilespmem:v15+s9+$0x0], $0xffff  }
0x65d: {  	s17 =	simm.s32 $0x2;
	v8 =	vadd.f32 v18, v8;
	v18 =	vmul.f32 v29, v29;
	v25 =	vld.idx.msk [tilespmem:v15+s11+$0x0], $0xffff;
	v11 =	vor.u32 v20, v11  }
0x65e: {  	v9 =	vadd.f32 v16, v9;
	v16 =	vand.u32 $0x7FFFFFFF, v30;
	v26 =	vld.idx.msk [tilespmem:v15+s8+$0x0], $0xffff;
	v15 =	vmov s17  }
0x65f: {  	v22 =	vand.u32 $0x7FFFFFFF, v27;
	v27 =	vadd.f32 v16, v12;
	v12 =	vand.u32 $0x3F, v15  }
0x660: {  	v13 =	vadd.f32 v18, v13;
	v18 =	vbroadcast v12, $0x0  }
0x661: {  	v4 =	vadd.f32 v22, v4;
	v12 =	vimm.f32 $0.0e+00  }
0x662: {  	v22 =	vor.u32 v20, v18;
	v15 =	vand.u32 $0x7FFFFFFF, v31;
	v28 =	vand.u32 $0x7FFFFFFF, v19;
	v16 =	vld.idx.msk [tilespmem:v11+s13+$0x0], $0xffff  }
0x663: {  	v18 =	vadd.f32 v23, v25;
	v36 =	vmul.f32 v14, v14;
	v32 =	vadd.f32 v15, v8;
	v15 =	vld.idx.msk [tilespmem:v11+s10+$0x0], $0xffff  }
0x664: {  	v8 =	vmul.f32 v23, v23;
	v37 =	vadd.f32 v28, v9;
	v29 =	vld.idx.msk [tilespmem:v11+s9+$0x0], $0xffff;
	v9 =	vadd.f32 v14, v26  }
0x665: {  	s17 =	simm.s32 $0x3;
	v30 =	vld.idx.msk [tilespmem:v11+s12+$0x0], $0xffff;
	v14 =	vand.u32 $0x7FFFFFFF, v26;
	v18 =	vsub.f32 v18, v19;
	v26 =	vadd.f32 v36, v13  }
0x666: {  	v13 =	vmov s17;
	v23 =	vadd.f32 v8, v10;
	v10 =	vand.u32 $0x7FFFFFFF, v25;
	v25 =	vld.idx.msk [tilespmem:v11+s11+$0x0], $0xffff  }
0x667: {  	v4 =	vadd.f32 v14, v4;
	v8 =	vld.idx.msk [tilespmem:v11+s8+$0x0], $0xffff;
	v11 =	vand.u32 $0x3F, v13;
	v31 =	vsub.f32 v9, v31  }
0x668: {  	v19 =	vadd.f32 v10, v27;
	v13 =	vld.idx.msk [tilespmem:v22+s13+$0x0], $0xffff;
	v33 =	vbroadcast v11, $0x0;
	v27 =	vand.u32 $0x7FFFFFFF, v15  }
0x669: {  	v14 =	vld.idx.msk [tilespmem:v22+s10+$0x0], $0xffff;
	v10 =	vand.u32 $0x7FFFFFFF, v16;
	v28 =	vmul.f32 v29, v29;
	v11 =	vadd.f32 v27, v32  }
0x66a: {  	s16 =	simm.s32 $0x4;
	v9 =	vld.idx.msk [tilespmem:v22+s12+$0x0], $0xffff;
	v32 =	vmul.f32 v30, v30;
	v10 =	vadd.f32 v10, v37;
	v27 =	vimm.f32 $0.0e+00  }
.LBB2_62:
0x66b: {  	p0 =	sne.s32 s16, $0x3F;
	v34 =	vor.u32 v20, v33;
	v35 =	vld.idx.msk [tilespmem:v22+s9+$0x0], $0xffff;
	v30 =	vadd.f32 v30, v25;
	v31 =	vand.u32 $0x7FFFFFFF, v31;
	v33 =	vmovc v25;
	s17 =	smov.u32 s16;
	s16 =	sadd.s32 $0x1, s16  }
0x66c: {  	v29 =	vadd.f32 v29, v8;
	v36 =	vmovc v8;
	v25 =	vld.idx.msk [tilespmem:v22+s11+$0x0], $0xffff;
	v23 =	vadd.f32 v32, v23;
	v32 =	vand.u32 $0x7FFFFFFF, v18  }
0x66d: {  	v33 =	vand.u32 $0x7FFFFFFF, v33;
	v12 =	vadd.f32 v31, v12;
	v8 =	vld.idx.msk [tilespmem:v22+s8+$0x0], $0xffff;
	v18 =	vsub.f32 v30, v16;
	v22 =	vmovc v34  }
.Ltmp30:
0x66e: {  	v26 =	vadd.f32 v28, v26;
	v37 =	vand.u32 $0x7FFFFFFF, v36;
	v19 =	vadd.f32 v33, v19;
	v16 =	vmovc v13;
	v31 =	vmovc v15;
	(pc) =	sbr.rel @p0 .LBB2_62-.Ltmp30, $4  }
0x66f: {  	v13 =	vmov s17;
	v27 =	vadd.f32 v32, v27;
	v36 =	vand.u32 $0x7FFFFFFF, v16;
	v15 =	vmovc v14  }
0x670: {  	v4 =	vadd.f32 v37, v4;
	v14 =	vand.u32 $0x3F, v13;
	v32 =	vand.u32 $0x7FFFFFFF, v15;
	v30 =	vmovc v9;
	v13 =	vld.idx.msk [tilespmem:v34+s13+$0x0], $0xffff  }
0x671: {  	v33 =	vbroadcast v14, $0x0;
	v31 =	vsub.f32 v29, v31;
	v28 =	vmul.f32 v35, v35;
	v29 =	vmovc v35;
	v14 =	vld.idx.msk [tilespmem:v34+s10+$0x0], $0xffff  }
0x672: {  	v10 =	vadd.f32 v36, v10;
	v11 =	vadd.f32 v32, v11;
	v32 =	vmul.f32 v9, v30;
	v9 =	vld.idx.msk [tilespmem:v34+s12+$0x0], $0xffff  }
0x673: {  	_ =	sdelay $0x1  }
0x674: {  	v20 =	vor.u32 v20, v33;
	_ =	sdelay $0x1  }
0x675: {  	v33 =	vld.idx.msk [tilespmem:v22+s9+$0x0], $0xffff  }
0x676: {  	v34 =	vld.idx.msk [tilespmem:v22+s11+$0x0], $0xffff  }
0x677: {  	v30 =	vadd.f32 v30, v25;
	v22 =	vld.idx.msk [tilespmem:v22+s8+$0x0], $0xffff  }
0x678: {  	v29 =	vadd.f32 v29, v8;
	v35 =	vld.idx.msk [tilespmem:v20+s12+$0x0], $0xffff  }
0x679: {  	v31 =	vand.u32 $0x7FFFFFFF, v31;
	v26 =	vadd.f32 v28, v26;
	v16 =	vsub.f32 v30, v16;
	v30 =	vld.idx.msk [tilespmem:v20+s9+$0x0], $0xffff  }
0x67a: {  	v25 =	vand.u32 $0x7FFFFFFF, v25;
	v23 =	vadd.f32 v32, v23;
	v15 =	vsub.f32 v29, v15;
	v28 =	vld.idx.msk [tilespmem:v20+s8+$0x0], $0xffff  }
0x67b: {  	v18 =	vand.u32 $0x7FFFFFFF, v18;
	v12 =	vadd.f32 v31, v12;
	v19 =	vadd.f32 v25, v19;
	v31 =	vld.idx.msk [tilespmem:v20+s11+$0x0], $0xffff  }
0x67c: {  	v18 =	vadd.f32 v18, v27;
	v15 =	vand.u32 $0x7FFFFFFF, v15;
	v25 =	vld.idx.msk [tilespmem:v20+s10+$0x0], $0xffff;
	v36 =	vadd.f32 v33, v22  }
0x67d: {  	v16 =	vand.u32 $0x7FFFFFFF, v16;
	v29 =	vadd.f32 v9, v34;
	v27 =	vld.idx.msk [tilespmem:v20+s13+$0x0], $0xffff;
	v12 =	vadd.f32 v15, v12  }
0x67e: {  	s16 =	simm.s32 $0x0;
	v16 =	vadd.f32 v16, v18;
	v9 =	vmul.f32 v9, v9;
	v15 =	vsub.f32 v36, v14  }
0x67f: {  	v20 =	vsub.f32 v29, v13;
	v29 =	vmov s16;
	v18 =	vadd.f32 v30, v28  }
0x680: {  	v29 =	vand.u32 $0x3F, v29;
	v15 =	vand.u32 $0x7FFFFFFF, v15;
	v37 =	vadd.f32 v35, v31  }
0x681: {  	v12 =	vadd.f32 v15, v12;
	v15 =	vsub.f32 v18, v25;
	v18 =	vbroadcast v29, $0x0  }
0x682: {  	v29 =	vand.u32 $0x7FFFFFFF, v8;
	v8 =	vand.u32 $0x7FFFFFFF, v20;
	v20 =	vsub.f32 v37, v27  }
0x683: {  	v8 =	vadd.f32 v8, v16;
	v15 =	vand.u32 $0x7FFFFFFF, v15;
	v16 =	vor.u32 v17, v18  }
0x684: {  	v18 =	vand.u32 $0x7FFFFFFF, v20;
	v20 =	vadd.f32 v15, v12  }
0x685: {  	v13 =	vand.u32 $0x7FFFFFFF, v13;
	v9 =	vadd.f32 v9, v23;
	v8 =	vadd.f32 v18, v8  }
0x686: {  	s17 =	simm.s32 $0x1;
	v10 =	vadd.f32 v13, v10;
	v13 =	vand.u32 $0x7FFFFFFF, v34;
	v12 =	vand.u32 $0x7FFFFFFF, v14;
	[tilespmem:$0xC4E0] =	vst v20  }
0x687: {  	v23 =	vand.u32 $0x7FFFFFFF, v25;
	v11 =	vadd.f32 v12, v11;
	v12 =	vmov s17;
	[tilespmem:$0xC6E0] =	vst v8  }
0x688: {  	v25 =	vmul.f32 v35, v35;
	v14 =	vmul.f32 v33, v33;
	v12 =	vand.u32 $0x3F, v12;
	v18 =	vld.idx.msk [tilespmem:v16+s13+$0x0], $0xffff  }
0x689: {  	v13 =	vadd.f32 v13, v19;
	v4 =	vadd.f32 v29, v4;
	v12 =	vbroadcast v12, $0x0;
	v19 =	vld.idx.msk [tilespmem:v16+s10+$0x0], $0xffff  }
0x68a: {  	v25 =	vadd.f32 v25, v9;
	v9 =	vand.u32 $0x7FFFFFFF, v31;
	v14 =	vadd.f32 v14, v26;
	v26 =	vld.idx.msk [tilespmem:v16+s12+$0x0], $0xffff  }
0x68b: {  	v15 =	vand.u32 $0x7FFFFFFF, v22;
	v11 =	vadd.f32 v23, v11;
	v23 =	vld.idx.msk [tilespmem:v16+s9+$0x0], $0xffff;
	v12 =	vor.u32 v17, v12  }
0x68c: {  	v22 =	vand.u32 $0x7FFFFFFF, v27;
	v13 =	vadd.f32 v9, v13;
	v4 =	vadd.f32 v15, v4;
	s17 =	simm.s32 $0x2;
	v27 =	vld.idx.msk [tilespmem:v16+s11+$0x0], $0xffff  }
0x68d: {  	v22 =	vadd.f32 v22, v10;
	v10 =	vand.u32 $0x7FFFFFFF, v28;
	v28 =	vmov s17;
	v16 =	vld.idx.msk [tilespmem:v16+s8+$0x0], $0xffff  }
0x68e: {  	v15 =	vmul.f32 v30, v30;
	v9 =	vand.u32 $0x3F, v28;
	v28 =	vadd.f32 v10, v4  }
0x68f: {  	v10 =	vimm.f32 $0.0e+00;
	v29 =	vbroadcast v9, $0x0;
	v4 =	vand.u32 $0x7FFFFFFF, v19  }
0x690: {  	v14 =	vadd.f32 v15, v14;
	v30 =	vand.u32 $0x7FFFFFFF, v18;
	v15 =	vld.idx.msk [tilespmem:v12+s13+$0x0], $0xffff;
	v34 =	vadd.f32 v4, v11  }
0x691: {  	v9 =	vld.idx.msk [tilespmem:v12+s10+$0x0], $0xffff;
	v11 =	vmul.f32 v26, v26;
	v4 =	vor.u32 v17, v29;
	v26 =	vadd.f32 v26, v27  }
0x692: {  	v37 =	vadd.f32 v23, v16;
	v29 =	vmul.f32 v23, v23;
	v36 =	vadd.f32 v30, v22;
	v30 =	vld.idx.msk [tilespmem:v12+s9+$0x0], $0xffff  }
0x693: {  	s17 =	simm.s32 $0x3;
	v16 =	vand.u32 $0x7FFFFFFF, v16;
	v32 =	vld.idx.msk [tilespmem:v12+s12+$0x0], $0xffff;
	v22 =	vadd.f32 v11, v25;
	v23 =	vsub.f32 v26, v18  }
0x694: {  	v11 =	vand.u32 $0x7FFFFFFF, v27;
	v25 =	vld.idx.msk [tilespmem:v12+s11+$0x0], $0xffff;
	v26 =	vadd.f32 v29, v14;
	v14 =	vmov s17  }
0x695: {  	v28 =	vadd.f32 v16, v28;
	v18 =	vld.idx.msk [tilespmem:v12+s8+$0x0], $0xffff;
	v27 =	vadd.f32 v11, v13;
	v11 =	vand.u32 $0x3F, v14  }
0x696: {  	v33 =	vsub.f32 v37, v19;
	v14 =	vbroadcast v11, $0x0;
	v12 =	vld.idx.msk [tilespmem:v4+s13+$0x0], $0xffff;
	v13 =	vand.u32 $0x7FFFFFFF, v9  }
0x697: {  	v29 =	vand.u32 $0x7FFFFFFF, v15;
	v11 =	vld.idx.msk [tilespmem:v4+s10+$0x0], $0xffff;
	v31 =	vmul.f32 v30, v30;
	v19 =	vadd.f32 v13, v34  }
0x698: {  	s16 =	simm.s32 $0x4;
	v13 =	vld.idx.msk [tilespmem:v4+s12+$0x0], $0xffff;
	v34 =	vmul.f32 v32, v32;
	v16 =	vadd.f32 v29, v36;
	v29 =	vimm.f32 $0.0e+00  }
.LBB2_64:
0x699: {  	v35 =	vor.u32 v17, v14  }
0x69a: {  	p0 =	sne.s32 s16, $0x3F;
	v36 =	vld.idx.msk [tilespmem:v4+s9+$0x0], $0xffff;
	v14 =	vadd.f32 v32, v25;
	v32 =	vand.u32 $0x7FFFFFFF, v33;
	v33 =	vmovc v25;
	s17 =	smov.u32 s16;
	s16 =	sadd.s32 $0x1, s16;
	v30 =	vadd.f32 v30, v18  }
0x69b: {  	v37 =	vmovc v18;
	v25 =	vld.idx.msk [tilespmem:v4+s11+$0x0], $0xffff;
	v22 =	vadd.f32 v34, v22;
	v34 =	vand.u32 $0x7FFFFFFF, v23;
	v10 =	vadd.f32 v32, v10  }
0x69c: {  	v32 =	vand.u32 $0x7FFFFFFF, v37;
	v18 =	vld.idx.msk [tilespmem:v4+s8+$0x0], $0xffff;
	v23 =	vsub.f32 v14, v15;
	v14 =	vand.u32 $0x7FFFFFFF, v33;
	v4 =	vmovc v35  }
.Ltmp31:
0x69d: {  	v26 =	vadd.f32 v31, v26;
	v15 =	vmovc v12;
	v27 =	vadd.f32 v14, v27;
	v33 =	vmov v9;
	(pc) =	sbr.rel @p0 .LBB2_64-.Ltmp31, $4  }
0x69e: {  	v12 =	vmov s17;
	v29 =	vadd.f32 v34, v29;
	v37 =	vand.u32 $0x7FFFFFFF, v15;
	v9 =	vmovc v11  }
0x69f: {  	v28 =	vadd.f32 v32, v28;
	v11 =	vand.u32 $0x3F, v12;
	v34 =	vand.u32 $0x7FFFFFFF, v9;
	v32 =	vmovc v13;
	v12 =	vld.idx.msk [tilespmem:v35+s13+$0x0], $0xffff  }
0x6a0: {  	v14 =	vbroadcast v11, $0x0;
	v33 =	vsub.f32 v30, v33;
	v31 =	vmul.f32 v36, v36;
	v30 =	vmovc v36;
	v11 =	vld.idx.msk [tilespmem:v35+s10+$0x0], $0xffff  }
0x6a1: {  	v16 =	vadd.f32 v37, v16;
	v19 =	vadd.f32 v34, v19;
	v34 =	vmul.f32 v13, v32;
	v13 =	vld.idx.msk [tilespmem:v35+s12+$0x0], $0xffff  }
0x6a2: {  	v35 =	vld [tilespmem:$0x1FFE0]  }
0x6a3: {  	v36 =	vld [tilespmem:$0x1FFF0]  }
0x6a4: {  	v32 =	vadd.f32 v32, v25  }
0x6a5: {  	v33 =	vand.u32 $0x7FFFFFFF, v33;
	v22 =	vadd.f32 v34, v22  }
0x6a6: {  	v34 =	vand.u32 $0x7FFFFFFF, v23;
	v15 =	vsub.f32 v32, v15;
	v32 =	vadd.f32 v33, v10;
	v33 =	vld [tilespmem:$0x1FFC0]  }
0x6a7: {  	v23 =	vand.u32 $0x7FFFFFFF, v25;
	v25 =	vadd.f32 v34, v29;
	v34 =	vld [tilespmem:$0x1FFD0]  }
0x6a8: {  	v10 =	vsub.f32 v35, v36;
	v35 =	vld [tilespmem:$0x1FFA0]  }
0x6a9: {  	v36 =	vld [tilespmem:$0x1FFB0]  }
0x6aa: {  	v26 =	vadd.f32 v31, v26;
	v37 =	vadd.f32 v30, v18;
	v31 =	vand.u32 $0x7FFFFFFF, v18  }
0x6ab: {  	v18 =	vadd.f32 v31, v28  }
0x6ac: {  	v23 =	vadd.f32 v23, v27;
	v27 =	vsub.f32 v37, v9  }
0x6ad: {  	v37 =	vand.u32 $0x7FFFFFFF, v11;
	v28 =	vsub.f32 v33, v34;
	v9 =	vadd.f32 $2.000000000e+00, v10  }
0x6ae: {  	v19 =	vadd.f32 v37, v19;
	v37 =	vld [tilespmem:$0x1FF60];
	v10 =	vsub.f32 v35, v36;
	v36 =	vand.u32 $0x7FFFFFFF, v12  }
0x6af: {  	v28 =	vadd.f32 $2.000000000e+00, v28;
	v35 =	vmax.f32 v9, $0.0e+00;
	v9 =	vadd.f32 v36, v16;
	v36 =	vld [tilespmem:$0x1FF70]  }
0x6b0: {  	v33 =	vld [tilespmem:$0x1FF80]  }
0x6b1: {  	v34 =	vld [tilespmem:$0x1FF90];
	v28 =	vmax.f32 v28, $0.0e+00  }
0x6b2: {  	v10 =	vadd.f32 $2.000000000e+00, v10;
	v16 =	vadd.f32 v28, v35;
	v28 =	vmul.f32 v13, v13;
	_ =	sdelay $0x1  }
0x6b3: {  	v30 =	vsub.f32 v37, v36;
	v37 =	vmax.f32 v10, $0.0e+00;
	v10 =	vadd.f32 v28, v22;
	v22 =	vld [tilespmem:$0x1FF40]  }
0x6b4: {  	v36 =	vld [tilespmem:$0x1FF50]  }
0x6b5: {  	v31 =	vld.idx.msk [tilespmem:v4+s11+$0x0], $0xffff;
	v29 =	vsub.f32 v33, v34;
	_ =	sdelay $0x1  }
0x6b6: {  	v29 =	vadd.f32 $2.000000000e+00, v29  }
0x6b7: {  	v16 =	vadd.f32 v37, v16  }
0x6b8: {  	v35 =	vld [tilespmem:$0x1FF20];
	v37 =	vmax.f32 v29, $0.0e+00;
	v33 =	vadd.f32 $2.000000000e+00, v30;
	v22 =	vsub.f32 v22, v36  }
0x6b9: {  	v34 =	vadd.f32 v13, v31;
	v16 =	vadd.f32 v37, v16;
	v36 =	vld [tilespmem:$0x1FF30]  }
0x6ba: {  	v29 =	vmax.f32 v33, $0.0e+00;
	v22 =	vadd.f32 $2.000000000e+00, v22  }
0x6bb: {  	v12 =	vsub.f32 v34, v12;
	v34 =	vld [tilespmem:$0x1FF10];
	v37 =	vadd.f32 v29, v16  }
0x6bc: {  	v33 =	vld [tilespmem:$0x1FF00];
	v22 =	vmax.f32 v22, $0.0e+00  }
0x6bd: {  	v13 =	vadd.f32 v22, v37;
	v22 =	vld [tilespmem:$0x1FEE0]  }
0x6be: {  	v28 =	vsub.f32 v35, v36;
	v35 =	vld [tilespmem:$0x1FEF0];
	_ =	sdelay $0x2  }
0x6bf: {  	v16 =	vsub.f32 v33, v34;
	v36 =	vld [tilespmem:$0x1FEC0];
	v28 =	vadd.f32 $2.000000000e+00, v28  }
0x6c0: {  	v37 =	vld [tilespmem:$0x1FED0]  }
0x6c1: {  	v16 =	vadd.f32 $2.000000000e+00, v16;
	v28 =	vmax.f32 v28, $0.0e+00;
	v22 =	vsub.f32 v22, v35  }
0x6c2: {  	v13 =	vadd.f32 v28, v13  }
0x6c3: {  	v16 =	vmax.f32 v16, $0.0e+00;
	v22 =	vadd.f32 $2.000000000e+00, v22  }
0x6c4: {  	v13 =	vadd.f32 v16, v13  }
0x6c5: {  	v29 =	vsub.f32 v36, v37;
	v36 =	vand.u32 $0x7FFFFFFF, v31;
	v31 =	vld [tilespmem:$0x1FEA0];
	v22 =	vmax.f32 v22, $0.0e+00  }
0x6c6: {  	v13 =	vadd.f32 v22, v13;
	v22 =	vld [tilespmem:$0x1FEB0];
	_ =	sdelay $0x2  }
0x6c7: {  	v37 =	vadd.f32 $2.000000000e+00, v29  }
0x6c8: {  	v14 =	vor.u32 v17, v14  }
0x6c9: {  	v16 =	vadd.f32 v36, v23;
	v23 =	vld [tilespmem:$0x1FE90];
	v17 =	vsub.f32 v31, v22;
	v22 =	vmax.f32 v37, $0.0e+00  }
0x6ca: {  	v13 =	vadd.f32 v22, v13;
	v22 =	vld [tilespmem:$0x1FE80];
	_ =	sdelay $0x1  }
0x6cb: {  	v27 =	vand.u32 $0x7FFFFFFF, v27  }
0x6cc: {  	v27 =	vadd.f32 v27, v32;
	v32 =	vld [tilespmem:$0x1FE70]  }
0x6cd: {  	v30 =	vld.idx.msk [tilespmem:v4+s9+$0x0], $0xffff  }
0x6ce: {  	v4 =	vld.idx.msk [tilespmem:v4+s8+$0x0], $0xffff;
	v17 =	vadd.f32 $2.000000000e+00, v17;
	v22 =	vsub.f32 v22, v23  }
0x6cf: {  	v23 =	vld [tilespmem:$0x1FE60]  }
0x6d0: {  	v35 =	vld [tilespmem:$0x1FE40];
	v17 =	vmax.f32 v17, $0.0e+00;
	v22 =	vadd.f32 $2.000000000e+00, v22  }
0x6d1: {  	v36 =	vld [tilespmem:$0x1FE50];
	v13 =	vadd.f32 v17, v13  }
0x6d2: {  	v22 =	vmax.f32 v22, $0.0e+00  }
0x6d3: {  	v13 =	vadd.f32 v22, v13;
	v22 =	vld [tilespmem:$0x1FE30]  }
0x6d4: {  	v33 =	vadd.f32 v30, v4;
	v4 =	vand.u32 $0x7FFFFFFF, v4;
	v23 =	vsub.f32 v23, v32  }
0x6d5: {  	v4 =	vadd.f32 v4, v18  }
0x6d6: {  	v18 =	vsub.f32 v35, v36;
	v23 =	vadd.f32 $2.000000000e+00, v23  }
0x6d7: {  	v42 =	vsub.f32 v41, v42  }
0x6d8: {  	v18 =	vadd.f32 $2.000000000e+00, v18;
	v23 =	vmax.f32 v23, $0.0e+00;
	v22 =	vsub.f32 v22, v38  }
0x6d9: {  	v46 =	vsub.f32 v45, v46;
	v13 =	vadd.f32 v23, v13  }
0x6da: {  	v18 =	vmax.f32 v18, $0.0e+00;
	v23 =	vsub.f32 v39, v40;
	v22 =	vadd.f32 $2.000000000e+00, v22  }
0x6db: {  	v47 =	vsub.f32 v47, v48;
	v13 =	vadd.f32 v18, v13  }
0x6dc: {  	v5 =	vsub.f32 v63, v5;
	v23 =	vadd.f32 $2.000000000e+00, v23;
	v22 =	vmax.f32 v22, $0.0e+00  }
0x6dd: {  	v6 =	vsub.f32 v24, v6;
	v13 =	vadd.f32 v22, v13  }
0x6de: {  	v18 =	vadd.f32 $2.000000000e+00, v42;
	v23 =	vmax.f32 v23, $0.0e+00;
	v22 =	vsub.f32 v43, v44  }
0x6df: {  	v37 =	vsub.f32 v33, v11;
	v13 =	vadd.f32 v23, v13  }
0x6e0: {  	v7 =	vsub.f32 v21, v7;
	v18 =	vmax.f32 v18, $0.0e+00;
	v22 =	vadd.f32 $2.000000000e+00, v22  }
0x6e1: {  	v8 =	vsub.f32 v20, v8;
	v11 =	vand.u32 $0x7FFFFFFF, v37;
	v13 =	vadd.f32 v18, v13  }
0x6e2: {  	v11 =	vadd.f32 v11, v27;
	v27 =	vadd.f32 $2.000000000e+00, v46;
	v22 =	vmax.f32 v22, $0.0e+00  }
0x6e3: {  	v5 =	vadd.f32 $2.000000000e+00, v5;
	v15 =	vand.u32 $0x7FFFFFFF, v15;
	v13 =	vadd.f32 v22, v13  }
0x6e4: {  	v27 =	vmax.f32 v27, $0.0e+00;
	v18 =	vadd.f32 $2.000000000e+00, v47;
	v22 =	vsub.f32 v49, v50  }
0x6e5: {  	v15 =	vadd.f32 v15, v25;
	v48 =	vld.idx.msk [tilespmem:v14+s8+$0x0], $0xffff;
	v12 =	vand.u32 $0x7FFFFFFF, v12;
	v13 =	vadd.f32 v27, v13  }
0x6e6: {  	v39 =	vld.idx.msk [tilespmem:v14+s9+$0x0], $0xffff;
	v49 =	vsub.f32 v51, v52;
	v18 =	vmax.f32 v18, $0.0e+00;
	v22 =	vadd.f32 $2.000000000e+00, v22  }
0x6e7: {  	v12 =	vadd.f32 v12, v15;
	v13 =	vadd.f32 v18, v13  }
0x6e8: {  	v34 =	vld.idx.msk [tilespmem:v14+s10+$0x0], $0xffff;
	v51 =	vsub.f32 v53, v54;
	v15 =	vadd.f32 $2.000000000e+00, v49;
	v22 =	vmax.f32 v22, $0.0e+00  }
0x6e9: {  	v6 =	vadd.f32 $2.000000000e+00, v6;
	v13 =	vadd.f32 v22, v13  }
0x6ea: {  	v52 =	vsub.f32 v55, v56;
	v25 =	vadd.f32 $2.000000000e+00, v51;
	v15 =	vmax.f32 v15, $0.0e+00  }
0x6eb: {  	v50 =	vadd.f32 v39, v48;
	v13 =	vadd.f32 v15, v13  }
0x6ec: {  	v53 =	vsub.f32 v57, v58;
	v25 =	vmax.f32 v25, $0.0e+00;
	v18 =	vadd.f32 $2.000000000e+00, v52  }
0x6ed: {  	v54 =	vld.idx.msk [tilespmem:v14+s11+$0x0], $0xffff;
	v17 =	vsub.f32 v50, v34;
	v13 =	vadd.f32 v25, v13  }
0x6ee: {  	v55 =	vsub.f32 v59, v60;
	v22 =	vld.idx.msk [tilespmem:v14+s12+$0x0], $0xffff;
	v18 =	vmax.f32 v18, $0.0e+00;
	v15 =	vadd.f32 $2.000000000e+00, v53  }
0x6ef: {  	v56 =	vsub.f32 v61, v62;
	v17 =	vand.u32 $0x7FFFFFFF, v17;
	v13 =	vadd.f32 v18, v13  }
0x6f0: {  	v11 =	vadd.f32 v17, v11;
	v17 =	vadd.f32 $2.000000000e+00, v55;
	v14 =	vld.idx.msk [tilespmem:v14+s13+$0x0], $0xffff;
	v15 =	vmax.f32 v15, $0.0e+00  }
0x6f1: {  	v7 =	vadd.f32 $2.000000000e+00, v7;
	v13 =	vadd.f32 v15, v13  }
0x6f2: {  	v28 =	vmul.f32 v30, v30;
	v17 =	vmax.f32 v17, $0.0e+00;
	v18 =	vadd.f32 $2.000000000e+00, v56  }
0x6f3: {  	v57 =	vadd.f32 v22, v54;
	v13 =	vadd.f32 v17, v13  }
0x6f4: {  	v26 =	vadd.f32 v28, v26;
	v23 =	vmul.f32 v39, v39;
	v59 =	vmax.f32 v18, $0.0e+00  }
0x6f5: {  	v60 =	vand.u32 $0x7FFFFFFF, v48;
	v58 =	vsub.f32 v57, v14;
	v13 =	vadd.f32 v59, v13  }
0x6f6: {  	v5 =	vmax.f32 v5, $0.0e+00;
	v40 =	vand.u32 $0x7FFFFFFF, v34;
	v4 =	vadd.f32 v60, v4  }
0x6f7: {  	v23 =	vadd.f32 v23, v26;
	v15 =	vand.u32 $0x7FFFFFFF, v58;
	v5 =	vadd.f32 v5, v13  }
0x6f8: {  	v6 =	vmax.f32 v6, $0.0e+00;
	v19 =	vadd.f32 v40, v19;
	[tilespmem:$0xC700] =	vst v4;
	v12 =	vadd.f32 v15, v12  }
0x6f9: {  	[tilespmem:$0xC710] =	vst v23;
	v4 =	vmul.f32 v22, v22;
	v5 =	vadd.f32 v6, v5  }
0x6fa: {  	v8 =	vadd.f32 $2.000000000e+00, v8;
	v7 =	vmax.f32 v7, $0.0e+00;
	[tilespmem:$0xC720] =	vst v19;
	v61 =	vsub.f32 v11, v12  }
0x6fb: {  	[tilespmem:$0xC4F0] =	vst v11;
	v22 =	vimm.f32 $0.0e+00;
	v4 =	vadd.f32 v4, v10;
	v5 =	vadd.f32 v7, v5  }
0x6fc: {  	v8 =	vmax.f32 v8, $0.0e+00;
	v62 =	vand.u32 $0x7FFFFFFF, v54;
	[tilespmem:$0xC770] =	vst v22;
	v6 =	vadd.f32 $2.000000000e+00, v61  }
0x6fd: {  	v63 =	vand.u32 $0x7FFFFFFF, v14;
	[tilespmem:$0xC740] =	vst v4;
	v7 =	vadd.f32 v62, v16;
	v5 =	vadd.f32 v8, v5  }
0x6fe: {  	[tilespmem:$0xC6F0] =	vst v12;
	v6 =	vmax.f32 v6, $0.0e+00;
	v8 =	vadd.f32 v63, v9  }
0x6ff: {  	[tilespmem:$0xC730] =	vst v7;
	v5 =	vadd.f32 v6, v5  }
0x700: {  	[tilespmem:$0xC750] =	vst v8  }
0x701: {  	s16 =	simm.s32 $0xC300;
	[tilespmem:$0xC760] =	vst v5  }
0x702: {  	[hbm4b:s28+s1] =	stream.linear.scatter [tilespmem:s16], [sflag:$0x2], $0x200, $0x38;
	[tilespmem:$0xC780] =	vst v63  }
0x703: {  	_ =	swait.ge [sflag:s2], $0x200  }
0x704: {  	[sflag:s2] =	ssyncset.done $0x0  }
0x705: {  	s17 =	simm.s32 $0xC500;
	[sflag:s2] =	ssyncadd.s32 $0xFFFFFE00  }
0x706: {  	[hbm4b:s29+s1] =	stream.linear.scatter [tilespmem:s17], [sflag:$0x2], $0x200, $0x38;
	[tilespmem:$0xC780] =	vst v63  }
0x707: {  	s15 =	sadd.s32 $0x1, s15;
	_ =	swait.ge [sflag:s2], $0x200  }
0x708: {  	p0 =	sne.s32 s15, s0;
	[sflag:s2] =	ssyncset.done $0x0  }
.Ltmp32:
0x709: {  	s17 =	simm.s32 $0xC700;
	[sflag:s2] =	ssyncadd.s32 $0xFFFFFE00;
	(pc) =	sbr.rel @p0 .LBB2_1-.Ltmp32, $4  }
0x70a: {  	[hbm4b:s22+s1] =	stream.linear.scatter [tilespmem:s17], [sflag:$0x2], $0x80, $0x38;
	[tilespmem:$0xC780] =	vst v63  }
0x70b: {  	_ =	swait.ge [sflag:s2], $0x80  }
0x70c: {  	[sflag:s2] =	ssyncset.done $0x0  }
0x70d: {  	[sflag:s2] =	ssyncadd.s32 $0xFFFFFF80  }
0x70e: {  	_ =	sfence.sel $0x180000  }
0x70f: {  	[bflag:$0x0] =	sbarrier.arrive $0xFFFF  }
0x710: {  	_ =	strace $0x90000047  }
0x711: {  	s0 =	stileid.u32;
	[bflag:$0x2] =	sbarrier.arrive $0xFFFF  }
0x712: {  	p0 =	sne.s32 s0, $0x0;
	s0 =	rddreg [dreg:$0x9]  }
0x713: {  	s0 =	sadd.s32 @!p0 $0x100000, s0  }
0x714: {  	[sflag:s0] =	ssyncadd.tile.s32 @!p0 $0x1;
	_ =	shalt  }
.Lfunc_end2:
_tile_overlayer_lowered:
.L_overlay_start_2:
0x715: {  	(tag) =	ssettag $0x2  }
0x716: {  	s0 =	rddreg [dreg:$0x0];
	s2 =	stileid.u32  }
0x717: {  	s1 =	rddreg [dreg:$0x1];
	p0 =	sne.s32 s2, $0x0  }
0x718: {  	s3 =	rddreg [dreg:$0x2];
	[bflag:$0x3] =	sbarrier.arrive $0xFFFF;
	s2 =	simm.s32 @!p0 $0x1C02  }
0x719: {  	[timem:s3], [sflag:s2] =	dma.local @!p0 [hbm:s0], s1  }
0x71a: {  	s0 =	simm.s32 @!p0 $0x2  }
0x71b: {  	_ =	swait.ge @!p0 [sflag:s0], s1  }
0x71c: {  	s1 =	ssub.s32 @!p0 $0x0, s1;
	[sflag:s0] =	ssyncset.done @!p0 $0x0  }
0x71d: {  	[sflag:s0] =	ssyncadd.s32 @!p0 s1  }
0x71e: {  	[bflag:$0x3] =	sbarrier.arrive $0xFFFF  }
0x71f: {  	_ =	shalt  }

</sc_bundles>
